<compile_context>
chip_gen: v7x
topology: tpu7x:2x2x1
jax: 0.10.2.dev20260603
libtpu: 0.0.44.dev20260713+nightly
codegen_flags: <defaults>
</compile_context>

<pallas_src>
import jax
import jax.numpy as jnp
from jax import lax
from jax.experimental import pallas as pl
from jax.experimental.pallas import tpu as pltpu
from jax.experimental.pallas import tpu_sc as plsc

N = 10000
D = 128
E_RAW = 320000
E = E_RAW + N
NC, NS, L = 2, 16, 16
NT = NC * NS
CH = 128
K = 82
EPT = K * CH
EPAD = NT * EPT
NPAD = 10240
RPT = NPAD // NS
BLK = 2048
NEG = -1e30


def _dot(a, b):
  return jax.lax.dot_general(a, b, (((1,), (0,)), ((), ())),
                             preferred_element_type=jnp.float32)



def _emit_layer_head(h, att_ref, hx_ref, sc_ref, m_ref, i):
  sc = _dot(h, att_ref[...])
  hx_ref[...] = h
  sc_ref[...] = sc
  rows = i * BLK + lax.broadcasted_iota(jnp.int32, (h.shape[0], 1), 0)
  masked = jnp.where(rows < N, sc[:, 0:1], NEG)
  bm = jnp.full((1, 1), jnp.max(masked))

  @pl.when(i == 0)
  def _():
    m_ref[...] = bm

  @pl.when(i != 0)
  def _():
    m_ref[...] = jnp.maximum(m_ref[...], bm)


def _tc_embed_body(x_ref, w_ref, att_ref, hx_ref, sc_ref, m_ref):
  i = pl.program_id(0)
  h = _dot(x_ref[...], w_ref[...])
  _emit_layer_head(h, att_ref, hx_ref, sc_ref, m_ref, i)


def _tc_mid_body(n_ref, d_ref, b_ref, w_ref, att_ref, hx_ref, sc_ref, m_ref):
  i = pl.program_id(0)
  p = n_ref[...]
  num = p[0] + p[1]
  den = d_ref[...]
  y = num / (den + 1e-16) + b_ref[...]
  y = jnp.where(y > 0, y, jnp.exp(y) - 1.0)
  h = _dot(y, w_ref[...])
  _emit_layer_head(h, att_ref, hx_ref, sc_ref, m_ref, i)


def _tc_final_body(n_ref, d_ref, b_ref, out_ref):
  p = n_ref[...]
  num = p[0] + p[1]
  out_ref[...] = num / (d_ref[...] + 1e-16) + b_ref[...]


def _tc_embed(x_pad, W, att2):
  return pl.pallas_call(
      _tc_embed_body,
      grid=(NPAD // BLK,),
      in_specs=[
          pl.BlockSpec((BLK, D), lambda i: (i, 0)),
          pl.BlockSpec((D, D), lambda i: (0, 0)),
          pl.BlockSpec((D, 2), lambda i: (0, 0)),
      ],
      out_specs=[
          pl.BlockSpec((BLK, D), lambda i: (i, 0)),
          pl.BlockSpec((BLK, 2), lambda i: (i, 0)),
          pl.BlockSpec((1, 1), lambda i: (0, 0)),
      ],
      out_shape=[
          jax.ShapeDtypeStruct((NPAD, D), jnp.float32),
          jax.ShapeDtypeStruct((NPAD, 2), jnp.float32),
          jax.ShapeDtypeStruct((1, 1), jnp.float32),
      ],
  )(x_pad, W, att2)


def _tc_mid(numer, den_col, b, W, att2):
  return pl.pallas_call(
      _tc_mid_body,
      grid=(NPAD // BLK,),
      in_specs=[
          pl.BlockSpec((2, BLK, D), lambda i: (0, i, 0)),
          pl.BlockSpec((BLK, 1), lambda i: (i, 0)),
          pl.BlockSpec((1, D), lambda i: (0, 0)),
          pl.BlockSpec((D, D), lambda i: (0, 0)),
          pl.BlockSpec((D, 2), lambda i: (0, 0)),
      ],
      out_specs=[
          pl.BlockSpec((BLK, D), lambda i: (i, 0)),
          pl.BlockSpec((BLK, 2), lambda i: (i, 0)),
          pl.BlockSpec((1, 1), lambda i: (0, 0)),
      ],
      out_shape=[
          jax.ShapeDtypeStruct((NPAD, D), jnp.float32),
          jax.ShapeDtypeStruct((NPAD, 2), jnp.float32),
          jax.ShapeDtypeStruct((1, 1), jnp.float32),
      ],
  )(numer, den_col, b, W, att2)


def _tc_final(numer, den_col, b):
  blkf = 2000
  return pl.pallas_call(
      _tc_final_body,
      grid=(N // blkf,),
      in_specs=[
          pl.BlockSpec((2, blkf, D), lambda i: (0, i, 0)),
          pl.BlockSpec((blkf, 1), lambda i: (i, 0)),
          pl.BlockSpec((1, D), lambda i: (0, 0)),
      ],
      out_specs=pl.BlockSpec((blkf, D), lambda i: (i, 0)),
      out_shape=jax.ShapeDtypeStruct((N, D), jnp.float32),
  )(numer, den_col, b)



def _sc_edge_body(hext, asrc, adst, m, srcs, dsts, numer, den,
                  acc, dacc, asrc_sh, adst_sh,
                  src_v, dstb0, dstb1, av_v, bv_v, m_v, w_v, d_v,
                  rows0, rows1, semd0, semd1, semr0, semr1, sema, semw):
  c = lax.axis_index("c")
  s = lax.axis_index("s")
  wid = c * NS + s
  dsl = pl.ds(s * RPT, RPT)

  pltpu.sync_copy(srcs.at[wid], src_v)
  pltpu.sync_copy(asrc.at[dsl], d_v)
  pltpu.sync_copy(d_v, asrc_sh.at[dsl])
  pltpu.sync_copy(adst.at[dsl], d_v)
  pltpu.sync_copy(d_v, adst_sh.at[dsl])
  pltpu.sync_copy(m, m_v)

  def _zero_row(i, carry):
    for g in range(D // L):
      rows0[i, pl.ds(g * L, L)] = jnp.zeros((L,), jnp.float32)
    return carry
  lax.fori_loop(0, CH, _zero_row, 0, unroll=2)

  def _zero_d(i, carry):
    d_v[pl.ds(i * L, L)] = jnp.zeros((L,), jnp.float32)
    return carry
  lax.fori_loop(0, RPT // L, _zero_d, 0, unroll=4)

  for t in range(RPT // CH):
    pltpu.sync_copy(rows0, acc.at[pl.ds(s * RPT + t * CH, CH), :])
  pltpu.sync_copy(d_v, dacc.at[dsl])
  plsc.subcore_barrier()

  mvec = m_v[...]

  def _compute_w():
    for g in range(CH // L):
      sl = pl.ds(g * L, L)
      av = av_v[sl]
      bv = bv_v[sl]
      z = av + bv
      e = jnp.maximum(z, 0.2 * z)
      mb = mvec + bv
      mm = jnp.maximum(mb, 0.2 * mb)
      w_v[sl] = jnp.exp(e - mm)

  def _scale(rows):
    @plsc.parallel_loop(0, CH, step=1, unroll=4)
    def _(e):
      wv = plsc.load_gather(w_v, [lax.broadcast(e, (L,))])
      for g in range(D // L):
        sl = pl.ds(g * L, L)
        rows[e, sl] = rows[e, sl] * wv

  def _chunk(j, dstb, rows, semd, semr):
    pltpu.make_async_copy(dsts.at[wid, j], dstb, semd).wait()
    pltpu.async_copy(asrc_sh.at[src_v.at[j]], av_v, sema)
    pltpu.async_copy(adst_sh.at[dstb], bv_v, sema)
    pltpu.make_async_copy(asrc_sh.at[src_v.at[j]], av_v, sema).wait()
    pltpu.make_async_copy(adst_sh.at[dstb], bv_v, sema).wait()
    _compute_w()
    pltpu.async_copy(w_v, dacc.at[dstb], semw, add=True)
    pltpu.make_async_copy(hext.at[src_v.at[j]], rows, semr).wait()
    _scale(rows)
    pltpu.sync_copy(rows, acc.at[dstb], add=True)
    pltpu.make_async_copy(w_v, dacc.at[dstb], semw).wait()

    @pl.when(j + 2 < K)
    def _():
      pltpu.async_copy(dsts.at[wid, j + 2], dstb, semd)
      pltpu.async_copy(hext.at[src_v.at[j + 2]], rows, semr)

  pltpu.async_copy(dsts.at[wid, 0], dstb0, semd0)
  pltpu.async_copy(dsts.at[wid, 1], dstb1, semd1)
  pltpu.async_copy(hext.at[src_v.at[0]], rows0, semr0)
  pltpu.async_copy(hext.at[src_v.at[1]], rows1, semr1)

  def _outer(t, carry):
    _chunk(2 * t, dstb0, rows0, semd0, semr0)
    _chunk(2 * t + 1, dstb1, rows1, semd1, semr1)
    return carry
  lax.fori_loop(0, K // 2, _outer, 0)

  plsc.subcore_barrier()
  for t in range(RPT // CH):
    sl = pl.ds(s * RPT + t * CH, CH)
    pltpu.sync_copy(acc.at[sl, :], rows0)
    pltpu.sync_copy(rows0, numer.at[c, sl, :])
  pltpu.sync_copy(dacc.at[dsl], d_v)
  pltpu.sync_copy(d_v, den.at[c, dsl])


def _sc_edge(hext, asrc, adst, m16, srcs, dsts):
  mesh = plsc.VectorSubcoreMesh(core_axis_name="c", subcore_axis_name="s",
                                num_cores=NC, num_subcores=NS)
  f = pl.kernel(
      _sc_edge_body,
      out_type=(
          jax.ShapeDtypeStruct((NC, NPAD, D), jnp.float32),
          jax.ShapeDtypeStruct((NC, NPAD), jnp.float32),
      ),
      mesh=mesh,
      compiler_params=pltpu.CompilerParams(needs_layout_passes=False),
      scratch_types=[
          pltpu.VMEM_SHARED((NPAD, D), jnp.float32),
          pltpu.VMEM_SHARED((NPAD,), jnp.float32),
          pltpu.VMEM_SHARED((NPAD,), jnp.float32),
          pltpu.VMEM_SHARED((NPAD,), jnp.float32),
          pltpu.VMEM((K, CH), jnp.int32),
          pltpu.VMEM((CH,), jnp.int32),
          pltpu.VMEM((CH,), jnp.int32),
          pltpu.VMEM((CH,), jnp.float32),
          pltpu.VMEM((CH,), jnp.float32),
          pltpu.VMEM((L,), jnp.float32),
          pltpu.VMEM((CH,), jnp.float32),
          pltpu.VMEM((RPT,), jnp.float32),
          pltpu.VMEM((CH, D), jnp.float32),
          pltpu.VMEM((CH, D), jnp.float32),
          pltpu.SemaphoreType.DMA,
          pltpu.SemaphoreType.DMA,
          pltpu.SemaphoreType.DMA,
          pltpu.SemaphoreType.DMA,
          pltpu.SemaphoreType.DMA,
          pltpu.SemaphoreType.DMA,
      ],
  )
  return f(hext, asrc, adst, m16, srcs, dsts)



def kernel(x, edge_index, batch, W1, att_src1, att_dst1, b1,
           W2, att_src2, att_dst2, b2):
  x_pad = jnp.concatenate(
      [x, jnp.zeros((NPAD - N, D), jnp.float32)], axis=0)
  att2_1 = jnp.concatenate(
      [att_src1.reshape(D, 1), att_dst1.reshape(D, 1)], axis=1)
  att2_2 = jnp.concatenate(
      [att_src2.reshape(D, 1), att_dst2.reshape(D, 1)], axis=1)

  loop = jnp.arange(N, dtype=jnp.int32)
  pad_e = EPAD - E
  pad_idx = jnp.arange(pad_e, dtype=jnp.int32)
  srcs = jnp.concatenate([edge_index[0], loop, pad_idx % N]).reshape(NT, K, CH)
  dsts = jnp.concatenate(
      [edge_index[1], loop, N + pad_idx % (NPAD - N)]).reshape(NT, K, CH)

  def m16(m):
    return jnp.broadcast_to(m.reshape(1), (L,))

  def den_col(den):
    return (den[0] + den[1]).reshape(NPAD, 1)

  hext1, scal1, m1 = _tc_embed(x_pad, W1, att2_1)
  numer1, den1 = _sc_edge(hext1, scal1[:, 0], scal1[:, 1], m16(m1),
                          srcs, dsts)
  hext2, scal2, m2 = _tc_mid(numer1, den_col(den1), b1.reshape(1, D),
                             W2, att2_2)
  numer2, den2 = _sc_edge(hext2, scal2[:, 0], scal2[:, 1], m16(m2),
                          srcs, dsts)
  out = _tc_final(numer2, den_col(den2)[:N], b2.reshape(1, D))
  return (out, batch)

# --- scband reference (transcript-rebuilt; emitter-appended) ---
"""Pipeline reference for scband-gat-7249904796315 (READ-ONLY COPY).

The authoritative reference and input builder live on the scoring server;
editing this copy changes nothing except your own understanding.
"""

import jax, jax.numpy as jnp
import numpy as np

N_NODES = 10000
N_EDGES = 320000
D_IN = 128
D_HID = 128
D_OUT = 128
HEADS = 1


def gat_conv(x, edge_index, W, att_src, att_dst, bias, heads, out_ch, concat):
    num_nodes = x.shape[0]
    loop = jnp.arange(num_nodes, dtype=edge_index.dtype)
    src = jnp.concatenate([edge_index[0], loop])
    dst = jnp.concatenate([edge_index[1], loop])
    h = (x @ W).reshape(num_nodes, heads, out_ch)
    a_src = jnp.sum(h * att_src, axis=-1)
    a_dst = jnp.sum(h * att_dst, axis=-1)
    e = jax.nn.leaky_relu(a_src[src] + a_dst[dst], 0.2)
    m = jax.lax.stop_gradient(jax.ops.segment_max(e, dst, num_segments=num_nodes))
    m = jnp.where(jnp.isfinite(m), m, 0.0)
    e = jnp.exp(e - m[dst])
    denom = jax.ops.segment_sum(e, dst, num_segments=num_nodes)
    alpha = e / (denom[dst] + 1e-16)
    out = jax.ops.segment_sum(alpha[:, :, None] * h[src], dst, num_segments=num_nodes)
    if concat:
        out = out.reshape(num_nodes, heads * out_ch)
    else:
        out = jnp.mean(out, axis=1)
    return out + bias


def setup_inputs(seed: int = 0):
    key = jax.random.key(seed)
    ks = jax.random.split(key, 11)
    x = jax.random.normal(ks[0], (N_NODES, D_IN), dtype=jnp.float32)
    edge_index = jax.random.randint(ks[1], (2, N_EDGES), 0, N_NODES, dtype=jnp.int32)
    batch = jnp.zeros((N_NODES,), dtype=jnp.int32)
    s1 = 1.0 / np.sqrt(D_IN)
    s2 = 1.0 / np.sqrt(HEADS * D_HID)
    W1 = jax.random.normal(ks[2], (D_IN, HEADS * D_HID), dtype=jnp.float32) * s1
    att_src1 = jax.random.normal(ks[3], (1, HEADS, D_HID), dtype=jnp.float32) * s1
    att_dst1 = jax.random.normal(ks[4], (1, HEADS, D_HID), dtype=jnp.float32) * s1
    b1 = jnp.zeros((HEADS * D_HID,), dtype=jnp.float32)
    W2 = jax.random.normal(ks[5], (HEADS * D_HID, HEADS * D_OUT), dtype=jnp.float32) * s2
    att_src2 = jax.random.normal(ks[6], (1, HEADS, D_OUT), dtype=jnp.float32) * s2
    att_dst2 = jax.random.normal(ks[7], (1, HEADS, D_OUT), dtype=jnp.float32) * s2
    b2 = jnp.zeros((D_OUT,), dtype=jnp.float32)
    return {"x": x, "edge_index": edge_index, "batch": batch,
            "W1": W1, "att_src1": att_src1, "att_dst1": att_dst1, "b1": b1,
            "W2": W2, "att_src2": att_src2, "att_dst2": att_dst2, "b2": b2}


def reference(x, edge_index, batch, W1, att_src1, att_dst1, b1, W2, att_src2, att_dst2, b2):
    h = gat_conv(x, edge_index, W1, att_src1, att_dst1, b1, HEADS, D_HID, True)
    h = jax.nn.elu(h)
    out = gat_conv(h, edge_index, W2, att_src2, att_dst2, b2, HEADS, D_OUT, False)
    return (out, batch)

if __name__ == "__main__":
    import jax
    _d = setup_inputs()
    print(jax.jit(kernel)(*tuple(_d.values())))

</pallas_src>

<mosaic_0001>
#map = affine_map<(d0, d1) -> (0, 0)>
#map1 = affine_map<(d0, d1) -> (0)>
#map2 = affine_map<(d0, d1) -> (0, 0, 0)>
module attributes {stable_mosaic.version = 14 : i64} {
  func.func @_sc_edge_body(%arg0: i32, %arg1: i32, %arg2: memref<10240x128xf32, #tpu.memory_space<hbm>>, %arg3: memref<10240xf32, #tpu.memory_space<hbm>>, %arg4: memref<10240xf32, #tpu.memory_space<hbm>>, %arg5: memref<16xf32, #tpu.memory_space<hbm>>, %arg6: memref<32x82x128xi32, #tpu.memory_space<hbm>>, %arg7: memref<32x82x128xi32, #tpu.memory_space<hbm>>, %arg8: memref<2x10240x128xf32, #tpu.memory_space<hbm>>, %arg9: memref<2x10240xf32, #tpu.memory_space<hbm>>, %arg10: memref<10240x128xf32, #tpu.memory_space<vmem_shared>>, %arg11: memref<10240xf32, #tpu.memory_space<vmem_shared>>, %arg12: memref<10240xf32, #tpu.memory_space<vmem_shared>>, %arg13: memref<10240xf32, #tpu.memory_space<vmem_shared>>, %arg14: memref<82x128xi32, #tpu.memory_space<vmem>>, %arg15: memref<128xi32, #tpu.memory_space<vmem>>, %arg16: memref<128xi32, #tpu.memory_space<vmem>>, %arg17: memref<128xf32, #tpu.memory_space<vmem>>, %arg18: memref<128xf32, #tpu.memory_space<vmem>>, %arg19: memref<16xf32, #tpu.memory_space<vmem>>, %arg20: memref<128xf32, #tpu.memory_space<vmem>>, %arg21: memref<640xf32, #tpu.memory_space<vmem>>, %arg22: memref<128x128xf32, #tpu.memory_space<vmem>>, %arg23: memref<128x128xf32, #tpu.memory_space<vmem>>, %arg24: memref<!tpu.dma_semaphore, #tpu.memory_space<semaphore_mem>>, %arg25: memref<!tpu.dma_semaphore, #tpu.memory_space<semaphore_mem>>, %arg26: memref<!tpu.dma_semaphore, #tpu.memory_space<semaphore_mem>>, %arg27: memref<!tpu.dma_semaphore, #tpu.memory_space<semaphore_mem>>, %arg28: memref<!tpu.dma_semaphore, #tpu.memory_space<semaphore_mem>>, %arg29: memref<!tpu.dma_semaphore, #tpu.memory_space<semaphore_mem>>) attributes {dimension_semantics = [#tpu.dimension_semantics<core_parallel>, #tpu.dimension_semantics<subcore_parallel>], iteration_bounds = array<i64: 2, 16>, scalar_prefetch = 0 : i64, scratch_operands = 20 : i64, tpu.core_type = #tpu.core_type<sc_vector_subcore>, window_params = [{transform_indices = #map}, {transform_indices = #map1}, {transform_indices = #map1}, {transform_indices = #map1}, {transform_indices = #map2}, {transform_indices = #map2}, {transform_indices = #map2}, {transform_indices = #map}]} {
    %mul3A = arith.constant 16 : i32
    %mul3A_0 = arith.muli %arg0, %mul3A : i32
    %add3A = arith.addi %mul3A_0, %arg1 : i32
    %mul3A_1 = arith.constant 640 : i32
    %mul3A_2 = arith.muli %arg1, %mul3A_1 : i32
    "tpu.region"() ({
      %run_scoped3A = tpu.sem_alloc : memref<!tpu.dma_semaphore, #tpu.memory_space<semaphore_mem>>
      %dma_start3A_89 = arith.constant 0 : i32
      %dma_start3A_90 = arith.constant 0 : i32
      %dma_start3A_91 = tpu.memref_slice %arg6[%add3A, %dma_start3A_89, %dma_start3A_90] : memref<32x82x128xi32, #tpu.memory_space<hbm>> -> memref<1x82x128xi32, #tpu.memory_space<hbm>>
      %dma_start3A_92 = tpu.memref_squeeze %dma_start3A_91 : memref<1x82x128xi32, #tpu.memory_space<hbm>> -> memref<82x128xi32, #tpu.memory_space<hbm>>
      %dma_start3A_93 = arith.constant 0 : i32
      %dma_start3A_94 = arith.constant 0 : i32
      %dma_start3A_95 = tpu.memref_slice %arg6[%add3A, %dma_start3A_93, %dma_start3A_94] : memref<32x82x128xi32, #tpu.memory_space<hbm>> -> memref<1x82x128xi32, #tpu.memory_space<hbm>>
      %dma_start3A_96 = tpu.memref_squeeze %dma_start3A_95 : memref<1x82x128xi32, #tpu.memory_space<hbm>> -> memref<82x128xi32, #tpu.memory_space<hbm>>
      tpu.enqueue_dma source(%dma_start3A_96 : memref<82x128xi32, #tpu.memory_space<hbm>>) target(%arg14 : memref<82x128xi32, #tpu.memory_space<vmem>>) target_semaphore(%run_scoped3A : memref<!tpu.dma_semaphore, #tpu.memory_space<semaphore_mem>>)
      %dma_wait3A = arith.constant 0 : i32
      %dma_wait3A_97 = arith.constant 0 : i32
      %dma_wait3A_98 = tpu.memref_slice %arg6[%add3A, %dma_wait3A, %dma_wait3A_97] : memref<32x82x128xi32, #tpu.memory_space<hbm>> -> memref<1x82x128xi32, #tpu.memory_space<hbm>>
      %dma_wait3A_99 = tpu.memref_squeeze %dma_wait3A_98 : memref<1x82x128xi32, #tpu.memory_space<hbm>> -> memref<82x128xi32, #tpu.memory_space<hbm>>
      %dma_wait3A_100 = arith.constant 0 : i32
      %dma_wait3A_101 = arith.constant 0 : i32
      %dma_wait3A_102 = tpu.memref_slice %arg6[%add3A, %dma_wait3A_100, %dma_wait3A_101] : memref<32x82x128xi32, #tpu.memory_space<hbm>> -> memref<1x82x128xi32, #tpu.memory_space<hbm>>
      %dma_wait3A_103 = tpu.memref_squeeze %dma_wait3A_102 : memref<1x82x128xi32, #tpu.memory_space<hbm>> -> memref<82x128xi32, #tpu.memory_space<hbm>>
      tpu.wait_dma2 semaphore(%run_scoped3A : memref<!tpu.dma_semaphore, #tpu.memory_space<semaphore_mem>>) src(%dma_wait3A_103 : memref<82x128xi32, #tpu.memory_space<hbm>>) dst(%arg14 : memref<82x128xi32, #tpu.memory_space<vmem>>)
      tpu.yield
    }) : () -> ()
    "tpu.region"() ({
      %run_scoped3A = tpu.sem_alloc : memref<!tpu.dma_semaphore, #tpu.memory_space<semaphore_mem>>
      %dma_start3A_89 = tpu.memref_slice %arg3[%mul3A_2] : memref<10240xf32, #tpu.memory_space<hbm>> -> memref<640xf32, #tpu.memory_space<hbm>>
      %dma_start3A_90 = tpu.memref_slice %arg3[%mul3A_2] : memref<10240xf32, #tpu.memory_space<hbm>> -> memref<640xf32, #tpu.memory_space<hbm>>
      tpu.enqueue_dma source(%dma_start3A_90 : memref<640xf32, #tpu.memory_space<hbm>>) target(%arg21 : memref<640xf32, #tpu.memory_space<vmem>>) target_semaphore(%run_scoped3A : memref<!tpu.dma_semaphore, #tpu.memory_space<semaphore_mem>>)
      %dma_wait3A = tpu.memref_slice %arg3[%mul3A_2] : memref<10240xf32, #tpu.memory_space<hbm>> -> memref<640xf32, #tpu.memory_space<hbm>>
      %dma_wait3A_91 = tpu.memref_slice %arg3[%mul3A_2] : memref<10240xf32, #tpu.memory_space<hbm>> -> memref<640xf32, #tpu.memory_space<hbm>>
      tpu.wait_dma2 semaphore(%run_scoped3A : memref<!tpu.dma_semaphore, #tpu.memory_space<semaphore_mem>>) src(%dma_wait3A_91 : memref<640xf32, #tpu.memory_space<hbm>>) dst(%arg21 : memref<640xf32, #tpu.memory_space<vmem>>)
      tpu.yield
    }) : () -> ()
    "tpu.region"() ({
      %run_scoped3A = tpu.sem_alloc : memref<!tpu.dma_semaphore, #tpu.memory_space<semaphore_mem>>
      %dma_start3A_89 = tpu.memref_slice %arg12[%mul3A_2] : memref<10240xf32, #tpu.memory_space<vmem_shared>> -> memref<640xf32, #tpu.memory_space<vmem_shared>>
      %dma_start3A_90 = tpu.memref_slice %arg12[%mul3A_2] : memref<10240xf32, #tpu.memory_space<vmem_shared>> -> memref<640xf32, #tpu.memory_space<vmem_shared>>
      tpu.enqueue_dma source(%arg21 : memref<640xf32, #tpu.memory_space<vmem>>) target(%dma_start3A_90 : memref<640xf32, #tpu.memory_space<vmem_shared>>) target_semaphore(%run_scoped3A : memref<!tpu.dma_semaphore, #tpu.memory_space<semaphore_mem>>)
      %dma_wait3A = tpu.memref_slice %arg12[%mul3A_2] : memref<10240xf32, #tpu.memory_space<vmem_shared>> -> memref<640xf32, #tpu.memory_space<vmem_shared>>
      %dma_wait3A_91 = tpu.memref_slice %arg12[%mul3A_2] : memref<10240xf32, #tpu.memory_space<vmem_shared>> -> memref<640xf32, #tpu.memory_space<vmem_shared>>
      tpu.wait_dma2 semaphore(%run_scoped3A : memref<!tpu.dma_semaphore, #tpu.memory_space<semaphore_mem>>) src(%arg21 : memref<640xf32, #tpu.memory_space<vmem>>) dst(%dma_wait3A_91 : memref<640xf32, #tpu.memory_space<vmem_shared>>)
      tpu.yield
    }) : () -> ()
    "tpu.region"() ({
      %run_scoped3A = tpu.sem_alloc : memref<!tpu.dma_semaphore, #tpu.memory_space<semaphore_mem>>
      %dma_start3A_89 = tpu.memref_slice %arg4[%mul3A_2] : memref<10240xf32, #tpu.memory_space<hbm>> -> memref<640xf32, #tpu.memory_space<hbm>>
      %dma_start3A_90 = tpu.memref_slice %arg4[%mul3A_2] : memref<10240xf32, #tpu.memory_space<hbm>> -> memref<640xf32, #tpu.memory_space<hbm>>
      tpu.enqueue_dma source(%dma_start3A_90 : memref<640xf32, #tpu.memory_space<hbm>>) target(%arg21 : memref<640xf32, #tpu.memory_space<vmem>>) target_semaphore(%run_scoped3A : memref<!tpu.dma_semaphore, #tpu.memory_space<semaphore_mem>>)
      %dma_wait3A = tpu.memref_slice %arg4[%mul3A_2] : memref<10240xf32, #tpu.memory_space<hbm>> -> memref<640xf32, #tpu.memory_space<hbm>>
      %dma_wait3A_91 = tpu.memref_slice %arg4[%mul3A_2] : memref<10240xf32, #tpu.memory_space<hbm>> -> memref<640xf32, #tpu.memory_space<hbm>>
      tpu.wait_dma2 semaphore(%run_scoped3A : memref<!tpu.dma_semaphore, #tpu.memory_space<semaphore_mem>>) src(%dma_wait3A_91 : memref<640xf32, #tpu.memory_space<hbm>>) dst(%arg21 : memref<640xf32, #tpu.memory_space<vmem>>)
      tpu.yield
    }) : () -> ()
    "tpu.region"() ({
      %run_scoped3A = tpu.sem_alloc : memref<!tpu.dma_semaphore, #tpu.memory_space<semaphore_mem>>
      %dma_start3A_89 = tpu.memref_slice %arg13[%mul3A_2] : memref<10240xf32, #tpu.memory_space<vmem_shared>> -> memref<640xf32, #tpu.memory_space<vmem_shared>>
      %dma_start3A_90 = tpu.memref_slice %arg13[%mul3A_2] : memref<10240xf32, #tpu.memory_space<vmem_shared>> -> memref<640xf32, #tpu.memory_space<vmem_shared>>
      tpu.enqueue_dma source(%arg21 : memref<640xf32, #tpu.memory_space<vmem>>) target(%dma_start3A_90 : memref<640xf32, #tpu.memory_space<vmem_shared>>) target_semaphore(%run_scoped3A : memref<!tpu.dma_semaphore, #tpu.memory_space<semaphore_mem>>)
      %dma_wait3A = tpu.memref_slice %arg13[%mul3A_2] : memref<10240xf32, #tpu.memory_space<vmem_shared>> -> memref<640xf32, #tpu.memory_space<vmem_shared>>
      %dma_wait3A_91 = tpu.memref_slice %arg13[%mul3A_2] : memref<10240xf32, #tpu.memory_space<vmem_shared>> -> memref<640xf32, #tpu.memory_space<vmem_shared>>
      tpu.wait_dma2 semaphore(%run_scoped3A : memref<!tpu.dma_semaphore, #tpu.memory_space<semaphore_mem>>) src(%arg21 : memref<640xf32, #tpu.memory_space<vmem>>) dst(%dma_wait3A_91 : memref<640xf32, #tpu.memory_space<vmem_shared>>)
      tpu.yield
    }) : () -> ()
    "tpu.region"() ({
      %run_scoped3A = tpu.sem_alloc : memref<!tpu.dma_semaphore, #tpu.memory_space<semaphore_mem>>
      tpu.enqueue_dma source(%arg5 : memref<16xf32, #tpu.memory_space<hbm>>) target(%arg19 : memref<16xf32, #tpu.memory_space<vmem>>) target_semaphore(%run_scoped3A : memref<!tpu.dma_semaphore, #tpu.memory_space<semaphore_mem>>)
      tpu.wait_dma2 semaphore(%run_scoped3A : memref<!tpu.dma_semaphore, #tpu.memory_space<semaphore_mem>>) src(%arg5 : memref<16xf32, #tpu.memory_space<hbm>>) dst(%arg19 : memref<16xf32, #tpu.memory_space<vmem>>)
      tpu.yield
    }) : () -> ()
    %scan3A = arith.constant 0 : i32
    %scan3A_3 = arith.constant 0 : i32
    %scan3A_4 = arith.constant 128 : i32
    %scan3A_5 = arith.addi %scan3A_3, %scan3A_4 : i32
    %scan3A_6 = arith.constant 2 : i32
    scf.for %scan3A_89 = %scan3A_3 to %scan3A_5 step %scan3A_6  : i32 {
      %broadcast_in_dim3A = arith.constant 0.000000e+00 : f32
      %broadcast_in_dim3A_90 = vector.broadcast %broadcast_in_dim3A : f32 to vector<16xf32>
      %swap3A = arith.index_cast %scan3A_89 : i32 to index
      %swap3A_91 = arith.constant 0 : index
      %swap3A_92 = tpu.vector_load %arg22[%swap3A, %swap3A_91] {strides = array<i32>} : memref<128x128xf32, #tpu.memory_space<vmem>>, vector<16xf32>,
      tpu.vector_store %arg22[%swap3A, %swap3A_91], %broadcast_in_dim3A_90 {strides = array<i32>} : memref<128x128xf32, #tpu.memory_space<vmem>>, vector<16xf32>,
      %broadcast_in_dim3A_93 = arith.constant 0.000000e+00 : f32
      %broadcast_in_dim3A_94 = vector.broadcast %broadcast_in_dim3A_93 : f32 to vector<16xf32>
      %swap3A_95 = arith.index_cast %scan3A_89 : i32 to index
      %swap3A_96 = arith.constant 16 : index
      %swap3A_97 = tpu.vector_load %arg22[%swap3A_95, %swap3A_96] {strides = array<i32>} : memref<128x128xf32, #tpu.memory_space<vmem>>, vector<16xf32>,
      tpu.vector_store %arg22[%swap3A_95, %swap3A_96], %broadcast_in_dim3A_94 {strides = array<i32>} : memref<128x128xf32, #tpu.memory_space<vmem>>, vector<16xf32>,
      %broadcast_in_dim3A_98 = arith.constant 0.000000e+00 : f32
      %broadcast_in_dim3A_99 = vector.broadcast %broadcast_in_dim3A_98 : f32 to vector<16xf32>
      %swap3A_100 = arith.index_cast %scan3A_89 : i32 to index
      %swap3A_101 = arith.constant 32 : index
      %swap3A_102 = tpu.vector_load %arg22[%swap3A_100, %swap3A_101] {strides = array<i32>} : memref<128x128xf32, #tpu.memory_space<vmem>>, vector<16xf32>,
      tpu.vector_store %arg22[%swap3A_100, %swap3A_101], %broadcast_in_dim3A_99 {strides = array<i32>} : memref<128x128xf32, #tpu.memory_space<vmem>>, vector<16xf32>,
      %broadcast_in_dim3A_103 = arith.constant 0.000000e+00 : f32
      %broadcast_in_dim3A_104 = vector.broadcast %broadcast_in_dim3A_103 : f32 to vector<16xf32>
      %swap3A_105 = arith.index_cast %scan3A_89 : i32 to index
      %swap3A_106 = arith.constant 48 : index
      %swap3A_107 = tpu.vector_load %arg22[%swap3A_105, %swap3A_106] {strides = array<i32>} : memref<128x128xf32, #tpu.memory_space<vmem>>, vector<16xf32>,
      tpu.vector_store %arg22[%swap3A_105, %swap3A_106], %broadcast_in_dim3A_104 {strides = array<i32>} : memref<128x128xf32, #tpu.memory_space<vmem>>, vector<16xf32>,
      %broadcast_in_dim3A_108 = arith.constant 0.000000e+00 : f32
      %broadcast_in_dim3A_109 = vector.broadcast %broadcast_in_dim3A_108 : f32 to vector<16xf32>
      %swap3A_110 = arith.index_cast %scan3A_89 : i32 to index
      %swap3A_111 = arith.constant 64 : index
      %swap3A_112 = tpu.vector_load %arg22[%swap3A_110, %swap3A_111] {strides = array<i32>} : memref<128x128xf32, #tpu.memory_space<vmem>>, vector<16xf32>,
      tpu.vector_store %arg22[%swap3A_110, %swap3A_111], %broadcast_in_dim3A_109 {strides = array<i32>} : memref<128x128xf32, #tpu.memory_space<vmem>>, vector<16xf32>,
      %broadcast_in_dim3A_113 = arith.constant 0.000000e+00 : f32
      %broadcast_in_dim3A_114 = vector.broadcast %broadcast_in_dim3A_113 : f32 to vector<16xf32>
      %swap3A_115 = arith.index_cast %scan3A_89 : i32 to index
      %swap3A_116 = arith.constant 80 : index
      %swap3A_117 = tpu.vector_load %arg22[%swap3A_115, %swap3A_116] {strides = array<i32>} : memref<128x128xf32, #tpu.memory_space<vmem>>, vector<16xf32>,
      tpu.vector_store %arg22[%swap3A_115, %swap3A_116], %broadcast_in_dim3A_114 {strides = array<i32>} : memref<128x128xf32, #tpu.memory_space<vmem>>, vector<16xf32>,
      %broadcast_in_dim3A_118 = arith.constant 0.000000e+00 : f32
      %broadcast_in_dim3A_119 = vector.broadcast %broadcast_in_dim3A_118 : f32 to vector<16xf32>
      %swap3A_120 = arith.index_cast %scan3A_89 : i32 to index
      %swap3A_121 = arith.constant 96 : index
      %swap3A_122 = tpu.vector_load %arg22[%swap3A_120, %swap3A_121] {strides = array<i32>} : memref<128x128xf32, #tpu.memory_space<vmem>>, vector<16xf32>,
      tpu.vector_store %arg22[%swap3A_120, %swap3A_121], %broadcast_in_dim3A_119 {strides = array<i32>} : memref<128x128xf32, #tpu.memory_space<vmem>>, vector<16xf32>,
      %broadcast_in_dim3A_123 = arith.constant 0.000000e+00 : f32
      %broadcast_in_dim3A_124 = vector.broadcast %broadcast_in_dim3A_123 : f32 to vector<16xf32>
      %swap3A_125 = arith.index_cast %scan3A_89 : i32 to index
      %swap3A_126 = arith.constant 112 : index
      %swap3A_127 = tpu.vector_load %arg22[%swap3A_125, %swap3A_126] {strides = array<i32>} : memref<128x128xf32, #tpu.memory_space<vmem>>, vector<16xf32>,
      tpu.vector_store %arg22[%swap3A_125, %swap3A_126], %broadcast_in_dim3A_124 {strides = array<i32>} : memref<128x128xf32, #tpu.memory_space<vmem>>, vector<16xf32>,
      %scan3A_128 = arith.constant 1 : i32
      %scan3A_129 = arith.addi %scan3A_89, %scan3A_128 : i32
      %broadcast_in_dim3A_130 = arith.constant 0.000000e+00 : f32
      %broadcast_in_dim3A_131 = vector.broadcast %broadcast_in_dim3A_130 : f32 to vector<16xf32>
      %swap3A_132 = arith.index_cast %scan3A_129 : i32 to index
      %swap3A_133 = arith.constant 0 : index
      %swap3A_134 = tpu.vector_load %arg22[%swap3A_132, %swap3A_133] {strides = array<i32>} : memref<128x128xf32, #tpu.memory_space<vmem>>, vector<16xf32>,
      tpu.vector_store %arg22[%swap3A_132, %swap3A_133], %broadcast_in_dim3A_131 {strides = array<i32>} : memref<128x128xf32, #tpu.memory_space<vmem>>, vector<16xf32>,
      %broadcast_in_dim3A_135 = arith.constant 0.000000e+00 : f32
      %broadcast_in_dim3A_136 = vector.broadcast %broadcast_in_dim3A_135 : f32 to vector<16xf32>
      %swap3A_137 = arith.index_cast %scan3A_129 : i32 to index
      %swap3A_138 = arith.constant 16 : index
      %swap3A_139 = tpu.vector_load %arg22[%swap3A_137, %swap3A_138] {strides = array<i32>} : memref<128x128xf32, #tpu.memory_space<vmem>>, vector<16xf32>,
      tpu.vector_store %arg22[%swap3A_137, %swap3A_138], %broadcast_in_dim3A_136 {strides = array<i32>} : memref<128x128xf32, #tpu.memory_space<vmem>>, vector<16xf32>,
      %broadcast_in_dim3A_140 = arith.constant 0.000000e+00 : f32
      %broadcast_in_dim3A_141 = vector.broadcast %broadcast_in_dim3A_140 : f32 to vector<16xf32>
      %swap3A_142 = arith.index_cast %scan3A_129 : i32 to index
      %swap3A_143 = arith.constant 32 : index
      %swap3A_144 = tpu.vector_load %arg22[%swap3A_142, %swap3A_143] {strides = array<i32>} : memref<128x128xf32, #tpu.memory_space<vmem>>, vector<16xf32>,
      tpu.vector_store %arg22[%swap3A_142, %swap3A_143], %broadcast_in_dim3A_141 {strides = array<i32>} : memref<128x128xf32, #tpu.memory_space<vmem>>, vector<16xf32>,
      %broadcast_in_dim3A_145 = arith.constant 0.000000e+00 : f32
      %broadcast_in_dim3A_146 = vector.broadcast %broadcast_in_dim3A_145 : f32 to vector<16xf32>
      %swap3A_147 = arith.index_cast %scan3A_129 : i32 to index
      %swap3A_148 = arith.constant 48 : index
      %swap3A_149 = tpu.vector_load %arg22[%swap3A_147, %swap3A_148] {strides = array<i32>} : memref<128x128xf32, #tpu.memory_space<vmem>>, vector<16xf32>,
      tpu.vector_store %arg22[%swap3A_147, %swap3A_148], %broadcast_in_dim3A_146 {strides = array<i32>} : memref<128x128xf32, #tpu.memory_space<vmem>>, vector<16xf32>,
      %broadcast_in_dim3A_150 = arith.constant 0.000000e+00 : f32
      %broadcast_in_dim3A_151 = vector.broadcast %broadcast_in_dim3A_150 : f32 to vector<16xf32>
      %swap3A_152 = arith.index_cast %scan3A_129 : i32 to index
      %swap3A_153 = arith.constant 64 : index
      %swap3A_154 = tpu.vector_load %arg22[%swap3A_152, %swap3A_153] {strides = array<i32>} : memref<128x128xf32, #tpu.memory_space<vmem>>, vector<16xf32>,
      tpu.vector_store %arg22[%swap3A_152, %swap3A_153], %broadcast_in_dim3A_151 {strides = array<i32>} : memref<128x128xf32, #tpu.memory_space<vmem>>, vector<16xf32>,
      %broadcast_in_dim3A_155 = arith.constant 0.000000e+00 : f32
      %broadcast_in_dim3A_156 = vector.broadcast %broadcast_in_dim3A_155 : f32 to vector<16xf32>
      %swap3A_157 = arith.index_cast %scan3A_129 : i32 to index
      %swap3A_158 = arith.constant 80 : index
      %swap3A_159 = tpu.vector_load %arg22[%swap3A_157, %swap3A_158] {strides = array<i32>} : memref<128x128xf32, #tpu.memory_space<vmem>>, vector<16xf32>,
      tpu.vector_store %arg22[%swap3A_157, %swap3A_158], %broadcast_in_dim3A_156 {strides = array<i32>} : memref<128x128xf32, #tpu.memory_space<vmem>>, vector<16xf32>,
      %broadcast_in_dim3A_160 = arith.constant 0.000000e+00 : f32
      %broadcast_in_dim3A_161 = vector.broadcast %broadcast_in_dim3A_160 : f32 to vector<16xf32>
      %swap3A_162 = arith.index_cast %scan3A_129 : i32 to index
      %swap3A_163 = arith.constant 96 : index
      %swap3A_164 = tpu.vector_load %arg22[%swap3A_162, %swap3A_163] {strides = array<i32>} : memref<128x128xf32, #tpu.memory_space<vmem>>, vector<16xf32>,
      tpu.vector_store %arg22[%swap3A_162, %swap3A_163], %broadcast_in_dim3A_161 {strides = array<i32>} : memref<128x128xf32, #tpu.memory_space<vmem>>, vector<16xf32>,
      %broadcast_in_dim3A_165 = arith.constant 0.000000e+00 : f32
      %broadcast_in_dim3A_166 = vector.broadcast %broadcast_in_dim3A_165 : f32 to vector<16xf32>
      %swap3A_167 = arith.index_cast %scan3A_129 : i32 to index
      %swap3A_168 = arith.constant 112 : index
      %swap3A_169 = tpu.vector_load %arg22[%swap3A_167, %swap3A_168] {strides = array<i32>} : memref<128x128xf32, #tpu.memory_space<vmem>>, vector<16xf32>,
      tpu.vector_store %arg22[%swap3A_167, %swap3A_168], %broadcast_in_dim3A_166 {strides = array<i32>} : memref<128x128xf32, #tpu.memory_space<vmem>>, vector<16xf32>,
    }
    %scan3A_7 = arith.constant 128 : i32
    %scan3A_8 = arith.constant 0 : i32
    %scan3A_9 = arith.constant 0 : i32
    %scan3A_10 = arith.constant 40 : i32
    %scan3A_11 = arith.addi %scan3A_9, %scan3A_10 : i32
    %scan3A_12 = arith.constant 4 : i32
    scf.for %scan3A_89 = %scan3A_9 to %scan3A_11 step %scan3A_12  : i32 {
      %broadcast_in_dim3A = arith.constant 0.000000e+00 : f32
      %broadcast_in_dim3A_90 = vector.broadcast %broadcast_in_dim3A : f32 to vector<16xf32>
      %mul3A_91 = arith.constant 16 : i32
      %mul3A_92 = arith.muli %scan3A_89, %mul3A_91 : i32
      %swap3A = arith.index_cast %mul3A_92 : i32 to index
      %swap3A_93 = tpu.vector_load %arg21[%swap3A] {strides = array<i32>} : memref<640xf32, #tpu.memory_space<vmem>>, vector<16xf32>,
      tpu.vector_store %arg21[%swap3A], %broadcast_in_dim3A_90 {strides = array<i32>} : memref<640xf32, #tpu.memory_space<vmem>>, vector<16xf32>,
      %scan3A_94 = arith.constant 1 : i32
      %scan3A_95 = arith.addi %scan3A_89, %scan3A_94 : i32
      %broadcast_in_dim3A_96 = arith.constant 0.000000e+00 : f32
      %broadcast_in_dim3A_97 = vector.broadcast %broadcast_in_dim3A_96 : f32 to vector<16xf32>
      %mul3A_98 = arith.constant 16 : i32
      %mul3A_99 = arith.muli %scan3A_95, %mul3A_98 : i32
      %swap3A_100 = arith.index_cast %mul3A_99 : i32 to index
      %swap3A_101 = tpu.vector_load %arg21[%swap3A_100] {strides = array<i32>} : memref<640xf32, #tpu.memory_space<vmem>>, vector<16xf32>,
      tpu.vector_store %arg21[%swap3A_100], %broadcast_in_dim3A_97 {strides = array<i32>} : memref<640xf32, #tpu.memory_space<vmem>>, vector<16xf32>,
      %scan3A_102 = arith.constant 2 : i32
      %scan3A_103 = arith.addi %scan3A_89, %scan3A_102 : i32
      %broadcast_in_dim3A_104 = arith.constant 0.000000e+00 : f32
      %broadcast_in_dim3A_105 = vector.broadcast %broadcast_in_dim3A_104 : f32 to vector<16xf32>
      %mul3A_106 = arith.constant 16 : i32
      %mul3A_107 = arith.muli %scan3A_103, %mul3A_106 : i32
      %swap3A_108 = arith.index_cast %mul3A_107 : i32 to index
      %swap3A_109 = tpu.vector_load %arg21[%swap3A_108] {strides = array<i32>} : memref<640xf32, #tpu.memory_space<vmem>>, vector<16xf32>,
      tpu.vector_store %arg21[%swap3A_108], %broadcast_in_dim3A_105 {strides = array<i32>} : memref<640xf32, #tpu.memory_space<vmem>>, vector<16xf32>,
      %scan3A_110 = arith.constant 3 : i32
      %scan3A_111 = arith.addi %scan3A_89, %scan3A_110 : i32
      %broadcast_in_dim3A_112 = arith.constant 0.000000e+00 : f32
      %broadcast_in_dim3A_113 = vector.broadcast %broadcast_in_dim3A_112 : f32 to vector<16xf32>
      %mul3A_114 = arith.constant 16 : i32
      %mul3A_115 = arith.muli %scan3A_111, %mul3A_114 : i32
      %swap3A_116 = arith.index_cast %mul3A_115 : i32 to index
      %swap3A_117 = tpu.vector_load %arg21[%swap3A_116] {strides = array<i32>} : memref<640xf32, #tpu.memory_space<vmem>>, vector<16xf32>,
      tpu.vector_store %arg21[%swap3A_116], %broadcast_in_dim3A_113 {strides = array<i32>} : memref<640xf32, #tpu.memory_space<vmem>>, vector<16xf32>,
    }
    %scan3A_13 = arith.constant 40 : i32
    %mul3A_14 = arith.constant 640 : i32
    %mul3A_15 = arith.muli %arg1, %mul3A_14 : i32
    %add3A_16 = arith.constant 0 : i32
    %add3A_17 = arith.addi %mul3A_15, %add3A_16 : i32
    "tpu.region"() ({
      %run_scoped3A = tpu.sem_alloc : memref<!tpu.dma_semaphore, #tpu.memory_space<semaphore_mem>>
      %dma_start3A_89 = arith.constant 0 : i32
      %dma_start3A_90 = tpu.memref_slice %arg10[%add3A_17, %dma_start3A_89] : memref<10240x128xf32, #tpu.memory_space<vmem_shared>> -> memref<128x128xf32, #tpu.memory_space<vmem_shared>>
      %dma_start3A_91 = arith.constant 0 : i32
      %dma_start3A_92 = tpu.memref_slice %arg10[%add3A_17, %dma_start3A_91] : memref<10240x128xf32, #tpu.memory_space<vmem_shared>> -> memref<128x128xf32, #tpu.memory_space<vmem_shared>>
      tpu.enqueue_dma source(%arg22 : memref<128x128xf32, #tpu.memory_space<vmem>>) target(%dma_start3A_92 : memref<128x128xf32, #tpu.memory_space<vmem_shared>>) target_semaphore(%run_scoped3A : memref<!tpu.dma_semaphore, #tpu.memory_space<semaphore_mem>>)
      %dma_wait3A = arith.constant 0 : i32
      %dma_wait3A_93 = tpu.memref_slice %arg10[%add3A_17, %dma_wait3A] : memref<10240x128xf32, #tpu.memory_space<vmem_shared>> -> memref<128x128xf32, #tpu.memory_space<vmem_shared>>
      %dma_wait3A_94 = arith.constant 0 : i32
      %dma_wait3A_95 = tpu.memref_slice %arg10[%add3A_17, %dma_wait3A_94] : memref<10240x128xf32, #tpu.memory_space<vmem_shared>> -> memref<128x128xf32, #tpu.memory_space<vmem_shared>>
      tpu.wait_dma2 semaphore(%run_scoped3A : memref<!tpu.dma_semaphore, #tpu.memory_space<semaphore_mem>>) src(%arg22 : memref<128x128xf32, #tpu.memory_space<vmem>>) dst(%dma_wait3A_95 : memref<128x128xf32, #tpu.memory_space<vmem_shared>>)
      tpu.yield
    }) : () -> ()
    %mul3A_18 = arith.constant 640 : i32
    %mul3A_19 = arith.muli %arg1, %mul3A_18 : i32
    %add3A_20 = arith.constant 128 : i32
    %add3A_21 = arith.addi %mul3A_19, %add3A_20 : i32
    "tpu.region"() ({
      %run_scoped3A = tpu.sem_alloc : memref<!tpu.dma_semaphore, #tpu.memory_space<semaphore_mem>>
      %dma_start3A_89 = arith.constant 0 : i32
      %dma_start3A_90 = tpu.memref_slice %arg10[%add3A_21, %dma_start3A_89] : memref<10240x128xf32, #tpu.memory_space<vmem_shared>> -> memref<128x128xf32, #tpu.memory_space<vmem_shared>>
      %dma_start3A_91 = arith.constant 0 : i32
      %dma_start3A_92 = tpu.memref_slice %arg10[%add3A_21, %dma_start3A_91] : memref<10240x128xf32, #tpu.memory_space<vmem_shared>> -> memref<128x128xf32, #tpu.memory_space<vmem_shared>>
      tpu.enqueue_dma source(%arg22 : memref<128x128xf32, #tpu.memory_space<vmem>>) target(%dma_start3A_92 : memref<128x128xf32, #tpu.memory_space<vmem_shared>>) target_semaphore(%run_scoped3A : memref<!tpu.dma_semaphore, #tpu.memory_space<semaphore_mem>>)
      %dma_wait3A = arith.constant 0 : i32
      %dma_wait3A_93 = tpu.memref_slice %arg10[%add3A_21, %dma_wait3A] : memref<10240x128xf32, #tpu.memory_space<vmem_shared>> -> memref<128x128xf32, #tpu.memory_space<vmem_shared>>
      %dma_wait3A_94 = arith.constant 0 : i32
      %dma_wait3A_95 = tpu.memref_slice %arg10[%add3A_21, %dma_wait3A_94] : memref<10240x128xf32, #tpu.memory_space<vmem_shared>> -> memref<128x128xf32, #tpu.memory_space<vmem_shared>>
      tpu.wait_dma2 semaphore(%run_scoped3A : memref<!tpu.dma_semaphore, #tpu.memory_space<semaphore_mem>>) src(%arg22 : memref<128x128xf32, #tpu.memory_space<vmem>>) dst(%dma_wait3A_95 : memref<128x128xf32, #tpu.memory_space<vmem_shared>>)
      tpu.yield
    }) : () -> ()
    %mul3A_22 = arith.constant 640 : i32
    %mul3A_23 = arith.muli %arg1, %mul3A_22 : i32
    %add3A_24 = arith.constant 256 : i32
    %add3A_25 = arith.addi %mul3A_23, %add3A_24 : i32
    "tpu.region"() ({
      %run_scoped3A = tpu.sem_alloc : memref<!tpu.dma_semaphore, #tpu.memory_space<semaphore_mem>>
      %dma_start3A_89 = arith.constant 0 : i32
      %dma_start3A_90 = tpu.memref_slice %arg10[%add3A_25, %dma_start3A_89] : memref<10240x128xf32, #tpu.memory_space<vmem_shared>> -> memref<128x128xf32, #tpu.memory_space<vmem_shared>>
      %dma_start3A_91 = arith.constant 0 : i32
      %dma_start3A_92 = tpu.memref_slice %arg10[%add3A_25, %dma_start3A_91] : memref<10240x128xf32, #tpu.memory_space<vmem_shared>> -> memref<128x128xf32, #tpu.memory_space<vmem_shared>>
      tpu.enqueue_dma source(%arg22 : memref<128x128xf32, #tpu.memory_space<vmem>>) target(%dma_start3A_92 : memref<128x128xf32, #tpu.memory_space<vmem_shared>>) target_semaphore(%run_scoped3A : memref<!tpu.dma_semaphore, #tpu.memory_space<semaphore_mem>>)
      %dma_wait3A = arith.constant 0 : i32
      %dma_wait3A_93 = tpu.memref_slice %arg10[%add3A_25, %dma_wait3A] : memref<10240x128xf32, #tpu.memory_space<vmem_shared>> -> memref<128x128xf32, #tpu.memory_space<vmem_shared>>
      %dma_wait3A_94 = arith.constant 0 : i32
      %dma_wait3A_95 = tpu.memref_slice %arg10[%add3A_25, %dma_wait3A_94] : memref<10240x128xf32, #tpu.memory_space<vmem_shared>> -> memref<128x128xf32, #tpu.memory_space<vmem_shared>>
      tpu.wait_dma2 semaphore(%run_scoped3A : memref<!tpu.dma_semaphore, #tpu.memory_space<semaphore_mem>>) src(%arg22 : memref<128x128xf32, #tpu.memory_space<vmem>>) dst(%dma_wait3A_95 : memref<128x128xf32, #tpu.memory_space<vmem_shared>>)
      tpu.yield
    }) : () -> ()
    %mul3A_26 = arith.constant 640 : i32
    %mul3A_27 = arith.muli %arg1, %mul3A_26 : i32
    %add3A_28 = arith.constant 384 : i32
    %add3A_29 = arith.addi %mul3A_27, %add3A_28 : i32
    "tpu.region"() ({
      %run_scoped3A = tpu.sem_alloc : memref<!tpu.dma_semaphore, #tpu.memory_space<semaphore_mem>>
      %dma_start3A_89 = arith.constant 0 : i32
      %dma_start3A_90 = tpu.memref_slice %arg10[%add3A_29, %dma_start3A_89] : memref<10240x128xf32, #tpu.memory_space<vmem_shared>> -> memref<128x128xf32, #tpu.memory_space<vmem_shared>>
      %dma_start3A_91 = arith.constant 0 : i32
      %dma_start3A_92 = tpu.memref_slice %arg10[%add3A_29, %dma_start3A_91] : memref<10240x128xf32, #tpu.memory_space<vmem_shared>> -> memref<128x128xf32, #tpu.memory_space<vmem_shared>>
      tpu.enqueue_dma source(%arg22 : memref<128x128xf32, #tpu.memory_space<vmem>>) target(%dma_start3A_92 : memref<128x128xf32, #tpu.memory_space<vmem_shared>>) target_semaphore(%run_scoped3A : memref<!tpu.dma_semaphore, #tpu.memory_space<semaphore_mem>>)
      %dma_wait3A = arith.constant 0 : i32
      %dma_wait3A_93 = tpu.memref_slice %arg10[%add3A_29, %dma_wait3A] : memref<10240x128xf32, #tpu.memory_space<vmem_shared>> -> memref<128x128xf32, #tpu.memory_space<vmem_shared>>
      %dma_wait3A_94 = arith.constant 0 : i32
      %dma_wait3A_95 = tpu.memref_slice %arg10[%add3A_29, %dma_wait3A_94] : memref<10240x128xf32, #tpu.memory_space<vmem_shared>> -> memref<128x128xf32, #tpu.memory_space<vmem_shared>>
      tpu.wait_dma2 semaphore(%run_scoped3A : memref<!tpu.dma_semaphore, #tpu.memory_space<semaphore_mem>>) src(%arg22 : memref<128x128xf32, #tpu.memory_space<vmem>>) dst(%dma_wait3A_95 : memref<128x128xf32, #tpu.memory_space<vmem_shared>>)
      tpu.yield
    }) : () -> ()
    %mul3A_30 = arith.constant 640 : i32
    %mul3A_31 = arith.muli %arg1, %mul3A_30 : i32
    %add3A_32 = arith.constant 512 : i32
    %add3A_33 = arith.addi %mul3A_31, %add3A_32 : i32
    "tpu.region"() ({
      %run_scoped3A = tpu.sem_alloc : memref<!tpu.dma_semaphore, #tpu.memory_space<semaphore_mem>>
      %dma_start3A_89 = arith.constant 0 : i32
      %dma_start3A_90 = tpu.memref_slice %arg10[%add3A_33, %dma_start3A_89] : memref<10240x128xf32, #tpu.memory_space<vmem_shared>> -> memref<128x128xf32, #tpu.memory_space<vmem_shared>>
      %dma_start3A_91 = arith.constant 0 : i32
      %dma_start3A_92 = tpu.memref_slice %arg10[%add3A_33, %dma_start3A_91] : memref<10240x128xf32, #tpu.memory_space<vmem_shared>> -> memref<128x128xf32, #tpu.memory_space<vmem_shared>>
      tpu.enqueue_dma source(%arg22 : memref<128x128xf32, #tpu.memory_space<vmem>>) target(%dma_start3A_92 : memref<128x128xf32, #tpu.memory_space<vmem_shared>>) target_semaphore(%run_scoped3A : memref<!tpu.dma_semaphore, #tpu.memory_space<semaphore_mem>>)
      %dma_wait3A = arith.constant 0 : i32
      %dma_wait3A_93 = tpu.memref_slice %arg10[%add3A_33, %dma_wait3A] : memref<10240x128xf32, #tpu.memory_space<vmem_shared>> -> memref<128x128xf32, #tpu.memory_space<vmem_shared>>
      %dma_wait3A_94 = arith.constant 0 : i32
      %dma_wait3A_95 = tpu.memref_slice %arg10[%add3A_33, %dma_wait3A_94] : memref<10240x128xf32, #tpu.memory_space<vmem_shared>> -> memref<128x128xf32, #tpu.memory_space<vmem_shared>>
      tpu.wait_dma2 semaphore(%run_scoped3A : memref<!tpu.dma_semaphore, #tpu.memory_space<semaphore_mem>>) src(%arg22 : memref<128x128xf32, #tpu.memory_space<vmem>>) dst(%dma_wait3A_95 : memref<128x128xf32, #tpu.memory_space<vmem_shared>>)
      tpu.yield
    }) : () -> ()
    "tpu.region"() ({
      %run_scoped3A = tpu.sem_alloc : memref<!tpu.dma_semaphore, #tpu.memory_space<semaphore_mem>>
      %dma_start3A_89 = tpu.memref_slice %arg11[%mul3A_2] : memref<10240xf32, #tpu.memory_space<vmem_shared>> -> memref<640xf32, #tpu.memory_space<vmem_shared>>
      %dma_start3A_90 = tpu.memref_slice %arg11[%mul3A_2] : memref<10240xf32, #tpu.memory_space<vmem_shared>> -> memref<640xf32, #tpu.memory_space<vmem_shared>>
      tpu.enqueue_dma source(%arg21 : memref<640xf32, #tpu.memory_space<vmem>>) target(%dma_start3A_90 : memref<640xf32, #tpu.memory_space<vmem_shared>>) target_semaphore(%run_scoped3A : memref<!tpu.dma_semaphore, #tpu.memory_space<semaphore_mem>>)
      %dma_wait3A = tpu.memref_slice %arg11[%mul3A_2] : memref<10240xf32, #tpu.memory_space<vmem_shared>> -> memref<640xf32, #tpu.memory_space<vmem_shared>>
      %dma_wait3A_91 = tpu.memref_slice %arg11[%mul3A_2] : memref<10240xf32, #tpu.memory_space<vmem_shared>> -> memref<640xf32, #tpu.memory_space<vmem_shared>>
      tpu.wait_dma2 semaphore(%run_scoped3A : memref<!tpu.dma_semaphore, #tpu.memory_space<semaphore_mem>>) src(%arg21 : memref<640xf32, #tpu.memory_space<vmem>>) dst(%dma_wait3A_91 : memref<640xf32, #tpu.memory_space<vmem_shared>>)
      tpu.yield
    }) : () -> ()
    %barrier3A = arith.constant 0 : index
    tpu.barrier barrier_id(%barrier3A)
    %get3A = arith.constant 0 : index
    %get3A_34 = tpu.vector_load %arg19[%get3A] {strides = array<i32>} : memref<16xf32, #tpu.memory_space<vmem>>, vector<16xf32>,
    %dma_start3A = arith.constant 0 : i32
    %dma_start3A_35 = arith.constant 0 : i32
    %dma_start3A_36 = tpu.memref_slice %arg7[%add3A, %dma_start3A, %dma_start3A_35] : memref<32x82x128xi32, #tpu.memory_space<hbm>> -> memref<1x1x128xi32, #tpu.memory_space<hbm>>
    %dma_start3A_37 = tpu.memref_squeeze %dma_start3A_36 : memref<1x1x128xi32, #tpu.memory_space<hbm>> -> memref<128xi32, #tpu.memory_space<hbm>>
    %dma_start3A_38 = arith.constant 0 : i32
    %dma_start3A_39 = tpu.memref_slice %arg7[%add3A, %dma_start3A, %dma_start3A_38] : memref<32x82x128xi32, #tpu.memory_space<hbm>> -> memref<1x1x128xi32, #tpu.memory_space<hbm>>
    %dma_start3A_40 = tpu.memref_squeeze %dma_start3A_39 : memref<1x1x128xi32, #tpu.memory_space<hbm>> -> memref<128xi32, #tpu.memory_space<hbm>>
    tpu.enqueue_dma source(%dma_start3A_40 : memref<128xi32, #tpu.memory_space<hbm>>) target(%arg15 : memref<128xi32, #tpu.memory_space<vmem>>) target_semaphore(%arg24 : memref<!tpu.dma_semaphore, #tpu.memory_space<semaphore_mem>>)
    %dma_start3A_41 = arith.constant 1 : i32
    %dma_start3A_42 = arith.constant 0 : i32
    %dma_start3A_43 = tpu.memref_slice %arg7[%add3A, %dma_start3A_41, %dma_start3A_42] : memref<32x82x128xi32, #tpu.memory_space<hbm>> -> memref<1x1x128xi32, #tpu.memory_space<hbm>>
    %dma_start3A_44 = tpu.memref_squeeze %dma_start3A_43 : memref<1x1x128xi32, #tpu.memory_space<hbm>> -> memref<128xi32, #tpu.memory_space<hbm>>
    %dma_start3A_45 = arith.constant 0 : i32
    %dma_start3A_46 = tpu.memref_slice %arg7[%add3A, %dma_start3A_41, %dma_start3A_45] : memref<32x82x128xi32, #tpu.memory_space<hbm>> -> memref<1x1x128xi32, #tpu.memory_space<hbm>>
    %dma_start3A_47 = tpu.memref_squeeze %dma_start3A_46 : memref<1x1x128xi32, #tpu.memory_space<hbm>> -> memref<128xi32, #tpu.memory_space<hbm>>
    tpu.enqueue_dma source(%dma_start3A_47 : memref<128xi32, #tpu.memory_space<hbm>>) target(%arg16 : memref<128xi32, #tpu.memory_space<vmem>>) target_semaphore(%arg25 : memref<!tpu.dma_semaphore, #tpu.memory_space<semaphore_mem>>)
    %dma_start3A_48 = arith.constant 0 : i32
    %dma_start3A_49 = arith.constant 0 : i32
    %dma_start3A_50 = tpu.memref_slice %arg14[%dma_start3A_48, %dma_start3A_49] : memref<82x128xi32, #tpu.memory_space<vmem>> -> memref<1x128xi32, #tpu.memory_space<vmem>>
    %dma_start3A_51 = tpu.memref_squeeze %dma_start3A_50 : memref<1x128xi32, #tpu.memory_space<vmem>> -> memref<128xi32, #tpu.memory_space<vmem>>
    %dma_start3A_52 = arith.constant 0 : i32
    %dma_start3A_53 = arith.constant 0 : i32
    %dma_start3A_54 = tpu.memref_slice %arg2[%dma_start3A_52, %dma_start3A_53] : memref<10240x128xf32, #tpu.memory_space<hbm>> -> memref<10240x128xf32, #tpu.memory_space<hbm>>
    tpu.enqueue_indirect_dma source(%dma_start3A_54 : memref<10240x128xf32, #tpu.memory_space<hbm>>) target(%arg22 : memref<128x128xf32, #tpu.memory_space<vmem>>) offsets(%dma_start3A_51 : memref<128xi32, #tpu.memory_space<vmem>>) semaphore(%arg26 : memref<!tpu.dma_semaphore, #tpu.memory_space<semaphore_mem>>)
    %dma_start3A_55 = arith.constant 1 : i32
    %dma_start3A_56 = arith.constant 0 : i32
    %dma_start3A_57 = tpu.memref_slice %arg14[%dma_start3A_55, %dma_start3A_56] : memref<82x128xi32, #tpu.memory_space<vmem>> -> memref<1x128xi32, #tpu.memory_space<vmem>>
    %dma_start3A_58 = tpu.memref_squeeze %dma_start3A_57 : memref<1x128xi32, #tpu.memory_space<vmem>> -> memref<128xi32, #tpu.memory_space<vmem>>
    %dma_start3A_59 = arith.constant 0 : i32
    %dma_start3A_60 = arith.constant 0 : i32
    %dma_start3A_61 = tpu.memref_slice %arg2[%dma_start3A_59, %dma_start3A_60] : memref<10240x128xf32, #tpu.memory_space<hbm>> -> memref<10240x128xf32, #tpu.memory_space<hbm>>
    tpu.enqueue_indirect_dma source(%dma_start3A_61 : memref<10240x128xf32, #tpu.memory_space<hbm>>) target(%arg23 : memref<128x128xf32, #tpu.memory_space<vmem>>) offsets(%dma_start3A_58 : memref<128xi32, #tpu.memory_space<vmem>>) semaphore(%arg27 : memref<!tpu.dma_semaphore, #tpu.memory_space<semaphore_mem>>)
    %scan3A_62 = arith.constant 0 : i32
    %scan3A_63 = arith.constant 0 : i32
    %scan3A_64 = arith.constant 41 : i32
    %scan3A_65 = arith.addi %scan3A_63, %scan3A_64 : i32
    %scan3A_66 = arith.constant 1 : i32
    scf.for %scan3A_89 = %scan3A_63 to %scan3A_65 step %scan3A_66  : i32 {
      %mul3A_90 = arith.constant 2 : i32
      %mul3A_91 = arith.muli %mul3A_90, %scan3A_89 : i32
      %dma_wait3A = arith.constant 0 : i32
      %dma_wait3A_92 = tpu.memref_slice %arg7[%add3A, %mul3A_91, %dma_wait3A] : memref<32x82x128xi32, #tpu.memory_space<hbm>> -> memref<1x1x128xi32, #tpu.memory_space<hbm>>
      %dma_wait3A_93 = tpu.memref_squeeze %dma_wait3A_92 : memref<1x1x128xi32, #tpu.memory_space<hbm>> -> memref<128xi32, #tpu.memory_space<hbm>>
      %dma_wait3A_94 = arith.constant 0 : i32
      %dma_wait3A_95 = tpu.memref_slice %arg7[%add3A, %mul3A_91, %dma_wait3A_94] : memref<32x82x128xi32, #tpu.memory_space<hbm>> -> memref<1x1x128xi32, #tpu.memory_space<hbm>>
      %dma_wait3A_96 = tpu.memref_squeeze %dma_wait3A_95 : memref<1x1x128xi32, #tpu.memory_space<hbm>> -> memref<128xi32, #tpu.memory_space<hbm>>
      tpu.wait_dma2 semaphore(%arg24 : memref<!tpu.dma_semaphore, #tpu.memory_space<semaphore_mem>>) src(%dma_wait3A_96 : memref<128xi32, #tpu.memory_space<hbm>>) dst(%arg15 : memref<128xi32, #tpu.memory_space<vmem>>)
      %dma_start3A_97 = arith.constant 0 : i32
      %dma_start3A_98 = tpu.memref_slice %arg14[%mul3A_91, %dma_start3A_97] : memref<82x128xi32, #tpu.memory_space<vmem>> -> memref<1x128xi32, #tpu.memory_space<vmem>>
      %dma_start3A_99 = tpu.memref_squeeze %dma_start3A_98 : memref<1x128xi32, #tpu.memory_space<vmem>> -> memref<128xi32, #tpu.memory_space<vmem>>
      %dma_start3A_100 = arith.constant 0 : i32
      %dma_start3A_101 = tpu.memref_slice %arg12[%dma_start3A_100] : memref<10240xf32, #tpu.memory_space<vmem_shared>> -> memref<10240xf32, #tpu.memory_space<vmem_shared>>
      tpu.enqueue_indirect_dma source(%dma_start3A_101 : memref<10240xf32, #tpu.memory_space<vmem_shared>>) target(%arg17 : memref<128xf32, #tpu.memory_space<vmem>>) offsets(%dma_start3A_99 : memref<128xi32, #tpu.memory_space<vmem>>) semaphore(%arg28 : memref<!tpu.dma_semaphore, #tpu.memory_space<semaphore_mem>>)
      %dma_start3A_102 = arith.constant 0 : i32
      %dma_start3A_103 = tpu.memref_slice %arg13[%dma_start3A_102] : memref<10240xf32, #tpu.memory_space<vmem_shared>> -> memref<10240xf32, #tpu.memory_space<vmem_shared>>
      tpu.enqueue_indirect_dma source(%dma_start3A_103 : memref<10240xf32, #tpu.memory_space<vmem_shared>>) target(%arg18 : memref<128xf32, #tpu.memory_space<vmem>>) offsets(%arg15 : memref<128xi32, #tpu.memory_space<vmem>>) semaphore(%arg28 : memref<!tpu.dma_semaphore, #tpu.memory_space<semaphore_mem>>)
      %dma_wait3A_104 = arith.constant 0 : i32
      %dma_wait3A_105 = tpu.memref_slice %arg14[%mul3A_91, %dma_wait3A_104] : memref<82x128xi32, #tpu.memory_space<vmem>> -> memref<1x128xi32, #tpu.memory_space<vmem>>
      %dma_wait3A_106 = tpu.memref_squeeze %dma_wait3A_105 : memref<1x128xi32, #tpu.memory_space<vmem>> -> memref<128xi32, #tpu.memory_space<vmem>>
      %dma_wait3A_107 = arith.constant 0 : i32
      %dma_wait3A_108 = tpu.memref_slice %arg12[%dma_wait3A_107] : memref<10240xf32, #tpu.memory_space<vmem_shared>> -> memref<10240xf32, #tpu.memory_space<vmem_shared>>
      tpu.wait_indirect_dma semaphore(%arg28 : memref<!tpu.dma_semaphore, #tpu.memory_space<semaphore_mem>>) src(%dma_wait3A_108 : memref<10240xf32, #tpu.memory_space<vmem_shared>>) dst(%arg17 : memref<128xf32, #tpu.memory_space<vmem>>)
      %dma_wait3A_109 = arith.constant 0 : i32
      %dma_wait3A_110 = tpu.memref_slice %arg13[%dma_wait3A_109] : memref<10240xf32, #tpu.memory_space<vmem_shared>> -> memref<10240xf32, #tpu.memory_space<vmem_shared>>
      tpu.wait_indirect_dma semaphore(%arg28 : memref<!tpu.dma_semaphore, #tpu.memory_space<semaphore_mem>>) src(%dma_wait3A_110 : memref<10240xf32, #tpu.memory_space<vmem_shared>>) dst(%arg18 : memref<128xf32, #tpu.memory_space<vmem>>)
      %get3A_111 = arith.constant 0 : index
      %get3A_112 = tpu.vector_load %arg17[%get3A_111] {strides = array<i32>} : memref<128xf32, #tpu.memory_space<vmem>>, vector<16xf32>,
      %get3A_113 = arith.constant 0 : index
      %get3A_114 = tpu.vector_load %arg18[%get3A_113] {strides = array<i32>} : memref<128xf32, #tpu.memory_space<vmem>>, vector<16xf32>,
      %add3A_115 = arith.addf %get3A_112, %get3A_114 : vector<16xf32>
      %mul3A_116 = arith.constant 2.000000e-01 : f32
      %mul3A_117 = vector.broadcast %mul3A_116 : f32 to vector<16xf32>
      %mul3A_118 = arith.mulf %mul3A_117, %add3A_115 : vector<16xf32>
      %max3A = arith.maximumf %add3A_115, %mul3A_118 : vector<16xf32>
      %add3A_119 = arith.addf %get3A_34, %get3A_114 : vector<16xf32>
      %mul3A_120 = arith.constant 2.000000e-01 : f32
      %mul3A_121 = vector.broadcast %mul3A_120 : f32 to vector<16xf32>
      %mul3A_122 = arith.mulf %mul3A_121, %add3A_119 : vector<16xf32>
      %max3A_123 = arith.maximumf %add3A_119, %mul3A_122 : vector<16xf32>
      %sub3A = arith.subf %max3A, %max3A_123 : vector<16xf32>
      %exp3A = math.exp %sub3A : vector<16xf32>
      %swap3A = arith.constant 0 : index
      %swap3A_124 = tpu.vector_load %arg20[%swap3A] {strides = array<i32>} : memref<128xf32, #tpu.memory_space<vmem>>, vector<16xf32>,
      tpu.vector_store %arg20[%swap3A], %exp3A {strides = array<i32>} : memref<128xf32, #tpu.memory_space<vmem>>, vector<16xf32>,
      %get3A_125 = arith.constant 16 : index
      %get3A_126 = tpu.vector_load %arg17[%get3A_125] {strides = array<i32>} : memref<128xf32, #tpu.memory_space<vmem>>, vector<16xf32>,
      %get3A_127 = arith.constant 16 : index
      %get3A_128 = tpu.vector_load %arg18[%get3A_127] {strides = array<i32>} : memref<128xf32, #tpu.memory_space<vmem>>, vector<16xf32>,
      %add3A_129 = arith.addf %get3A_126, %get3A_128 : vector<16xf32>
      %mul3A_130 = arith.constant 2.000000e-01 : f32
      %mul3A_131 = vector.broadcast %mul3A_130 : f32 to vector<16xf32>
      %mul3A_132 = arith.mulf %mul3A_131, %add3A_129 : vector<16xf32>
      %max3A_133 = arith.maximumf %add3A_129, %mul3A_132 : vector<16xf32>
      %add3A_134 = arith.addf %get3A_34, %get3A_128 : vector<16xf32>
      %mul3A_135 = arith.constant 2.000000e-01 : f32
      %mul3A_136 = vector.broadcast %mul3A_135 : f32 to vector<16xf32>
      %mul3A_137 = arith.mulf %mul3A_136, %add3A_134 : vector<16xf32>
      %max3A_138 = arith.maximumf %add3A_134, %mul3A_137 : vector<16xf32>
      %sub3A_139 = arith.subf %max3A_133, %max3A_138 : vector<16xf32>
      %exp3A_140 = math.exp %sub3A_139 : vector<16xf32>
      %swap3A_141 = arith.constant 16 : index
      %swap3A_142 = tpu.vector_load %arg20[%swap3A_141] {strides = array<i32>} : memref<128xf32, #tpu.memory_space<vmem>>, vector<16xf32>,
      tpu.vector_store %arg20[%swap3A_141], %exp3A_140 {strides = array<i32>} : memref<128xf32, #tpu.memory_space<vmem>>, vector<16xf32>,
      %get3A_143 = arith.constant 32 : index
      %get3A_144 = tpu.vector_load %arg17[%get3A_143] {strides = array<i32>} : memref<128xf32, #tpu.memory_space<vmem>>, vector<16xf32>,
      %get3A_145 = arith.constant 32 : index
      %get3A_146 = tpu.vector_load %arg18[%get3A_145] {strides = array<i32>} : memref<128xf32, #tpu.memory_space<vmem>>, vector<16xf32>,
      %add3A_147 = arith.addf %get3A_144, %get3A_146 : vector<16xf32>
      %mul3A_148 = arith.constant 2.000000e-01 : f32
      %mul3A_149 = vector.broadcast %mul3A_148 : f32 to vector<16xf32>
      %mul3A_150 = arith.mulf %mul3A_149, %add3A_147 : vector<16xf32>
      %max3A_151 = arith.maximumf %add3A_147, %mul3A_150 : vector<16xf32>
      %add3A_152 = arith.addf %get3A_34, %get3A_146 : vector<16xf32>
      %mul3A_153 = arith.constant 2.000000e-01 : f32
      %mul3A_154 = vector.broadcast %mul3A_153 : f32 to vector<16xf32>
      %mul3A_155 = arith.mulf %mul3A_154, %add3A_152 : vector<16xf32>
      %max3A_156 = arith.maximumf %add3A_152, %mul3A_155 : vector<16xf32>
      %sub3A_157 = arith.subf %max3A_151, %max3A_156 : vector<16xf32>
      %exp3A_158 = math.exp %sub3A_157 : vector<16xf32>
      %swap3A_159 = arith.constant 32 : index
      %swap3A_160 = tpu.vector_load %arg20[%swap3A_159] {strides = array<i32>} : memref<128xf32, #tpu.memory_space<vmem>>, vector<16xf32>,
      tpu.vector_store %arg20[%swap3A_159], %exp3A_158 {strides = array<i32>} : memref<128xf32, #tpu.memory_space<vmem>>, vector<16xf32>,
      %get3A_161 = arith.constant 48 : index
      %get3A_162 = tpu.vector_load %arg17[%get3A_161] {strides = array<i32>} : memref<128xf32, #tpu.memory_space<vmem>>, vector<16xf32>,
      %get3A_163 = arith.constant 48 : index
      %get3A_164 = tpu.vector_load %arg18[%get3A_163] {strides = array<i32>} : memref<128xf32, #tpu.memory_space<vmem>>, vector<16xf32>,
      %add3A_165 = arith.addf %get3A_162, %get3A_164 : vector<16xf32>
      %mul3A_166 = arith.constant 2.000000e-01 : f32
      %mul3A_167 = vector.broadcast %mul3A_166 : f32 to vector<16xf32>
      %mul3A_168 = arith.mulf %mul3A_167, %add3A_165 : vector<16xf32>
      %max3A_169 = arith.maximumf %add3A_165, %mul3A_168 : vector<16xf32>
      %add3A_170 = arith.addf %get3A_34, %get3A_164 : vector<16xf32>
      %mul3A_171 = arith.constant 2.000000e-01 : f32
      %mul3A_172 = vector.broadcast %mul3A_171 : f32 to vector<16xf32>
      %mul3A_173 = arith.mulf %mul3A_172, %add3A_170 : vector<16xf32>
      %max3A_174 = arith.maximumf %add3A_170, %mul3A_173 : vector<16xf32>
      %sub3A_175 = arith.subf %max3A_169, %max3A_174 : vector<16xf32>
      %exp3A_176 = math.exp %sub3A_175 : vector<16xf32>
      %swap3A_177 = arith.constant 48 : index
      %swap3A_178 = tpu.vector_load %arg20[%swap3A_177] {strides = array<i32>} : memref<128xf32, #tpu.memory_space<vmem>>, vector<16xf32>,
      tpu.vector_store %arg20[%swap3A_177], %exp3A_176 {strides = array<i32>} : memref<128xf32, #tpu.memory_space<vmem>>, vector<16xf32>,
      %get3A_179 = arith.constant 64 : index
      %get3A_180 = tpu.vector_load %arg17[%get3A_179] {strides = array<i32>} : memref<128xf32, #tpu.memory_space<vmem>>, vector<16xf32>,
      %get3A_181 = arith.constant 64 : index
      %get3A_182 = tpu.vector_load %arg18[%get3A_181] {strides = array<i32>} : memref<128xf32, #tpu.memory_space<vmem>>, vector<16xf32>,
      %add3A_183 = arith.addf %get3A_180, %get3A_182 : vector<16xf32>
      %mul3A_184 = arith.constant 2.000000e-01 : f32
      %mul3A_185 = vector.broadcast %mul3A_184 : f32 to vector<16xf32>
      %mul3A_186 = arith.mulf %mul3A_185, %add3A_183 : vector<16xf32>
      %max3A_187 = arith.maximumf %add3A_183, %mul3A_186 : vector<16xf32>
      %add3A_188 = arith.addf %get3A_34, %get3A_182 : vector<16xf32>
      %mul3A_189 = arith.constant 2.000000e-01 : f32
      %mul3A_190 = vector.broadcast %mul3A_189 : f32 to vector<16xf32>
      %mul3A_191 = arith.mulf %mul3A_190, %add3A_188 : vector<16xf32>
      %max3A_192 = arith.maximumf %add3A_188, %mul3A_191 : vector<16xf32>
      %sub3A_193 = arith.subf %max3A_187, %max3A_192 : vector<16xf32>
      %exp3A_194 = math.exp %sub3A_193 : vector<16xf32>
      %swap3A_195 = arith.constant 64 : index
      %swap3A_196 = tpu.vector_load %arg20[%swap3A_195] {strides = array<i32>} : memref<128xf32, #tpu.memory_space<vmem>>, vector<16xf32>,
      tpu.vector_store %arg20[%swap3A_195], %exp3A_194 {strides = array<i32>} : memref<128xf32, #tpu.memory_space<vmem>>, vector<16xf32>,
      %get3A_197 = arith.constant 80 : index
      %get3A_198 = tpu.vector_load %arg17[%get3A_197] {strides = array<i32>} : memref<128xf32, #tpu.memory_space<vmem>>, vector<16xf32>,
      %get3A_199 = arith.constant 80 : index
      %get3A_200 = tpu.vector_load %arg18[%get3A_199] {strides = array<i32>} : memref<128xf32, #tpu.memory_space<vmem>>, vector<16xf32>,
      %add3A_201 = arith.addf %get3A_198, %get3A_200 : vector<16xf32>
      %mul3A_202 = arith.constant 2.000000e-01 : f32
      %mul3A_203 = vector.broadcast %mul3A_202 : f32 to vector<16xf32>
      %mul3A_204 = arith.mulf %mul3A_203, %add3A_201 : vector<16xf32>
      %max3A_205 = arith.maximumf %add3A_201, %mul3A_204 : vector<16xf32>
      %add3A_206 = arith.addf %get3A_34, %get3A_200 : vector<16xf32>
      %mul3A_207 = arith.constant 2.000000e-01 : f32
      %mul3A_208 = vector.broadcast %mul3A_207 : f32 to vector<16xf32>
      %mul3A_209 = arith.mulf %mul3A_208, %add3A_206 : vector<16xf32>
      %max3A_210 = arith.maximumf %add3A_206, %mul3A_209 : vector<16xf32>
      %sub3A_211 = arith.subf %max3A_205, %max3A_210 : vector<16xf32>
      %exp3A_212 = math.exp %sub3A_211 : vector<16xf32>
      %swap3A_213 = arith.constant 80 : index
      %swap3A_214 = tpu.vector_load %arg20[%swap3A_213] {strides = array<i32>} : memref<128xf32, #tpu.memory_space<vmem>>, vector<16xf32>,
      tpu.vector_store %arg20[%swap3A_213], %exp3A_212 {strides = array<i32>} : memref<128xf32, #tpu.memory_space<vmem>>, vector<16xf32>,
      %get3A_215 = arith.constant 96 : index
      %get3A_216 = tpu.vector_load %arg17[%get3A_215] {strides = array<i32>} : memref<128xf32, #tpu.memory_space<vmem>>, vector<16xf32>,
      %get3A_217 = arith.constant 96 : index
      %get3A_218 = tpu.vector_load %arg18[%get3A_217] {strides = array<i32>} : memref<128xf32, #tpu.memory_space<vmem>>, vector<16xf32>,
      %add3A_219 = arith.addf %get3A_216, %get3A_218 : vector<16xf32>
      %mul3A_220 = arith.constant 2.000000e-01 : f32
      %mul3A_221 = vector.broadcast %mul3A_220 : f32 to vector<16xf32>
      %mul3A_222 = arith.mulf %mul3A_221, %add3A_219 : vector<16xf32>
      %max3A_223 = arith.maximumf %add3A_219, %mul3A_222 : vector<16xf32>
      %add3A_224 = arith.addf %get3A_34, %get3A_218 : vector<16xf32>
      %mul3A_225 = arith.constant 2.000000e-01 : f32
      %mul3A_226 = vector.broadcast %mul3A_225 : f32 to vector<16xf32>
      %mul3A_227 = arith.mulf %mul3A_226, %add3A_224 : vector<16xf32>
      %max3A_228 = arith.maximumf %add3A_224, %mul3A_227 : vector<16xf32>
      %sub3A_229 = arith.subf %max3A_223, %max3A_228 : vector<16xf32>
      %exp3A_230 = math.exp %sub3A_229 : vector<16xf32>
      %swap3A_231 = arith.constant 96 : index
      %swap3A_232 = tpu.vector_load %arg20[%swap3A_231] {strides = array<i32>} : memref<128xf32, #tpu.memory_space<vmem>>, vector<16xf32>,
      tpu.vector_store %arg20[%swap3A_231], %exp3A_230 {strides = array<i32>} : memref<128xf32, #tpu.memory_space<vmem>>, vector<16xf32>,
      %get3A_233 = arith.constant 112 : index
      %get3A_234 = tpu.vector_load %arg17[%get3A_233] {strides = array<i32>} : memref<128xf32, #tpu.memory_space<vmem>>, vector<16xf32>,
      %get3A_235 = arith.constant 112 : index
      %get3A_236 = tpu.vector_load %arg18[%get3A_235] {strides = array<i32>} : memref<128xf32, #tpu.memory_space<vmem>>, vector<16xf32>,
      %add3A_237 = arith.addf %get3A_234, %get3A_236 : vector<16xf32>
      %mul3A_238 = arith.constant 2.000000e-01 : f32
      %mul3A_239 = vector.broadcast %mul3A_238 : f32 to vector<16xf32>
      %mul3A_240 = arith.mulf %mul3A_239, %add3A_237 : vector<16xf32>
      %max3A_241 = arith.maximumf %add3A_237, %mul3A_240 : vector<16xf32>
      %add3A_242 = arith.addf %get3A_34, %get3A_236 : vector<16xf32>
      %mul3A_243 = arith.constant 2.000000e-01 : f32
      %mul3A_244 = vector.broadcast %mul3A_243 : f32 to vector<16xf32>
      %mul3A_245 = arith.mulf %mul3A_244, %add3A_242 : vector<16xf32>
      %max3A_246 = arith.maximumf %add3A_242, %mul3A_245 : vector<16xf32>
      %sub3A_247 = arith.subf %max3A_241, %max3A_246 : vector<16xf32>
      %exp3A_248 = math.exp %sub3A_247 : vector<16xf32>
      %swap3A_249 = arith.constant 112 : index
      %swap3A_250 = tpu.vector_load %arg20[%swap3A_249] {strides = array<i32>} : memref<128xf32, #tpu.memory_space<vmem>>, vector<16xf32>,
      tpu.vector_store %arg20[%swap3A_249], %exp3A_248 {strides = array<i32>} : memref<128xf32, #tpu.memory_space<vmem>>, vector<16xf32>,
      %dma_start3A_251 = arith.constant 0 : i32
      %dma_start3A_252 = tpu.memref_slice %arg11[%dma_start3A_251] : memref<10240xf32, #tpu.memory_space<vmem_shared>> -> memref<10240xf32, #tpu.memory_space<vmem_shared>>
      tpu.enqueue_indirect_dma source(%arg20 : memref<128xf32, #tpu.memory_space<vmem>>) target(%dma_start3A_252 : memref<10240xf32, #tpu.memory_space<vmem_shared>>) offsets(%arg15 : memref<128xi32, #tpu.memory_space<vmem>>) semaphore(%arg29 : memref<!tpu.dma_semaphore, #tpu.memory_space<semaphore_mem>>) {add = true}
      %dma_wait3A_253 = arith.constant 0 : i32
      %dma_wait3A_254 = tpu.memref_slice %arg14[%mul3A_91, %dma_wait3A_253] : memref<82x128xi32, #tpu.memory_space<vmem>> -> memref<1x128xi32, #tpu.memory_space<vmem>>
      %dma_wait3A_255 = tpu.memref_squeeze %dma_wait3A_254 : memref<1x128xi32, #tpu.memory_space<vmem>> -> memref<128xi32, #tpu.memory_space<vmem>>
      %dma_wait3A_256 = arith.constant 0 : i32
      %dma_wait3A_257 = arith.constant 0 : i32
      %dma_wait3A_258 = tpu.memref_slice %arg2[%dma_wait3A_256, %dma_wait3A_257] : memref<10240x128xf32, #tpu.memory_space<hbm>> -> memref<10240x128xf32, #tpu.memory_space<hbm>>
      tpu.wait_indirect_dma semaphore(%arg26 : memref<!tpu.dma_semaphore, #tpu.memory_space<semaphore_mem>>) src(%dma_wait3A_258 : memref<10240x128xf32, #tpu.memory_space<hbm>>) dst(%arg22 : memref<128x128xf32, #tpu.memory_space<vmem>>)
      %parallel_loop3A = arith.constant 0 : i32
      %parallel_loop3A_259 = arith.constant 128 : i32
      %parallel_loop3A_260 = arith.constant 1 : i32
      scf.for %parallel_loop3A_455 = %parallel_loop3A to %parallel_loop3A_259 step %parallel_loop3A_260  : i32 {
        %parallel_loop3A_456 = vector.broadcast %parallel_loop3A_455 : i32 to vector<16xi32>
        %parallel_loop3A_457 = tpu.vector_load_idx %arg20[%parallel_loop3A_456] : memref<128xf32, #tpu.memory_space<vmem>>[vector<16xi32>], vector<16xf32>,
        %parallel_loop3A_458 = arith.index_cast %parallel_loop3A_455 : i32 to index
        %parallel_loop3A_459 = arith.constant 0 : index
        %parallel_loop3A_460 = tpu.vector_load %arg22[%parallel_loop3A_458, %parallel_loop3A_459] {strides = array<i32>} : memref<128x128xf32, #tpu.memory_space<vmem>>, vector<16xf32>,
        %parallel_loop3A_461 = arith.mulf %parallel_loop3A_460, %parallel_loop3A_457 : vector<16xf32>
        %parallel_loop3A_462 = arith.index_cast %parallel_loop3A_455 : i32 to index
        %parallel_loop3A_463 = arith.constant 0 : index
        %parallel_loop3A_464 = tpu.vector_load %arg22[%parallel_loop3A_462, %parallel_loop3A_463] {strides = array<i32>} : memref<128x128xf32, #tpu.memory_space<vmem>>, vector<16xf32>,
        tpu.vector_store %arg22[%parallel_loop3A_462, %parallel_loop3A_463], %parallel_loop3A_461 {strides = array<i32>} : memref<128x128xf32, #tpu.memory_space<vmem>>, vector<16xf32>,
        %parallel_loop3A_465 = arith.index_cast %parallel_loop3A_455 : i32 to index
        %parallel_loop3A_466 = arith.constant 16 : index
        %parallel_loop3A_467 = tpu.vector_load %arg22[%parallel_loop3A_465, %parallel_loop3A_466] {strides = array<i32>} : memref<128x128xf32, #tpu.memory_space<vmem>>, vector<16xf32>,
        %parallel_loop3A_468 = arith.mulf %parallel_loop3A_467, %parallel_loop3A_457 : vector<16xf32>
        %parallel_loop3A_469 = arith.index_cast %parallel_loop3A_455 : i32 to index
        %parallel_loop3A_470 = arith.constant 16 : index
        %parallel_loop3A_471 = tpu.vector_load %arg22[%parallel_loop3A_469, %parallel_loop3A_470] {strides = array<i32>} : memref<128x128xf32, #tpu.memory_space<vmem>>, vector<16xf32>,
        tpu.vector_store %arg22[%parallel_loop3A_469, %parallel_loop3A_470], %parallel_loop3A_468 {strides = array<i32>} : memref<128x128xf32, #tpu.memory_space<vmem>>, vector<16xf32>,
        %parallel_loop3A_472 = arith.index_cast %parallel_loop3A_455 : i32 to index
        %parallel_loop3A_473 = arith.constant 32 : index
        %parallel_loop3A_474 = tpu.vector_load %arg22[%parallel_loop3A_472, %parallel_loop3A_473] {strides = array<i32>} : memref<128x128xf32, #tpu.memory_space<vmem>>, vector<16xf32>,
        %parallel_loop3A_475 = arith.mulf %parallel_loop3A_474, %parallel_loop3A_457 : vector<16xf32>
        %parallel_loop3A_476 = arith.index_cast %parallel_loop3A_455 : i32 to index
        %parallel_loop3A_477 = arith.constant 32 : index
        %parallel_loop3A_478 = tpu.vector_load %arg22[%parallel_loop3A_476, %parallel_loop3A_477] {strides = array<i32>} : memref<128x128xf32, #tpu.memory_space<vmem>>, vector<16xf32>,
        tpu.vector_store %arg22[%parallel_loop3A_476, %parallel_loop3A_477], %parallel_loop3A_475 {strides = array<i32>} : memref<128x128xf32, #tpu.memory_space<vmem>>, vector<16xf32>,
        %parallel_loop3A_479 = arith.index_cast %parallel_loop3A_455 : i32 to index
        %parallel_loop3A_480 = arith.constant 48 : index
        %parallel_loop3A_481 = tpu.vector_load %arg22[%parallel_loop3A_479, %parallel_loop3A_480] {strides = array<i32>} : memref<128x128xf32, #tpu.memory_space<vmem>>, vector<16xf32>,
        %parallel_loop3A_482 = arith.mulf %parallel_loop3A_481, %parallel_loop3A_457 : vector<16xf32>
        %parallel_loop3A_483 = arith.index_cast %parallel_loop3A_455 : i32 to index
        %parallel_loop3A_484 = arith.constant 48 : index
        %parallel_loop3A_485 = tpu.vector_load %arg22[%parallel_loop3A_483, %parallel_loop3A_484] {strides = array<i32>} : memref<128x128xf32, #tpu.memory_space<vmem>>, vector<16xf32>,
        tpu.vector_store %arg22[%parallel_loop3A_483, %parallel_loop3A_484], %parallel_loop3A_482 {strides = array<i32>} : memref<128x128xf32, #tpu.memory_space<vmem>>, vector<16xf32>,
        %parallel_loop3A_486 = arith.index_cast %parallel_loop3A_455 : i32 to index
        %parallel_loop3A_487 = arith.constant 64 : index
        %parallel_loop3A_488 = tpu.vector_load %arg22[%parallel_loop3A_486, %parallel_loop3A_487] {strides = array<i32>} : memref<128x128xf32, #tpu.memory_space<vmem>>, vector<16xf32>,
        %parallel_loop3A_489 = arith.mulf %parallel_loop3A_488, %parallel_loop3A_457 : vector<16xf32>
        %parallel_loop3A_490 = arith.index_cast %parallel_loop3A_455 : i32 to index
        %parallel_loop3A_491 = arith.constant 64 : index
        %parallel_loop3A_492 = tpu.vector_load %arg22[%parallel_loop3A_490, %parallel_loop3A_491] {strides = array<i32>} : memref<128x128xf32, #tpu.memory_space<vmem>>, vector<16xf32>,
        tpu.vector_store %arg22[%parallel_loop3A_490, %parallel_loop3A_491], %parallel_loop3A_489 {strides = array<i32>} : memref<128x128xf32, #tpu.memory_space<vmem>>, vector<16xf32>,
        %parallel_loop3A_493 = arith.index_cast %parallel_loop3A_455 : i32 to index
        %parallel_loop3A_494 = arith.constant 80 : index
        %parallel_loop3A_495 = tpu.vector_load %arg22[%parallel_loop3A_493, %parallel_loop3A_494] {strides = array<i32>} : memref<128x128xf32, #tpu.memory_space<vmem>>, vector<16xf32>,
        %parallel_loop3A_496 = arith.mulf %parallel_loop3A_495, %parallel_loop3A_457 : vector<16xf32>
        %parallel_loop3A_497 = arith.index_cast %parallel_loop3A_455 : i32 to index
        %parallel_loop3A_498 = arith.constant 80 : index
        %parallel_loop3A_499 = tpu.vector_load %arg22[%parallel_loop3A_497, %parallel_loop3A_498] {strides = array<i32>} : memref<128x128xf32, #tpu.memory_space<vmem>>, vector<16xf32>,
        tpu.vector_store %arg22[%parallel_loop3A_497, %parallel_loop3A_498], %parallel_loop3A_496 {strides = array<i32>} : memref<128x128xf32, #tpu.memory_space<vmem>>, vector<16xf32>,
        %parallel_loop3A_500 = arith.index_cast %parallel_loop3A_455 : i32 to index
        %parallel_loop3A_501 = arith.constant 96 : index
        %parallel_loop3A_502 = tpu.vector_load %arg22[%parallel_loop3A_500, %parallel_loop3A_501] {strides = array<i32>} : memref<128x128xf32, #tpu.memory_space<vmem>>, vector<16xf32>,
        %parallel_loop3A_503 = arith.mulf %parallel_loop3A_502, %parallel_loop3A_457 : vector<16xf32>
        %parallel_loop3A_504 = arith.index_cast %parallel_loop3A_455 : i32 to index
        %parallel_loop3A_505 = arith.constant 96 : index
        %parallel_loop3A_506 = tpu.vector_load %arg22[%parallel_loop3A_504, %parallel_loop3A_505] {strides = array<i32>} : memref<128x128xf32, #tpu.memory_space<vmem>>, vector<16xf32>,
        tpu.vector_store %arg22[%parallel_loop3A_504, %parallel_loop3A_505], %parallel_loop3A_503 {strides = array<i32>} : memref<128x128xf32, #tpu.memory_space<vmem>>, vector<16xf32>,
        %parallel_loop3A_507 = arith.index_cast %parallel_loop3A_455 : i32 to index
        %parallel_loop3A_508 = arith.constant 112 : index
        %parallel_loop3A_509 = tpu.vector_load %arg22[%parallel_loop3A_507, %parallel_loop3A_508] {strides = array<i32>} : memref<128x128xf32, #tpu.memory_space<vmem>>, vector<16xf32>,
        %parallel_loop3A_510 = arith.mulf %parallel_loop3A_509, %parallel_loop3A_457 : vector<16xf32>
        %parallel_loop3A_511 = arith.index_cast %parallel_loop3A_455 : i32 to index
        %parallel_loop3A_512 = arith.constant 112 : index
        %parallel_loop3A_513 = tpu.vector_load %arg22[%parallel_loop3A_511, %parallel_loop3A_512] {strides = array<i32>} : memref<128x128xf32, #tpu.memory_space<vmem>>, vector<16xf32>,
        tpu.vector_store %arg22[%parallel_loop3A_511, %parallel_loop3A_512], %parallel_loop3A_510 {strides = array<i32>} : memref<128x128xf32, #tpu.memory_space<vmem>>, vector<16xf32>,
      } {sc.loop_unroll_factor = 4 : i64, sc.parallel_access}
      "tpu.region"() ({
        %run_scoped3A = tpu.sem_alloc : memref<!tpu.dma_semaphore, #tpu.memory_space<semaphore_mem>>
        %dma_start3A_455 = arith.constant 0 : i32
        %dma_start3A_456 = arith.constant 0 : i32
        %dma_start3A_457 = tpu.memref_slice %arg10[%dma_start3A_455, %dma_start3A_456] : memref<10240x128xf32, #tpu.memory_space<vmem_shared>> -> memref<10240x128xf32, #tpu.memory_space<vmem_shared>>
        tpu.enqueue_indirect_dma source(%arg22 : memref<128x128xf32, #tpu.memory_space<vmem>>) target(%dma_start3A_457 : memref<10240x128xf32, #tpu.memory_space<vmem_shared>>) offsets(%arg15 : memref<128xi32, #tpu.memory_space<vmem>>) semaphore(%run_scoped3A : memref<!tpu.dma_semaphore, #tpu.memory_space<semaphore_mem>>) {add = true}
        %dma_wait3A_458 = arith.constant 0 : i32
        %dma_wait3A_459 = arith.constant 0 : i32
        %dma_wait3A_460 = tpu.memref_slice %arg10[%dma_wait3A_458, %dma_wait3A_459] : memref<10240x128xf32, #tpu.memory_space<vmem_shared>> -> memref<10240x128xf32, #tpu.memory_space<vmem_shared>>
        tpu.wait_indirect_dma semaphore(%run_scoped3A : memref<!tpu.dma_semaphore, #tpu.memory_space<semaphore_mem>>) src(%arg22 : memref<128x128xf32, #tpu.memory_space<vmem>>) dst(%dma_wait3A_460 : memref<10240x128xf32, #tpu.memory_space<vmem_shared>>)
        tpu.yield
      }) : () -> ()
      %dma_wait3A_261 = arith.constant 0 : i32
      %dma_wait3A_262 = tpu.memref_slice %arg11[%dma_wait3A_261] : memref<10240xf32, #tpu.memory_space<vmem_shared>> -> memref<10240xf32, #tpu.memory_space<vmem_shared>>
      tpu.wait_indirect_dma semaphore(%arg29 : memref<!tpu.dma_semaphore, #tpu.memory_space<semaphore_mem>>) src(%arg20 : memref<128xf32, #tpu.memory_space<vmem>>) dst(%dma_wait3A_262 : memref<10240xf32, #tpu.memory_space<vmem_shared>>)
      %add3A_263 = arith.constant 2 : i32
      %add3A_264 = arith.addi %mul3A_91, %add3A_263 : i32
      %lt3A = arith.constant 82 : i32
      %lt3A_265 = arith.cmpi slt, %add3A_264, %lt3A : i32
      %convert_element_type3A = arith.extui %lt3A_265 : i1 to i32
      %cond3A = arith.constant 0 : i32
      %cond3A_266 = arith.cmpi ne, %convert_element_type3A, %cond3A : i32
      scf.if %cond3A_266 {
        %add3A_455 = arith.constant 2 : i32
        %add3A_456 = arith.addi %mul3A_91, %add3A_455 : i32
        %dma_start3A_457 = arith.constant 0 : i32
        %dma_start3A_458 = tpu.memref_slice %arg7[%add3A, %add3A_456, %dma_start3A_457] : memref<32x82x128xi32, #tpu.memory_space<hbm>> -> memref<1x1x128xi32, #tpu.memory_space<hbm>>
        %dma_start3A_459 = tpu.memref_squeeze %dma_start3A_458 : memref<1x1x128xi32, #tpu.memory_space<hbm>> -> memref<128xi32, #tpu.memory_space<hbm>>
        %dma_start3A_460 = arith.constant 0 : i32
        %dma_start3A_461 = tpu.memref_slice %arg7[%add3A, %add3A_456, %dma_start3A_460] : memref<32x82x128xi32, #tpu.memory_space<hbm>> -> memref<1x1x128xi32, #tpu.memory_space<hbm>>
        %dma_start3A_462 = tpu.memref_squeeze %dma_start3A_461 : memref<1x1x128xi32, #tpu.memory_space<hbm>> -> memref<128xi32, #tpu.memory_space<hbm>>
        tpu.enqueue_dma source(%dma_start3A_462 : memref<128xi32, #tpu.memory_space<hbm>>) target(%arg15 : memref<128xi32, #tpu.memory_space<vmem>>) target_semaphore(%arg24 : memref<!tpu.dma_semaphore, #tpu.memory_space<semaphore_mem>>)
        %add3A_463 = arith.constant 2 : i32
        %add3A_464 = arith.addi %mul3A_91, %add3A_463 : i32
        %dma_start3A_465 = arith.constant 0 : i32
        %dma_start3A_466 = tpu.memref_slice %arg14[%add3A_464, %dma_start3A_465] : memref<82x128xi32, #tpu.memory_space<vmem>> -> memref<1x128xi32, #tpu.memory_space<vmem>>
        %dma_start3A_467 = tpu.memref_squeeze %dma_start3A_466 : memref<1x128xi32, #tpu.memory_space<vmem>> -> memref<128xi32, #tpu.memory_space<vmem>>
        %dma_start3A_468 = arith.constant 0 : i32
        %dma_start3A_469 = arith.constant 0 : i32
        %dma_start3A_470 = tpu.memref_slice %arg2[%dma_start3A_468, %dma_start3A_469] : memref<10240x128xf32, #tpu.memory_space<hbm>> -> memref<10240x128xf32, #tpu.memory_space<hbm>>
        tpu.enqueue_indirect_dma source(%dma_start3A_470 : memref<10240x128xf32, #tpu.memory_space<hbm>>) target(%arg22 : memref<128x128xf32, #tpu.memory_space<vmem>>) offsets(%dma_start3A_467 : memref<128xi32, #tpu.memory_space<vmem>>) semaphore(%arg26 : memref<!tpu.dma_semaphore, #tpu.memory_space<semaphore_mem>>)
      } else {
      }
      %mul3A_267 = arith.constant 2 : i32
      %mul3A_268 = arith.muli %mul3A_267, %scan3A_89 : i32
      %add3A_269 = arith.constant 1 : i32
      %add3A_270 = arith.addi %mul3A_268, %add3A_269 : i32
      %dma_wait3A_271 = arith.constant 0 : i32
      %dma_wait3A_272 = tpu.memref_slice %arg7[%add3A, %add3A_270, %dma_wait3A_271] : memref<32x82x128xi32, #tpu.memory_space<hbm>> -> memref<1x1x128xi32, #tpu.memory_space<hbm>>
      %dma_wait3A_273 = tpu.memref_squeeze %dma_wait3A_272 : memref<1x1x128xi32, #tpu.memory_space<hbm>> -> memref<128xi32, #tpu.memory_space<hbm>>
      %dma_wait3A_274 = arith.constant 0 : i32
      %dma_wait3A_275 = tpu.memref_slice %arg7[%add3A, %add3A_270, %dma_wait3A_274] : memref<32x82x128xi32, #tpu.memory_space<hbm>> -> memref<1x1x128xi32, #tpu.memory_space<hbm>>
      %dma_wait3A_276 = tpu.memref_squeeze %dma_wait3A_275 : memref<1x1x128xi32, #tpu.memory_space<hbm>> -> memref<128xi32, #tpu.memory_space<hbm>>
      tpu.wait_dma2 semaphore(%arg25 : memref<!tpu.dma_semaphore, #tpu.memory_space<semaphore_mem>>) src(%dma_wait3A_276 : memref<128xi32, #tpu.memory_space<hbm>>) dst(%arg16 : memref<128xi32, #tpu.memory_space<vmem>>)
      %dma_start3A_277 = arith.constant 0 : i32
      %dma_start3A_278 = tpu.memref_slice %arg14[%add3A_270, %dma_start3A_277] : memref<82x128xi32, #tpu.memory_space<vmem>> -> memref<1x128xi32, #tpu.memory_space<vmem>>
      %dma_start3A_279 = tpu.memref_squeeze %dma_start3A_278 : memref<1x128xi32, #tpu.memory_space<vmem>> -> memref<128xi32, #tpu.memory_space<vmem>>
      %dma_start3A_280 = arith.constant 0 : i32
      %dma_start3A_281 = tpu.memref_slice %arg12[%dma_start3A_280] : memref<10240xf32, #tpu.memory_space<vmem_shared>> -> memref<10240xf32, #tpu.memory_space<vmem_shared>>
      tpu.enqueue_indirect_dma source(%dma_start3A_281 : memref<10240xf32, #tpu.memory_space<vmem_shared>>) target(%arg17 : memref<128xf32, #tpu.memory_space<vmem>>) offsets(%dma_start3A_279 : memref<128xi32, #tpu.memory_space<vmem>>) semaphore(%arg28 : memref<!tpu.dma_semaphore, #tpu.memory_space<semaphore_mem>>)
      %dma_start3A_282 = arith.constant 0 : i32
      %dma_start3A_283 = tpu.memref_slice %arg13[%dma_start3A_282] : memref<10240xf32, #tpu.memory_space<vmem_shared>> -> memref<10240xf32, #tpu.memory_space<vmem_shared>>
      tpu.enqueue_indirect_dma source(%dma_start3A_283 : memref<10240xf32, #tpu.memory_space<vmem_shared>>) target(%arg18 : memref<128xf32, #tpu.memory_space<vmem>>) offsets(%arg16 : memref<128xi32, #tpu.memory_space<vmem>>) semaphore(%arg28 : memref<!tpu.dma_semaphore, #tpu.memory_space<semaphore_mem>>)
      %dma_wait3A_284 = arith.constant 0 : i32
      %dma_wait3A_285 = tpu.memref_slice %arg14[%add3A_270, %dma_wait3A_284] : memref<82x128xi32, #tpu.memory_space<vmem>> -> memref<1x128xi32, #tpu.memory_space<vmem>>
      %dma_wait3A_286 = tpu.memref_squeeze %dma_wait3A_285 : memref<1x128xi32, #tpu.memory_space<vmem>> -> memref<128xi32, #tpu.memory_space<vmem>>
      %dma_wait3A_287 = arith.constant 0 : i32
      %dma_wait3A_288 = tpu.memref_slice %arg12[%dma_wait3A_287] : memref<10240xf32, #tpu.memory_space<vmem_shared>> -> memref<10240xf32, #tpu.memory_space<vmem_shared>>
      tpu.wait_indirect_dma semaphore(%arg28 : memref<!tpu.dma_semaphore, #tpu.memory_space<semaphore_mem>>) src(%dma_wait3A_288 : memref<10240xf32, #tpu.memory_space<vmem_shared>>) dst(%arg17 : memref<128xf32, #tpu.memory_space<vmem>>)
      %dma_wait3A_289 = arith.constant 0 : i32
      %dma_wait3A_290 = tpu.memref_slice %arg13[%dma_wait3A_289] : memref<10240xf32, #tpu.memory_space<vmem_shared>> -> memref<10240xf32, #tpu.memory_space<vmem_shared>>
      tpu.wait_indirect_dma semaphore(%arg28 : memref<!tpu.dma_semaphore, #tpu.memory_space<semaphore_mem>>) src(%dma_wait3A_290 : memref<10240xf32, #tpu.memory_space<vmem_shared>>) dst(%arg18 : memref<128xf32, #tpu.memory_space<vmem>>)
      %get3A_291 = arith.constant 0 : index
      %get3A_292 = tpu.vector_load %arg17[%get3A_291] {strides = array<i32>} : memref<128xf32, #tpu.memory_space<vmem>>, vector<16xf32>,
      %get3A_293 = arith.constant 0 : index
      %get3A_294 = tpu.vector_load %arg18[%get3A_293] {strides = array<i32>} : memref<128xf32, #tpu.memory_space<vmem>>, vector<16xf32>,
      %add3A_295 = arith.addf %get3A_292, %get3A_294 : vector<16xf32>
      %mul3A_296 = arith.constant 2.000000e-01 : f32
      %mul3A_297 = vector.broadcast %mul3A_296 : f32 to vector<16xf32>
      %mul3A_298 = arith.mulf %mul3A_297, %add3A_295 : vector<16xf32>
      %max3A_299 = arith.maximumf %add3A_295, %mul3A_298 : vector<16xf32>
      %add3A_300 = arith.addf %get3A_34, %get3A_294 : vector<16xf32>
      %mul3A_301 = arith.constant 2.000000e-01 : f32
      %mul3A_302 = vector.broadcast %mul3A_301 : f32 to vector<16xf32>
      %mul3A_303 = arith.mulf %mul3A_302, %add3A_300 : vector<16xf32>
      %max3A_304 = arith.maximumf %add3A_300, %mul3A_303 : vector<16xf32>
      %sub3A_305 = arith.subf %max3A_299, %max3A_304 : vector<16xf32>
      %exp3A_306 = math.exp %sub3A_305 : vector<16xf32>
      %swap3A_307 = arith.constant 0 : index
      %swap3A_308 = tpu.vector_load %arg20[%swap3A_307] {strides = array<i32>} : memref<128xf32, #tpu.memory_space<vmem>>, vector<16xf32>,
      tpu.vector_store %arg20[%swap3A_307], %exp3A_306 {strides = array<i32>} : memref<128xf32, #tpu.memory_space<vmem>>, vector<16xf32>,
      %get3A_309 = arith.constant 16 : index
      %get3A_310 = tpu.vector_load %arg17[%get3A_309] {strides = array<i32>} : memref<128xf32, #tpu.memory_space<vmem>>, vector<16xf32>,
      %get3A_311 = arith.constant 16 : index
      %get3A_312 = tpu.vector_load %arg18[%get3A_311] {strides = array<i32>} : memref<128xf32, #tpu.memory_space<vmem>>, vector<16xf32>,
      %add3A_313 = arith.addf %get3A_310, %get3A_312 : vector<16xf32>
      %mul3A_314 = arith.constant 2.000000e-01 : f32
      %mul3A_315 = vector.broadcast %mul3A_314 : f32 to vector<16xf32>
      %mul3A_316 = arith.mulf %mul3A_315, %add3A_313 : vector<16xf32>
      %max3A_317 = arith.maximumf %add3A_313, %mul3A_316 : vector<16xf32>
      %add3A_318 = arith.addf %get3A_34, %get3A_312 : vector<16xf32>
      %mul3A_319 = arith.constant 2.000000e-01 : f32
      %mul3A_320 = vector.broadcast %mul3A_319 : f32 to vector<16xf32>
      %mul3A_321 = arith.mulf %mul3A_320, %add3A_318 : vector<16xf32>
      %max3A_322 = arith.maximumf %add3A_318, %mul3A_321 : vector<16xf32>
      %sub3A_323 = arith.subf %max3A_317, %max3A_322 : vector<16xf32>
      %exp3A_324 = math.exp %sub3A_323 : vector<16xf32>
      %swap3A_325 = arith.constant 16 : index
      %swap3A_326 = tpu.vector_load %arg20[%swap3A_325] {strides = array<i32>} : memref<128xf32, #tpu.memory_space<vmem>>, vector<16xf32>,
      tpu.vector_store %arg20[%swap3A_325], %exp3A_324 {strides = array<i32>} : memref<128xf32, #tpu.memory_space<vmem>>, vector<16xf32>,
      %get3A_327 = arith.constant 32 : index
      %get3A_328 = tpu.vector_load %arg17[%get3A_327] {strides = array<i32>} : memref<128xf32, #tpu.memory_space<vmem>>, vector<16xf32>,
      %get3A_329 = arith.constant 32 : index
      %get3A_330 = tpu.vector_load %arg18[%get3A_329] {strides = array<i32>} : memref<128xf32, #tpu.memory_space<vmem>>, vector<16xf32>,
      %add3A_331 = arith.addf %get3A_328, %get3A_330 : vector<16xf32>
      %mul3A_332 = arith.constant 2.000000e-01 : f32
      %mul3A_333 = vector.broadcast %mul3A_332 : f32 to vector<16xf32>
      %mul3A_334 = arith.mulf %mul3A_333, %add3A_331 : vector<16xf32>
      %max3A_335 = arith.maximumf %add3A_331, %mul3A_334 : vector<16xf32>
      %add3A_336 = arith.addf %get3A_34, %get3A_330 : vector<16xf32>
      %mul3A_337 = arith.constant 2.000000e-01 : f32
      %mul3A_338 = vector.broadcast %mul3A_337 : f32 to vector<16xf32>
      %mul3A_339 = arith.mulf %mul3A_338, %add3A_336 : vector<16xf32>
      %max3A_340 = arith.maximumf %add3A_336, %mul3A_339 : vector<16xf32>
      %sub3A_341 = arith.subf %max3A_335, %max3A_340 : vector<16xf32>
      %exp3A_342 = math.exp %sub3A_341 : vector<16xf32>
      %swap3A_343 = arith.constant 32 : index
      %swap3A_344 = tpu.vector_load %arg20[%swap3A_343] {strides = array<i32>} : memref<128xf32, #tpu.memory_space<vmem>>, vector<16xf32>,
      tpu.vector_store %arg20[%swap3A_343], %exp3A_342 {strides = array<i32>} : memref<128xf32, #tpu.memory_space<vmem>>, vector<16xf32>,
      %get3A_345 = arith.constant 48 : index
      %get3A_346 = tpu.vector_load %arg17[%get3A_345] {strides = array<i32>} : memref<128xf32, #tpu.memory_space<vmem>>, vector<16xf32>,
      %get3A_347 = arith.constant 48 : index
      %get3A_348 = tpu.vector_load %arg18[%get3A_347] {strides = array<i32>} : memref<128xf32, #tpu.memory_space<vmem>>, vector<16xf32>,
      %add3A_349 = arith.addf %get3A_346, %get3A_348 : vector<16xf32>
      %mul3A_350 = arith.constant 2.000000e-01 : f32
      %mul3A_351 = vector.broadcast %mul3A_350 : f32 to vector<16xf32>
      %mul3A_352 = arith.mulf %mul3A_351, %add3A_349 : vector<16xf32>
      %max3A_353 = arith.maximumf %add3A_349, %mul3A_352 : vector<16xf32>
      %add3A_354 = arith.addf %get3A_34, %get3A_348 : vector<16xf32>
      %mul3A_355 = arith.constant 2.000000e-01 : f32
      %mul3A_356 = vector.broadcast %mul3A_355 : f32 to vector<16xf32>
      %mul3A_357 = arith.mulf %mul3A_356, %add3A_354 : vector<16xf32>
      %max3A_358 = arith.maximumf %add3A_354, %mul3A_357 : vector<16xf32>
      %sub3A_359 = arith.subf %max3A_353, %max3A_358 : vector<16xf32>
      %exp3A_360 = math.exp %sub3A_359 : vector<16xf32>
      %swap3A_361 = arith.constant 48 : index
      %swap3A_362 = tpu.vector_load %arg20[%swap3A_361] {strides = array<i32>} : memref<128xf32, #tpu.memory_space<vmem>>, vector<16xf32>,
      tpu.vector_store %arg20[%swap3A_361], %exp3A_360 {strides = array<i32>} : memref<128xf32, #tpu.memory_space<vmem>>, vector<16xf32>,
      %get3A_363 = arith.constant 64 : index
      %get3A_364 = tpu.vector_load %arg17[%get3A_363] {strides = array<i32>} : memref<128xf32, #tpu.memory_space<vmem>>, vector<16xf32>,
      %get3A_365 = arith.constant 64 : index
      %get3A_366 = tpu.vector_load %arg18[%get3A_365] {strides = array<i32>} : memref<128xf32, #tpu.memory_space<vmem>>, vector<16xf32>,
      %add3A_367 = arith.addf %get3A_364, %get3A_366 : vector<16xf32>
      %mul3A_368 = arith.constant 2.000000e-01 : f32
      %mul3A_369 = vector.broadcast %mul3A_368 : f32 to vector<16xf32>
      %mul3A_370 = arith.mulf %mul3A_369, %add3A_367 : vector<16xf32>
      %max3A_371 = arith.maximumf %add3A_367, %mul3A_370 : vector<16xf32>
      %add3A_372 = arith.addf %get3A_34, %get3A_366 : vector<16xf32>
      %mul3A_373 = arith.constant 2.000000e-01 : f32
      %mul3A_374 = vector.broadcast %mul3A_373 : f32 to vector<16xf32>
      %mul3A_375 = arith.mulf %mul3A_374, %add3A_372 : vector<16xf32>
      %max3A_376 = arith.maximumf %add3A_372, %mul3A_375 : vector<16xf32>
      %sub3A_377 = arith.subf %max3A_371, %max3A_376 : vector<16xf32>
      %exp3A_378 = math.exp %sub3A_377 : vector<16xf32>
      %swap3A_379 = arith.constant 64 : index
      %swap3A_380 = tpu.vector_load %arg20[%swap3A_379] {strides = array<i32>} : memref<128xf32, #tpu.memory_space<vmem>>, vector<16xf32>,
      tpu.vector_store %arg20[%swap3A_379], %exp3A_378 {strides = array<i32>} : memref<128xf32, #tpu.memory_space<vmem>>, vector<16xf32>,
      %get3A_381 = arith.constant 80 : index
      %get3A_382 = tpu.vector_load %arg17[%get3A_381] {strides = array<i32>} : memref<128xf32, #tpu.memory_space<vmem>>, vector<16xf32>,
      %get3A_383 = arith.constant 80 : index
      %get3A_384 = tpu.vector_load %arg18[%get3A_383] {strides = array<i32>} : memref<128xf32, #tpu.memory_space<vmem>>, vector<16xf32>,
      %add3A_385 = arith.addf %get3A_382, %get3A_384 : vector<16xf32>
      %mul3A_386 = arith.constant 2.000000e-01 : f32
      %mul3A_387 = vector.broadcast %mul3A_386 : f32 to vector<16xf32>
      %mul3A_388 = arith.mulf %mul3A_387, %add3A_385 : vector<16xf32>
      %max3A_389 = arith.maximumf %add3A_385, %mul3A_388 : vector<16xf32>
      %add3A_390 = arith.addf %get3A_34, %get3A_384 : vector<16xf32>
      %mul3A_391 = arith.constant 2.000000e-01 : f32
      %mul3A_392 = vector.broadcast %mul3A_391 : f32 to vector<16xf32>
      %mul3A_393 = arith.mulf %mul3A_392, %add3A_390 : vector<16xf32>
      %max3A_394 = arith.maximumf %add3A_390, %mul3A_393 : vector<16xf32>
      %sub3A_395 = arith.subf %max3A_389, %max3A_394 : vector<16xf32>
      %exp3A_396 = math.exp %sub3A_395 : vector<16xf32>
      %swap3A_397 = arith.constant 80 : index
      %swap3A_398 = tpu.vector_load %arg20[%swap3A_397] {strides = array<i32>} : memref<128xf32, #tpu.memory_space<vmem>>, vector<16xf32>,
      tpu.vector_store %arg20[%swap3A_397], %exp3A_396 {strides = array<i32>} : memref<128xf32, #tpu.memory_space<vmem>>, vector<16xf32>,
      %get3A_399 = arith.constant 96 : index
      %get3A_400 = tpu.vector_load %arg17[%get3A_399] {strides = array<i32>} : memref<128xf32, #tpu.memory_space<vmem>>, vector<16xf32>,
      %get3A_401 = arith.constant 96 : index
      %get3A_402 = tpu.vector_load %arg18[%get3A_401] {strides = array<i32>} : memref<128xf32, #tpu.memory_space<vmem>>, vector<16xf32>,
      %add3A_403 = arith.addf %get3A_400, %get3A_402 : vector<16xf32>
      %mul3A_404 = arith.constant 2.000000e-01 : f32
      %mul3A_405 = vector.broadcast %mul3A_404 : f32 to vector<16xf32>
      %mul3A_406 = arith.mulf %mul3A_405, %add3A_403 : vector<16xf32>
      %max3A_407 = arith.maximumf %add3A_403, %mul3A_406 : vector<16xf32>
      %add3A_408 = arith.addf %get3A_34, %get3A_402 : vector<16xf32>
      %mul3A_409 = arith.constant 2.000000e-01 : f32
      %mul3A_410 = vector.broadcast %mul3A_409 : f32 to vector<16xf32>
      %mul3A_411 = arith.mulf %mul3A_410, %add3A_408 : vector<16xf32>
      %max3A_412 = arith.maximumf %add3A_408, %mul3A_411 : vector<16xf32>
      %sub3A_413 = arith.subf %max3A_407, %max3A_412 : vector<16xf32>
      %exp3A_414 = math.exp %sub3A_413 : vector<16xf32>
      %swap3A_415 = arith.constant 96 : index
      %swap3A_416 = tpu.vector_load %arg20[%swap3A_415] {strides = array<i32>} : memref<128xf32, #tpu.memory_space<vmem>>, vector<16xf32>,
      tpu.vector_store %arg20[%swap3A_415], %exp3A_414 {strides = array<i32>} : memref<128xf32, #tpu.memory_space<vmem>>, vector<16xf32>,
      %get3A_417 = arith.constant 112 : index
      %get3A_418 = tpu.vector_load %arg17[%get3A_417] {strides = array<i32>} : memref<128xf32, #tpu.memory_space<vmem>>, vector<16xf32>,
      %get3A_419 = arith.constant 112 : index
      %get3A_420 = tpu.vector_load %arg18[%get3A_419] {strides = array<i32>} : memref<128xf32, #tpu.memory_space<vmem>>, vector<16xf32>,
      %add3A_421 = arith.addf %get3A_418, %get3A_420 : vector<16xf32>
      %mul3A_422 = arith.constant 2.000000e-01 : f32
      %mul3A_423 = vector.broadcast %mul3A_422 : f32 to vector<16xf32>
      %mul3A_424 = arith.mulf %mul3A_423, %add3A_421 : vector<16xf32>
      %max3A_425 = arith.maximumf %add3A_421, %mul3A_424 : vector<16xf32>
      %add3A_426 = arith.addf %get3A_34, %get3A_420 : vector<16xf32>
      %mul3A_427 = arith.constant 2.000000e-01 : f32
      %mul3A_428 = vector.broadcast %mul3A_427 : f32 to vector<16xf32>
      %mul3A_429 = arith.mulf %mul3A_428, %add3A_426 : vector<16xf32>
      %max3A_430 = arith.maximumf %add3A_426, %mul3A_429 : vector<16xf32>
      %sub3A_431 = arith.subf %max3A_425, %max3A_430 : vector<16xf32>
      %exp3A_432 = math.exp %sub3A_431 : vector<16xf32>
      %swap3A_433 = arith.constant 112 : index
      %swap3A_434 = tpu.vector_load %arg20[%swap3A_433] {strides = array<i32>} : memref<128xf32, #tpu.memory_space<vmem>>, vector<16xf32>,
      tpu.vector_store %arg20[%swap3A_433], %exp3A_432 {strides = array<i32>} : memref<128xf32, #tpu.memory_space<vmem>>, vector<16xf32>,
      %dma_start3A_435 = arith.constant 0 : i32
      %dma_start3A_436 = tpu.memref_slice %arg11[%dma_start3A_435] : memref<10240xf32, #tpu.memory_space<vmem_shared>> -> memref<10240xf32, #tpu.memory_space<vmem_shared>>
      tpu.enqueue_indirect_dma source(%arg20 : memref<128xf32, #tpu.memory_space<vmem>>) target(%dma_start3A_436 : memref<10240xf32, #tpu.memory_space<vmem_shared>>) offsets(%arg16 : memref<128xi32, #tpu.memory_space<vmem>>) semaphore(%arg29 : memref<!tpu.dma_semaphore, #tpu.memory_space<semaphore_mem>>) {add = true}
      %dma_wait3A_437 = arith.constant 0 : i32
      %dma_wait3A_438 = tpu.memref_slice %arg14[%add3A_270, %dma_wait3A_437] : memref<82x128xi32, #tpu.memory_space<vmem>> -> memref<1x128xi32, #tpu.memory_space<vmem>>
      %dma_wait3A_439 = tpu.memref_squeeze %dma_wait3A_438 : memref<1x128xi32, #tpu.memory_space<vmem>> -> memref<128xi32, #tpu.memory_space<vmem>>
      %dma_wait3A_440 = arith.constant 0 : i32
      %dma_wait3A_441 = arith.constant 0 : i32
      %dma_wait3A_442 = tpu.memref_slice %arg2[%dma_wait3A_440, %dma_wait3A_441] : memref<10240x128xf32, #tpu.memory_space<hbm>> -> memref<10240x128xf32, #tpu.memory_space<hbm>>
      tpu.wait_indirect_dma semaphore(%arg27 : memref<!tpu.dma_semaphore, #tpu.memory_space<semaphore_mem>>) src(%dma_wait3A_442 : memref<10240x128xf32, #tpu.memory_space<hbm>>) dst(%arg23 : memref<128x128xf32, #tpu.memory_space<vmem>>)
      %parallel_loop3A_443 = arith.constant 0 : i32
      %parallel_loop3A_444 = arith.constant 128 : i32
      %parallel_loop3A_445 = arith.constant 1 : i32
      scf.for %parallel_loop3A_455 = %parallel_loop3A_443 to %parallel_loop3A_444 step %parallel_loop3A_445  : i32 {
        %parallel_loop3A_456 = vector.broadcast %parallel_loop3A_455 : i32 to vector<16xi32>
        %parallel_loop3A_457 = tpu.vector_load_idx %arg20[%parallel_loop3A_456] : memref<128xf32, #tpu.memory_space<vmem>>[vector<16xi32>], vector<16xf32>,
        %parallel_loop3A_458 = arith.index_cast %parallel_loop3A_455 : i32 to index
        %parallel_loop3A_459 = arith.constant 0 : index
        %parallel_loop3A_460 = tpu.vector_load %arg23[%parallel_loop3A_458, %parallel_loop3A_459] {strides = array<i32>} : memref<128x128xf32, #tpu.memory_space<vmem>>, vector<16xf32>,
        %parallel_loop3A_461 = arith.mulf %parallel_loop3A_460, %parallel_loop3A_457 : vector<16xf32>
        %parallel_loop3A_462 = arith.index_cast %parallel_loop3A_455 : i32 to index
        %parallel_loop3A_463 = arith.constant 0 : index
        %parallel_loop3A_464 = tpu.vector_load %arg23[%parallel_loop3A_462, %parallel_loop3A_463] {strides = array<i32>} : memref<128x128xf32, #tpu.memory_space<vmem>>, vector<16xf32>,
        tpu.vector_store %arg23[%parallel_loop3A_462, %parallel_loop3A_463], %parallel_loop3A_461 {strides = array<i32>} : memref<128x128xf32, #tpu.memory_space<vmem>>, vector<16xf32>,
        %parallel_loop3A_465 = arith.index_cast %parallel_loop3A_455 : i32 to index
        %parallel_loop3A_466 = arith.constant 16 : index
        %parallel_loop3A_467 = tpu.vector_load %arg23[%parallel_loop3A_465, %parallel_loop3A_466] {strides = array<i32>} : memref<128x128xf32, #tpu.memory_space<vmem>>, vector<16xf32>,
        %parallel_loop3A_468 = arith.mulf %parallel_loop3A_467, %parallel_loop3A_457 : vector<16xf32>
        %parallel_loop3A_469 = arith.index_cast %parallel_loop3A_455 : i32 to index
        %parallel_loop3A_470 = arith.constant 16 : index
        %parallel_loop3A_471 = tpu.vector_load %arg23[%parallel_loop3A_469, %parallel_loop3A_470] {strides = array<i32>} : memref<128x128xf32, #tpu.memory_space<vmem>>, vector<16xf32>,
        tpu.vector_store %arg23[%parallel_loop3A_469, %parallel_loop3A_470], %parallel_loop3A_468 {strides = array<i32>} : memref<128x128xf32, #tpu.memory_space<vmem>>, vector<16xf32>,
        %parallel_loop3A_472 = arith.index_cast %parallel_loop3A_455 : i32 to index
        %parallel_loop3A_473 = arith.constant 32 : index
        %parallel_loop3A_474 = tpu.vector_load %arg23[%parallel_loop3A_472, %parallel_loop3A_473] {strides = array<i32>} : memref<128x128xf32, #tpu.memory_space<vmem>>, vector<16xf32>,
        %parallel_loop3A_475 = arith.mulf %parallel_loop3A_474, %parallel_loop3A_457 : vector<16xf32>
        %parallel_loop3A_476 = arith.index_cast %parallel_loop3A_455 : i32 to index
        %parallel_loop3A_477 = arith.constant 32 : index
        %parallel_loop3A_478 = tpu.vector_load %arg23[%parallel_loop3A_476, %parallel_loop3A_477] {strides = array<i32>} : memref<128x128xf32, #tpu.memory_space<vmem>>, vector<16xf32>,
        tpu.vector_store %arg23[%parallel_loop3A_476, %parallel_loop3A_477], %parallel_loop3A_475 {strides = array<i32>} : memref<128x128xf32, #tpu.memory_space<vmem>>, vector<16xf32>,
        %parallel_loop3A_479 = arith.index_cast %parallel_loop3A_455 : i32 to index
        %parallel_loop3A_480 = arith.constant 48 : index
        %parallel_loop3A_481 = tpu.vector_load %arg23[%parallel_loop3A_479, %parallel_loop3A_480] {strides = array<i32>} : memref<128x128xf32, #tpu.memory_space<vmem>>, vector<16xf32>,
        %parallel_loop3A_482 = arith.mulf %parallel_loop3A_481, %parallel_loop3A_457 : vector<16xf32>
        %parallel_loop3A_483 = arith.index_cast %parallel_loop3A_455 : i32 to index
        %parallel_loop3A_484 = arith.constant 48 : index
        %parallel_loop3A_485 = tpu.vector_load %arg23[%parallel_loop3A_483, %parallel_loop3A_484] {strides = array<i32>} : memref<128x128xf32, #tpu.memory_space<vmem>>, vector<16xf32>,
        tpu.vector_store %arg23[%parallel_loop3A_483, %parallel_loop3A_484], %parallel_loop3A_482 {strides = array<i32>} : memref<128x128xf32, #tpu.memory_space<vmem>>, vector<16xf32>,
        %parallel_loop3A_486 = arith.index_cast %parallel_loop3A_455 : i32 to index
        %parallel_loop3A_487 = arith.constant 64 : index
        %parallel_loop3A_488 = tpu.vector_load %arg23[%parallel_loop3A_486, %parallel_loop3A_487] {strides = array<i32>} : memref<128x128xf32, #tpu.memory_space<vmem>>, vector<16xf32>,
        %parallel_loop3A_489 = arith.mulf %parallel_loop3A_488, %parallel_loop3A_457 : vector<16xf32>
        %parallel_loop3A_490 = arith.index_cast %parallel_loop3A_455 : i32 to index
        %parallel_loop3A_491 = arith.constant 64 : index
        %parallel_loop3A_492 = tpu.vector_load %arg23[%parallel_loop3A_490, %parallel_loop3A_491] {strides = array<i32>} : memref<128x128xf32, #tpu.memory_space<vmem>>, vector<16xf32>,
        tpu.vector_store %arg23[%parallel_loop3A_490, %parallel_loop3A_491], %parallel_loop3A_489 {strides = array<i32>} : memref<128x128xf32, #tpu.memory_space<vmem>>, vector<16xf32>,
        %parallel_loop3A_493 = arith.index_cast %parallel_loop3A_455 : i32 to index
        %parallel_loop3A_494 = arith.constant 80 : index
        %parallel_loop3A_495 = tpu.vector_load %arg23[%parallel_loop3A_493, %parallel_loop3A_494] {strides = array<i32>} : memref<128x128xf32, #tpu.memory_space<vmem>>, vector<16xf32>,
        %parallel_loop3A_496 = arith.mulf %parallel_loop3A_495, %parallel_loop3A_457 : vector<16xf32>
        %parallel_loop3A_497 = arith.index_cast %parallel_loop3A_455 : i32 to index
        %parallel_loop3A_498 = arith.constant 80 : index
        %parallel_loop3A_499 = tpu.vector_load %arg23[%parallel_loop3A_497, %parallel_loop3A_498] {strides = array<i32>} : memref<128x128xf32, #tpu.memory_space<vmem>>, vector<16xf32>,
        tpu.vector_store %arg23[%parallel_loop3A_497, %parallel_loop3A_498], %parallel_loop3A_496 {strides = array<i32>} : memref<128x128xf32, #tpu.memory_space<vmem>>, vector<16xf32>,
        %parallel_loop3A_500 = arith.index_cast %parallel_loop3A_455 : i32 to index
        %parallel_loop3A_501 = arith.constant 96 : index
        %parallel_loop3A_502 = tpu.vector_load %arg23[%parallel_loop3A_500, %parallel_loop3A_501] {strides = array<i32>} : memref<128x128xf32, #tpu.memory_space<vmem>>, vector<16xf32>,
        %parallel_loop3A_503 = arith.mulf %parallel_loop3A_502, %parallel_loop3A_457 : vector<16xf32>
        %parallel_loop3A_504 = arith.index_cast %parallel_loop3A_455 : i32 to index
        %parallel_loop3A_505 = arith.constant 96 : index
        %parallel_loop3A_506 = tpu.vector_load %arg23[%parallel_loop3A_504, %parallel_loop3A_505] {strides = array<i32>} : memref<128x128xf32, #tpu.memory_space<vmem>>, vector<16xf32>,
        tpu.vector_store %arg23[%parallel_loop3A_504, %parallel_loop3A_505], %parallel_loop3A_503 {strides = array<i32>} : memref<128x128xf32, #tpu.memory_space<vmem>>, vector<16xf32>,
        %parallel_loop3A_507 = arith.index_cast %parallel_loop3A_455 : i32 to index
        %parallel_loop3A_508 = arith.constant 112 : index
        %parallel_loop3A_509 = tpu.vector_load %arg23[%parallel_loop3A_507, %parallel_loop3A_508] {strides = array<i32>} : memref<128x128xf32, #tpu.memory_space<vmem>>, vector<16xf32>,
        %parallel_loop3A_510 = arith.mulf %parallel_loop3A_509, %parallel_loop3A_457 : vector<16xf32>
        %parallel_loop3A_511 = arith.index_cast %parallel_loop3A_455 : i32 to index
        %parallel_loop3A_512 = arith.constant 112 : index
        %parallel_loop3A_513 = tpu.vector_load %arg23[%parallel_loop3A_511, %parallel_loop3A_512] {strides = array<i32>} : memref<128x128xf32, #tpu.memory_space<vmem>>, vector<16xf32>,
        tpu.vector_store %arg23[%parallel_loop3A_511, %parallel_loop3A_512], %parallel_loop3A_510 {strides = array<i32>} : memref<128x128xf32, #tpu.memory_space<vmem>>, vector<16xf32>,
      } {sc.loop_unroll_factor = 4 : i64, sc.parallel_access}
      "tpu.region"() ({
        %run_scoped3A = tpu.sem_alloc : memref<!tpu.dma_semaphore, #tpu.memory_space<semaphore_mem>>
        %dma_start3A_455 = arith.constant 0 : i32
        %dma_start3A_456 = arith.constant 0 : i32
        %dma_start3A_457 = tpu.memref_slice %arg10[%dma_start3A_455, %dma_start3A_456] : memref<10240x128xf32, #tpu.memory_space<vmem_shared>> -> memref<10240x128xf32, #tpu.memory_space<vmem_shared>>
        tpu.enqueue_indirect_dma source(%arg23 : memref<128x128xf32, #tpu.memory_space<vmem>>) target(%dma_start3A_457 : memref<10240x128xf32, #tpu.memory_space<vmem_shared>>) offsets(%arg16 : memref<128xi32, #tpu.memory_space<vmem>>) semaphore(%run_scoped3A : memref<!tpu.dma_semaphore, #tpu.memory_space<semaphore_mem>>) {add = true}
        %dma_wait3A_458 = arith.constant 0 : i32
        %dma_wait3A_459 = arith.constant 0 : i32
        %dma_wait3A_460 = tpu.memref_slice %arg10[%dma_wait3A_458, %dma_wait3A_459] : memref<10240x128xf32, #tpu.memory_space<vmem_shared>> -> memref<10240x128xf32, #tpu.memory_space<vmem_shared>>
        tpu.wait_indirect_dma semaphore(%run_scoped3A : memref<!tpu.dma_semaphore, #tpu.memory_space<semaphore_mem>>) src(%arg23 : memref<128x128xf32, #tpu.memory_space<vmem>>) dst(%dma_wait3A_460 : memref<10240x128xf32, #tpu.memory_space<vmem_shared>>)
        tpu.yield
      }) : () -> ()
      %dma_wait3A_446 = arith.constant 0 : i32
      %dma_wait3A_447 = tpu.memref_slice %arg11[%dma_wait3A_446] : memref<10240xf32, #tpu.memory_space<vmem_shared>> -> memref<10240xf32, #tpu.memory_space<vmem_shared>>
      tpu.wait_indirect_dma semaphore(%arg29 : memref<!tpu.dma_semaphore, #tpu.memory_space<semaphore_mem>>) src(%arg20 : memref<128xf32, #tpu.memory_space<vmem>>) dst(%dma_wait3A_447 : memref<10240xf32, #tpu.memory_space<vmem_shared>>)
      %add3A_448 = arith.constant 2 : i32
      %add3A_449 = arith.addi %add3A_270, %add3A_448 : i32
      %lt3A_450 = arith.constant 82 : i32
      %lt3A_451 = arith.cmpi slt, %add3A_449, %lt3A_450 : i32
      %convert_element_type3A_452 = arith.extui %lt3A_451 : i1 to i32
      %cond3A_453 = arith.constant 0 : i32
      %cond3A_454 = arith.cmpi ne, %convert_element_type3A_452, %cond3A_453 : i32
      scf.if %cond3A_454 {
        %add3A_455 = arith.constant 2 : i32
        %add3A_456 = arith.addi %add3A_270, %add3A_455 : i32
        %dma_start3A_457 = arith.constant 0 : i32
        %dma_start3A_458 = tpu.memref_slice %arg7[%add3A, %add3A_456, %dma_start3A_457] : memref<32x82x128xi32, #tpu.memory_space<hbm>> -> memref<1x1x128xi32, #tpu.memory_space<hbm>>
        %dma_start3A_459 = tpu.memref_squeeze %dma_start3A_458 : memref<1x1x128xi32, #tpu.memory_space<hbm>> -> memref<128xi32, #tpu.memory_space<hbm>>
        %dma_start3A_460 = arith.constant 0 : i32
        %dma_start3A_461 = tpu.memref_slice %arg7[%add3A, %add3A_456, %dma_start3A_460] : memref<32x82x128xi32, #tpu.memory_space<hbm>> -> memref<1x1x128xi32, #tpu.memory_space<hbm>>
        %dma_start3A_462 = tpu.memref_squeeze %dma_start3A_461 : memref<1x1x128xi32, #tpu.memory_space<hbm>> -> memref<128xi32, #tpu.memory_space<hbm>>
        tpu.enqueue_dma source(%dma_start3A_462 : memref<128xi32, #tpu.memory_space<hbm>>) target(%arg16 : memref<128xi32, #tpu.memory_space<vmem>>) target_semaphore(%arg25 : memref<!tpu.dma_semaphore, #tpu.memory_space<semaphore_mem>>)
        %add3A_463 = arith.constant 2 : i32
        %add3A_464 = arith.addi %add3A_270, %add3A_463 : i32
        %dma_start3A_465 = arith.constant 0 : i32
        %dma_start3A_466 = tpu.memref_slice %arg14[%add3A_464, %dma_start3A_465] : memref<82x128xi32, #tpu.memory_space<vmem>> -> memref<1x128xi32, #tpu.memory_space<vmem>>
        %dma_start3A_467 = tpu.memref_squeeze %dma_start3A_466 : memref<1x128xi32, #tpu.memory_space<vmem>> -> memref<128xi32, #tpu.memory_space<vmem>>
        %dma_start3A_468 = arith.constant 0 : i32
        %dma_start3A_469 = arith.constant 0 : i32
        %dma_start3A_470 = tpu.memref_slice %arg2[%dma_start3A_468, %dma_start3A_469] : memref<10240x128xf32, #tpu.memory_space<hbm>> -> memref<10240x128xf32, #tpu.memory_space<hbm>>
        tpu.enqueue_indirect_dma source(%dma_start3A_470 : memref<10240x128xf32, #tpu.memory_space<hbm>>) target(%arg23 : memref<128x128xf32, #tpu.memory_space<vmem>>) offsets(%dma_start3A_467 : memref<128xi32, #tpu.memory_space<vmem>>) semaphore(%arg27 : memref<!tpu.dma_semaphore, #tpu.memory_space<semaphore_mem>>)
      } else {
      }
    }
    %scan3A_67 = arith.constant 41 : i32
    %barrier3A_68 = arith.constant 0 : index
    tpu.barrier barrier_id(%barrier3A_68)
    %mul3A_69 = arith.constant 640 : i32
    %mul3A_70 = arith.muli %arg1, %mul3A_69 : i32
    %add3A_71 = arith.constant 0 : i32
    %add3A_72 = arith.addi %mul3A_70, %add3A_71 : i32
    "tpu.region"() ({
      %run_scoped3A = tpu.sem_alloc : memref<!tpu.dma_semaphore, #tpu.memory_space<semaphore_mem>>
      %dma_start3A_89 = arith.constant 0 : i32
      %dma_start3A_90 = tpu.memref_slice %arg10[%add3A_72, %dma_start3A_89] : memref<10240x128xf32, #tpu.memory_space<vmem_shared>> -> memref<128x128xf32, #tpu.memory_space<vmem_shared>>
      %dma_start3A_91 = arith.constant 0 : i32
      %dma_start3A_92 = tpu.memref_slice %arg10[%add3A_72, %dma_start3A_91] : memref<10240x128xf32, #tpu.memory_space<vmem_shared>> -> memref<128x128xf32, #tpu.memory_space<vmem_shared>>
      tpu.enqueue_dma source(%dma_start3A_92 : memref<128x128xf32, #tpu.memory_space<vmem_shared>>) target(%arg22 : memref<128x128xf32, #tpu.memory_space<vmem>>) target_semaphore(%run_scoped3A : memref<!tpu.dma_semaphore, #tpu.memory_space<semaphore_mem>>)
      %dma_wait3A = arith.constant 0 : i32
      %dma_wait3A_93 = tpu.memref_slice %arg10[%add3A_72, %dma_wait3A] : memref<10240x128xf32, #tpu.memory_space<vmem_shared>> -> memref<128x128xf32, #tpu.memory_space<vmem_shared>>
      %dma_wait3A_94 = arith.constant 0 : i32
      %dma_wait3A_95 = tpu.memref_slice %arg10[%add3A_72, %dma_wait3A_94] : memref<10240x128xf32, #tpu.memory_space<vmem_shared>> -> memref<128x128xf32, #tpu.memory_space<vmem_shared>>
      tpu.wait_dma2 semaphore(%run_scoped3A : memref<!tpu.dma_semaphore, #tpu.memory_space<semaphore_mem>>) src(%dma_wait3A_95 : memref<128x128xf32, #tpu.memory_space<vmem_shared>>) dst(%arg22 : memref<128x128xf32, #tpu.memory_space<vmem>>)
      tpu.yield
    }) : () -> ()
    "tpu.region"() ({
      %run_scoped3A = tpu.sem_alloc : memref<!tpu.dma_semaphore, #tpu.memory_space<semaphore_mem>>
      %dma_start3A_89 = arith.constant 0 : i32
      %dma_start3A_90 = tpu.memref_slice %arg8[%arg0, %add3A_72, %dma_start3A_89] : memref<2x10240x128xf32, #tpu.memory_space<hbm>> -> memref<1x128x128xf32, #tpu.memory_space<hbm>>
      %dma_start3A_91 = tpu.memref_squeeze %dma_start3A_90 : memref<1x128x128xf32, #tpu.memory_space<hbm>> -> memref<128x128xf32, #tpu.memory_space<hbm>>
      %dma_start3A_92 = arith.constant 0 : i32
      %dma_start3A_93 = tpu.memref_slice %arg8[%arg0, %add3A_72, %dma_start3A_92] : memref<2x10240x128xf32, #tpu.memory_space<hbm>> -> memref<1x128x128xf32, #tpu.memory_space<hbm>>
      %dma_start3A_94 = tpu.memref_squeeze %dma_start3A_93 : memref<1x128x128xf32, #tpu.memory_space<hbm>> -> memref<128x128xf32, #tpu.memory_space<hbm>>
      tpu.enqueue_dma source(%arg22 : memref<128x128xf32, #tpu.memory_space<vmem>>) target(%dma_start3A_94 : memref<128x128xf32, #tpu.memory_space<hbm>>) target_semaphore(%run_scoped3A : memref<!tpu.dma_semaphore, #tpu.memory_space<semaphore_mem>>)
      %dma_wait3A = arith.constant 0 : i32
      %dma_wait3A_95 = tpu.memref_slice %arg8[%arg0, %add3A_72, %dma_wait3A] : memref<2x10240x128xf32, #tpu.memory_space<hbm>> -> memref<1x128x128xf32, #tpu.memory_space<hbm>>
      %dma_wait3A_96 = tpu.memref_squeeze %dma_wait3A_95 : memref<1x128x128xf32, #tpu.memory_space<hbm>> -> memref<128x128xf32, #tpu.memory_space<hbm>>
      %dma_wait3A_97 = arith.constant 0 : i32
      %dma_wait3A_98 = tpu.memref_slice %arg8[%arg0, %add3A_72, %dma_wait3A_97] : memref<2x10240x128xf32, #tpu.memory_space<hbm>> -> memref<1x128x128xf32, #tpu.memory_space<hbm>>
      %dma_wait3A_99 = tpu.memref_squeeze %dma_wait3A_98 : memref<1x128x128xf32, #tpu.memory_space<hbm>> -> memref<128x128xf32, #tpu.memory_space<hbm>>
      tpu.wait_dma2 semaphore(%run_scoped3A : memref<!tpu.dma_semaphore, #tpu.memory_space<semaphore_mem>>) src(%arg22 : memref<128x128xf32, #tpu.memory_space<vmem>>) dst(%dma_wait3A_99 : memref<128x128xf32, #tpu.memory_space<hbm>>)
      tpu.yield
    }) : () -> ()
    %mul3A_73 = arith.constant 640 : i32
    %mul3A_74 = arith.muli %arg1, %mul3A_73 : i32
    %add3A_75 = arith.constant 128 : i32
    %add3A_76 = arith.addi %mul3A_74, %add3A_75 : i32
    "tpu.region"() ({
      %run_scoped3A = tpu.sem_alloc : memref<!tpu.dma_semaphore, #tpu.memory_space<semaphore_mem>>
      %dma_start3A_89 = arith.constant 0 : i32
      %dma_start3A_90 = tpu.memref_slice %arg10[%add3A_76, %dma_start3A_89] : memref<10240x128xf32, #tpu.memory_space<vmem_shared>> -> memref<128x128xf32, #tpu.memory_space<vmem_shared>>
      %dma_start3A_91 = arith.constant 0 : i32
      %dma_start3A_92 = tpu.memref_slice %arg10[%add3A_76, %dma_start3A_91] : memref<10240x128xf32, #tpu.memory_space<vmem_shared>> -> memref<128x128xf32, #tpu.memory_space<vmem_shared>>
      tpu.enqueue_dma source(%dma_start3A_92 : memref<128x128xf32, #tpu.memory_space<vmem_shared>>) target(%arg22 : memref<128x128xf32, #tpu.memory_space<vmem>>) target_semaphore(%run_scoped3A : memref<!tpu.dma_semaphore, #tpu.memory_space<semaphore_mem>>)
      %dma_wait3A = arith.constant 0 : i32
      %dma_wait3A_93 = tpu.memref_slice %arg10[%add3A_76, %dma_wait3A] : memref<10240x128xf32, #tpu.memory_space<vmem_shared>> -> memref<128x128xf32, #tpu.memory_space<vmem_shared>>
      %dma_wait3A_94 = arith.constant 0 : i32
      %dma_wait3A_95 = tpu.memref_slice %arg10[%add3A_76, %dma_wait3A_94] : memref<10240x128xf32, #tpu.memory_space<vmem_shared>> -> memref<128x128xf32, #tpu.memory_space<vmem_shared>>
      tpu.wait_dma2 semaphore(%run_scoped3A : memref<!tpu.dma_semaphore, #tpu.memory_space<semaphore_mem>>) src(%dma_wait3A_95 : memref<128x128xf32, #tpu.memory_space<vmem_shared>>) dst(%arg22 : memref<128x128xf32, #tpu.memory_space<vmem>>)
      tpu.yield
    }) : () -> ()
    "tpu.region"() ({
      %run_scoped3A = tpu.sem_alloc : memref<!tpu.dma_semaphore, #tpu.memory_space<semaphore_mem>>
      %dma_start3A_89 = arith.constant 0 : i32
      %dma_start3A_90 = tpu.memref_slice %arg8[%arg0, %add3A_76, %dma_start3A_89] : memref<2x10240x128xf32, #tpu.memory_space<hbm>> -> memref<1x128x128xf32, #tpu.memory_space<hbm>>
      %dma_start3A_91 = tpu.memref_squeeze %dma_start3A_90 : memref<1x128x128xf32, #tpu.memory_space<hbm>> -> memref<128x128xf32, #tpu.memory_space<hbm>>
      %dma_start3A_92 = arith.constant 0 : i32
      %dma_start3A_93 = tpu.memref_slice %arg8[%arg0, %add3A_76, %dma_start3A_92] : memref<2x10240x128xf32, #tpu.memory_space<hbm>> -> memref<1x128x128xf32, #tpu.memory_space<hbm>>
      %dma_start3A_94 = tpu.memref_squeeze %dma_start3A_93 : memref<1x128x128xf32, #tpu.memory_space<hbm>> -> memref<128x128xf32, #tpu.memory_space<hbm>>
      tpu.enqueue_dma source(%arg22 : memref<128x128xf32, #tpu.memory_space<vmem>>) target(%dma_start3A_94 : memref<128x128xf32, #tpu.memory_space<hbm>>) target_semaphore(%run_scoped3A : memref<!tpu.dma_semaphore, #tpu.memory_space<semaphore_mem>>)
      %dma_wait3A = arith.constant 0 : i32
      %dma_wait3A_95 = tpu.memref_slice %arg8[%arg0, %add3A_76, %dma_wait3A] : memref<2x10240x128xf32, #tpu.memory_space<hbm>> -> memref<1x128x128xf32, #tpu.memory_space<hbm>>
      %dma_wait3A_96 = tpu.memref_squeeze %dma_wait3A_95 : memref<1x128x128xf32, #tpu.memory_space<hbm>> -> memref<128x128xf32, #tpu.memory_space<hbm>>
      %dma_wait3A_97 = arith.constant 0 : i32
      %dma_wait3A_98 = tpu.memref_slice %arg8[%arg0, %add3A_76, %dma_wait3A_97] : memref<2x10240x128xf32, #tpu.memory_space<hbm>> -> memref<1x128x128xf32, #tpu.memory_space<hbm>>
      %dma_wait3A_99 = tpu.memref_squeeze %dma_wait3A_98 : memref<1x128x128xf32, #tpu.memory_space<hbm>> -> memref<128x128xf32, #tpu.memory_space<hbm>>
      tpu.wait_dma2 semaphore(%run_scoped3A : memref<!tpu.dma_semaphore, #tpu.memory_space<semaphore_mem>>) src(%arg22 : memref<128x128xf32, #tpu.memory_space<vmem>>) dst(%dma_wait3A_99 : memref<128x128xf32, #tpu.memory_space<hbm>>)
      tpu.yield
    }) : () -> ()
    %mul3A_77 = arith.constant 640 : i32
    %mul3A_78 = arith.muli %arg1, %mul3A_77 : i32
    %add3A_79 = arith.constant 256 : i32
    %add3A_80 = arith.addi %mul3A_78, %add3A_79 : i32
    "tpu.region"() ({
      %run_scoped3A = tpu.sem_alloc : memref<!tpu.dma_semaphore, #tpu.memory_space<semaphore_mem>>
      %dma_start3A_89 = arith.constant 0 : i32
      %dma_start3A_90 = tpu.memref_slice %arg10[%add3A_80, %dma_start3A_89] : memref<10240x128xf32, #tpu.memory_space<vmem_shared>> -> memref<128x128xf32, #tpu.memory_space<vmem_shared>>
      %dma_start3A_91 = arith.constant 0 : i32
      %dma_start3A_92 = tpu.memref_slice %arg10[%add3A_80, %dma_start3A_91] : memref<10240x128xf32, #tpu.memory_space<vmem_shared>> -> memref<128x128xf32, #tpu.memory_space<vmem_shared>>
      tpu.enqueue_dma source(%dma_start3A_92 : memref<128x128xf32, #tpu.memory_space<vmem_shared>>) target(%arg22 : memref<128x128xf32, #tpu.memory_space<vmem>>) target_semaphore(%run_scoped3A : memref<!tpu.dma_semaphore, #tpu.memory_space<semaphore_mem>>)
      %dma_wait3A = arith.constant 0 : i32
      %dma_wait3A_93 = tpu.memref_slice %arg10[%add3A_80, %dma_wait3A] : memref<10240x128xf32, #tpu.memory_space<vmem_shared>> -> memref<128x128xf32, #tpu.memory_space<vmem_shared>>
      %dma_wait3A_94 = arith.constant 0 : i32
      %dma_wait3A_95 = tpu.memref_slice %arg10[%add3A_80, %dma_wait3A_94] : memref<10240x128xf32, #tpu.memory_space<vmem_shared>> -> memref<128x128xf32, #tpu.memory_space<vmem_shared>>
      tpu.wait_dma2 semaphore(%run_scoped3A : memref<!tpu.dma_semaphore, #tpu.memory_space<semaphore_mem>>) src(%dma_wait3A_95 : memref<128x128xf32, #tpu.memory_space<vmem_shared>>) dst(%arg22 : memref<128x128xf32, #tpu.memory_space<vmem>>)
      tpu.yield
    }) : () -> ()
    "tpu.region"() ({
      %run_scoped3A = tpu.sem_alloc : memref<!tpu.dma_semaphore, #tpu.memory_space<semaphore_mem>>
      %dma_start3A_89 = arith.constant 0 : i32
      %dma_start3A_90 = tpu.memref_slice %arg8[%arg0, %add3A_80, %dma_start3A_89] : memref<2x10240x128xf32, #tpu.memory_space<hbm>> -> memref<1x128x128xf32, #tpu.memory_space<hbm>>
      %dma_start3A_91 = tpu.memref_squeeze %dma_start3A_90 : memref<1x128x128xf32, #tpu.memory_space<hbm>> -> memref<128x128xf32, #tpu.memory_space<hbm>>
      %dma_start3A_92 = arith.constant 0 : i32
      %dma_start3A_93 = tpu.memref_slice %arg8[%arg0, %add3A_80, %dma_start3A_92] : memref<2x10240x128xf32, #tpu.memory_space<hbm>> -> memref<1x128x128xf32, #tpu.memory_space<hbm>>
      %dma_start3A_94 = tpu.memref_squeeze %dma_start3A_93 : memref<1x128x128xf32, #tpu.memory_space<hbm>> -> memref<128x128xf32, #tpu.memory_space<hbm>>
      tpu.enqueue_dma source(%arg22 : memref<128x128xf32, #tpu.memory_space<vmem>>) target(%dma_start3A_94 : memref<128x128xf32, #tpu.memory_space<hbm>>) target_semaphore(%run_scoped3A : memref<!tpu.dma_semaphore, #tpu.memory_space<semaphore_mem>>)
      %dma_wait3A = arith.constant 0 : i32
      %dma_wait3A_95 = tpu.memref_slice %arg8[%arg0, %add3A_80, %dma_wait3A] : memref<2x10240x128xf32, #tpu.memory_space<hbm>> -> memref<1x128x128xf32, #tpu.memory_space<hbm>>
      %dma_wait3A_96 = tpu.memref_squeeze %dma_wait3A_95 : memref<1x128x128xf32, #tpu.memory_space<hbm>> -> memref<128x128xf32, #tpu.memory_space<hbm>>
      %dma_wait3A_97 = arith.constant 0 : i32
      %dma_wait3A_98 = tpu.memref_slice %arg8[%arg0, %add3A_80, %dma_wait3A_97] : memref<2x10240x128xf32, #tpu.memory_space<hbm>> -> memref<1x128x128xf32, #tpu.memory_space<hbm>>
      %dma_wait3A_99 = tpu.memref_squeeze %dma_wait3A_98 : memref<1x128x128xf32, #tpu.memory_space<hbm>> -> memref<128x128xf32, #tpu.memory_space<hbm>>
      tpu.wait_dma2 semaphore(%run_scoped3A : memref<!tpu.dma_semaphore, #tpu.memory_space<semaphore_mem>>) src(%arg22 : memref<128x128xf32, #tpu.memory_space<vmem>>) dst(%dma_wait3A_99 : memref<128x128xf32, #tpu.memory_space<hbm>>)
      tpu.yield
    }) : () -> ()
    %mul3A_81 = arith.constant 640 : i32
    %mul3A_82 = arith.muli %arg1, %mul3A_81 : i32
    %add3A_83 = arith.constant 384 : i32
    %add3A_84 = arith.addi %mul3A_82, %add3A_83 : i32
    "tpu.region"() ({
      %run_scoped3A = tpu.sem_alloc : memref<!tpu.dma_semaphore, #tpu.memory_space<semaphore_mem>>
      %dma_start3A_89 = arith.constant 0 : i32
      %dma_start3A_90 = tpu.memref_slice %arg10[%add3A_84, %dma_start3A_89] : memref<10240x128xf32, #tpu.memory_space<vmem_shared>> -> memref<128x128xf32, #tpu.memory_space<vmem_shared>>
      %dma_start3A_91 = arith.constant 0 : i32
      %dma_start3A_92 = tpu.memref_slice %arg10[%add3A_84, %dma_start3A_91] : memref<10240x128xf32, #tpu.memory_space<vmem_shared>> -> memref<128x128xf32, #tpu.memory_space<vmem_shared>>
      tpu.enqueue_dma source(%dma_start3A_92 : memref<128x128xf32, #tpu.memory_space<vmem_shared>>) target(%arg22 : memref<128x128xf32, #tpu.memory_space<vmem>>) target_semaphore(%run_scoped3A : memref<!tpu.dma_semaphore, #tpu.memory_space<semaphore_mem>>)
      %dma_wait3A = arith.constant 0 : i32
      %dma_wait3A_93 = tpu.memref_slice %arg10[%add3A_84, %dma_wait3A] : memref<10240x128xf32, #tpu.memory_space<vmem_shared>> -> memref<128x128xf32, #tpu.memory_space<vmem_shared>>
      %dma_wait3A_94 = arith.constant 0 : i32
      %dma_wait3A_95 = tpu.memref_slice %arg10[%add3A_84, %dma_wait3A_94] : memref<10240x128xf32, #tpu.memory_space<vmem_shared>> -> memref<128x128xf32, #tpu.memory_space<vmem_shared>>
      tpu.wait_dma2 semaphore(%run_scoped3A : memref<!tpu.dma_semaphore, #tpu.memory_space<semaphore_mem>>) src(%dma_wait3A_95 : memref<128x128xf32, #tpu.memory_space<vmem_shared>>) dst(%arg22 : memref<128x128xf32, #tpu.memory_space<vmem>>)
      tpu.yield
    }) : () -> ()
    "tpu.region"() ({
      %run_scoped3A = tpu.sem_alloc : memref<!tpu.dma_semaphore, #tpu.memory_space<semaphore_mem>>
      %dma_start3A_89 = arith.constant 0 : i32
      %dma_start3A_90 = tpu.memref_slice %arg8[%arg0, %add3A_84, %dma_start3A_89] : memref<2x10240x128xf32, #tpu.memory_space<hbm>> -> memref<1x128x128xf32, #tpu.memory_space<hbm>>
      %dma_start3A_91 = tpu.memref_squeeze %dma_start3A_90 : memref<1x128x128xf32, #tpu.memory_space<hbm>> -> memref<128x128xf32, #tpu.memory_space<hbm>>
      %dma_start3A_92 = arith.constant 0 : i32
      %dma_start3A_93 = tpu.memref_slice %arg8[%arg0, %add3A_84, %dma_start3A_92] : memref<2x10240x128xf32, #tpu.memory_space<hbm>> -> memref<1x128x128xf32, #tpu.memory_space<hbm>>
      %dma_start3A_94 = tpu.memref_squeeze %dma_start3A_93 : memref<1x128x128xf32, #tpu.memory_space<hbm>> -> memref<128x128xf32, #tpu.memory_space<hbm>>
      tpu.enqueue_dma source(%arg22 : memref<128x128xf32, #tpu.memory_space<vmem>>) target(%dma_start3A_94 : memref<128x128xf32, #tpu.memory_space<hbm>>) target_semaphore(%run_scoped3A : memref<!tpu.dma_semaphore, #tpu.memory_space<semaphore_mem>>)
      %dma_wait3A = arith.constant 0 : i32
      %dma_wait3A_95 = tpu.memref_slice %arg8[%arg0, %add3A_84, %dma_wait3A] : memref<2x10240x128xf32, #tpu.memory_space<hbm>> -> memref<1x128x128xf32, #tpu.memory_space<hbm>>
      %dma_wait3A_96 = tpu.memref_squeeze %dma_wait3A_95 : memref<1x128x128xf32, #tpu.memory_space<hbm>> -> memref<128x128xf32, #tpu.memory_space<hbm>>
      %dma_wait3A_97 = arith.constant 0 : i32
      %dma_wait3A_98 = tpu.memref_slice %arg8[%arg0, %add3A_84, %dma_wait3A_97] : memref<2x10240x128xf32, #tpu.memory_space<hbm>> -> memref<1x128x128xf32, #tpu.memory_space<hbm>>
      %dma_wait3A_99 = tpu.memref_squeeze %dma_wait3A_98 : memref<1x128x128xf32, #tpu.memory_space<hbm>> -> memref<128x128xf32, #tpu.memory_space<hbm>>
      tpu.wait_dma2 semaphore(%run_scoped3A : memref<!tpu.dma_semaphore, #tpu.memory_space<semaphore_mem>>) src(%arg22 : memref<128x128xf32, #tpu.memory_space<vmem>>) dst(%dma_wait3A_99 : memref<128x128xf32, #tpu.memory_space<hbm>>)
      tpu.yield
    }) : () -> ()
    %mul3A_85 = arith.constant 640 : i32
    %mul3A_86 = arith.muli %arg1, %mul3A_85 : i32
    %add3A_87 = arith.constant 512 : i32
    %add3A_88 = arith.addi %mul3A_86, %add3A_87 : i32
    "tpu.region"() ({
      %run_scoped3A = tpu.sem_alloc : memref<!tpu.dma_semaphore, #tpu.memory_space<semaphore_mem>>
      %dma_start3A_89 = arith.constant 0 : i32
      %dma_start3A_90 = tpu.memref_slice %arg10[%add3A_88, %dma_start3A_89] : memref<10240x128xf32, #tpu.memory_space<vmem_shared>> -> memref<128x128xf32, #tpu.memory_space<vmem_shared>>
      %dma_start3A_91 = arith.constant 0 : i32
      %dma_start3A_92 = tpu.memref_slice %arg10[%add3A_88, %dma_start3A_91] : memref<10240x128xf32, #tpu.memory_space<vmem_shared>> -> memref<128x128xf32, #tpu.memory_space<vmem_shared>>
      tpu.enqueue_dma source(%dma_start3A_92 : memref<128x128xf32, #tpu.memory_space<vmem_shared>>) target(%arg22 : memref<128x128xf32, #tpu.memory_space<vmem>>) target_semaphore(%run_scoped3A : memref<!tpu.dma_semaphore, #tpu.memory_space<semaphore_mem>>)
      %dma_wait3A = arith.constant 0 : i32
      %dma_wait3A_93 = tpu.memref_slice %arg10[%add3A_88, %dma_wait3A] : memref<10240x128xf32, #tpu.memory_space<vmem_shared>> -> memref<128x128xf32, #tpu.memory_space<vmem_shared>>
      %dma_wait3A_94 = arith.constant 0 : i32
      %dma_wait3A_95 = tpu.memref_slice %arg10[%add3A_88, %dma_wait3A_94] : memref<10240x128xf32, #tpu.memory_space<vmem_shared>> -> memref<128x128xf32, #tpu.memory_space<vmem_shared>>
      tpu.wait_dma2 semaphore(%run_scoped3A : memref<!tpu.dma_semaphore, #tpu.memory_space<semaphore_mem>>) src(%dma_wait3A_95 : memref<128x128xf32, #tpu.memory_space<vmem_shared>>) dst(%arg22 : memref<128x128xf32, #tpu.memory_space<vmem>>)
      tpu.yield
    }) : () -> ()
    "tpu.region"() ({
      %run_scoped3A = tpu.sem_alloc : memref<!tpu.dma_semaphore, #tpu.memory_space<semaphore_mem>>
      %dma_start3A_89 = arith.constant 0 : i32
      %dma_start3A_90 = tpu.memref_slice %arg8[%arg0, %add3A_88, %dma_start3A_89] : memref<2x10240x128xf32, #tpu.memory_space<hbm>> -> memref<1x128x128xf32, #tpu.memory_space<hbm>>
      %dma_start3A_91 = tpu.memref_squeeze %dma_start3A_90 : memref<1x128x128xf32, #tpu.memory_space<hbm>> -> memref<128x128xf32, #tpu.memory_space<hbm>>
      %dma_start3A_92 = arith.constant 0 : i32
      %dma_start3A_93 = tpu.memref_slice %arg8[%arg0, %add3A_88, %dma_start3A_92] : memref<2x10240x128xf32, #tpu.memory_space<hbm>> -> memref<1x128x128xf32, #tpu.memory_space<hbm>>
      %dma_start3A_94 = tpu.memref_squeeze %dma_start3A_93 : memref<1x128x128xf32, #tpu.memory_space<hbm>> -> memref<128x128xf32, #tpu.memory_space<hbm>>
      tpu.enqueue_dma source(%arg22 : memref<128x128xf32, #tpu.memory_space<vmem>>) target(%dma_start3A_94 : memref<128x128xf32, #tpu.memory_space<hbm>>) target_semaphore(%run_scoped3A : memref<!tpu.dma_semaphore, #tpu.memory_space<semaphore_mem>>)
      %dma_wait3A = arith.constant 0 : i32
      %dma_wait3A_95 = tpu.memref_slice %arg8[%arg0, %add3A_88, %dma_wait3A] : memref<2x10240x128xf32, #tpu.memory_space<hbm>> -> memref<1x128x128xf32, #tpu.memory_space<hbm>>
      %dma_wait3A_96 = tpu.memref_squeeze %dma_wait3A_95 : memref<1x128x128xf32, #tpu.memory_space<hbm>> -> memref<128x128xf32, #tpu.memory_space<hbm>>
      %dma_wait3A_97 = arith.constant 0 : i32
      %dma_wait3A_98 = tpu.memref_slice %arg8[%arg0, %add3A_88, %dma_wait3A_97] : memref<2x10240x128xf32, #tpu.memory_space<hbm>> -> memref<1x128x128xf32, #tpu.memory_space<hbm>>
      %dma_wait3A_99 = tpu.memref_squeeze %dma_wait3A_98 : memref<1x128x128xf32, #tpu.memory_space<hbm>> -> memref<128x128xf32, #tpu.memory_space<hbm>>
      tpu.wait_dma2 semaphore(%run_scoped3A : memref<!tpu.dma_semaphore, #tpu.memory_space<semaphore_mem>>) src(%arg22 : memref<128x128xf32, #tpu.memory_space<vmem>>) dst(%dma_wait3A_99 : memref<128x128xf32, #tpu.memory_space<hbm>>)
      tpu.yield
    }) : () -> ()
    "tpu.region"() ({
      %run_scoped3A = tpu.sem_alloc : memref<!tpu.dma_semaphore, #tpu.memory_space<semaphore_mem>>
      %dma_start3A_89 = tpu.memref_slice %arg11[%mul3A_2] : memref<10240xf32, #tpu.memory_space<vmem_shared>> -> memref<640xf32, #tpu.memory_space<vmem_shared>>
      %dma_start3A_90 = tpu.memref_slice %arg11[%mul3A_2] : memref<10240xf32, #tpu.memory_space<vmem_shared>> -> memref<640xf32, #tpu.memory_space<vmem_shared>>
      tpu.enqueue_dma source(%dma_start3A_90 : memref<640xf32, #tpu.memory_space<vmem_shared>>) target(%arg21 : memref<640xf32, #tpu.memory_space<vmem>>) target_semaphore(%run_scoped3A : memref<!tpu.dma_semaphore, #tpu.memory_space<semaphore_mem>>)
      %dma_wait3A = tpu.memref_slice %arg11[%mul3A_2] : memref<10240xf32, #tpu.memory_space<vmem_shared>> -> memref<640xf32, #tpu.memory_space<vmem_shared>>
      %dma_wait3A_91 = tpu.memref_slice %arg11[%mul3A_2] : memref<10240xf32, #tpu.memory_space<vmem_shared>> -> memref<640xf32, #tpu.memory_space<vmem_shared>>
      tpu.wait_dma2 semaphore(%run_scoped3A : memref<!tpu.dma_semaphore, #tpu.memory_space<semaphore_mem>>) src(%dma_wait3A_91 : memref<640xf32, #tpu.memory_space<vmem_shared>>) dst(%arg21 : memref<640xf32, #tpu.memory_space<vmem>>)
      tpu.yield
    }) : () -> ()
    "tpu.region"() ({
      %run_scoped3A = tpu.sem_alloc : memref<!tpu.dma_semaphore, #tpu.memory_space<semaphore_mem>>
      %dma_start3A_89 = tpu.memref_slice %arg9[%arg0, %mul3A_2] : memref<2x10240xf32, #tpu.memory_space<hbm>> -> memref<1x640xf32, #tpu.memory_space<hbm>>
      %dma_start3A_90 = tpu.memref_squeeze %dma_start3A_89 : memref<1x640xf32, #tpu.memory_space<hbm>> -> memref<640xf32, #tpu.memory_space<hbm>>
      %dma_start3A_91 = tpu.memref_slice %arg9[%arg0, %mul3A_2] : memref<2x10240xf32, #tpu.memory_space<hbm>> -> memref<1x640xf32, #tpu.memory_space<hbm>>
      %dma_start3A_92 = tpu.memref_squeeze %dma_start3A_91 : memref<1x640xf32, #tpu.memory_space<hbm>> -> memref<640xf32, #tpu.memory_space<hbm>>
      tpu.enqueue_dma source(%arg21 : memref<640xf32, #tpu.memory_space<vmem>>) target(%dma_start3A_92 : memref<640xf32, #tpu.memory_space<hbm>>) target_semaphore(%run_scoped3A : memref<!tpu.dma_semaphore, #tpu.memory_space<semaphore_mem>>)
      %dma_wait3A = tpu.memref_slice %arg9[%arg0, %mul3A_2] : memref<2x10240xf32, #tpu.memory_space<hbm>> -> memref<1x640xf32, #tpu.memory_space<hbm>>
      %dma_wait3A_93 = tpu.memref_squeeze %dma_wait3A : memref<1x640xf32, #tpu.memory_space<hbm>> -> memref<640xf32, #tpu.memory_space<hbm>>
      %dma_wait3A_94 = tpu.memref_slice %arg9[%arg0, %mul3A_2] : memref<2x10240xf32, #tpu.memory_space<hbm>> -> memref<1x640xf32, #tpu.memory_space<hbm>>
      %dma_wait3A_95 = tpu.memref_squeeze %dma_wait3A_94 : memref<1x640xf32, #tpu.memory_space<hbm>> -> memref<640xf32, #tpu.memory_space<hbm>>
      tpu.wait_dma2 semaphore(%run_scoped3A : memref<!tpu.dma_semaphore, #tpu.memory_space<semaphore_mem>>) src(%arg21 : memref<640xf32, #tpu.memory_space<vmem>>) dst(%dma_wait3A_95 : memref<640xf32, #tpu.memory_space<hbm>>)
      tpu.yield
    }) : () -> ()
    return
  }
}

#map = affine_map<(d0, d1) -> (0, 0)>
#map1 = affine_map<(d0, d1) -> (0)>
#map2 = affine_map<(d0, d1) -> (0, 0, 0)>
module attributes {stable_mosaic.version = 14 : i64} {
  func.func @_sc_edge_body(%arg0: i32, %arg1: i32, %arg2: memref<10240x128xf32, #tpu.memory_space<hbm>>, %arg3: memref<10240xf32, #tpu.memory_space<hbm>>, %arg4: memref<10240xf32, #tpu.memory_space<hbm>>, %arg5: memref<16xf32, #tpu.memory_space<hbm>>, %arg6: memref<32x82x128xi32, #tpu.memory_space<hbm>>, %arg7: memref<32x82x128xi32, #tpu.memory_space<hbm>>, %arg8: memref<2x10240x128xf32, #tpu.memory_space<hbm>>, %arg9: memref<2x10240xf32, #tpu.memory_space<hbm>>, %arg10: memref<10240x128xf32, #tpu.memory_space<vmem_shared>>, %arg11: memref<10240xf32, #tpu.memory_space<vmem_shared>>, %arg12: memref<10240xf32, #tpu.memory_space<vmem_shared>>, %arg13: memref<10240xf32, #tpu.memory_space<vmem_shared>>, %arg14: memref<82x128xi32, #tpu.memory_space<vmem>>, %arg15: memref<128xi32, #tpu.memory_space<vmem>>, %arg16: memref<128xi32, #tpu.memory_space<vmem>>, %arg17: memref<128xf32, #tpu.memory_space<vmem>>, %arg18: memref<128xf32, #tpu.memory_space<vmem>>, %arg19: memref<16xf32, #tpu.memory_space<vmem>>, %arg20: memref<128xf32, #tpu.memory_space<vmem>>, %arg21: memref<640xf32, #tpu.memory_space<vmem>>, %arg22: memref<128x128xf32, #tpu.memory_space<vmem>>, %arg23: memref<128x128xf32, #tpu.memory_space<vmem>>, %arg24: memref<!tpu.dma_semaphore, #tpu.memory_space<semaphore_mem>>, %arg25: memref<!tpu.dma_semaphore, #tpu.memory_space<semaphore_mem>>, %arg26: memref<!tpu.dma_semaphore, #tpu.memory_space<semaphore_mem>>, %arg27: memref<!tpu.dma_semaphore, #tpu.memory_space<semaphore_mem>>, %arg28: memref<!tpu.dma_semaphore, #tpu.memory_space<semaphore_mem>>, %arg29: memref<!tpu.dma_semaphore, #tpu.memory_space<semaphore_mem>>) attributes {dimension_semantics = [#tpu.dimension_semantics<core_parallel>, #tpu.dimension_semantics<subcore_parallel>], iteration_bounds = array<i64: 2, 16>, scalar_prefetch = 0 : i64, scratch_operands = 20 : i64, tpu.core_type = #tpu.core_type<sc_vector_subcore>, window_params = [{transform_indices = #map}, {transform_indices = #map1}, {transform_indices = #map1}, {transform_indices = #map1}, {transform_indices = #map2}, {transform_indices = #map2}, {transform_indices = #map2}, {transform_indices = #map}]} {
    %mul3A = arith.constant 16 : i32
    %mul3A_0 = arith.muli %arg0, %mul3A : i32
    %add3A = arith.addi %mul3A_0, %arg1 : i32
    %mul3A_1 = arith.constant 640 : i32
    %mul3A_2 = arith.muli %arg1, %mul3A_1 : i32
    "tpu.region"() ({
      %run_scoped3A = tpu.sem_alloc : memref<!tpu.dma_semaphore, #tpu.memory_space<semaphore_mem>>
      %dma_start3A_89 = arith.constant 0 : i32
      %dma_start3A_90 = arith.constant 0 : i32
      %dma_start3A_91 = tpu.memref_slice %arg6[%add3A, %dma_start3A_89, %dma_start3A_90] : memref<32x82x128xi32, #tpu.memory_space<hbm>> -> memref<1x82x128xi32, #tpu.memory_space<hbm>>
      %dma_start3A_92 = tpu.memref_squeeze %dma_start3A_91 : memref<1x82x128xi32, #tpu.memory_space<hbm>> -> memref<82x128xi32, #tpu.memory_space<hbm>>
      %dma_start3A_93 = arith.constant 0 : i32
      %dma_start3A_94 = arith.constant 0 : i32
      %dma_start3A_95 = tpu.memref_slice %arg6[%add3A, %dma_start3A_93, %dma_start3A_94] : memref<32x82x128xi32, #tpu.memory_space<hbm>> -> memref<1x82x128xi32, #tpu.memory_space<hbm>>
      %dma_start3A_96 = tpu.memref_squeeze %dma_start3A_95 : memref<1x82x128xi32, #tpu.memory_space<hbm>> -> memref<82x128xi32, #tpu.memory_space<hbm>>
      tpu.enqueue_dma source(%dma_start3A_96 : memref<82x128xi32, #tpu.memory_space<hbm>>) target(%arg14 : memref<82x128xi32, #tpu.memory_space<vmem>>) target_semaphore(%run_scoped3A : memref<!tpu.dma_semaphore, #tpu.memory_space<semaphore_mem>>)
      %dma_wait3A = arith.constant 0 : i32
      %dma_wait3A_97 = arith.constant 0 : i32
      %dma_wait3A_98 = tpu.memref_slice %arg6[%add3A, %dma_wait3A, %dma_wait3A_97] : memref<32x82x128xi32, #tpu.memory_space<hbm>> -> memref<1x82x128xi32, #tpu.memory_space<hbm>>
      %dma_wait3A_99 = tpu.memref_squeeze %dma_wait3A_98 : memref<1x82x128xi32, #tpu.memory_space<hbm>> -> memref<82x128xi32, #tpu.memory_space<hbm>>
      %dma_wait3A_100 = arith.constant 0 : i32
      %dma_wait3A_101 = arith.constant 0 : i32
      %dma_wait3A_102 = tpu.memref_slice %arg6[%add3A, %dma_wait3A_100, %dma_wait3A_101] : memref<32x82x128xi32, #tpu.memory_space<hbm>> -> memref<1x82x128xi32, #tpu.memory_space<hbm>>
      %dma_wait3A_103 = tpu.memref_squeeze %dma_wait3A_102 : memref<1x82x128xi32, #tpu.memory_space<hbm>> -> memref<82x128xi32, #tpu.memory_space<hbm>>
      tpu.wait_dma2 semaphore(%run_scoped3A : memref<!tpu.dma_semaphore, #tpu.memory_space<semaphore_mem>>) src(%dma_wait3A_103 : memref<82x128xi32, #tpu.memory_space<hbm>>) dst(%arg14 : memref<82x128xi32, #tpu.memory_space<vmem>>)
      tpu.yield
    }) : () -> ()
    "tpu.region"() ({
      %run_scoped3A = tpu.sem_alloc : memref<!tpu.dma_semaphore, #tpu.memory_space<semaphore_mem>>
      %dma_start3A_89 = tpu.memref_slice %arg3[%mul3A_2] : memref<10240xf32, #tpu.memory_space<hbm>> -> memref<640xf32, #tpu.memory_space<hbm>>
      %dma_start3A_90 = tpu.memref_slice %arg3[%mul3A_2] : memref<10240xf32, #tpu.memory_space<hbm>> -> memref<640xf32, #tpu.memory_space<hbm>>
      tpu.enqueue_dma source(%dma_start3A_90 : memref<640xf32, #tpu.memory_space<hbm>>) target(%arg21 : memref<640xf32, #tpu.memory_space<vmem>>) target_semaphore(%run_scoped3A : memref<!tpu.dma_semaphore, #tpu.memory_space<semaphore_mem>>)
      %dma_wait3A = tpu.memref_slice %arg3[%mul3A_2] : memref<10240xf32, #tpu.memory_space<hbm>> -> memref<640xf32, #tpu.memory_space<hbm>>
      %dma_wait3A_91 = tpu.memref_slice %arg3[%mul3A_2] : memref<10240xf32, #tpu.memory_space<hbm>> -> memref<640xf32, #tpu.memory_space<hbm>>
      tpu.wait_dma2 semaphore(%run_scoped3A : memref<!tpu.dma_semaphore, #tpu.memory_space<semaphore_mem>>) src(%dma_wait3A_91 : memref<640xf32, #tpu.memory_space<hbm>>) dst(%arg21 : memref<640xf32, #tpu.memory_space<vmem>>)
      tpu.yield
    }) : () -> ()
    "tpu.region"() ({
      %run_scoped3A = tpu.sem_alloc : memref<!tpu.dma_semaphore, #tpu.memory_space<semaphore_mem>>
      %dma_start3A_89 = tpu.memref_slice %arg12[%mul3A_2] : memref<10240xf32, #tpu.memory_space<vmem_shared>> -> memref<640xf32, #tpu.memory_space<vmem_shared>>
      %dma_start3A_90 = tpu.memref_slice %arg12[%mul3A_2] : memref<10240xf32, #tpu.memory_space<vmem_shared>> -> memref<640xf32, #tpu.memory_space<vmem_shared>>
      tpu.enqueue_dma source(%arg21 : memref<640xf32, #tpu.memory_space<vmem>>) target(%dma_start3A_90 : memref<640xf32, #tpu.memory_space<vmem_shared>>) target_semaphore(%run_scoped3A : memref<!tpu.dma_semaphore, #tpu.memory_space<semaphore_mem>>)
      %dma_wait3A = tpu.memref_slice %arg12[%mul3A_2] : memref<10240xf32, #tpu.memory_space<vmem_shared>> -> memref<640xf32, #tpu.memory_space<vmem_shared>>
      %dma_wait3A_91 = tpu.memref_slice %arg12[%mul3A_2] : memref<10240xf32, #tpu.memory_space<vmem_shared>> -> memref<640xf32, #tpu.memory_space<vmem_shared>>
      tpu.wait_dma2 semaphore(%run_scoped3A : memref<!tpu.dma_semaphore, #tpu.memory_space<semaphore_mem>>) src(%arg21 : memref<640xf32, #tpu.memory_space<vmem>>) dst(%dma_wait3A_91 : memref<640xf32, #tpu.memory_space<vmem_shared>>)
      tpu.yield
    }) : () -> ()
    "tpu.region"() ({
      %run_scoped3A = tpu.sem_alloc : memref<!tpu.dma_semaphore, #tpu.memory_space<semaphore_mem>>
      %dma_start3A_89 = tpu.memref_slice %arg4[%mul3A_2] : memref<10240xf32, #tpu.memory_space<hbm>> -> memref<640xf32, #tpu.memory_space<hbm>>
      %dma_start3A_90 = tpu.memref_slice %arg4[%mul3A_2] : memref<10240xf32, #tpu.memory_space<hbm>> -> memref<640xf32, #tpu.memory_space<hbm>>
      tpu.enqueue_dma source(%dma_start3A_90 : memref<640xf32, #tpu.memory_space<hbm>>) target(%arg21 : memref<640xf32, #tpu.memory_space<vmem>>) target_semaphore(%run_scoped3A : memref<!tpu.dma_semaphore, #tpu.memory_space<semaphore_mem>>)
      %dma_wait3A = tpu.memref_slice %arg4[%mul3A_2] : memref<10240xf32, #tpu.memory_space<hbm>> -> memref<640xf32, #tpu.memory_space<hbm>>
      %dma_wait3A_91 = tpu.memref_slice %arg4[%mul3A_2] : memref<10240xf32, #tpu.memory_space<hbm>> -> memref<640xf32, #tpu.memory_space<hbm>>
      tpu.wait_dma2 semaphore(%run_scoped3A : memref<!tpu.dma_semaphore, #tpu.memory_space<semaphore_mem>>) src(%dma_wait3A_91 : memref<640xf32, #tpu.memory_space<hbm>>) dst(%arg21 : memref<640xf32, #tpu.memory_space<vmem>>)
      tpu.yield
    }) : () -> ()
    "tpu.region"() ({
      %run_scoped3A = tpu.sem_alloc : memref<!tpu.dma_semaphore, #tpu.memory_space<semaphore_mem>>
      %dma_start3A_89 = tpu.memref_slice %arg13[%mul3A_2] : memref<10240xf32, #tpu.memory_space<vmem_shared>> -> memref<640xf32, #tpu.memory_space<vmem_shared>>
      %dma_start3A_90 = tpu.memref_slice %arg13[%mul3A_2] : memref<10240xf32, #tpu.memory_space<vmem_shared>> -> memref<640xf32, #tpu.memory_space<vmem_shared>>
      tpu.enqueue_dma source(%arg21 : memref<640xf32, #tpu.memory_space<vmem>>) target(%dma_start3A_90 : memref<640xf32, #tpu.memory_space<vmem_shared>>) target_semaphore(%run_scoped3A : memref<!tpu.dma_semaphore, #tpu.memory_space<semaphore_mem>>)
      %dma_wait3A = tpu.memref_slice %arg13[%mul3A_2] : memref<10240xf32, #tpu.memory_space<vmem_shared>> -> memref<640xf32, #tpu.memory_space<vmem_shared>>
      %dma_wait3A_91 = tpu.memref_slice %arg13[%mul3A_2] : memref<10240xf32, #tpu.memory_space<vmem_shared>> -> memref<640xf32, #tpu.memory_space<vmem_shared>>
      tpu.wait_dma2 semaphore(%run_scoped3A : memref<!tpu.dma_semaphore, #tpu.memory_space<semaphore_mem>>) src(%arg21 : memref<640xf32, #tpu.memory_space<vmem>>) dst(%dma_wait3A_91 : memref<640xf32, #tpu.memory_space<vmem_shared>>)
      tpu.yield
    }) : () -> ()
    "tpu.region"() ({
      %run_scoped3A = tpu.sem_alloc : memref<!tpu.dma_semaphore, #tpu.memory_space<semaphore_mem>>
      tpu.enqueue_dma source(%arg5 : memref<16xf32, #tpu.memory_space<hbm>>) target(%arg19 : memref<16xf32, #tpu.memory_space<vmem>>) target_semaphore(%run_scoped3A : memref<!tpu.dma_semaphore, #tpu.memory_space<semaphore_mem>>)
      tpu.wait_dma2 semaphore(%run_scoped3A : memref<!tpu.dma_semaphore, #tpu.memory_space<semaphore_mem>>) src(%arg5 : memref<16xf32, #tpu.memory_space<hbm>>) dst(%arg19 : memref<16xf32, #tpu.memory_space<vmem>>)
      tpu.yield
    }) : () -> ()
    %scan3A = arith.constant 0 : i32
    %scan3A_3 = arith.constant 0 : i32
    %scan3A_4 = arith.constant 128 : i32
    %scan3A_5 = arith.addi %scan3A_3, %scan3A_4 : i32
    %scan3A_6 = arith.constant 2 : i32
    scf.for %scan3A_89 = %scan3A_3 to %scan3A_5 step %scan3A_6  : i32 {
      %broadcast_in_dim3A = arith.constant 0.000000e+00 : f32
      %broadcast_in_dim3A_90 = vector.broadcast %broadcast_in_dim3A : f32 to vector<16xf32>
      %swap3A = arith.index_cast %scan3A_89 : i32 to index
      %swap3A_91 = arith.constant 0 : index
      %swap3A_92 = tpu.vector_load %arg22[%swap3A, %swap3A_91] {strides = array<i32>} : memref<128x128xf32, #tpu.memory_space<vmem>>, vector<16xf32>,
      tpu.vector_store %arg22[%swap3A, %swap3A_91], %broadcast_in_dim3A_90 {strides = array<i32>} : memref<128x128xf32, #tpu.memory_space<vmem>>, vector<16xf32>,
      %broadcast_in_dim3A_93 = arith.constant 0.000000e+00 : f32
      %broadcast_in_dim3A_94 = vector.broadcast %broadcast_in_dim3A_93 : f32 to vector<16xf32>
      %swap3A_95 = arith.index_cast %scan3A_89 : i32 to index
      %swap3A_96 = arith.constant 16 : index
      %swap3A_97 = tpu.vector_load %arg22[%swap3A_95, %swap3A_96] {strides = array<i32>} : memref<128x128xf32, #tpu.memory_space<vmem>>, vector<16xf32>,
      tpu.vector_store %arg22[%swap3A_95, %swap3A_96], %broadcast_in_dim3A_94 {strides = array<i32>} : memref<128x128xf32, #tpu.memory_space<vmem>>, vector<16xf32>,
      %broadcast_in_dim3A_98 = arith.constant 0.000000e+00 : f32
      %broadcast_in_dim3A_99 = vector.broadcast %broadcast_in_dim3A_98 : f32 to vector<16xf32>
      %swap3A_100 = arith.index_cast %scan3A_89 : i32 to index
      %swap3A_101 = arith.constant 32 : index
      %swap3A_102 = tpu.vector_load %arg22[%swap3A_100, %swap3A_101] {strides = array<i32>} : memref<128x128xf32, #tpu.memory_space<vmem>>, vector<16xf32>,
      tpu.vector_store %arg22[%swap3A_100, %swap3A_101], %broadcast_in_dim3A_99 {strides = array<i32>} : memref<128x128xf32, #tpu.memory_space<vmem>>, vector<16xf32>,
      %broadcast_in_dim3A_103 = arith.constant 0.000000e+00 : f32
      %broadcast_in_dim3A_104 = vector.broadcast %broadcast_in_dim3A_103 : f32 to vector<16xf32>
      %swap3A_105 = arith.index_cast %scan3A_89 : i32 to index
      %swap3A_106 = arith.constant 48 : index
      %swap3A_107 = tpu.vector_load %arg22[%swap3A_105, %swap3A_106] {strides = array<i32>} : memref<128x128xf32, #tpu.memory_space<vmem>>, vector<16xf32>,
      tpu.vector_store %arg22[%swap3A_105, %swap3A_106], %broadcast_in_dim3A_104 {strides = array<i32>} : memref<128x128xf32, #tpu.memory_space<vmem>>, vector<16xf32>,
      %broadcast_in_dim3A_108 = arith.constant 0.000000e+00 : f32
      %broadcast_in_dim3A_109 = vector.broadcast %broadcast_in_dim3A_108 : f32 to vector<16xf32>
      %swap3A_110 = arith.index_cast %scan3A_89 : i32 to index
      %swap3A_111 = arith.constant 64 : index
      %swap3A_112 = tpu.vector_load %arg22[%swap3A_110, %swap3A_111] {strides = array<i32>} : memref<128x128xf32, #tpu.memory_space<vmem>>, vector<16xf32>,
      tpu.vector_store %arg22[%swap3A_110, %swap3A_111], %broadcast_in_dim3A_109 {strides = array<i32>} : memref<128x128xf32, #tpu.memory_space<vmem>>, vector<16xf32>,
      %broadcast_in_dim3A_113 = arith.constant 0.000000e+00 : f32
      %broadcast_in_dim3A_114 = vector.broadcast %broadcast_in_dim3A_113 : f32 to vector<16xf32>
      %swap3A_115 = arith.index_cast %scan3A_89 : i32 to index
      %swap3A_116 = arith.constant 80 : index
      %swap3A_117 = tpu.vector_load %arg22[%swap3A_115, %swap3A_116] {strides = array<i32>} : memref<128x128xf32, #tpu.memory_space<vmem>>, vector<16xf32>,
      tpu.vector_store %arg22[%swap3A_115, %swap3A_116], %broadcast_in_dim3A_114 {strides = array<i32>} : memref<128x128xf32, #tpu.memory_space<vmem>>, vector<16xf32>,
      %broadcast_in_dim3A_118 = arith.constant 0.000000e+00 : f32
      %broadcast_in_dim3A_119 = vector.broadcast %broadcast_in_dim3A_118 : f32 to vector<16xf32>
      %swap3A_120 = arith.index_cast %scan3A_89 : i32 to index
      %swap3A_121 = arith.constant 96 : index
      %swap3A_122 = tpu.vector_load %arg22[%swap3A_120, %swap3A_121] {strides = array<i32>} : memref<128x128xf32, #tpu.memory_space<vmem>>, vector<16xf32>,
      tpu.vector_store %arg22[%swap3A_120, %swap3A_121], %broadcast_in_dim3A_119 {strides = array<i32>} : memref<128x128xf32, #tpu.memory_space<vmem>>, vector<16xf32>,
      %broadcast_in_dim3A_123 = arith.constant 0.000000e+00 : f32
      %broadcast_in_dim3A_124 = vector.broadcast %broadcast_in_dim3A_123 : f32 to vector<16xf32>
      %swap3A_125 = arith.index_cast %scan3A_89 : i32 to index
      %swap3A_126 = arith.constant 112 : index
      %swap3A_127 = tpu.vector_load %arg22[%swap3A_125, %swap3A_126] {strides = array<i32>} : memref<128x128xf32, #tpu.memory_space<vmem>>, vector<16xf32>,
      tpu.vector_store %arg22[%swap3A_125, %swap3A_126], %broadcast_in_dim3A_124 {strides = array<i32>} : memref<128x128xf32, #tpu.memory_space<vmem>>, vector<16xf32>,
      %scan3A_128 = arith.constant 1 : i32
      %scan3A_129 = arith.addi %scan3A_89, %scan3A_128 : i32
      %broadcast_in_dim3A_130 = arith.constant 0.000000e+00 : f32
      %broadcast_in_dim3A_131 = vector.broadcast %broadcast_in_dim3A_130 : f32 to vector<16xf32>
      %swap3A_132 = arith.index_cast %scan3A_129 : i32 to index
      %swap3A_133 = arith.constant 0 : index
      %swap3A_134 = tpu.vector_load %arg22[%swap3A_132, %swap3A_133] {strides = array<i32>} : memref<128x128xf32, #tpu.memory_space<vmem>>, vector<16xf32>,
      tpu.vector_store %arg22[%swap3A_132, %swap3A_133], %broadcast_in_dim3A_131 {strides = array<i32>} : memref<128x128xf32, #tpu.memory_space<vmem>>, vector<16xf32>,
      %broadcast_in_dim3A_135 = arith.constant 0.000000e+00 : f32
      %broadcast_in_dim3A_136 = vector.broadcast %broadcast_in_dim3A_135 : f32 to vector<16xf32>
      %swap3A_137 = arith.index_cast %scan3A_129 : i32 to index
      %swap3A_138 = arith.constant 16 : index
      %swap3A_139 = tpu.vector_load %arg22[%swap3A_137, %swap3A_138] {strides = array<i32>} : memref<128x128xf32, #tpu.memory_space<vmem>>, vector<16xf32>,
      tpu.vector_store %arg22[%swap3A_137, %swap3A_138], %broadcast_in_dim3A_136 {strides = array<i32>} : memref<128x128xf32, #tpu.memory_space<vmem>>, vector<16xf32>,
      %broadcast_in_dim3A_140 = arith.constant 0.000000e+00 : f32
      %broadcast_in_dim3A_141 = vector.broadcast %broadcast_in_dim3A_140 : f32 to vector<16xf32>
      %swap3A_142 = arith.index_cast %scan3A_129 : i32 to index
      %swap3A_143 = arith.constant 32 : index
      %swap3A_144 = tpu.vector_load %arg22[%swap3A_142, %swap3A_143] {strides = array<i32>} : memref<128x128xf32, #tpu.memory_space<vmem>>, vector<16xf32>,
      tpu.vector_store %arg22[%swap3A_142, %swap3A_143], %broadcast_in_dim3A_141 {strides = array<i32>} : memref<128x128xf32, #tpu.memory_space<vmem>>, vector<16xf32>,
      %broadcast_in_dim3A_145 = arith.constant 0.000000e+00 : f32
      %broadcast_in_dim3A_146 = vector.broadcast %broadcast_in_dim3A_145 : f32 to vector<16xf32>
      %swap3A_147 = arith.index_cast %scan3A_129 : i32 to index
      %swap3A_148 = arith.constant 48 : index
      %swap3A_149 = tpu.vector_load %arg22[%swap3A_147, %swap3A_148] {strides = array<i32>} : memref<128x128xf32, #tpu.memory_space<vmem>>, vector<16xf32>,
      tpu.vector_store %arg22[%swap3A_147, %swap3A_148], %broadcast_in_dim3A_146 {strides = array<i32>} : memref<128x128xf32, #tpu.memory_space<vmem>>, vector<16xf32>,
      %broadcast_in_dim3A_150 = arith.constant 0.000000e+00 : f32
      %broadcast_in_dim3A_151 = vector.broadcast %broadcast_in_dim3A_150 : f32 to vector<16xf32>
      %swap3A_152 = arith.index_cast %scan3A_129 : i32 to index
      %swap3A_153 = arith.constant 64 : index
      %swap3A_154 = tpu.vector_load %arg22[%swap3A_152, %swap3A_153] {strides = array<i32>} : memref<128x128xf32, #tpu.memory_space<vmem>>, vector<16xf32>,
      tpu.vector_store %arg22[%swap3A_152, %swap3A_153], %broadcast_in_dim3A_151 {strides = array<i32>} : memref<128x128xf32, #tpu.memory_space<vmem>>, vector<16xf32>,
      %broadcast_in_dim3A_155 = arith.constant 0.000000e+00 : f32
      %broadcast_in_dim3A_156 = vector.broadcast %broadcast_in_dim3A_155 : f32 to vector<16xf32>
      %swap3A_157 = arith.index_cast %scan3A_129 : i32 to index
      %swap3A_158 = arith.constant 80 : index
      %swap3A_159 = tpu.vector_load %arg22[%swap3A_157, %swap3A_158] {strides = array<i32>} : memref<128x128xf32, #tpu.memory_space<vmem>>, vector<16xf32>,
      tpu.vector_store %arg22[%swap3A_157, %swap3A_158], %broadcast_in_dim3A_156 {strides = array<i32>} : memref<128x128xf32, #tpu.memory_space<vmem>>, vector<16xf32>,
      %broadcast_in_dim3A_160 = arith.constant 0.000000e+00 : f32
      %broadcast_in_dim3A_161 = vector.broadcast %broadcast_in_dim3A_160 : f32 to vector<16xf32>
      %swap3A_162 = arith.index_cast %scan3A_129 : i32 to index
      %swap3A_163 = arith.constant 96 : index
      %swap3A_164 = tpu.vector_load %arg22[%swap3A_162, %swap3A_163] {strides = array<i32>} : memref<128x128xf32, #tpu.memory_space<vmem>>, vector<16xf32>,
      tpu.vector_store %arg22[%swap3A_162, %swap3A_163], %broadcast_in_dim3A_161 {strides = array<i32>} : memref<128x128xf32, #tpu.memory_space<vmem>>, vector<16xf32>,
      %broadcast_in_dim3A_165 = arith.constant 0.000000e+00 : f32
      %broadcast_in_dim3A_166 = vector.broadcast %broadcast_in_dim3A_165 : f32 to vector<16xf32>
      %swap3A_167 = arith.index_cast %scan3A_129 : i32 to index
      %swap3A_168 = arith.constant 112 : index
      %swap3A_169 = tpu.vector_load %arg22[%swap3A_167, %swap3A_168] {strides = array<i32>} : memref<128x128xf32, #tpu.memory_space<vmem>>, vector<16xf32>,
      tpu.vector_store %arg22[%swap3A_167, %swap3A_168], %broadcast_in_dim3A_166 {strides = array<i32>} : memref<128x128xf32, #tpu.memory_space<vmem>>, vector<16xf32>,
    }
    %scan3A_7 = arith.constant 128 : i32
    %scan3A_8 = arith.constant 0 : i32
    %scan3A_9 = arith.constant 0 : i32
    %scan3A_10 = arith.constant 40 : i32
    %scan3A_11 = arith.addi %scan3A_9, %scan3A_10 : i32
    %scan3A_12 = arith.constant 4 : i32
    scf.for %scan3A_89 = %scan3A_9 to %scan3A_11 step %scan3A_12  : i32 {
      %broadcast_in_dim3A = arith.constant 0.000000e+00 : f32
      %broadcast_in_dim3A_90 = vector.broadcast %broadcast_in_dim3A : f32 to vector<16xf32>
      %mul3A_91 = arith.constant 16 : i32
      %mul3A_92 = arith.muli %scan3A_89, %mul3A_91 : i32
      %swap3A = arith.index_cast %mul3A_92 : i32 to index
      %swap3A_93 = tpu.vector_load %arg21[%swap3A] {strides = array<i32>} : memref<640xf32, #tpu.memory_space<vmem>>, vector<16xf32>,
      tpu.vector_store %arg21[%swap3A], %broadcast_in_dim3A_90 {strides = array<i32>} : memref<640xf32, #tpu.memory_space<vmem>>, vector<16xf32>,
      %scan3A_94 = arith.constant 1 : i32
      %scan3A_95 = arith.addi %scan3A_89, %scan3A_94 : i32
      %broadcast_in_dim3A_96 = arith.constant 0.000000e+00 : f32
      %broadcast_in_dim3A_97 = vector.broadcast %broadcast_in_dim3A_96 : f32 to vector<16xf32>
      %mul3A_98 = arith.constant 16 : i32
      %mul3A_99 = arith.muli %scan3A_95, %mul3A_98 : i32
      %swap3A_100 = arith.index_cast %mul3A_99 : i32 to index
      %swap3A_101 = tpu.vector_load %arg21[%swap3A_100] {strides = array<i32>} : memref<640xf32, #tpu.memory_space<vmem>>, vector<16xf32>,
      tpu.vector_store %arg21[%swap3A_100], %broadcast_in_dim3A_97 {strides = array<i32>} : memref<640xf32, #tpu.memory_space<vmem>>, vector<16xf32>,
      %scan3A_102 = arith.constant 2 : i32
      %scan3A_103 = arith.addi %scan3A_89, %scan3A_102 : i32
      %broadcast_in_dim3A_104 = arith.constant 0.000000e+00 : f32
      %broadcast_in_dim3A_105 = vector.broadcast %broadcast_in_dim3A_104 : f32 to vector<16xf32>
      %mul3A_106 = arith.constant 16 : i32
      %mul3A_107 = arith.muli %scan3A_103, %mul3A_106 : i32
      %swap3A_108 = arith.index_cast %mul3A_107 : i32 to index
      %swap3A_109 = tpu.vector_load %arg21[%swap3A_108] {strides = array<i32>} : memref<640xf32, #tpu.memory_space<vmem>>, vector<16xf32>,
      tpu.vector_store %arg21[%swap3A_108], %broadcast_in_dim3A_105 {strides = array<i32>} : memref<640xf32, #tpu.memory_space<vmem>>, vector<16xf32>,
      %scan3A_110 = arith.constant 3 : i32
      %scan3A_111 = arith.addi %scan3A_89, %scan3A_110 : i32
      %broadcast_in_dim3A_112 = arith.constant 0.000000e+00 : f32
      %broadcast_in_dim3A_113 = vector.broadcast %broadcast_in_dim3A_112 : f32 to vector<16xf32>
      %mul3A_114 = arith.constant 16 : i32
      %mul3A_115 = arith.muli %scan3A_111, %mul3A_114 : i32
      %swap3A_116 = arith.index_cast %mul3A_115 : i32 to index
      %swap3A_117 = tpu.vector_load %arg21[%swap3A_116] {strides = array<i32>} : memref<640xf32, #tpu.memory_space<vmem>>, vector<16xf32>,
      tpu.vector_store %arg21[%swap3A_116], %broadcast_in_dim3A_113 {strides = array<i32>} : memref<640xf32, #tpu.memory_space<vmem>>, vector<16xf32>,
    }
    %scan3A_13 = arith.constant 40 : i32
    %mul3A_14 = arith.constant 640 : i32
    %mul3A_15 = arith.muli %arg1, %mul3A_14 : i32
    %add3A_16 = arith.constant 0 : i32
    %add3A_17 = arith.addi %mul3A_15, %add3A_16 : i32
    "tpu.region"() ({
      %run_scoped3A = tpu.sem_alloc : memref<!tpu.dma_semaphore, #tpu.memory_space<semaphore_mem>>
      %dma_start3A_89 = arith.constant 0 : i32
      %dma_start3A_90 = tpu.memref_slice %arg10[%add3A_17, %dma_start3A_89] : memref<10240x128xf32, #tpu.memory_space<vmem_shared>> -> memref<128x128xf32, #tpu.memory_space<vmem_shared>>
      %dma_start3A_91 = arith.constant 0 : i32
      %dma_start3A_92 = tpu.memref_slice %arg10[%add3A_17, %dma_start3A_91] : memref<10240x128xf32, #tpu.memory_space<vmem_shared>> -> memref<128x128xf32, #tpu.memory_space<vmem_shared>>
      tpu.enqueue_dma source(%arg22 : memref<128x128xf32, #tpu.memory_space<vmem>>) target(%dma_start3A_92 : memref<128x128xf32, #tpu.memory_space<vmem_shared>>) target_semaphore(%run_scoped3A : memref<!tpu.dma_semaphore, #tpu.memory_space<semaphore_mem>>)
      %dma_wait3A = arith.constant 0 : i32
      %dma_wait3A_93 = tpu.memref_slice %arg10[%add3A_17, %dma_wait3A] : memref<10240x128xf32, #tpu.memory_space<vmem_shared>> -> memref<128x128xf32, #tpu.memory_space<vmem_shared>>
      %dma_wait3A_94 = arith.constant 0 : i32
      %dma_wait3A_95 = tpu.memref_slice %arg10[%add3A_17, %dma_wait3A_94] : memref<10240x128xf32, #tpu.memory_space<vmem_shared>> -> memref<128x128xf32, #tpu.memory_space<vmem_shared>>
      tpu.wait_dma2 semaphore(%run_scoped3A : memref<!tpu.dma_semaphore, #tpu.memory_space<semaphore_mem>>) src(%arg22 : memref<128x128xf32, #tpu.memory_space<vmem>>) dst(%dma_wait3A_95 : memref<128x128xf32, #tpu.memory_space<vmem_shared>>)
      tpu.yield
    }) : () -> ()
    %mul3A_18 = arith.constant 640 : i32
    %mul3A_19 = arith.muli %arg1, %mul3A_18 : i32
    %add3A_20 = arith.constant 128 : i32
    %add3A_21 = arith.addi %mul3A_19, %add3A_20 : i32
    "tpu.region"() ({
      %run_scoped3A = tpu.sem_alloc : memref<!tpu.dma_semaphore, #tpu.memory_space<semaphore_mem>>
      %dma_start3A_89 = arith.constant 0 : i32
      %dma_start3A_90 = tpu.memref_slice %arg10[%add3A_21, %dma_start3A_89] : memref<10240x128xf32, #tpu.memory_space<vmem_shared>> -> memref<128x128xf32, #tpu.memory_space<vmem_shared>>
      %dma_start3A_91 = arith.constant 0 : i32
      %dma_start3A_92 = tpu.memref_slice %arg10[%add3A_21, %dma_start3A_91] : memref<10240x128xf32, #tpu.memory_space<vmem_shared>> -> memref<128x128xf32, #tpu.memory_space<vmem_shared>>
      tpu.enqueue_dma source(%arg22 : memref<128x128xf32, #tpu.memory_space<vmem>>) target(%dma_start3A_92 : memref<128x128xf32, #tpu.memory_space<vmem_shared>>) target_semaphore(%run_scoped3A : memref<!tpu.dma_semaphore, #tpu.memory_space<semaphore_mem>>)
      %dma_wait3A = arith.constant 0 : i32
      %dma_wait3A_93 = tpu.memref_slice %arg10[%add3A_21, %dma_wait3A] : memref<10240x128xf32, #tpu.memory_space<vmem_shared>> -> memref<128x128xf32, #tpu.memory_space<vmem_shared>>
      %dma_wait3A_94 = arith.constant 0 : i32
      %dma_wait3A_95 = tpu.memref_slice %arg10[%add3A_21, %dma_wait3A_94] : memref<10240x128xf32, #tpu.memory_space<vmem_shared>> -> memref<128x128xf32, #tpu.memory_space<vmem_shared>>
      tpu.wait_dma2 semaphore(%run_scoped3A : memref<!tpu.dma_semaphore, #tpu.memory_space<semaphore_mem>>) src(%arg22 : memref<128x128xf32, #tpu.memory_space<vmem>>) dst(%dma_wait3A_95 : memref<128x128xf32, #tpu.memory_space<vmem_shared>>)
      tpu.yield
    }) : () -> ()
    %mul3A_22 = arith.constant 640 : i32
    %mul3A_23 = arith.muli %arg1, %mul3A_22 : i32
    %add3A_24 = arith.constant 256 : i32
    %add3A_25 = arith.addi %mul3A_23, %add3A_24 : i32
    "tpu.region"() ({
      %run_scoped3A = tpu.sem_alloc : memref<!tpu.dma_semaphore, #tpu.memory_space<semaphore_mem>>
      %dma_start3A_89 = arith.constant 0 : i32
      %dma_start3A_90 = tpu.memref_slice %arg10[%add3A_25, %dma_start3A_89] : memref<10240x128xf32, #tpu.memory_space<vmem_shared>> -> memref<128x128xf32, #tpu.memory_space<vmem_shared>>
      %dma_start3A_91 = arith.constant 0 : i32
      %dma_start3A_92 = tpu.memref_slice %arg10[%add3A_25, %dma_start3A_91] : memref<10240x128xf32, #tpu.memory_space<vmem_shared>> -> memref<128x128xf32, #tpu.memory_space<vmem_shared>>
      tpu.enqueue_dma source(%arg22 : memref<128x128xf32, #tpu.memory_space<vmem>>) target(%dma_start3A_92 : memref<128x128xf32, #tpu.memory_space<vmem_shared>>) target_semaphore(%run_scoped3A : memref<!tpu.dma_semaphore, #tpu.memory_space<semaphore_mem>>)
      %dma_wait3A = arith.constant 0 : i32
      %dma_wait3A_93 = tpu.memref_slice %arg10[%add3A_25, %dma_wait3A] : memref<10240x128xf32, #tpu.memory_space<vmem_shared>> -> memref<128x128xf32, #tpu.memory_space<vmem_shared>>
      %dma_wait3A_94 = arith.constant 0 : i32
      %dma_wait3A_95 = tpu.memref_slice %arg10[%add3A_25, %dma_wait3A_94] : memref<10240x128xf32, #tpu.memory_space<vmem_shared>> -> memref<128x128xf32, #tpu.memory_space<vmem_shared>>
      tpu.wait_dma2 semaphore(%run_scoped3A : memref<!tpu.dma_semaphore, #tpu.memory_space<semaphore_mem>>) src(%arg22 : memref<128x128xf32, #tpu.memory_space<vmem>>) dst(%dma_wait3A_95 : memref<128x128xf32, #tpu.memory_space<vmem_shared>>)
      tpu.yield
    }) : () -> ()
    %mul3A_26 = arith.constant 640 : i32
    %mul3A_27 = arith.muli %arg1, %mul3A_26 : i32
    %add3A_28 = arith.constant 384 : i32
    %add3A_29 = arith.addi %mul3A_27, %add3A_28 : i32
    "tpu.region"() ({
      %run_scoped3A = tpu.sem_alloc : memref<!tpu.dma_semaphore, #tpu.memory_space<semaphore_mem>>
      %dma_start3A_89 = arith.constant 0 : i32
      %dma_start3A_90 = tpu.memref_slice %arg10[%add3A_29, %dma_start3A_89] : memref<10240x128xf32, #tpu.memory_space<vmem_shared>> -> memref<128x128xf32, #tpu.memory_space<vmem_shared>>
      %dma_start3A_91 = arith.constant 0 : i32
      %dma_start3A_92 = tpu.memref_slice %arg10[%add3A_29, %dma_start3A_91] : memref<10240x128xf32, #tpu.memory_space<vmem_shared>> -> memref<128x128xf32, #tpu.memory_space<vmem_shared>>
      tpu.enqueue_dma source(%arg22 : memref<128x128xf32, #tpu.memory_space<vmem>>) target(%dma_start3A_92 : memref<128x128xf32, #tpu.memory_space<vmem_shared>>) target_semaphore(%run_scoped3A : memref<!tpu.dma_semaphore, #tpu.memory_space<semaphore_mem>>)
      %dma_wait3A = arith.constant 0 : i32
      %dma_wait3A_93 = tpu.memref_slice %arg10[%add3A_29, %dma_wait3A] : memref<10240x128xf32, #tpu.memory_space<vmem_shared>> -> memref<128x128xf32, #tpu.memory_space<vmem_shared>>
      %dma_wait3A_94 = arith.constant 0 : i32
      %dma_wait3A_95 = tpu.memref_slice %arg10[%add3A_29, %dma_wait3A_94] : memref<10240x128xf32, #tpu.memory_space<vmem_shared>> -> memref<128x128xf32, #tpu.memory_space<vmem_shared>>
      tpu.wait_dma2 semaphore(%run_scoped3A : memref<!tpu.dma_semaphore, #tpu.memory_space<semaphore_mem>>) src(%arg22 : memref<128x128xf32, #tpu.memory_space<vmem>>) dst(%dma_wait3A_95 : memref<128x128xf32, #tpu.memory_space<vmem_shared>>)
      tpu.yield
    }) : () -> ()
    %mul3A_30 = arith.constant 640 : i32
    %mul3A_31 = arith.muli %arg1, %mul3A_30 : i32
    %add3A_32 = arith.constant 512 : i32
    %add3A_33 = arith.addi %mul3A_31, %add3A_32 : i32
    "tpu.region"() ({
      %run_scoped3A = tpu.sem_alloc : memref<!tpu.dma_semaphore, #tpu.memory_space<semaphore_mem>>
      %dma_start3A_89 = arith.constant 0 : i32
      %dma_start3A_90 = tpu.memref_slice %arg10[%add3A_33, %dma_start3A_89] : memref<10240x128xf32, #tpu.memory_space<vmem_shared>> -> memref<128x128xf32, #tpu.memory_space<vmem_shared>>
      %dma_start3A_91 = arith.constant 0 : i32
      %dma_start3A_92 = tpu.memref_slice %arg10[%add3A_33, %dma_start3A_91] : memref<10240x128xf32, #tpu.memory_space<vmem_shared>> -> memref<128x128xf32, #tpu.memory_space<vmem_shared>>
      tpu.enqueue_dma source(%arg22 : memref<128x128xf32, #tpu.memory_space<vmem>>) target(%dma_start3A_92 : memref<128x128xf32, #tpu.memory_space<vmem_shared>>) target_semaphore(%run_scoped3A : memref<!tpu.dma_semaphore, #tpu.memory_space<semaphore_mem>>)
      %dma_wait3A = arith.constant 0 : i32
      %dma_wait3A_93 = tpu.memref_slice %arg10[%add3A_33, %dma_wait3A] : memref<10240x128xf32, #tpu.memory_space<vmem_shared>> -> memref<128x128xf32, #tpu.memory_space<vmem_shared>>
      %dma_wait3A_94 = arith.constant 0 : i32
      %dma_wait3A_95 = tpu.memref_slice %arg10[%add3A_33, %dma_wait3A_94] : memref<10240x128xf32, #tpu.memory_space<vmem_shared>> -> memref<128x128xf32, #tpu.memory_space<vmem_shared>>
      tpu.wait_dma2 semaphore(%run_scoped3A : memref<!tpu.dma_semaphore, #tpu.memory_space<semaphore_mem>>) src(%arg22 : memref<128x128xf32, #tpu.memory_space<vmem>>) dst(%dma_wait3A_95 : memref<128x128xf32, #tpu.memory_space<vmem_shared>>)
      tpu.yield
    }) : () -> ()
    "tpu.region"() ({
      %run_scoped3A = tpu.sem_alloc : memref<!tpu.dma_semaphore, #tpu.memory_space<semaphore_mem>>
      %dma_start3A_89 = tpu.memref_slice %arg11[%mul3A_2] : memref<10240xf32, #tpu.memory_space<vmem_shared>> -> memref<640xf32, #tpu.memory_space<vmem_shared>>
      %dma_start3A_90 = tpu.memref_slice %arg11[%mul3A_2] : memref<10240xf32, #tpu.memory_space<vmem_shared>> -> memref<640xf32, #tpu.memory_space<vmem_shared>>
      tpu.enqueue_dma source(%arg21 : memref<640xf32, #tpu.memory_space<vmem>>) target(%dma_start3A_90 : memref<640xf32, #tpu.memory_space<vmem_shared>>) target_semaphore(%run_scoped3A : memref<!tpu.dma_semaphore, #tpu.memory_space<semaphore_mem>>)
      %dma_wait3A = tpu.memref_slice %arg11[%mul3A_2] : memref<10240xf32, #tpu.memory_space<vmem_shared>> -> memref<640xf32, #tpu.memory_space<vmem_shared>>
      %dma_wait3A_91 = tpu.memref_slice %arg11[%mul3A_2] : memref<10240xf32, #tpu.memory_space<vmem_shared>> -> memref<640xf32, #tpu.memory_space<vmem_shared>>
      tpu.wait_dma2 semaphore(%run_scoped3A : memref<!tpu.dma_semaphore, #tpu.memory_space<semaphore_mem>>) src(%arg21 : memref<640xf32, #tpu.memory_space<vmem>>) dst(%dma_wait3A_91 : memref<640xf32, #tpu.memory_space<vmem_shared>>)
      tpu.yield
    }) : () -> ()
    %barrier3A = arith.constant 0 : index
    tpu.barrier barrier_id(%barrier3A)
    %get3A = arith.constant 0 : index
    %get3A_34 = tpu.vector_load %arg19[%get3A] {strides = array<i32>} : memref<16xf32, #tpu.memory_space<vmem>>, vector<16xf32>,
    %dma_start3A = arith.constant 0 : i32
    %dma_start3A_35 = arith.constant 0 : i32
    %dma_start3A_36 = tpu.memref_slice %arg7[%add3A, %dma_start3A, %dma_start3A_35] : memref<32x82x128xi32, #tpu.memory_space<hbm>> -> memref<1x1x128xi32, #tpu.memory_space<hbm>>
    %dma_start3A_37 = tpu.memref_squeeze %dma_start3A_36 : memref<1x1x128xi32, #tpu.memory_space<hbm>> -> memref<128xi32, #tpu.memory_space<hbm>>
    %dma_start3A_38 = arith.constant 0 : i32
    %dma_start3A_39 = tpu.memref_slice %arg7[%add3A, %dma_start3A, %dma_start3A_38] : memref<32x82x128xi32, #tpu.memory_space<hbm>> -> memref<1x1x128xi32, #tpu.memory_space<hbm>>
    %dma_start3A_40 = tpu.memref_squeeze %dma_start3A_39 : memref<1x1x128xi32, #tpu.memory_space<hbm>> -> memref<128xi32, #tpu.memory_space<hbm>>
    tpu.enqueue_dma source(%dma_start3A_40 : memref<128xi32, #tpu.memory_space<hbm>>) target(%arg15 : memref<128xi32, #tpu.memory_space<vmem>>) target_semaphore(%arg24 : memref<!tpu.dma_semaphore, #tpu.memory_space<semaphore_mem>>)
    %dma_start3A_41 = arith.constant 1 : i32
    %dma_start3A_42 = arith.constant 0 : i32
    %dma_start3A_43 = tpu.memref_slice %arg7[%add3A, %dma_start3A_41, %dma_start3A_42] : memref<32x82x128xi32, #tpu.memory_space<hbm>> -> memref<1x1x128xi32, #tpu.memory_space<hbm>>
    %dma_start3A_44 = tpu.memref_squeeze %dma_start3A_43 : memref<1x1x128xi32, #tpu.memory_space<hbm>> -> memref<128xi32, #tpu.memory_space<hbm>>
    %dma_start3A_45 = arith.constant 0 : i32
    %dma_start3A_46 = tpu.memref_slice %arg7[%add3A, %dma_start3A_41, %dma_start3A_45] : memref<32x82x128xi32, #tpu.memory_space<hbm>> -> memref<1x1x128xi32, #tpu.memory_space<hbm>>
    %dma_start3A_47 = tpu.memref_squeeze %dma_start3A_46 : memref<1x1x128xi32, #tpu.memory_space<hbm>> -> memref<128xi32, #tpu.memory_space<hbm>>
    tpu.enqueue_dma source(%dma_start3A_47 : memref<128xi32, #tpu.memory_space<hbm>>) target(%arg16 : memref<128xi32, #tpu.memory_space<vmem>>) target_semaphore(%arg25 : memref<!tpu.dma_semaphore, #tpu.memory_space<semaphore_mem>>)
    %dma_start3A_48 = arith.constant 0 : i32
    %dma_start3A_49 = arith.constant 0 : i32
    %dma_start3A_50 = tpu.memref_slice %arg14[%dma_start3A_48, %dma_start3A_49] : memref<82x128xi32, #tpu.memory_space<vmem>> -> memref<1x128xi32, #tpu.memory_space<vmem>>
    %dma_start3A_51 = tpu.memref_squeeze %dma_start3A_50 : memref<1x128xi32, #tpu.memory_space<vmem>> -> memref<128xi32, #tpu.memory_space<vmem>>
    %dma_start3A_52 = arith.constant 0 : i32
    %dma_start3A_53 = arith.constant 0 : i32
    %dma_start3A_54 = tpu.memref_slice %arg2[%dma_start3A_52, %dma_start3A_53] : memref<10240x128xf32, #tpu.memory_space<hbm>> -> memref<10240x128xf32, #tpu.memory_space<hbm>>
    tpu.enqueue_indirect_dma source(%dma_start3A_54 : memref<10240x128xf32, #tpu.memory_space<hbm>>) target(%arg22 : memref<128x128xf32, #tpu.memory_space<vmem>>) offsets(%dma_start3A_51 : memref<128xi32, #tpu.memory_space<vmem>>) semaphore(%arg26 : memref<!tpu.dma_semaphore, #tpu.memory_space<semaphore_mem>>)
    %dma_start3A_55 = arith.constant 1 : i32
    %dma_start3A_56 = arith.constant 0 : i32
    %dma_start3A_57 = tpu.memref_slice %arg14[%dma_start3A_55, %dma_start3A_56] : memref<82x128xi32, #tpu.memory_space<vmem>> -> memref<1x128xi32, #tpu.memory_space<vmem>>
    %dma_start3A_58 = tpu.memref_squeeze %dma_start3A_57 : memref<1x128xi32, #tpu.memory_space<vmem>> -> memref<128xi32, #tpu.memory_space<vmem>>
    %dma_start3A_59 = arith.constant 0 : i32
    %dma_start3A_60 = arith.constant 0 : i32
    %dma_start3A_61 = tpu.memref_slice %arg2[%dma_start3A_59, %dma_start3A_60] : memref<10240x128xf32, #tpu.memory_space<hbm>> -> memref<10240x128xf32, #tpu.memory_space<hbm>>
    tpu.enqueue_indirect_dma source(%dma_start3A_61 : memref<10240x128xf32, #tpu.memory_space<hbm>>) target(%arg23 : memref<128x128xf32, #tpu.memory_space<vmem>>) offsets(%dma_start3A_58 : memref<128xi32, #tpu.memory_space<vmem>>) semaphore(%arg27 : memref<!tpu.dma_semaphore, #tpu.memory_space<semaphore_mem>>)
    %scan3A_62 = arith.constant 0 : i32
    %scan3A_63 = arith.constant 0 : i32
    %scan3A_64 = arith.constant 41 : i32
    %scan3A_65 = arith.addi %scan3A_63, %scan3A_64 : i32
    %scan3A_66 = arith.constant 1 : i32
    scf.for %scan3A_89 = %scan3A_63 to %scan3A_65 step %scan3A_66  : i32 {
      %mul3A_90 = arith.constant 2 : i32
      %mul3A_91 = arith.muli %mul3A_90, %scan3A_89 : i32
      %dma_wait3A = arith.constant 0 : i32
      %dma_wait3A_92 = tpu.memref_slice %arg7[%add3A, %mul3A_91, %dma_wait3A] : memref<32x82x128xi32, #tpu.memory_space<hbm>> -> memref<1x1x128xi32, #tpu.memory_space<hbm>>
      %dma_wait3A_93 = tpu.memref_squeeze %dma_wait3A_92 : memref<1x1x128xi32, #tpu.memory_space<hbm>> -> memref<128xi32, #tpu.memory_space<hbm>>
      %dma_wait3A_94 = arith.constant 0 : i32
      %dma_wait3A_95 = tpu.memref_slice %arg7[%add3A, %mul3A_91, %dma_wait3A_94] : memref<32x82x128xi32, #tpu.memory_space<hbm>> -> memref<1x1x128xi32, #tpu.memory_space<hbm>>
      %dma_wait3A_96 = tpu.memref_squeeze %dma_wait3A_95 : memref<1x1x128xi32, #tpu.memory_space<hbm>> -> memref<128xi32, #tpu.memory_space<hbm>>
      tpu.wait_dma2 semaphore(%arg24 : memref<!tpu.dma_semaphore, #tpu.memory_space<semaphore_mem>>) src(%dma_wait3A_96 : memref<128xi32, #tpu.memory_space<hbm>>) dst(%arg15 : memref<128xi32, #tpu.memory_space<vmem>>)
      %dma_start3A_97 = arith.constant 0 : i32
      %dma_start3A_98 = tpu.memref_slice %arg14[%mul3A_91, %dma_start3A_97] : memref<82x128xi32, #tpu.memory_space<vmem>> -> memref<1x128xi32, #tpu.memory_space<vmem>>
      %dma_start3A_99 = tpu.memref_squeeze %dma_start3A_98 : memref<1x128xi32, #tpu.memory_space<vmem>> -> memref<128xi32, #tpu.memory_space<vmem>>
      %dma_start3A_100 = arith.constant 0 : i32
      %dma_start3A_101 = tpu.memref_slice %arg12[%dma_start3A_100] : memref<10240xf32, #tpu.memory_space<vmem_shared>> -> memref<10240xf32, #tpu.memory_space<vmem_shared>>
      tpu.enqueue_indirect_dma source(%dma_start3A_101 : memref<10240xf32, #tpu.memory_space<vmem_shared>>) target(%arg17 : memref<128xf32, #tpu.memory_space<vmem>>) offsets(%dma_start3A_99 : memref<128xi32, #tpu.memory_space<vmem>>) semaphore(%arg28 : memref<!tpu.dma_semaphore, #tpu.memory_space<semaphore_mem>>)
      %dma_start3A_102 = arith.constant 0 : i32
      %dma_start3A_103 = tpu.memref_slice %arg13[%dma_start3A_102] : memref<10240xf32, #tpu.memory_space<vmem_shared>> -> memref<10240xf32, #tpu.memory_space<vmem_shared>>
      tpu.enqueue_indirect_dma source(%dma_start3A_103 : memref<10240xf32, #tpu.memory_space<vmem_shared>>) target(%arg18 : memref<128xf32, #tpu.memory_space<vmem>>) offsets(%arg15 : memref<128xi32, #tpu.memory_space<vmem>>) semaphore(%arg28 : memref<!tpu.dma_semaphore, #tpu.memory_space<semaphore_mem>>)
      %dma_wait3A_104 = arith.constant 0 : i32
      %dma_wait3A_105 = tpu.memref_slice %arg14[%mul3A_91, %dma_wait3A_104] : memref<82x128xi32, #tpu.memory_space<vmem>> -> memref<1x128xi32, #tpu.memory_space<vmem>>
      %dma_wait3A_106 = tpu.memref_squeeze %dma_wait3A_105 : memref<1x128xi32, #tpu.memory_space<vmem>> -> memref<128xi32, #tpu.memory_space<vmem>>
      %dma_wait3A_107 = arith.constant 0 : i32
      %dma_wait3A_108 = tpu.memref_slice %arg12[%dma_wait3A_107] : memref<10240xf32, #tpu.memory_space<vmem_shared>> -> memref<10240xf32, #tpu.memory_space<vmem_shared>>
      tpu.wait_indirect_dma semaphore(%arg28 : memref<!tpu.dma_semaphore, #tpu.memory_space<semaphore_mem>>) src(%dma_wait3A_108 : memref<10240xf32, #tpu.memory_space<vmem_shared>>) dst(%arg17 : memref<128xf32, #tpu.memory_space<vmem>>)
      %dma_wait3A_109 = arith.constant 0 : i32
      %dma_wait3A_110 = tpu.memref_slice %arg13[%dma_wait3A_109] : memref<10240xf32, #tpu.memory_space<vmem_shared>> -> memref<10240xf32, #tpu.memory_space<vmem_shared>>
      tpu.wait_indirect_dma semaphore(%arg28 : memref<!tpu.dma_semaphore, #tpu.memory_space<semaphore_mem>>) src(%dma_wait3A_110 : memref<10240xf32, #tpu.memory_space<vmem_shared>>) dst(%arg18 : memref<128xf32, #tpu.memory_space<vmem>>)
      %get3A_111 = arith.constant 0 : index
      %get3A_112 = tpu.vector_load %arg17[%get3A_111] {strides = array<i32>} : memref<128xf32, #tpu.memory_space<vmem>>, vector<16xf32>,
      %get3A_113 = arith.constant 0 : index
      %get3A_114 = tpu.vector_load %arg18[%get3A_113] {strides = array<i32>} : memref<128xf32, #tpu.memory_space<vmem>>, vector<16xf32>,
      %add3A_115 = arith.addf %get3A_112, %get3A_114 : vector<16xf32>
      %mul3A_116 = arith.constant 2.000000e-01 : f32
      %mul3A_117 = vector.broadcast %mul3A_116 : f32 to vector<16xf32>
      %mul3A_118 = arith.mulf %mul3A_117, %add3A_115 : vector<16xf32>
      %max3A = arith.maximumf %add3A_115, %mul3A_118 : vector<16xf32>
      %add3A_119 = arith.addf %get3A_34, %get3A_114 : vector<16xf32>
      %mul3A_120 = arith.constant 2.000000e-01 : f32
      %mul3A_121 = vector.broadcast %mul3A_120 : f32 to vector<16xf32>
      %mul3A_122 = arith.mulf %mul3A_121, %add3A_119 : vector<16xf32>
      %max3A_123 = arith.maximumf %add3A_119, %mul3A_122 : vector<16xf32>
      %sub3A = arith.subf %max3A, %max3A_123 : vector<16xf32>
      %exp3A = math.exp %sub3A : vector<16xf32>
      %swap3A = arith.constant 0 : index
      %swap3A_124 = tpu.vector_load %arg20[%swap3A] {strides = array<i32>} : memref<128xf32, #tpu.memory_space<vmem>>, vector<16xf32>,
      tpu.vector_store %arg20[%swap3A], %exp3A {strides = array<i32>} : memref<128xf32, #tpu.memory_space<vmem>>, vector<16xf32>,
      %get3A_125 = arith.constant 16 : index
      %get3A_126 = tpu.vector_load %arg17[%get3A_125] {strides = array<i32>} : memref<128xf32, #tpu.memory_space<vmem>>, vector<16xf32>,
      %get3A_127 = arith.constant 16 : index
      %get3A_128 = tpu.vector_load %arg18[%get3A_127] {strides = array<i32>} : memref<128xf32, #tpu.memory_space<vmem>>, vector<16xf32>,
      %add3A_129 = arith.addf %get3A_126, %get3A_128 : vector<16xf32>
      %mul3A_130 = arith.constant 2.000000e-01 : f32
      %mul3A_131 = vector.broadcast %mul3A_130 : f32 to vector<16xf32>
      %mul3A_132 = arith.mulf %mul3A_131, %add3A_129 : vector<16xf32>
      %max3A_133 = arith.maximumf %add3A_129, %mul3A_132 : vector<16xf32>
      %add3A_134 = arith.addf %get3A_34, %get3A_128 : vector<16xf32>
      %mul3A_135 = arith.constant 2.000000e-01 : f32
      %mul3A_136 = vector.broadcast %mul3A_135 : f32 to vector<16xf32>
      %mul3A_137 = arith.mulf %mul3A_136, %add3A_134 : vector<16xf32>
      %max3A_138 = arith.maximumf %add3A_134, %mul3A_137 : vector<16xf32>
      %sub3A_139 = arith.subf %max3A_133, %max3A_138 : vector<16xf32>
      %exp3A_140 = math.exp %sub3A_139 : vector<16xf32>
      %swap3A_141 = arith.constant 16 : index
      %swap3A_142 = tpu.vector_load %arg20[%swap3A_141] {strides = array<i32>} : memref<128xf32, #tpu.memory_space<vmem>>, vector<16xf32>,
      tpu.vector_store %arg20[%swap3A_141], %exp3A_140 {strides = array<i32>} : memref<128xf32, #tpu.memory_space<vmem>>, vector<16xf32>,
      %get3A_143 = arith.constant 32 : index
      %get3A_144 = tpu.vector_load %arg17[%get3A_143] {strides = array<i32>} : memref<128xf32, #tpu.memory_space<vmem>>, vector<16xf32>,
      %get3A_145 = arith.constant 32 : index
      %get3A_146 = tpu.vector_load %arg18[%get3A_145] {strides = array<i32>} : memref<128xf32, #tpu.memory_space<vmem>>, vector<16xf32>,
      %add3A_147 = arith.addf %get3A_144, %get3A_146 : vector<16xf32>
      %mul3A_148 = arith.constant 2.000000e-01 : f32
      %mul3A_149 = vector.broadcast %mul3A_148 : f32 to vector<16xf32>
      %mul3A_150 = arith.mulf %mul3A_149, %add3A_147 : vector<16xf32>
      %max3A_151 = arith.maximumf %add3A_147, %mul3A_150 : vector<16xf32>
      %add3A_152 = arith.addf %get3A_34, %get3A_146 : vector<16xf32>
      %mul3A_153 = arith.constant 2.000000e-01 : f32
      %mul3A_154 = vector.broadcast %mul3A_153 : f32 to vector<16xf32>
      %mul3A_155 = arith.mulf %mul3A_154, %add3A_152 : vector<16xf32>
      %max3A_156 = arith.maximumf %add3A_152, %mul3A_155 : vector<16xf32>
      %sub3A_157 = arith.subf %max3A_151, %max3A_156 : vector<16xf32>
      %exp3A_158 = math.exp %sub3A_157 : vector<16xf32>
      %swap3A_159 = arith.constant 32 : index
      %swap3A_160 = tpu.vector_load %arg20[%swap3A_159] {strides = array<i32>} : memref<128xf32, #tpu.memory_space<vmem>>, vector<16xf32>,
      tpu.vector_store %arg20[%swap3A_159], %exp3A_158 {strides = array<i32>} : memref<128xf32, #tpu.memory_space<vmem>>, vector<16xf32>,
      %get3A_161 = arith.constant 48 : index
      %get3A_162 = tpu.vector_load %arg17[%get3A_161] {strides = array<i32>} : memref<128xf32, #tpu.memory_space<vmem>>, vector<16xf32>,
      %get3A_163 = arith.constant 48 : index
      %get3A_164 = tpu.vector_load %arg18[%get3A_163] {strides = array<i32>} : memref<128xf32, #tpu.memory_space<vmem>>, vector<16xf32>,
      %add3A_165 = arith.addf %get3A_162, %get3A_164 : vector<16xf32>
      %mul3A_166 = arith.constant 2.000000e-01 : f32
      %mul3A_167 = vector.broadcast %mul3A_166 : f32 to vector<16xf32>
      %mul3A_168 = arith.mulf %mul3A_167, %add3A_165 : vector<16xf32>
      %max3A_169 = arith.maximumf %add3A_165, %mul3A_168 : vector<16xf32>
      %add3A_170 = arith.addf %get3A_34, %get3A_164 : vector<16xf32>
      %mul3A_171 = arith.constant 2.000000e-01 : f32
      %mul3A_172 = vector.broadcast %mul3A_171 : f32 to vector<16xf32>
      %mul3A_173 = arith.mulf %mul3A_172, %add3A_170 : vector<16xf32>
      %max3A_174 = arith.maximumf %add3A_170, %mul3A_173 : vector<16xf32>
      %sub3A_175 = arith.subf %max3A_169, %max3A_174 : vector<16xf32>
      %exp3A_176 = math.exp %sub3A_175 : vector<16xf32>
      %swap3A_177 = arith.constant 48 : index
      %swap3A_178 = tpu.vector_load %arg20[%swap3A_177] {strides = array<i32>} : memref<128xf32, #tpu.memory_space<vmem>>, vector<16xf32>,
      tpu.vector_store %arg20[%swap3A_177], %exp3A_176 {strides = array<i32>} : memref<128xf32, #tpu.memory_space<vmem>>, vector<16xf32>,
      %get3A_179 = arith.constant 64 : index
      %get3A_180 = tpu.vector_load %arg17[%get3A_179] {strides = array<i32>} : memref<128xf32, #tpu.memory_space<vmem>>, vector<16xf32>,
      %get3A_181 = arith.constant 64 : index
      %get3A_182 = tpu.vector_load %arg18[%get3A_181] {strides = array<i32>} : memref<128xf32, #tpu.memory_space<vmem>>, vector<16xf32>,
      %add3A_183 = arith.addf %get3A_180, %get3A_182 : vector<16xf32>
      %mul3A_184 = arith.constant 2.000000e-01 : f32
      %mul3A_185 = vector.broadcast %mul3A_184 : f32 to vector<16xf32>
      %mul3A_186 = arith.mulf %mul3A_185, %add3A_183 : vector<16xf32>
      %max3A_187 = arith.maximumf %add3A_183, %mul3A_186 : vector<16xf32>
      %add3A_188 = arith.addf %get3A_34, %get3A_182 : vector<16xf32>
      %mul3A_189 = arith.constant 2.000000e-01 : f32
      %mul3A_190 = vector.broadcast %mul3A_189 : f32 to vector<16xf32>
      %mul3A_191 = arith.mulf %mul3A_190, %add3A_188 : vector<16xf32>
      %max3A_192 = arith.maximumf %add3A_188, %mul3A_191 : vector<16xf32>
      %sub3A_193 = arith.subf %max3A_187, %max3A_192 : vector<16xf32>
      %exp3A_194 = math.exp %sub3A_193 : vector<16xf32>
      %swap3A_195 = arith.constant 64 : index
      %swap3A_196 = tpu.vector_load %arg20[%swap3A_195] {strides = array<i32>} : memref<128xf32, #tpu.memory_space<vmem>>, vector<16xf32>,
      tpu.vector_store %arg20[%swap3A_195], %exp3A_194 {strides = array<i32>} : memref<128xf32, #tpu.memory_space<vmem>>, vector<16xf32>,
      %get3A_197 = arith.constant 80 : index
      %get3A_198 = tpu.vector_load %arg17[%get3A_197] {strides = array<i32>} : memref<128xf32, #tpu.memory_space<vmem>>, vector<16xf32>,
      %get3A_199 = arith.constant 80 : index
      %get3A_200 = tpu.vector_load %arg18[%get3A_199] {strides = array<i32>} : memref<128xf32, #tpu.memory_space<vmem>>, vector<16xf32>,
      %add3A_201 = arith.addf %get3A_198, %get3A_200 : vector<16xf32>
      %mul3A_202 = arith.constant 2.000000e-01 : f32
      %mul3A_203 = vector.broadcast %mul3A_202 : f32 to vector<16xf32>
      %mul3A_204 = arith.mulf %mul3A_203, %add3A_201 : vector<16xf32>
      %max3A_205 = arith.maximumf %add3A_201, %mul3A_204 : vector<16xf32>
      %add3A_206 = arith.addf %get3A_34, %get3A_200 : vector<16xf32>
      %mul3A_207 = arith.constant 2.000000e-01 : f32
      %mul3A_208 = vector.broadcast %mul3A_207 : f32 to vector<16xf32>
      %mul3A_209 = arith.mulf %mul3A_208, %add3A_206 : vector<16xf32>
      %max3A_210 = arith.maximumf %add3A_206, %mul3A_209 : vector<16xf32>
      %sub3A_211 = arith.subf %max3A_205, %max3A_210 : vector<16xf32>
      %exp3A_212 = math.exp %sub3A_211 : vector<16xf32>
      %swap3A_213 = arith.constant 80 : index
      %swap3A_214 = tpu.vector_load %arg20[%swap3A_213] {strides = array<i32>} : memref<128xf32, #tpu.memory_space<vmem>>, vector<16xf32>,
      tpu.vector_store %arg20[%swap3A_213], %exp3A_212 {strides = array<i32>} : memref<128xf32, #tpu.memory_space<vmem>>, vector<16xf32>,
      %get3A_215 = arith.constant 96 : index
      %get3A_216 = tpu.vector_load %arg17[%get3A_215] {strides = array<i32>} : memref<128xf32, #tpu.memory_space<vmem>>, vector<16xf32>,
      %get3A_217 = arith.constant 96 : index
      %get3A_218 = tpu.vector_load %arg18[%get3A_217] {strides = array<i32>} : memref<128xf32, #tpu.memory_space<vmem>>, vector<16xf32>,
      %add3A_219 = arith.addf %get3A_216, %get3A_218 : vector<16xf32>
      %mul3A_220 = arith.constant 2.000000e-01 : f32
      %mul3A_221 = vector.broadcast %mul3A_220 : f32 to vector<16xf32>
      %mul3A_222 = arith.mulf %mul3A_221, %add3A_219 : vector<16xf32>
      %max3A_223 = arith.maximumf %add3A_219, %mul3A_222 : vector<16xf32>
      %add3A_224 = arith.addf %get3A_34, %get3A_218 : vector<16xf32>
      %mul3A_225 = arith.constant 2.000000e-01 : f32
      %mul3A_226 = vector.broadcast %mul3A_225 : f32 to vector<16xf32>
      %mul3A_227 = arith.mulf %mul3A_226, %add3A_224 : vector<16xf32>
      %max3A_228 = arith.maximumf %add3A_224, %mul3A_227 : vector<16xf32>
      %sub3A_229 = arith.subf %max3A_223, %max3A_228 : vector<16xf32>
      %exp3A_230 = math.exp %sub3A_229 : vector<16xf32>
      %swap3A_231 = arith.constant 96 : index
      %swap3A_232 = tpu.vector_load %arg20[%swap3A_231] {strides = array<i32>} : memref<128xf32, #tpu.memory_space<vmem>>, vector<16xf32>,
      tpu.vector_store %arg20[%swap3A_231], %exp3A_230 {strides = array<i32>} : memref<128xf32, #tpu.memory_space<vmem>>, vector<16xf32>,
      %get3A_233 = arith.constant 112 : index
      %get3A_234 = tpu.vector_load %arg17[%get3A_233] {strides = array<i32>} : memref<128xf32, #tpu.memory_space<vmem>>, vector<16xf32>,
      %get3A_235 = arith.constant 112 : index
      %get3A_236 = tpu.vector_load %arg18[%get3A_235] {strides = array<i32>} : memref<128xf32, #tpu.memory_space<vmem>>, vector<16xf32>,
      %add3A_237 = arith.addf %get3A_234, %get3A_236 : vector<16xf32>
      %mul3A_238 = arith.constant 2.000000e-01 : f32
      %mul3A_239 = vector.broadcast %mul3A_238 : f32 to vector<16xf32>
      %mul3A_240 = arith.mulf %mul3A_239, %add3A_237 : vector<16xf32>
      %max3A_241 = arith.maximumf %add3A_237, %mul3A_240 : vector<16xf32>
      %add3A_242 = arith.addf %get3A_34, %get3A_236 : vector<16xf32>
      %mul3A_243 = arith.constant 2.000000e-01 : f32
      %mul3A_244 = vector.broadcast %mul3A_243 : f32 to vector<16xf32>
      %mul3A_245 = arith.mulf %mul3A_244, %add3A_242 : vector<16xf32>
      %max3A_246 = arith.maximumf %add3A_242, %mul3A_245 : vector<16xf32>
      %sub3A_247 = arith.subf %max3A_241, %max3A_246 : vector<16xf32>
      %exp3A_248 = math.exp %sub3A_247 : vector<16xf32>
      %swap3A_249 = arith.constant 112 : index
      %swap3A_250 = tpu.vector_load %arg20[%swap3A_249] {strides = array<i32>} : memref<128xf32, #tpu.memory_space<vmem>>, vector<16xf32>,
      tpu.vector_store %arg20[%swap3A_249], %exp3A_248 {strides = array<i32>} : memref<128xf32, #tpu.memory_space<vmem>>, vector<16xf32>,
      %dma_start3A_251 = arith.constant 0 : i32
      %dma_start3A_252 = tpu.memref_slice %arg11[%dma_start3A_251] : memref<10240xf32, #tpu.memory_space<vmem_shared>> -> memref<10240xf32, #tpu.memory_space<vmem_shared>>
      tpu.enqueue_indirect_dma source(%arg20 : memref<128xf32, #tpu.memory_space<vmem>>) target(%dma_start3A_252 : memref<10240xf32, #tpu.memory_space<vmem_shared>>) offsets(%arg15 : memref<128xi32, #tpu.memory_space<vmem>>) semaphore(%arg29 : memref<!tpu.dma_semaphore, #tpu.memory_space<semaphore_mem>>) {add = true}
      %dma_wait3A_253 = arith.constant 0 : i32
      %dma_wait3A_254 = tpu.memref_slice %arg14[%mul3A_91, %dma_wait3A_253] : memref<82x128xi32, #tpu.memory_space<vmem>> -> memref<1x128xi32, #tpu.memory_space<vmem>>
      %dma_wait3A_255 = tpu.memref_squeeze %dma_wait3A_254 : memref<1x128xi32, #tpu.memory_space<vmem>> -> memref<128xi32, #tpu.memory_space<vmem>>
      %dma_wait3A_256 = arith.constant 0 : i32
      %dma_wait3A_257 = arith.constant 0 : i32
      %dma_wait3A_258 = tpu.memref_slice %arg2[%dma_wait3A_256, %dma_wait3A_257] : memref<10240x128xf32, #tpu.memory_space<hbm>> -> memref<10240x128xf32, #tpu.memory_space<hbm>>
      tpu.wait_indirect_dma semaphore(%arg26 : memref<!tpu.dma_semaphore, #tpu.memory_space<semaphore_mem>>) src(%dma_wait3A_258 : memref<10240x128xf32, #tpu.memory_space<hbm>>) dst(%arg22 : memref<128x128xf32, #tpu.memory_space<vmem>>)
      %parallel_loop3A = arith.constant 0 : i32
      %parallel_loop3A_259 = arith.constant 128 : i32
      %parallel_loop3A_260 = arith.constant 1 : i32
      scf.for %parallel_loop3A_455 = %parallel_loop3A to %parallel_loop3A_259 step %parallel_loop3A_260  : i32 {
        %parallel_loop3A_456 = vector.broadcast %parallel_loop3A_455 : i32 to vector<16xi32>
        %parallel_loop3A_457 = tpu.vector_load_idx %arg20[%parallel_loop3A_456] : memref<128xf32, #tpu.memory_space<vmem>>[vector<16xi32>], vector<16xf32>,
        %parallel_loop3A_458 = arith.index_cast %parallel_loop3A_455 : i32 to index
        %parallel_loop3A_459 = arith.constant 0 : index
        %parallel_loop3A_460 = tpu.vector_load %arg22[%parallel_loop3A_458, %parallel_loop3A_459] {strides = array<i32>} : memref<128x128xf32, #tpu.memory_space<vmem>>, vector<16xf32>,
        %parallel_loop3A_461 = arith.mulf %parallel_loop3A_460, %parallel_loop3A_457 : vector<16xf32>
        %parallel_loop3A_462 = arith.index_cast %parallel_loop3A_455 : i32 to index
        %parallel_loop3A_463 = arith.constant 0 : index
        %parallel_loop3A_464 = tpu.vector_load %arg22[%parallel_loop3A_462, %parallel_loop3A_463] {strides = array<i32>} : memref<128x128xf32, #tpu.memory_space<vmem>>, vector<16xf32>,
        tpu.vector_store %arg22[%parallel_loop3A_462, %parallel_loop3A_463], %parallel_loop3A_461 {strides = array<i32>} : memref<128x128xf32, #tpu.memory_space<vmem>>, vector<16xf32>,
        %parallel_loop3A_465 = arith.index_cast %parallel_loop3A_455 : i32 to index
        %parallel_loop3A_466 = arith.constant 16 : index
        %parallel_loop3A_467 = tpu.vector_load %arg22[%parallel_loop3A_465, %parallel_loop3A_466] {strides = array<i32>} : memref<128x128xf32, #tpu.memory_space<vmem>>, vector<16xf32>,
        %parallel_loop3A_468 = arith.mulf %parallel_loop3A_467, %parallel_loop3A_457 : vector<16xf32>
        %parallel_loop3A_469 = arith.index_cast %parallel_loop3A_455 : i32 to index
        %parallel_loop3A_470 = arith.constant 16 : index
        %parallel_loop3A_471 = tpu.vector_load %arg22[%parallel_loop3A_469, %parallel_loop3A_470] {strides = array<i32>} : memref<128x128xf32, #tpu.memory_space<vmem>>, vector<16xf32>,
        tpu.vector_store %arg22[%parallel_loop3A_469, %parallel_loop3A_470], %parallel_loop3A_468 {strides = array<i32>} : memref<128x128xf32, #tpu.memory_space<vmem>>, vector<16xf32>,
        %parallel_loop3A_472 = arith.index_cast %parallel_loop3A_455 : i32 to index
        %parallel_loop3A_473 = arith.constant 32 : index
        %parallel_loop3A_474 = tpu.vector_load %arg22[%parallel_loop3A_472, %parallel_loop3A_473] {strides = array<i32>} : memref<128x128xf32, #tpu.memory_space<vmem>>, vector<16xf32>,
        %parallel_loop3A_475 = arith.mulf %parallel_loop3A_474, %parallel_loop3A_457 : vector<16xf32>
        %parallel_loop3A_476 = arith.index_cast %parallel_loop3A_455 : i32 to index
        %parallel_loop3A_477 = arith.constant 32 : index
        %parallel_loop3A_478 = tpu.vector_load %arg22[%parallel_loop3A_476, %parallel_loop3A_477] {strides = array<i32>} : memref<128x128xf32, #tpu.memory_space<vmem>>, vector<16xf32>,
        tpu.vector_store %arg22[%parallel_loop3A_476, %parallel_loop3A_477], %parallel_loop3A_475 {strides = array<i32>} : memref<128x128xf32, #tpu.memory_space<vmem>>, vector<16xf32>,
        %parallel_loop3A_479 = arith.index_cast %parallel_loop3A_455 : i32 to index
        %parallel_loop3A_480 = arith.constant 48 : index
        %parallel_loop3A_481 = tpu.vector_load %arg22[%parallel_loop3A_479, %parallel_loop3A_480] {strides = array<i32>} : memref<128x128xf32, #tpu.memory_space<vmem>>, vector<16xf32>,
        %parallel_loop3A_482 = arith.mulf %parallel_loop3A_481, %parallel_loop3A_457 : vector<16xf32>
        %parallel_loop3A_483 = arith.index_cast %parallel_loop3A_455 : i32 to index
        %parallel_loop3A_484 = arith.constant 48 : index
        %parallel_loop3A_485 = tpu.vector_load %arg22[%parallel_loop3A_483, %parallel_loop3A_484] {strides = array<i32>} : memref<128x128xf32, #tpu.memory_space<vmem>>, vector<16xf32>,
        tpu.vector_store %arg22[%parallel_loop3A_483, %parallel_loop3A_484], %parallel_loop3A_482 {strides = array<i32>} : memref<128x128xf32, #tpu.memory_space<vmem>>, vector<16xf32>,
        %parallel_loop3A_486 = arith.index_cast %parallel_loop3A_455 : i32 to index
        %parallel_loop3A_487 = arith.constant 64 : index
        %parallel_loop3A_488 = tpu.vector_load %arg22[%parallel_loop3A_486, %parallel_loop3A_487] {strides = array<i32>} : memref<128x128xf32, #tpu.memory_space<vmem>>, vector<16xf32>,
        %parallel_loop3A_489 = arith.mulf %parallel_loop3A_488, %parallel_loop3A_457 : vector<16xf32>
        %parallel_loop3A_490 = arith.index_cast %parallel_loop3A_455 : i32 to index
        %parallel_loop3A_491 = arith.constant 64 : index
        %parallel_loop3A_492 = tpu.vector_load %arg22[%parallel_loop3A_490, %parallel_loop3A_491] {strides = array<i32>} : memref<128x128xf32, #tpu.memory_space<vmem>>, vector<16xf32>,
        tpu.vector_store %arg22[%parallel_loop3A_490, %parallel_loop3A_491], %parallel_loop3A_489 {strides = array<i32>} : memref<128x128xf32, #tpu.memory_space<vmem>>, vector<16xf32>,
        %parallel_loop3A_493 = arith.index_cast %parallel_loop3A_455 : i32 to index
        %parallel_loop3A_494 = arith.constant 80 : index
        %parallel_loop3A_495 = tpu.vector_load %arg22[%parallel_loop3A_493, %parallel_loop3A_494] {strides = array<i32>} : memref<128x128xf32, #tpu.memory_space<vmem>>, vector<16xf32>,
        %parallel_loop3A_496 = arith.mulf %parallel_loop3A_495, %parallel_loop3A_457 : vector<16xf32>
        %parallel_loop3A_497 = arith.index_cast %parallel_loop3A_455 : i32 to index
        %parallel_loop3A_498 = arith.constant 80 : index
        %parallel_loop3A_499 = tpu.vector_load %arg22[%parallel_loop3A_497, %parallel_loop3A_498] {strides = array<i32>} : memref<128x128xf32, #tpu.memory_space<vmem>>, vector<16xf32>,
        tpu.vector_store %arg22[%parallel_loop3A_497, %parallel_loop3A_498], %parallel_loop3A_496 {strides = array<i32>} : memref<128x128xf32, #tpu.memory_space<vmem>>, vector<16xf32>,
        %parallel_loop3A_500 = arith.index_cast %parallel_loop3A_455 : i32 to index
        %parallel_loop3A_501 = arith.constant 96 : index
        %parallel_loop3A_502 = tpu.vector_load %arg22[%parallel_loop3A_500, %parallel_loop3A_501] {strides = array<i32>} : memref<128x128xf32, #tpu.memory_space<vmem>>, vector<16xf32>,
        %parallel_loop3A_503 = arith.mulf %parallel_loop3A_502, %parallel_loop3A_457 : vector<16xf32>
        %parallel_loop3A_504 = arith.index_cast %parallel_loop3A_455 : i32 to index
        %parallel_loop3A_505 = arith.constant 96 : index
        %parallel_loop3A_506 = tpu.vector_load %arg22[%parallel_loop3A_504, %parallel_loop3A_505] {strides = array<i32>} : memref<128x128xf32, #tpu.memory_space<vmem>>, vector<16xf32>,
        tpu.vector_store %arg22[%parallel_loop3A_504, %parallel_loop3A_505], %parallel_loop3A_503 {strides = array<i32>} : memref<128x128xf32, #tpu.memory_space<vmem>>, vector<16xf32>,
        %parallel_loop3A_507 = arith.index_cast %parallel_loop3A_455 : i32 to index
        %parallel_loop3A_508 = arith.constant 112 : index
        %parallel_loop3A_509 = tpu.vector_load %arg22[%parallel_loop3A_507, %parallel_loop3A_508] {strides = array<i32>} : memref<128x128xf32, #tpu.memory_space<vmem>>, vector<16xf32>,
        %parallel_loop3A_510 = arith.mulf %parallel_loop3A_509, %parallel_loop3A_457 : vector<16xf32>
        %parallel_loop3A_511 = arith.index_cast %parallel_loop3A_455 : i32 to index
        %parallel_loop3A_512 = arith.constant 112 : index
        %parallel_loop3A_513 = tpu.vector_load %arg22[%parallel_loop3A_511, %parallel_loop3A_512] {strides = array<i32>} : memref<128x128xf32, #tpu.memory_space<vmem>>, vector<16xf32>,
        tpu.vector_store %arg22[%parallel_loop3A_511, %parallel_loop3A_512], %parallel_loop3A_510 {strides = array<i32>} : memref<128x128xf32, #tpu.memory_space<vmem>>, vector<16xf32>,
      } {sc.loop_unroll_factor = 4 : i64, sc.parallel_access}
      "tpu.region"() ({
        %run_scoped3A = tpu.sem_alloc : memref<!tpu.dma_semaphore, #tpu.memory_space<semaphore_mem>>
        %dma_start3A_455 = arith.constant 0 : i32
        %dma_start3A_456 = arith.constant 0 : i32
        %dma_start3A_457 = tpu.memref_slice %arg10[%dma_start3A_455, %dma_start3A_456] : memref<10240x128xf32, #tpu.memory_space<vmem_shared>> -> memref<10240x128xf32, #tpu.memory_space<vmem_shared>>
        tpu.enqueue_indirect_dma source(%arg22 : memref<128x128xf32, #tpu.memory_space<vmem>>) target(%dma_start3A_457 : memref<10240x128xf32, #tpu.memory_space<vmem_shared>>) offsets(%arg15 : memref<128xi32, #tpu.memory_space<vmem>>) semaphore(%run_scoped3A : memref<!tpu.dma_semaphore, #tpu.memory_space<semaphore_mem>>) {add = true}
        %dma_wait3A_458 = arith.constant 0 : i32
        %dma_wait3A_459 = arith.constant 0 : i32
        %dma_wait3A_460 = tpu.memref_slice %arg10[%dma_wait3A_458, %dma_wait3A_459] : memref<10240x128xf32, #tpu.memory_space<vmem_shared>> -> memref<10240x128xf32, #tpu.memory_space<vmem_shared>>
        tpu.wait_indirect_dma semaphore(%run_scoped3A : memref<!tpu.dma_semaphore, #tpu.memory_space<semaphore_mem>>) src(%arg22 : memref<128x128xf32, #tpu.memory_space<vmem>>) dst(%dma_wait3A_460 : memref<10240x128xf32, #tpu.memory_space<vmem_shared>>)
        tpu.yield
      }) : () -> ()
      %dma_wait3A_261 = arith.constant 0 : i32
      %dma_wait3A_262 = tpu.memref_slice %arg11[%dma_wait3A_261] : memref<10240xf32, #tpu.memory_space<vmem_shared>> -> memref<10240xf32, #tpu.memory_space<vmem_shared>>
      tpu.wait_indirect_dma semaphore(%arg29 : memref<!tpu.dma_semaphore, #tpu.memory_space<semaphore_mem>>) src(%arg20 : memref<128xf32, #tpu.memory_space<vmem>>) dst(%dma_wait3A_262 : memref<10240xf32, #tpu.memory_space<vmem_shared>>)
      %add3A_263 = arith.constant 2 : i32
      %add3A_264 = arith.addi %mul3A_91, %add3A_263 : i32
      %lt3A = arith.constant 82 : i32
      %lt3A_265 = arith.cmpi slt, %add3A_264, %lt3A : i32
      %convert_element_type3A = arith.extui %lt3A_265 : i1 to i32
      %cond3A = arith.constant 0 : i32
      %cond3A_266 = arith.cmpi ne, %convert_element_type3A, %cond3A : i32
      scf.if %cond3A_266 {
        %add3A_455 = arith.constant 2 : i32
        %add3A_456 = arith.addi %mul3A_91, %add3A_455 : i32
        %dma_start3A_457 = arith.constant 0 : i32
        %dma_start3A_458 = tpu.memref_slice %arg7[%add3A, %add3A_456, %dma_start3A_457] : memref<32x82x128xi32, #tpu.memory_space<hbm>> -> memref<1x1x128xi32, #tpu.memory_space<hbm>>
        %dma_start3A_459 = tpu.memref_squeeze %dma_start3A_458 : memref<1x1x128xi32, #tpu.memory_space<hbm>> -> memref<128xi32, #tpu.memory_space<hbm>>
        %dma_start3A_460 = arith.constant 0 : i32
        %dma_start3A_461 = tpu.memref_slice %arg7[%add3A, %add3A_456, %dma_start3A_460] : memref<32x82x128xi32, #tpu.memory_space<hbm>> -> memref<1x1x128xi32, #tpu.memory_space<hbm>>
        %dma_start3A_462 = tpu.memref_squeeze %dma_start3A_461 : memref<1x1x128xi32, #tpu.memory_space<hbm>> -> memref<128xi32, #tpu.memory_space<hbm>>
        tpu.enqueue_dma source(%dma_start3A_462 : memref<128xi32, #tpu.memory_space<hbm>>) target(%arg15 : memref<128xi32, #tpu.memory_space<vmem>>) target_semaphore(%arg24 : memref<!tpu.dma_semaphore, #tpu.memory_space<semaphore_mem>>)
        %add3A_463 = arith.constant 2 : i32
        %add3A_464 = arith.addi %mul3A_91, %add3A_463 : i32
        %dma_start3A_465 = arith.constant 0 : i32
        %dma_start3A_466 = tpu.memref_slice %arg14[%add3A_464, %dma_start3A_465] : memref<82x128xi32, #tpu.memory_space<vmem>> -> memref<1x128xi32, #tpu.memory_space<vmem>>
        %dma_start3A_467 = tpu.memref_squeeze %dma_start3A_466 : memref<1x128xi32, #tpu.memory_space<vmem>> -> memref<128xi32, #tpu.memory_space<vmem>>
        %dma_start3A_468 = arith.constant 0 : i32
        %dma_start3A_469 = arith.constant 0 : i32
        %dma_start3A_470 = tpu.memref_slice %arg2[%dma_start3A_468, %dma_start3A_469] : memref<10240x128xf32, #tpu.memory_space<hbm>> -> memref<10240x128xf32, #tpu.memory_space<hbm>>
        tpu.enqueue_indirect_dma source(%dma_start3A_470 : memref<10240x128xf32, #tpu.memory_space<hbm>>) target(%arg22 : memref<128x128xf32, #tpu.memory_space<vmem>>) offsets(%dma_start3A_467 : memref<128xi32, #tpu.memory_space<vmem>>) semaphore(%arg26 : memref<!tpu.dma_semaphore, #tpu.memory_space<semaphore_mem>>)
      } else {
      }
      %mul3A_267 = arith.constant 2 : i32
      %mul3A_268 = arith.muli %mul3A_267, %scan3A_89 : i32
      %add3A_269 = arith.constant 1 : i32
      %add3A_270 = arith.addi %mul3A_268, %add3A_269 : i32
      %dma_wait3A_271 = arith.constant 0 : i32
      %dma_wait3A_272 = tpu.memref_slice %arg7[%add3A, %add3A_270, %dma_wait3A_271] : memref<32x82x128xi32, #tpu.memory_space<hbm>> -> memref<1x1x128xi32, #tpu.memory_space<hbm>>
      %dma_wait3A_273 = tpu.memref_squeeze %dma_wait3A_272 : memref<1x1x128xi32, #tpu.memory_space<hbm>> -> memref<128xi32, #tpu.memory_space<hbm>>
      %dma_wait3A_274 = arith.constant 0 : i32
      %dma_wait3A_275 = tpu.memref_slice %arg7[%add3A, %add3A_270, %dma_wait3A_274] : memref<32x82x128xi32, #tpu.memory_space<hbm>> -> memref<1x1x128xi32, #tpu.memory_space<hbm>>
      %dma_wait3A_276 = tpu.memref_squeeze %dma_wait3A_275 : memref<1x1x128xi32, #tpu.memory_space<hbm>> -> memref<128xi32, #tpu.memory_space<hbm>>
      tpu.wait_dma2 semaphore(%arg25 : memref<!tpu.dma_semaphore, #tpu.memory_space<semaphore_mem>>) src(%dma_wait3A_276 : memref<128xi32, #tpu.memory_space<hbm>>) dst(%arg16 : memref<128xi32, #tpu.memory_space<vmem>>)
      %dma_start3A_277 = arith.constant 0 : i32
      %dma_start3A_278 = tpu.memref_slice %arg14[%add3A_270, %dma_start3A_277] : memref<82x128xi32, #tpu.memory_space<vmem>> -> memref<1x128xi32, #tpu.memory_space<vmem>>
      %dma_start3A_279 = tpu.memref_squeeze %dma_start3A_278 : memref<1x128xi32, #tpu.memory_space<vmem>> -> memref<128xi32, #tpu.memory_space<vmem>>
      %dma_start3A_280 = arith.constant 0 : i32
      %dma_start3A_281 = tpu.memref_slice %arg12[%dma_start3A_280] : memref<10240xf32, #tpu.memory_space<vmem_shared>> -> memref<10240xf32, #tpu.memory_space<vmem_shared>>
      tpu.enqueue_indirect_dma source(%dma_start3A_281 : memref<10240xf32, #tpu.memory_space<vmem_shared>>) target(%arg17 : memref<128xf32, #tpu.memory_space<vmem>>) offsets(%dma_start3A_279 : memref<128xi32, #tpu.memory_space<vmem>>) semaphore(%arg28 : memref<!tpu.dma_semaphore, #tpu.memory_space<semaphore_mem>>)
      %dma_start3A_282 = arith.constant 0 : i32
      %dma_start3A_283 = tpu.memref_slice %arg13[%dma_start3A_282] : memref<10240xf32, #tpu.memory_space<vmem_shared>> -> memref<10240xf32, #tpu.memory_space<vmem_shared>>
      tpu.enqueue_indirect_dma source(%dma_start3A_283 : memref<10240xf32, #tpu.memory_space<vmem_shared>>) target(%arg18 : memref<128xf32, #tpu.memory_space<vmem>>) offsets(%arg16 : memref<128xi32, #tpu.memory_space<vmem>>) semaphore(%arg28 : memref<!tpu.dma_semaphore, #tpu.memory_space<semaphore_mem>>)
      %dma_wait3A_284 = arith.constant 0 : i32
      %dma_wait3A_285 = tpu.memref_slice %arg14[%add3A_270, %dma_wait3A_284] : memref<82x128xi32, #tpu.memory_space<vmem>> -> memref<1x128xi32, #tpu.memory_space<vmem>>
      %dma_wait3A_286 = tpu.memref_squeeze %dma_wait3A_285 : memref<1x128xi32, #tpu.memory_space<vmem>> -> memref<128xi32, #tpu.memory_space<vmem>>
      %dma_wait3A_287 = arith.constant 0 : i32
      %dma_wait3A_288 = tpu.memref_slice %arg12[%dma_wait3A_287] : memref<10240xf32, #tpu.memory_space<vmem_shared>> -> memref<10240xf32, #tpu.memory_space<vmem_shared>>
      tpu.wait_indirect_dma semaphore(%arg28 : memref<!tpu.dma_semaphore, #tpu.memory_space<semaphore_mem>>) src(%dma_wait3A_288 : memref<10240xf32, #tpu.memory_space<vmem_shared>>) dst(%arg17 : memref<128xf32, #tpu.memory_space<vmem>>)
      %dma_wait3A_289 = arith.constant 0 : i32
      %dma_wait3A_290 = tpu.memref_slice %arg13[%dma_wait3A_289] : memref<10240xf32, #tpu.memory_space<vmem_shared>> -> memref<10240xf32, #tpu.memory_space<vmem_shared>>
      tpu.wait_indirect_dma semaphore(%arg28 : memref<!tpu.dma_semaphore, #tpu.memory_space<semaphore_mem>>) src(%dma_wait3A_290 : memref<10240xf32, #tpu.memory_space<vmem_shared>>) dst(%arg18 : memref<128xf32, #tpu.memory_space<vmem>>)
      %get3A_291 = arith.constant 0 : index
      %get3A_292 = tpu.vector_load %arg17[%get3A_291] {strides = array<i32>} : memref<128xf32, #tpu.memory_space<vmem>>, vector<16xf32>,
      %get3A_293 = arith.constant 0 : index
      %get3A_294 = tpu.vector_load %arg18[%get3A_293] {strides = array<i32>} : memref<128xf32, #tpu.memory_space<vmem>>, vector<16xf32>,
      %add3A_295 = arith.addf %get3A_292, %get3A_294 : vector<16xf32>
      %mul3A_296 = arith.constant 2.000000e-01 : f32
      %mul3A_297 = vector.broadcast %mul3A_296 : f32 to vector<16xf32>
      %mul3A_298 = arith.mulf %mul3A_297, %add3A_295 : vector<16xf32>
      %max3A_299 = arith.maximumf %add3A_295, %mul3A_298 : vector<16xf32>
      %add3A_300 = arith.addf %get3A_34, %get3A_294 : vector<16xf32>
      %mul3A_301 = arith.constant 2.000000e-01 : f32
      %mul3A_302 = vector.broadcast %mul3A_301 : f32 to vector<16xf32>
      %mul3A_303 = arith.mulf %mul3A_302, %add3A_300 : vector<16xf32>
      %max3A_304 = arith.maximumf %add3A_300, %mul3A_303 : vector<16xf32>
      %sub3A_305 = arith.subf %max3A_299, %max3A_304 : vector<16xf32>
      %exp3A_306 = math.exp %sub3A_305 : vector<16xf32>
      %swap3A_307 = arith.constant 0 : index
      %swap3A_308 = tpu.vector_load %arg20[%swap3A_307] {strides = array<i32>} : memref<128xf32, #tpu.memory_space<vmem>>, vector<16xf32>,
      tpu.vector_store %arg20[%swap3A_307], %exp3A_306 {strides = array<i32>} : memref<128xf32, #tpu.memory_space<vmem>>, vector<16xf32>,
      %get3A_309 = arith.constant 16 : index
      %get3A_310 = tpu.vector_load %arg17[%get3A_309] {strides = array<i32>} : memref<128xf32, #tpu.memory_space<vmem>>, vector<16xf32>,
      %get3A_311 = arith.constant 16 : index
      %get3A_312 = tpu.vector_load %arg18[%get3A_311] {strides = array<i32>} : memref<128xf32, #tpu.memory_space<vmem>>, vector<16xf32>,
      %add3A_313 = arith.addf %get3A_310, %get3A_312 : vector<16xf32>
      %mul3A_314 = arith.constant 2.000000e-01 : f32
      %mul3A_315 = vector.broadcast %mul3A_314 : f32 to vector<16xf32>
      %mul3A_316 = arith.mulf %mul3A_315, %add3A_313 : vector<16xf32>
      %max3A_317 = arith.maximumf %add3A_313, %mul3A_316 : vector<16xf32>
      %add3A_318 = arith.addf %get3A_34, %get3A_312 : vector<16xf32>
      %mul3A_319 = arith.constant 2.000000e-01 : f32
      %mul3A_320 = vector.broadcast %mul3A_319 : f32 to vector<16xf32>
      %mul3A_321 = arith.mulf %mul3A_320, %add3A_318 : vector<16xf32>
      %max3A_322 = arith.maximumf %add3A_318, %mul3A_321 : vector<16xf32>
      %sub3A_323 = arith.subf %max3A_317, %max3A_322 : vector<16xf32>
      %exp3A_324 = math.exp %sub3A_323 : vector<16xf32>
      %swap3A_325 = arith.constant 16 : index
      %swap3A_326 = tpu.vector_load %arg20[%swap3A_325] {strides = array<i32>} : memref<128xf32, #tpu.memory_space<vmem>>, vector<16xf32>,
      tpu.vector_store %arg20[%swap3A_325], %exp3A_324 {strides = array<i32>} : memref<128xf32, #tpu.memory_space<vmem>>, vector<16xf32>,
      %get3A_327 = arith.constant 32 : index
      %get3A_328 = tpu.vector_load %arg17[%get3A_327] {strides = array<i32>} : memref<128xf32, #tpu.memory_space<vmem>>, vector<16xf32>,
      %get3A_329 = arith.constant 32 : index
      %get3A_330 = tpu.vector_load %arg18[%get3A_329] {strides = array<i32>} : memref<128xf32, #tpu.memory_space<vmem>>, vector<16xf32>,
      %add3A_331 = arith.addf %get3A_328, %get3A_330 : vector<16xf32>
      %mul3A_332 = arith.constant 2.000000e-01 : f32
      %mul3A_333 = vector.broadcast %mul3A_332 : f32 to vector<16xf32>
      %mul3A_334 = arith.mulf %mul3A_333, %add3A_331 : vector<16xf32>
      %max3A_335 = arith.maximumf %add3A_331, %mul3A_334 : vector<16xf32>
      %add3A_336 = arith.addf %get3A_34, %get3A_330 : vector<16xf32>
      %mul3A_337 = arith.constant 2.000000e-01 : f32
      %mul3A_338 = vector.broadcast %mul3A_337 : f32 to vector<16xf32>
      %mul3A_339 = arith.mulf %mul3A_338, %add3A_336 : vector<16xf32>
      %max3A_340 = arith.maximumf %add3A_336, %mul3A_339 : vector<16xf32>
      %sub3A_341 = arith.subf %max3A_335, %max3A_340 : vector<16xf32>
      %exp3A_342 = math.exp %sub3A_341 : vector<16xf32>
      %swap3A_343 = arith.constant 32 : index
      %swap3A_344 = tpu.vector_load %arg20[%swap3A_343] {strides = array<i32>} : memref<128xf32, #tpu.memory_space<vmem>>, vector<16xf32>,
      tpu.vector_store %arg20[%swap3A_343], %exp3A_342 {strides = array<i32>} : memref<128xf32, #tpu.memory_space<vmem>>, vector<16xf32>,
      %get3A_345 = arith.constant 48 : index
      %get3A_346 = tpu.vector_load %arg17[%get3A_345] {strides = array<i32>} : memref<128xf32, #tpu.memory_space<vmem>>, vector<16xf32>,
      %get3A_347 = arith.constant 48 : index
      %get3A_348 = tpu.vector_load %arg18[%get3A_347] {strides = array<i32>} : memref<128xf32, #tpu.memory_space<vmem>>, vector<16xf32>,
      %add3A_349 = arith.addf %get3A_346, %get3A_348 : vector<16xf32>
      %mul3A_350 = arith.constant 2.000000e-01 : f32
      %mul3A_351 = vector.broadcast %mul3A_350 : f32 to vector<16xf32>
      %mul3A_352 = arith.mulf %mul3A_351, %add3A_349 : vector<16xf32>
      %max3A_353 = arith.maximumf %add3A_349, %mul3A_352 : vector<16xf32>
      %add3A_354 = arith.addf %get3A_34, %get3A_348 : vector<16xf32>
      %mul3A_355 = arith.constant 2.000000e-01 : f32
      %mul3A_356 = vector.broadcast %mul3A_355 : f32 to vector<16xf32>
      %mul3A_357 = arith.mulf %mul3A_356, %add3A_354 : vector<16xf32>
      %max3A_358 = arith.maximumf %add3A_354, %mul3A_357 : vector<16xf32>
      %sub3A_359 = arith.subf %max3A_353, %max3A_358 : vector<16xf32>
      %exp3A_360 = math.exp %sub3A_359 : vector<16xf32>
      %swap3A_361 = arith.constant 48 : index
      %swap3A_362 = tpu.vector_load %arg20[%swap3A_361] {strides = array<i32>} : memref<128xf32, #tpu.memory_space<vmem>>, vector<16xf32>,
      tpu.vector_store %arg20[%swap3A_361], %exp3A_360 {strides = array<i32>} : memref<128xf32, #tpu.memory_space<vmem>>, vector<16xf32>,
      %get3A_363 = arith.constant 64 : index
      %get3A_364 = tpu.vector_load %arg17[%get3A_363] {strides = array<i32>} : memref<128xf32, #tpu.memory_space<vmem>>, vector<16xf32>,
      %get3A_365 = arith.constant 64 : index
      %get3A_366 = tpu.vector_load %arg18[%get3A_365] {strides = array<i32>} : memref<128xf32, #tpu.memory_space<vmem>>, vector<16xf32>,
      %add3A_367 = arith.addf %get3A_364, %get3A_366 : vector<16xf32>
      %mul3A_368 = arith.constant 2.000000e-01 : f32
      %mul3A_369 = vector.broadcast %mul3A_368 : f32 to vector<16xf32>
      %mul3A_370 = arith.mulf %mul3A_369, %add3A_367 : vector<16xf32>
      %max3A_371 = arith.maximumf %add3A_367, %mul3A_370 : vector<16xf32>
      %add3A_372 = arith.addf %get3A_34, %get3A_366 : vector<16xf32>
      %mul3A_373 = arith.constant 2.000000e-01 : f32
      %mul3A_374 = vector.broadcast %mul3A_373 : f32 to vector<16xf32>
      %mul3A_375 = arith.mulf %mul3A_374, %add3A_372 : vector<16xf32>
      %max3A_376 = arith.maximumf %add3A_372, %mul3A_375 : vector<16xf32>
      %sub3A_377 = arith.subf %max3A_371, %max3A_376 : vector<16xf32>
      %exp3A_378 = math.exp %sub3A_377 : vector<16xf32>
      %swap3A_379 = arith.constant 64 : index
      %swap3A_380 = tpu.vector_load %arg20[%swap3A_379] {strides = array<i32>} : memref<128xf32, #tpu.memory_space<vmem>>, vector<16xf32>,
      tpu.vector_store %arg20[%swap3A_379], %exp3A_378 {strides = array<i32>} : memref<128xf32, #tpu.memory_space<vmem>>, vector<16xf32>,
      %get3A_381 = arith.constant 80 : index
      %get3A_382 = tpu.vector_load %arg17[%get3A_381] {strides = array<i32>} : memref<128xf32, #tpu.memory_space<vmem>>, vector<16xf32>,
      %get3A_383 = arith.constant 80 : index
      %get3A_384 = tpu.vector_load %arg18[%get3A_383] {strides = array<i32>} : memref<128xf32, #tpu.memory_space<vmem>>, vector<16xf32>,
      %add3A_385 = arith.addf %get3A_382, %get3A_384 : vector<16xf32>
      %mul3A_386 = arith.constant 2.000000e-01 : f32
      %mul3A_387 = vector.broadcast %mul3A_386 : f32 to vector<16xf32>
      %mul3A_388 = arith.mulf %mul3A_387, %add3A_385 : vector<16xf32>
      %max3A_389 = arith.maximumf %add3A_385, %mul3A_388 : vector<16xf32>
      %add3A_390 = arith.addf %get3A_34, %get3A_384 : vector<16xf32>
      %mul3A_391 = arith.constant 2.000000e-01 : f32
      %mul3A_392 = vector.broadcast %mul3A_391 : f32 to vector<16xf32>
      %mul3A_393 = arith.mulf %mul3A_392, %add3A_390 : vector<16xf32>
      %max3A_394 = arith.maximumf %add3A_390, %mul3A_393 : vector<16xf32>
      %sub3A_395 = arith.subf %max3A_389, %max3A_394 : vector<16xf32>
      %exp3A_396 = math.exp %sub3A_395 : vector<16xf32>
      %swap3A_397 = arith.constant 80 : index
      %swap3A_398 = tpu.vector_load %arg20[%swap3A_397] {strides = array<i32>} : memref<128xf32, #tpu.memory_space<vmem>>, vector<16xf32>,
      tpu.vector_store %arg20[%swap3A_397], %exp3A_396 {strides = array<i32>} : memref<128xf32, #tpu.memory_space<vmem>>, vector<16xf32>,
      %get3A_399 = arith.constant 96 : index
      %get3A_400 = tpu.vector_load %arg17[%get3A_399] {strides = array<i32>} : memref<128xf32, #tpu.memory_space<vmem>>, vector<16xf32>,
      %get3A_401 = arith.constant 96 : index
      %get3A_402 = tpu.vector_load %arg18[%get3A_401] {strides = array<i32>} : memref<128xf32, #tpu.memory_space<vmem>>, vector<16xf32>,
      %add3A_403 = arith.addf %get3A_400, %get3A_402 : vector<16xf32>
      %mul3A_404 = arith.constant 2.000000e-01 : f32
      %mul3A_405 = vector.broadcast %mul3A_404 : f32 to vector<16xf32>
      %mul3A_406 = arith.mulf %mul3A_405, %add3A_403 : vector<16xf32>
      %max3A_407 = arith.maximumf %add3A_403, %mul3A_406 : vector<16xf32>
      %add3A_408 = arith.addf %get3A_34, %get3A_402 : vector<16xf32>
      %mul3A_409 = arith.constant 2.000000e-01 : f32
      %mul3A_410 = vector.broadcast %mul3A_409 : f32 to vector<16xf32>
      %mul3A_411 = arith.mulf %mul3A_410, %add3A_408 : vector<16xf32>
      %max3A_412 = arith.maximumf %add3A_408, %mul3A_411 : vector<16xf32>
      %sub3A_413 = arith.subf %max3A_407, %max3A_412 : vector<16xf32>
      %exp3A_414 = math.exp %sub3A_413 : vector<16xf32>
      %swap3A_415 = arith.constant 96 : index
      %swap3A_416 = tpu.vector_load %arg20[%swap3A_415] {strides = array<i32>} : memref<128xf32, #tpu.memory_space<vmem>>, vector<16xf32>,
      tpu.vector_store %arg20[%swap3A_415], %exp3A_414 {strides = array<i32>} : memref<128xf32, #tpu.memory_space<vmem>>, vector<16xf32>,
      %get3A_417 = arith.constant 112 : index
      %get3A_418 = tpu.vector_load %arg17[%get3A_417] {strides = array<i32>} : memref<128xf32, #tpu.memory_space<vmem>>, vector<16xf32>,
      %get3A_419 = arith.constant 112 : index
      %get3A_420 = tpu.vector_load %arg18[%get3A_419] {strides = array<i32>} : memref<128xf32, #tpu.memory_space<vmem>>, vector<16xf32>,
      %add3A_421 = arith.addf %get3A_418, %get3A_420 : vector<16xf32>
      %mul3A_422 = arith.constant 2.000000e-01 : f32
      %mul3A_423 = vector.broadcast %mul3A_422 : f32 to vector<16xf32>
      %mul3A_424 = arith.mulf %mul3A_423, %add3A_421 : vector<16xf32>
      %max3A_425 = arith.maximumf %add3A_421, %mul3A_424 : vector<16xf32>
      %add3A_426 = arith.addf %get3A_34, %get3A_420 : vector<16xf32>
      %mul3A_427 = arith.constant 2.000000e-01 : f32
      %mul3A_428 = vector.broadcast %mul3A_427 : f32 to vector<16xf32>
      %mul3A_429 = arith.mulf %mul3A_428, %add3A_426 : vector<16xf32>
      %max3A_430 = arith.maximumf %add3A_426, %mul3A_429 : vector<16xf32>
      %sub3A_431 = arith.subf %max3A_425, %max3A_430 : vector<16xf32>
      %exp3A_432 = math.exp %sub3A_431 : vector<16xf32>
      %swap3A_433 = arith.constant 112 : index
      %swap3A_434 = tpu.vector_load %arg20[%swap3A_433] {strides = array<i32>} : memref<128xf32, #tpu.memory_space<vmem>>, vector<16xf32>,
      tpu.vector_store %arg20[%swap3A_433], %exp3A_432 {strides = array<i32>} : memref<128xf32, #tpu.memory_space<vmem>>, vector<16xf32>,
      %dma_start3A_435 = arith.constant 0 : i32
      %dma_start3A_436 = tpu.memref_slice %arg11[%dma_start3A_435] : memref<10240xf32, #tpu.memory_space<vmem_shared>> -> memref<10240xf32, #tpu.memory_space<vmem_shared>>
      tpu.enqueue_indirect_dma source(%arg20 : memref<128xf32, #tpu.memory_space<vmem>>) target(%dma_start3A_436 : memref<10240xf32, #tpu.memory_space<vmem_shared>>) offsets(%arg16 : memref<128xi32, #tpu.memory_space<vmem>>) semaphore(%arg29 : memref<!tpu.dma_semaphore, #tpu.memory_space<semaphore_mem>>) {add = true}
      %dma_wait3A_437 = arith.constant 0 : i32
      %dma_wait3A_438 = tpu.memref_slice %arg14[%add3A_270, %dma_wait3A_437] : memref<82x128xi32, #tpu.memory_space<vmem>> -> memref<1x128xi32, #tpu.memory_space<vmem>>
      %dma_wait3A_439 = tpu.memref_squeeze %dma_wait3A_438 : memref<1x128xi32, #tpu.memory_space<vmem>> -> memref<128xi32, #tpu.memory_space<vmem>>
      %dma_wait3A_440 = arith.constant 0 : i32
      %dma_wait3A_441 = arith.constant 0 : i32
      %dma_wait3A_442 = tpu.memref_slice %arg2[%dma_wait3A_440, %dma_wait3A_441] : memref<10240x128xf32, #tpu.memory_space<hbm>> -> memref<10240x128xf32, #tpu.memory_space<hbm>>
      tpu.wait_indirect_dma semaphore(%arg27 : memref<!tpu.dma_semaphore, #tpu.memory_space<semaphore_mem>>) src(%dma_wait3A_442 : memref<10240x128xf32, #tpu.memory_space<hbm>>) dst(%arg23 : memref<128x128xf32, #tpu.memory_space<vmem>>)
      %parallel_loop3A_443 = arith.constant 0 : i32
      %parallel_loop3A_444 = arith.constant 128 : i32
      %parallel_loop3A_445 = arith.constant 1 : i32
      scf.for %parallel_loop3A_455 = %parallel_loop3A_443 to %parallel_loop3A_444 step %parallel_loop3A_445  : i32 {
        %parallel_loop3A_456 = vector.broadcast %parallel_loop3A_455 : i32 to vector<16xi32>
        %parallel_loop3A_457 = tpu.vector_load_idx %arg20[%parallel_loop3A_456] : memref<128xf32, #tpu.memory_space<vmem>>[vector<16xi32>], vector<16xf32>,
        %parallel_loop3A_458 = arith.index_cast %parallel_loop3A_455 : i32 to index
        %parallel_loop3A_459 = arith.constant 0 : index
        %parallel_loop3A_460 = tpu.vector_load %arg23[%parallel_loop3A_458, %parallel_loop3A_459] {strides = array<i32>} : memref<128x128xf32, #tpu.memory_space<vmem>>, vector<16xf32>,
        %parallel_loop3A_461 = arith.mulf %parallel_loop3A_460, %parallel_loop3A_457 : vector<16xf32>
        %parallel_loop3A_462 = arith.index_cast %parallel_loop3A_455 : i32 to index
        %parallel_loop3A_463 = arith.constant 0 : index
        %parallel_loop3A_464 = tpu.vector_load %arg23[%parallel_loop3A_462, %parallel_loop3A_463] {strides = array<i32>} : memref<128x128xf32, #tpu.memory_space<vmem>>, vector<16xf32>,
        tpu.vector_store %arg23[%parallel_loop3A_462, %parallel_loop3A_463], %parallel_loop3A_461 {strides = array<i32>} : memref<128x128xf32, #tpu.memory_space<vmem>>, vector<16xf32>,
        %parallel_loop3A_465 = arith.index_cast %parallel_loop3A_455 : i32 to index
        %parallel_loop3A_466 = arith.constant 16 : index
        %parallel_loop3A_467 = tpu.vector_load %arg23[%parallel_loop3A_465, %parallel_loop3A_466] {strides = array<i32>} : memref<128x128xf32, #tpu.memory_space<vmem>>, vector<16xf32>,
        %parallel_loop3A_468 = arith.mulf %parallel_loop3A_467, %parallel_loop3A_457 : vector<16xf32>
        %parallel_loop3A_469 = arith.index_cast %parallel_loop3A_455 : i32 to index
        %parallel_loop3A_470 = arith.constant 16 : index
        %parallel_loop3A_471 = tpu.vector_load %arg23[%parallel_loop3A_469, %parallel_loop3A_470] {strides = array<i32>} : memref<128x128xf32, #tpu.memory_space<vmem>>, vector<16xf32>,
        tpu.vector_store %arg23[%parallel_loop3A_469, %parallel_loop3A_470], %parallel_loop3A_468 {strides = array<i32>} : memref<128x128xf32, #tpu.memory_space<vmem>>, vector<16xf32>,
        %parallel_loop3A_472 = arith.index_cast %parallel_loop3A_455 : i32 to index
        %parallel_loop3A_473 = arith.constant 32 : index
        %parallel_loop3A_474 = tpu.vector_load %arg23[%parallel_loop3A_472, %parallel_loop3A_473] {strides = array<i32>} : memref<128x128xf32, #tpu.memory_space<vmem>>, vector<16xf32>,
        %parallel_loop3A_475 = arith.mulf %parallel_loop3A_474, %parallel_loop3A_457 : vector<16xf32>
        %parallel_loop3A_476 = arith.index_cast %parallel_loop3A_455 : i32 to index
        %parallel_loop3A_477 = arith.constant 32 : index
        %parallel_loop3A_478 = tpu.vector_load %arg23[%parallel_loop3A_476, %parallel_loop3A_477] {strides = array<i32>} : memref<128x128xf32, #tpu.memory_space<vmem>>, vector<16xf32>,
        tpu.vector_store %arg23[%parallel_loop3A_476, %parallel_loop3A_477], %parallel_loop3A_475 {strides = array<i32>} : memref<128x128xf32, #tpu.memory_space<vmem>>, vector<16xf32>,
        %parallel_loop3A_479 = arith.index_cast %parallel_loop3A_455 : i32 to index
        %parallel_loop3A_480 = arith.constant 48 : index
        %parallel_loop3A_481 = tpu.vector_load %arg23[%parallel_loop3A_479, %parallel_loop3A_480] {strides = array<i32>} : memref<128x128xf32, #tpu.memory_space<vmem>>, vector<16xf32>,
        %parallel_loop3A_482 = arith.mulf %parallel_loop3A_481, %parallel_loop3A_457 : vector<16xf32>
        %parallel_loop3A_483 = arith.index_cast %parallel_loop3A_455 : i32 to index
        %parallel_loop3A_484 = arith.constant 48 : index
        %parallel_loop3A_485 = tpu.vector_load %arg23[%parallel_loop3A_483, %parallel_loop3A_484] {strides = array<i32>} : memref<128x128xf32, #tpu.memory_space<vmem>>, vector<16xf32>,
        tpu.vector_store %arg23[%parallel_loop3A_483, %parallel_loop3A_484], %parallel_loop3A_482 {strides = array<i32>} : memref<128x128xf32, #tpu.memory_space<vmem>>, vector<16xf32>,
        %parallel_loop3A_486 = arith.index_cast %parallel_loop3A_455 : i32 to index
        %parallel_loop3A_487 = arith.constant 64 : index
        %parallel_loop3A_488 = tpu.vector_load %arg23[%parallel_loop3A_486, %parallel_loop3A_487] {strides = array<i32>} : memref<128x128xf32, #tpu.memory_space<vmem>>, vector<16xf32>,
        %parallel_loop3A_489 = arith.mulf %parallel_loop3A_488, %parallel_loop3A_457 : vector<16xf32>
        %parallel_loop3A_490 = arith.index_cast %parallel_loop3A_455 : i32 to index
        %parallel_loop3A_491 = arith.constant 64 : index
        %parallel_loop3A_492 = tpu.vector_load %arg23[%parallel_loop3A_490, %parallel_loop3A_491] {strides = array<i32>} : memref<128x128xf32, #tpu.memory_space<vmem>>, vector<16xf32>,
        tpu.vector_store %arg23[%parallel_loop3A_490, %parallel_loop3A_491], %parallel_loop3A_489 {strides = array<i32>} : memref<128x128xf32, #tpu.memory_space<vmem>>, vector<16xf32>,
        %parallel_loop3A_493 = arith.index_cast %parallel_loop3A_455 : i32 to index
        %parallel_loop3A_494 = arith.constant 80 : index
        %parallel_loop3A_495 = tpu.vector_load %arg23[%parallel_loop3A_493, %parallel_loop3A_494] {strides = array<i32>} : memref<128x128xf32, #tpu.memory_space<vmem>>, vector<16xf32>,
        %parallel_loop3A_496 = arith.mulf %parallel_loop3A_495, %parallel_loop3A_457 : vector<16xf32>
        %parallel_loop3A_497 = arith.index_cast %parallel_loop3A_455 : i32 to index
        %parallel_loop3A_498 = arith.constant 80 : index
        %parallel_loop3A_499 = tpu.vector_load %arg23[%parallel_loop3A_497, %parallel_loop3A_498] {strides = array<i32>} : memref<128x128xf32, #tpu.memory_space<vmem>>, vector<16xf32>,
        tpu.vector_store %arg23[%parallel_loop3A_497, %parallel_loop3A_498], %parallel_loop3A_496 {strides = array<i32>} : memref<128x128xf32, #tpu.memory_space<vmem>>, vector<16xf32>,
        %parallel_loop3A_500 = arith.index_cast %parallel_loop3A_455 : i32 to index
        %parallel_loop3A_501 = arith.constant 96 : index
        %parallel_loop3A_502 = tpu.vector_load %arg23[%parallel_loop3A_500, %parallel_loop3A_501] {strides = array<i32>} : memref<128x128xf32, #tpu.memory_space<vmem>>, vector<16xf32>,
        %parallel_loop3A_503 = arith.mulf %parallel_loop3A_502, %parallel_loop3A_457 : vector<16xf32>
        %parallel_loop3A_504 = arith.index_cast %parallel_loop3A_455 : i32 to index
        %parallel_loop3A_505 = arith.constant 96 : index
        %parallel_loop3A_506 = tpu.vector_load %arg23[%parallel_loop3A_504, %parallel_loop3A_505] {strides = array<i32>} : memref<128x128xf32, #tpu.memory_space<vmem>>, vector<16xf32>,
        tpu.vector_store %arg23[%parallel_loop3A_504, %parallel_loop3A_505], %parallel_loop3A_503 {strides = array<i32>} : memref<128x128xf32, #tpu.memory_space<vmem>>, vector<16xf32>,
        %parallel_loop3A_507 = arith.index_cast %parallel_loop3A_455 : i32 to index
        %parallel_loop3A_508 = arith.constant 112 : index
        %parallel_loop3A_509 = tpu.vector_load %arg23[%parallel_loop3A_507, %parallel_loop3A_508] {strides = array<i32>} : memref<128x128xf32, #tpu.memory_space<vmem>>, vector<16xf32>,
        %parallel_loop3A_510 = arith.mulf %parallel_loop3A_509, %parallel_loop3A_457 : vector<16xf32>
        %parallel_loop3A_511 = arith.index_cast %parallel_loop3A_455 : i32 to index
        %parallel_loop3A_512 = arith.constant 112 : index
        %parallel_loop3A_513 = tpu.vector_load %arg23[%parallel_loop3A_511, %parallel_loop3A_512] {strides = array<i32>} : memref<128x128xf32, #tpu.memory_space<vmem>>, vector<16xf32>,
        tpu.vector_store %arg23[%parallel_loop3A_511, %parallel_loop3A_512], %parallel_loop3A_510 {strides = array<i32>} : memref<128x128xf32, #tpu.memory_space<vmem>>, vector<16xf32>,
      } {sc.loop_unroll_factor = 4 : i64, sc.parallel_access}
      "tpu.region"() ({
        %run_scoped3A = tpu.sem_alloc : memref<!tpu.dma_semaphore, #tpu.memory_space<semaphore_mem>>
        %dma_start3A_455 = arith.constant 0 : i32
        %dma_start3A_456 = arith.constant 0 : i32
        %dma_start3A_457 = tpu.memref_slice %arg10[%dma_start3A_455, %dma_start3A_456] : memref<10240x128xf32, #tpu.memory_space<vmem_shared>> -> memref<10240x128xf32, #tpu.memory_space<vmem_shared>>
        tpu.enqueue_indirect_dma source(%arg23 : memref<128x128xf32, #tpu.memory_space<vmem>>) target(%dma_start3A_457 : memref<10240x128xf32, #tpu.memory_space<vmem_shared>>) offsets(%arg16 : memref<128xi32, #tpu.memory_space<vmem>>) semaphore(%run_scoped3A : memref<!tpu.dma_semaphore, #tpu.memory_space<semaphore_mem>>) {add = true}
        %dma_wait3A_458 = arith.constant 0 : i32
        %dma_wait3A_459 = arith.constant 0 : i32
        %dma_wait3A_460 = tpu.memref_slice %arg10[%dma_wait3A_458, %dma_wait3A_459] : memref<10240x128xf32, #tpu.memory_space<vmem_shared>> -> memref<10240x128xf32, #tpu.memory_space<vmem_shared>>
        tpu.wait_indirect_dma semaphore(%run_scoped3A : memref<!tpu.dma_semaphore, #tpu.memory_space<semaphore_mem>>) src(%arg23 : memref<128x128xf32, #tpu.memory_space<vmem>>) dst(%dma_wait3A_460 : memref<10240x128xf32, #tpu.memory_space<vmem_shared>>)
        tpu.yield
      }) : () -> ()
      %dma_wait3A_446 = arith.constant 0 : i32
      %dma_wait3A_447 = tpu.memref_slice %arg11[%dma_wait3A_446] : memref<10240xf32, #tpu.memory_space<vmem_shared>> -> memref<10240xf32, #tpu.memory_space<vmem_shared>>
      tpu.wait_indirect_dma semaphore(%arg29 : memref<!tpu.dma_semaphore, #tpu.memory_space<semaphore_mem>>) src(%arg20 : memref<128xf32, #tpu.memory_space<vmem>>) dst(%dma_wait3A_447 : memref<10240xf32, #tpu.memory_space<vmem_shared>>)
      %add3A_448 = arith.constant 2 : i32
      %add3A_449 = arith.addi %add3A_270, %add3A_448 : i32
      %lt3A_450 = arith.constant 82 : i32
      %lt3A_451 = arith.cmpi slt, %add3A_449, %lt3A_450 : i32
      %convert_element_type3A_452 = arith.extui %lt3A_451 : i1 to i32
      %cond3A_453 = arith.constant 0 : i32
      %cond3A_454 = arith.cmpi ne, %convert_element_type3A_452, %cond3A_453 : i32
      scf.if %cond3A_454 {
        %add3A_455 = arith.constant 2 : i32
        %add3A_456 = arith.addi %add3A_270, %add3A_455 : i32
        %dma_start3A_457 = arith.constant 0 : i32
        %dma_start3A_458 = tpu.memref_slice %arg7[%add3A, %add3A_456, %dma_start3A_457] : memref<32x82x128xi32, #tpu.memory_space<hbm>> -> memref<1x1x128xi32, #tpu.memory_space<hbm>>
        %dma_start3A_459 = tpu.memref_squeeze %dma_start3A_458 : memref<1x1x128xi32, #tpu.memory_space<hbm>> -> memref<128xi32, #tpu.memory_space<hbm>>
        %dma_start3A_460 = arith.constant 0 : i32
        %dma_start3A_461 = tpu.memref_slice %arg7[%add3A, %add3A_456, %dma_start3A_460] : memref<32x82x128xi32, #tpu.memory_space<hbm>> -> memref<1x1x128xi32, #tpu.memory_space<hbm>>
        %dma_start3A_462 = tpu.memref_squeeze %dma_start3A_461 : memref<1x1x128xi32, #tpu.memory_space<hbm>> -> memref<128xi32, #tpu.memory_space<hbm>>
        tpu.enqueue_dma source(%dma_start3A_462 : memref<128xi32, #tpu.memory_space<hbm>>) target(%arg16 : memref<128xi32, #tpu.memory_space<vmem>>) target_semaphore(%arg25 : memref<!tpu.dma_semaphore, #tpu.memory_space<semaphore_mem>>)
        %add3A_463 = arith.constant 2 : i32
        %add3A_464 = arith.addi %add3A_270, %add3A_463 : i32
        %dma_start3A_465 = arith.constant 0 : i32
        %dma_start3A_466 = tpu.memref_slice %arg14[%add3A_464, %dma_start3A_465] : memref<82x128xi32, #tpu.memory_space<vmem>> -> memref<1x128xi32, #tpu.memory_space<vmem>>
        %dma_start3A_467 = tpu.memref_squeeze %dma_start3A_466 : memref<1x128xi32, #tpu.memory_space<vmem>> -> memref<128xi32, #tpu.memory_space<vmem>>
        %dma_start3A_468 = arith.constant 0 : i32
        %dma_start3A_469 = arith.constant 0 : i32
        %dma_start3A_470 = tpu.memref_slice %arg2[%dma_start3A_468, %dma_start3A_469] : memref<10240x128xf32, #tpu.memory_space<hbm>> -> memref<10240x128xf32, #tpu.memory_space<hbm>>
        tpu.enqueue_indirect_dma source(%dma_start3A_470 : memref<10240x128xf32, #tpu.memory_space<hbm>>) target(%arg23 : memref<128x128xf32, #tpu.memory_space<vmem>>) offsets(%dma_start3A_467 : memref<128xi32, #tpu.memory_space<vmem>>) semaphore(%arg27 : memref<!tpu.dma_semaphore, #tpu.memory_space<semaphore_mem>>)
      } else {
      }
    }
    %scan3A_67 = arith.constant 41 : i32
    %barrier3A_68 = arith.constant 0 : index
    tpu.barrier barrier_id(%barrier3A_68)
    %mul3A_69 = arith.constant 640 : i32
    %mul3A_70 = arith.muli %arg1, %mul3A_69 : i32
    %add3A_71 = arith.constant 0 : i32
    %add3A_72 = arith.addi %mul3A_70, %add3A_71 : i32
    "tpu.region"() ({
      %run_scoped3A = tpu.sem_alloc : memref<!tpu.dma_semaphore, #tpu.memory_space<semaphore_mem>>
      %dma_start3A_89 = arith.constant 0 : i32
      %dma_start3A_90 = tpu.memref_slice %arg10[%add3A_72, %dma_start3A_89] : memref<10240x128xf32, #tpu.memory_space<vmem_shared>> -> memref<128x128xf32, #tpu.memory_space<vmem_shared>>
      %dma_start3A_91 = arith.constant 0 : i32
      %dma_start3A_92 = tpu.memref_slice %arg10[%add3A_72, %dma_start3A_91] : memref<10240x128xf32, #tpu.memory_space<vmem_shared>> -> memref<128x128xf32, #tpu.memory_space<vmem_shared>>
      tpu.enqueue_dma source(%dma_start3A_92 : memref<128x128xf32, #tpu.memory_space<vmem_shared>>) target(%arg22 : memref<128x128xf32, #tpu.memory_space<vmem>>) target_semaphore(%run_scoped3A : memref<!tpu.dma_semaphore, #tpu.memory_space<semaphore_mem>>)
      %dma_wait3A = arith.constant 0 : i32
      %dma_wait3A_93 = tpu.memref_slice %arg10[%add3A_72, %dma_wait3A] : memref<10240x128xf32, #tpu.memory_space<vmem_shared>> -> memref<128x128xf32, #tpu.memory_space<vmem_shared>>
      %dma_wait3A_94 = arith.constant 0 : i32
      %dma_wait3A_95 = tpu.memref_slice %arg10[%add3A_72, %dma_wait3A_94] : memref<10240x128xf32, #tpu.memory_space<vmem_shared>> -> memref<128x128xf32, #tpu.memory_space<vmem_shared>>
      tpu.wait_dma2 semaphore(%run_scoped3A : memref<!tpu.dma_semaphore, #tpu.memory_space<semaphore_mem>>) src(%dma_wait3A_95 : memref<128x128xf32, #tpu.memory_space<vmem_shared>>) dst(%arg22 : memref<128x128xf32, #tpu.memory_space<vmem>>)
      tpu.yield
    }) : () -> ()
    "tpu.region"() ({
      %run_scoped3A = tpu.sem_alloc : memref<!tpu.dma_semaphore, #tpu.memory_space<semaphore_mem>>
      %dma_start3A_89 = arith.constant 0 : i32
      %dma_start3A_90 = tpu.memref_slice %arg8[%arg0, %add3A_72, %dma_start3A_89] : memref<2x10240x128xf32, #tpu.memory_space<hbm>> -> memref<1x128x128xf32, #tpu.memory_space<hbm>>
      %dma_start3A_91 = tpu.memref_squeeze %dma_start3A_90 : memref<1x128x128xf32, #tpu.memory_space<hbm>> -> memref<128x128xf32, #tpu.memory_space<hbm>>
      %dma_start3A_92 = arith.constant 0 : i32
      %dma_start3A_93 = tpu.memref_slice %arg8[%arg0, %add3A_72, %dma_start3A_92] : memref<2x10240x128xf32, #tpu.memory_space<hbm>> -> memref<1x128x128xf32, #tpu.memory_space<hbm>>
      %dma_start3A_94 = tpu.memref_squeeze %dma_start3A_93 : memref<1x128x128xf32, #tpu.memory_space<hbm>> -> memref<128x128xf32, #tpu.memory_space<hbm>>
      tpu.enqueue_dma source(%arg22 : memref<128x128xf32, #tpu.memory_space<vmem>>) target(%dma_start3A_94 : memref<128x128xf32, #tpu.memory_space<hbm>>) target_semaphore(%run_scoped3A : memref<!tpu.dma_semaphore, #tpu.memory_space<semaphore_mem>>)
      %dma_wait3A = arith.constant 0 : i32
      %dma_wait3A_95 = tpu.memref_slice %arg8[%arg0, %add3A_72, %dma_wait3A] : memref<2x10240x128xf32, #tpu.memory_space<hbm>> -> memref<1x128x128xf32, #tpu.memory_space<hbm>>
      %dma_wait3A_96 = tpu.memref_squeeze %dma_wait3A_95 : memref<1x128x128xf32, #tpu.memory_space<hbm>> -> memref<128x128xf32, #tpu.memory_space<hbm>>
      %dma_wait3A_97 = arith.constant 0 : i32
      %dma_wait3A_98 = tpu.memref_slice %arg8[%arg0, %add3A_72, %dma_wait3A_97] : memref<2x10240x128xf32, #tpu.memory_space<hbm>> -> memref<1x128x128xf32, #tpu.memory_space<hbm>>
      %dma_wait3A_99 = tpu.memref_squeeze %dma_wait3A_98 : memref<1x128x128xf32, #tpu.memory_space<hbm>> -> memref<128x128xf32, #tpu.memory_space<hbm>>
      tpu.wait_dma2 semaphore(%run_scoped3A : memref<!tpu.dma_semaphore, #tpu.memory_space<semaphore_mem>>) src(%arg22 : memref<128x128xf32, #tpu.memory_space<vmem>>) dst(%dma_wait3A_99 : memref<128x128xf32, #tpu.memory_space<hbm>>)
      tpu.yield
    }) : () -> ()
    %mul3A_73 = arith.constant 640 : i32
    %mul3A_74 = arith.muli %arg1, %mul3A_73 : i32
    %add3A_75 = arith.constant 128 : i32
    %add3A_76 = arith.addi %mul3A_74, %add3A_75 : i32
    "tpu.region"() ({
      %run_scoped3A = tpu.sem_alloc : memref<!tpu.dma_semaphore, #tpu.memory_space<semaphore_mem>>
      %dma_start3A_89 = arith.constant 0 : i32
      %dma_start3A_90 = tpu.memref_slice %arg10[%add3A_76, %dma_start3A_89] : memref<10240x128xf32, #tpu.memory_space<vmem_shared>> -> memref<128x128xf32, #tpu.memory_space<vmem_shared>>
      %dma_start3A_91 = arith.constant 0 : i32
      %dma_start3A_92 = tpu.memref_slice %arg10[%add3A_76, %dma_start3A_91] : memref<10240x128xf32, #tpu.memory_space<vmem_shared>> -> memref<128x128xf32, #tpu.memory_space<vmem_shared>>
      tpu.enqueue_dma source(%dma_start3A_92 : memref<128x128xf32, #tpu.memory_space<vmem_shared>>) target(%arg22 : memref<128x128xf32, #tpu.memory_space<vmem>>) target_semaphore(%run_scoped3A : memref<!tpu.dma_semaphore, #tpu.memory_space<semaphore_mem>>)
      %dma_wait3A = arith.constant 0 : i32
      %dma_wait3A_93 = tpu.memref_slice %arg10[%add3A_76, %dma_wait3A] : memref<10240x128xf32, #tpu.memory_space<vmem_shared>> -> memref<128x128xf32, #tpu.memory_space<vmem_shared>>
      %dma_wait3A_94 = arith.constant 0 : i32
      %dma_wait3A_95 = tpu.memref_slice %arg10[%add3A_76, %dma_wait3A_94] : memref<10240x128xf32, #tpu.memory_space<vmem_shared>> -> memref<128x128xf32, #tpu.memory_space<vmem_shared>>
      tpu.wait_dma2 semaphore(%run_scoped3A : memref<!tpu.dma_semaphore, #tpu.memory_space<semaphore_mem>>) src(%dma_wait3A_95 : memref<128x128xf32, #tpu.memory_space<vmem_shared>>) dst(%arg22 : memref<128x128xf32, #tpu.memory_space<vmem>>)
      tpu.yield
    }) : () -> ()
    "tpu.region"() ({
      %run_scoped3A = tpu.sem_alloc : memref<!tpu.dma_semaphore, #tpu.memory_space<semaphore_mem>>
      %dma_start3A_89 = arith.constant 0 : i32
      %dma_start3A_90 = tpu.memref_slice %arg8[%arg0, %add3A_76, %dma_start3A_89] : memref<2x10240x128xf32, #tpu.memory_space<hbm>> -> memref<1x128x128xf32, #tpu.memory_space<hbm>>
      %dma_start3A_91 = tpu.memref_squeeze %dma_start3A_90 : memref<1x128x128xf32, #tpu.memory_space<hbm>> -> memref<128x128xf32, #tpu.memory_space<hbm>>
      %dma_start3A_92 = arith.constant 0 : i32
      %dma_start3A_93 = tpu.memref_slice %arg8[%arg0, %add3A_76, %dma_start3A_92] : memref<2x10240x128xf32, #tpu.memory_space<hbm>> -> memref<1x128x128xf32, #tpu.memory_space<hbm>>
      %dma_start3A_94 = tpu.memref_squeeze %dma_start3A_93 : memref<1x128x128xf32, #tpu.memory_space<hbm>> -> memref<128x128xf32, #tpu.memory_space<hbm>>
      tpu.enqueue_dma source(%arg22 : memref<128x128xf32, #tpu.memory_space<vmem>>) target(%dma_start3A_94 : memref<128x128xf32, #tpu.memory_space<hbm>>) target_semaphore(%run_scoped3A : memref<!tpu.dma_semaphore, #tpu.memory_space<semaphore_mem>>)
      %dma_wait3A = arith.constant 0 : i32
      %dma_wait3A_95 = tpu.memref_slice %arg8[%arg0, %add3A_76, %dma_wait3A] : memref<2x10240x128xf32, #tpu.memory_space<hbm>> -> memref<1x128x128xf32, #tpu.memory_space<hbm>>
      %dma_wait3A_96 = tpu.memref_squeeze %dma_wait3A_95 : memref<1x128x128xf32, #tpu.memory_space<hbm>> -> memref<128x128xf32, #tpu.memory_space<hbm>>
      %dma_wait3A_97 = arith.constant 0 : i32
      %dma_wait3A_98 = tpu.memref_slice %arg8[%arg0, %add3A_76, %dma_wait3A_97] : memref<2x10240x128xf32, #tpu.memory_space<hbm>> -> memref<1x128x128xf32, #tpu.memory_space<hbm>>
      %dma_wait3A_99 = tpu.memref_squeeze %dma_wait3A_98 : memref<1x128x128xf32, #tpu.memory_space<hbm>> -> memref<128x128xf32, #tpu.memory_space<hbm>>
      tpu.wait_dma2 semaphore(%run_scoped3A : memref<!tpu.dma_semaphore, #tpu.memory_space<semaphore_mem>>) src(%arg22 : memref<128x128xf32, #tpu.memory_space<vmem>>) dst(%dma_wait3A_99 : memref<128x128xf32, #tpu.memory_space<hbm>>)
      tpu.yield
    }) : () -> ()
    %mul3A_77 = arith.constant 640 : i32
    %mul3A_78 = arith.muli %arg1, %mul3A_77 : i32
    %add3A_79 = arith.constant 256 : i32
    %add3A_80 = arith.addi %mul3A_78, %add3A_79 : i32
    "tpu.region"() ({
      %run_scoped3A = tpu.sem_alloc : memref<!tpu.dma_semaphore, #tpu.memory_space<semaphore_mem>>
      %dma_start3A_89 = arith.constant 0 : i32
      %dma_start3A_90 = tpu.memref_slice %arg10[%add3A_80, %dma_start3A_89] : memref<10240x128xf32, #tpu.memory_space<vmem_shared>> -> memref<128x128xf32, #tpu.memory_space<vmem_shared>>
      %dma_start3A_91 = arith.constant 0 : i32
      %dma_start3A_92 = tpu.memref_slice %arg10[%add3A_80, %dma_start3A_91] : memref<10240x128xf32, #tpu.memory_space<vmem_shared>> -> memref<128x128xf32, #tpu.memory_space<vmem_shared>>
      tpu.enqueue_dma source(%dma_start3A_92 : memref<128x128xf32, #tpu.memory_space<vmem_shared>>) target(%arg22 : memref<128x128xf32, #tpu.memory_space<vmem>>) target_semaphore(%run_scoped3A : memref<!tpu.dma_semaphore, #tpu.memory_space<semaphore_mem>>)
      %dma_wait3A = arith.constant 0 : i32
      %dma_wait3A_93 = tpu.memref_slice %arg10[%add3A_80, %dma_wait3A] : memref<10240x128xf32, #tpu.memory_space<vmem_shared>> -> memref<128x128xf32, #tpu.memory_space<vmem_shared>>
      %dma_wait3A_94 = arith.constant 0 : i32
      %dma_wait3A_95 = tpu.memref_slice %arg10[%add3A_80, %dma_wait3A_94] : memref<10240x128xf32, #tpu.memory_space<vmem_shared>> -> memref<128x128xf32, #tpu.memory_space<vmem_shared>>
      tpu.wait_dma2 semaphore(%run_scoped3A : memref<!tpu.dma_semaphore, #tpu.memory_space<semaphore_mem>>) src(%dma_wait3A_95 : memref<128x128xf32, #tpu.memory_space<vmem_shared>>) dst(%arg22 : memref<128x128xf32, #tpu.memory_space<vmem>>)
      tpu.yield
    }) : () -> ()
    "tpu.region"() ({
      %run_scoped3A = tpu.sem_alloc : memref<!tpu.dma_semaphore, #tpu.memory_space<semaphore_mem>>
      %dma_start3A_89 = arith.constant 0 : i32
      %dma_start3A_90 = tpu.memref_slice %arg8[%arg0, %add3A_80, %dma_start3A_89] : memref<2x10240x128xf32, #tpu.memory_space<hbm>> -> memref<1x128x128xf32, #tpu.memory_space<hbm>>
      %dma_start3A_91 = tpu.memref_squeeze %dma_start3A_90 : memref<1x128x128xf32, #tpu.memory_space<hbm>> -> memref<128x128xf32, #tpu.memory_space<hbm>>
      %dma_start3A_92 = arith.constant 0 : i32
      %dma_start3A_93 = tpu.memref_slice %arg8[%arg0, %add3A_80, %dma_start3A_92] : memref<2x10240x128xf32, #tpu.memory_space<hbm>> -> memref<1x128x128xf32, #tpu.memory_space<hbm>>
      %dma_start3A_94 = tpu.memref_squeeze %dma_start3A_93 : memref<1x128x128xf32, #tpu.memory_space<hbm>> -> memref<128x128xf32, #tpu.memory_space<hbm>>
      tpu.enqueue_dma source(%arg22 : memref<128x128xf32, #tpu.memory_space<vmem>>) target(%dma_start3A_94 : memref<128x128xf32, #tpu.memory_space<hbm>>) target_semaphore(%run_scoped3A : memref<!tpu.dma_semaphore, #tpu.memory_space<semaphore_mem>>)
      %dma_wait3A = arith.constant 0 : i32
      %dma_wait3A_95 = tpu.memref_slice %arg8[%arg0, %add3A_80, %dma_wait3A] : memref<2x10240x128xf32, #tpu.memory_space<hbm>> -> memref<1x128x128xf32, #tpu.memory_space<hbm>>
      %dma_wait3A_96 = tpu.memref_squeeze %dma_wait3A_95 : memref<1x128x128xf32, #tpu.memory_space<hbm>> -> memref<128x128xf32, #tpu.memory_space<hbm>>
      %dma_wait3A_97 = arith.constant 0 : i32
      %dma_wait3A_98 = tpu.memref_slice %arg8[%arg0, %add3A_80, %dma_wait3A_97] : memref<2x10240x128xf32, #tpu.memory_space<hbm>> -> memref<1x128x128xf32, #tpu.memory_space<hbm>>
      %dma_wait3A_99 = tpu.memref_squeeze %dma_wait3A_98 : memref<1x128x128xf32, #tpu.memory_space<hbm>> -> memref<128x128xf32, #tpu.memory_space<hbm>>
      tpu.wait_dma2 semaphore(%run_scoped3A : memref<!tpu.dma_semaphore, #tpu.memory_space<semaphore_mem>>) src(%arg22 : memref<128x128xf32, #tpu.memory_space<vmem>>) dst(%dma_wait3A_99 : memref<128x128xf32, #tpu.memory_space<hbm>>)
      tpu.yield
    }) : () -> ()
    %mul3A_81 = arith.constant 640 : i32
    %mul3A_82 = arith.muli %arg1, %mul3A_81 : i32
    %add3A_83 = arith.constant 384 : i32
    %add3A_84 = arith.addi %mul3A_82, %add3A_83 : i32
    "tpu.region"() ({
      %run_scoped3A = tpu.sem_alloc : memref<!tpu.dma_semaphore, #tpu.memory_space<semaphore_mem>>
      %dma_start3A_89 = arith.constant 0 : i32
      %dma_start3A_90 = tpu.memref_slice %arg10[%add3A_84, %dma_start3A_89] : memref<10240x128xf32, #tpu.memory_space<vmem_shared>> -> memref<128x128xf32, #tpu.memory_space<vmem_shared>>
      %dma_start3A_91 = arith.constant 0 : i32
      %dma_start3A_92 = tpu.memref_slice %arg10[%add3A_84, %dma_start3A_91] : memref<10240x128xf32, #tpu.memory_space<vmem_shared>> -> memref<128x128xf32, #tpu.memory_space<vmem_shared>>
      tpu.enqueue_dma source(%dma_start3A_92 : memref<128x128xf32, #tpu.memory_space<vmem_shared>>) target(%arg22 : memref<128x128xf32, #tpu.memory_space<vmem>>) target_semaphore(%run_scoped3A : memref<!tpu.dma_semaphore, #tpu.memory_space<semaphore_mem>>)
      %dma_wait3A = arith.constant 0 : i32
      %dma_wait3A_93 = tpu.memref_slice %arg10[%add3A_84, %dma_wait3A] : memref<10240x128xf32, #tpu.memory_space<vmem_shared>> -> memref<128x128xf32, #tpu.memory_space<vmem_shared>>
      %dma_wait3A_94 = arith.constant 0 : i32
      %dma_wait3A_95 = tpu.memref_slice %arg10[%add3A_84, %dma_wait3A_94] : memref<10240x128xf32, #tpu.memory_space<vmem_shared>> -> memref<128x128xf32, #tpu.memory_space<vmem_shared>>
      tpu.wait_dma2 semaphore(%run_scoped3A : memref<!tpu.dma_semaphore, #tpu.memory_space<semaphore_mem>>) src(%dma_wait3A_95 : memref<128x128xf32, #tpu.memory_space<vmem_shared>>) dst(%arg22 : memref<128x128xf32, #tpu.memory_space<vmem>>)
      tpu.yield
    }) : () -> ()
    "tpu.region"() ({
      %run_scoped3A = tpu.sem_alloc : memref<!tpu.dma_semaphore, #tpu.memory_space<semaphore_mem>>
      %dma_start3A_89 = arith.constant 0 : i32
      %dma_start3A_90 = tpu.memref_slice %arg8[%arg0, %add3A_84, %dma_start3A_89] : memref<2x10240x128xf32, #tpu.memory_space<hbm>> -> memref<1x128x128xf32, #tpu.memory_space<hbm>>
      %dma_start3A_91 = tpu.memref_squeeze %dma_start3A_90 : memref<1x128x128xf32, #tpu.memory_space<hbm>> -> memref<128x128xf32, #tpu.memory_space<hbm>>
      %dma_start3A_92 = arith.constant 0 : i32
      %dma_start3A_93 = tpu.memref_slice %arg8[%arg0, %add3A_84, %dma_start3A_92] : memref<2x10240x128xf32, #tpu.memory_space<hbm>> -> memref<1x128x128xf32, #tpu.memory_space<hbm>>
      %dma_start3A_94 = tpu.memref_squeeze %dma_start3A_93 : memref<1x128x128xf32, #tpu.memory_space<hbm>> -> memref<128x128xf32, #tpu.memory_space<hbm>>
      tpu.enqueue_dma source(%arg22 : memref<128x128xf32, #tpu.memory_space<vmem>>) target(%dma_start3A_94 : memref<128x128xf32, #tpu.memory_space<hbm>>) target_semaphore(%run_scoped3A : memref<!tpu.dma_semaphore, #tpu.memory_space<semaphore_mem>>)
      %dma_wait3A = arith.constant 0 : i32
      %dma_wait3A_95 = tpu.memref_slice %arg8[%arg0, %add3A_84, %dma_wait3A] : memref<2x10240x128xf32, #tpu.memory_space<hbm>> -> memref<1x128x128xf32, #tpu.memory_space<hbm>>
      %dma_wait3A_96 = tpu.memref_squeeze %dma_wait3A_95 : memref<1x128x128xf32, #tpu.memory_space<hbm>> -> memref<128x128xf32, #tpu.memory_space<hbm>>
      %dma_wait3A_97 = arith.constant 0 : i32
      %dma_wait3A_98 = tpu.memref_slice %arg8[%arg0, %add3A_84, %dma_wait3A_97] : memref<2x10240x128xf32, #tpu.memory_space<hbm>> -> memref<1x128x128xf32, #tpu.memory_space<hbm>>
      %dma_wait3A_99 = tpu.memref_squeeze %dma_wait3A_98 : memref<1x128x128xf32, #tpu.memory_space<hbm>> -> memref<128x128xf32, #tpu.memory_space<hbm>>
      tpu.wait_dma2 semaphore(%run_scoped3A : memref<!tpu.dma_semaphore, #tpu.memory_space<semaphore_mem>>) src(%arg22 : memref<128x128xf32, #tpu.memory_space<vmem>>) dst(%dma_wait3A_99 : memref<128x128xf32, #tpu.memory_space<hbm>>)
      tpu.yield
    }) : () -> ()
    %mul3A_85 = arith.constant 640 : i32
    %mul3A_86 = arith.muli %arg1, %mul3A_85 : i32
    %add3A_87 = arith.constant 512 : i32
    %add3A_88 = arith.addi %mul3A_86, %add3A_87 : i32
    "tpu.region"() ({
      %run_scoped3A = tpu.sem_alloc : memref<!tpu.dma_semaphore, #tpu.memory_space<semaphore_mem>>
      %dma_start3A_89 = arith.constant 0 : i32
      %dma_start3A_90 = tpu.memref_slice %arg10[%add3A_88, %dma_start3A_89] : memref<10240x128xf32, #tpu.memory_space<vmem_shared>> -> memref<128x128xf32, #tpu.memory_space<vmem_shared>>
      %dma_start3A_91 = arith.constant 0 : i32
      %dma_start3A_92 = tpu.memref_slice %arg10[%add3A_88, %dma_start3A_91] : memref<10240x128xf32, #tpu.memory_space<vmem_shared>> -> memref<128x128xf32, #tpu.memory_space<vmem_shared>>
      tpu.enqueue_dma source(%dma_start3A_92 : memref<128x128xf32, #tpu.memory_space<vmem_shared>>) target(%arg22 : memref<128x128xf32, #tpu.memory_space<vmem>>) target_semaphore(%run_scoped3A : memref<!tpu.dma_semaphore, #tpu.memory_space<semaphore_mem>>)
      %dma_wait3A = arith.constant 0 : i32
      %dma_wait3A_93 = tpu.memref_slice %arg10[%add3A_88, %dma_wait3A] : memref<10240x128xf32, #tpu.memory_space<vmem_shared>> -> memref<128x128xf32, #tpu.memory_space<vmem_shared>>
      %dma_wait3A_94 = arith.constant 0 : i32
      %dma_wait3A_95 = tpu.memref_slice %arg10[%add3A_88, %dma_wait3A_94] : memref<10240x128xf32, #tpu.memory_space<vmem_shared>> -> memref<128x128xf32, #tpu.memory_space<vmem_shared>>
      tpu.wait_dma2 semaphore(%run_scoped3A : memref<!tpu.dma_semaphore, #tpu.memory_space<semaphore_mem>>) src(%dma_wait3A_95 : memref<128x128xf32, #tpu.memory_space<vmem_shared>>) dst(%arg22 : memref<128x128xf32, #tpu.memory_space<vmem>>)
      tpu.yield
    }) : () -> ()
    "tpu.region"() ({
      %run_scoped3A = tpu.sem_alloc : memref<!tpu.dma_semaphore, #tpu.memory_space<semaphore_mem>>
      %dma_start3A_89 = arith.constant 0 : i32
      %dma_start3A_90 = tpu.memref_slice %arg8[%arg0, %add3A_88, %dma_start3A_89] : memref<2x10240x128xf32, #tpu.memory_space<hbm>> -> memref<1x128x128xf32, #tpu.memory_space<hbm>>
      %dma_start3A_91 = tpu.memref_squeeze %dma_start3A_90 : memref<1x128x128xf32, #tpu.memory_space<hbm>> -> memref<128x128xf32, #tpu.memory_space<hbm>>
      %dma_start3A_92 = arith.constant 0 : i32
      %dma_start3A_93 = tpu.memref_slice %arg8[%arg0, %add3A_88, %dma_start3A_92] : memref<2x10240x128xf32, #tpu.memory_space<hbm>> -> memref<1x128x128xf32, #tpu.memory_space<hbm>>
      %dma_start3A_94 = tpu.memref_squeeze %dma_start3A_93 : memref<1x128x128xf32, #tpu.memory_space<hbm>> -> memref<128x128xf32, #tpu.memory_space<hbm>>
      tpu.enqueue_dma source(%arg22 : memref<128x128xf32, #tpu.memory_space<vmem>>) target(%dma_start3A_94 : memref<128x128xf32, #tpu.memory_space<hbm>>) target_semaphore(%run_scoped3A : memref<!tpu.dma_semaphore, #tpu.memory_space<semaphore_mem>>)
      %dma_wait3A = arith.constant 0 : i32
      %dma_wait3A_95 = tpu.memref_slice %arg8[%arg0, %add3A_88, %dma_wait3A] : memref<2x10240x128xf32, #tpu.memory_space<hbm>> -> memref<1x128x128xf32, #tpu.memory_space<hbm>>
      %dma_wait3A_96 = tpu.memref_squeeze %dma_wait3A_95 : memref<1x128x128xf32, #tpu.memory_space<hbm>> -> memref<128x128xf32, #tpu.memory_space<hbm>>
      %dma_wait3A_97 = arith.constant 0 : i32
      %dma_wait3A_98 = tpu.memref_slice %arg8[%arg0, %add3A_88, %dma_wait3A_97] : memref<2x10240x128xf32, #tpu.memory_space<hbm>> -> memref<1x128x128xf32, #tpu.memory_space<hbm>>
      %dma_wait3A_99 = tpu.memref_squeeze %dma_wait3A_98 : memref<1x128x128xf32, #tpu.memory_space<hbm>> -> memref<128x128xf32, #tpu.memory_space<hbm>>
      tpu.wait_dma2 semaphore(%run_scoped3A : memref<!tpu.dma_semaphore, #tpu.memory_space<semaphore_mem>>) src(%arg22 : memref<128x128xf32, #tpu.memory_space<vmem>>) dst(%dma_wait3A_99 : memref<128x128xf32, #tpu.memory_space<hbm>>)
      tpu.yield
    }) : () -> ()
    "tpu.region"() ({
      %run_scoped3A = tpu.sem_alloc : memref<!tpu.dma_semaphore, #tpu.memory_space<semaphore_mem>>
      %dma_start3A_89 = tpu.memref_slice %arg11[%mul3A_2] : memref<10240xf32, #tpu.memory_space<vmem_shared>> -> memref<640xf32, #tpu.memory_space<vmem_shared>>
      %dma_start3A_90 = tpu.memref_slice %arg11[%mul3A_2] : memref<10240xf32, #tpu.memory_space<vmem_shared>> -> memref<640xf32, #tpu.memory_space<vmem_shared>>
      tpu.enqueue_dma source(%dma_start3A_90 : memref<640xf32, #tpu.memory_space<vmem_shared>>) target(%arg21 : memref<640xf32, #tpu.memory_space<vmem>>) target_semaphore(%run_scoped3A : memref<!tpu.dma_semaphore, #tpu.memory_space<semaphore_mem>>)
      %dma_wait3A = tpu.memref_slice %arg11[%mul3A_2] : memref<10240xf32, #tpu.memory_space<vmem_shared>> -> memref<640xf32, #tpu.memory_space<vmem_shared>>
      %dma_wait3A_91 = tpu.memref_slice %arg11[%mul3A_2] : memref<10240xf32, #tpu.memory_space<vmem_shared>> -> memref<640xf32, #tpu.memory_space<vmem_shared>>
      tpu.wait_dma2 semaphore(%run_scoped3A : memref<!tpu.dma_semaphore, #tpu.memory_space<semaphore_mem>>) src(%dma_wait3A_91 : memref<640xf32, #tpu.memory_space<vmem_shared>>) dst(%arg21 : memref<640xf32, #tpu.memory_space<vmem>>)
      tpu.yield
    }) : () -> ()
    "tpu.region"() ({
      %run_scoped3A = tpu.sem_alloc : memref<!tpu.dma_semaphore, #tpu.memory_space<semaphore_mem>>
      %dma_start3A_89 = tpu.memref_slice %arg9[%arg0, %mul3A_2] : memref<2x10240xf32, #tpu.memory_space<hbm>> -> memref<1x640xf32, #tpu.memory_space<hbm>>
      %dma_start3A_90 = tpu.memref_squeeze %dma_start3A_89 : memref<1x640xf32, #tpu.memory_space<hbm>> -> memref<640xf32, #tpu.memory_space<hbm>>
      %dma_start3A_91 = tpu.memref_slice %arg9[%arg0, %mul3A_2] : memref<2x10240xf32, #tpu.memory_space<hbm>> -> memref<1x640xf32, #tpu.memory_space<hbm>>
      %dma_start3A_92 = tpu.memref_squeeze %dma_start3A_91 : memref<1x640xf32, #tpu.memory_space<hbm>> -> memref<640xf32, #tpu.memory_space<hbm>>
      tpu.enqueue_dma source(%arg21 : memref<640xf32, #tpu.memory_space<vmem>>) target(%dma_start3A_92 : memref<640xf32, #tpu.memory_space<hbm>>) target_semaphore(%run_scoped3A : memref<!tpu.dma_semaphore, #tpu.memory_space<semaphore_mem>>)
      %dma_wait3A = tpu.memref_slice %arg9[%arg0, %mul3A_2] : memref<2x10240xf32, #tpu.memory_space<hbm>> -> memref<1x640xf32, #tpu.memory_space<hbm>>
      %dma_wait3A_93 = tpu.memref_squeeze %dma_wait3A : memref<1x640xf32, #tpu.memory_space<hbm>> -> memref<640xf32, #tpu.memory_space<hbm>>
      %dma_wait3A_94 = tpu.memref_slice %arg9[%arg0, %mul3A_2] : memref<2x10240xf32, #tpu.memory_space<hbm>> -> memref<1x640xf32, #tpu.memory_space<hbm>>
      %dma_wait3A_95 = tpu.memref_squeeze %dma_wait3A_94 : memref<1x640xf32, #tpu.memory_space<hbm>> -> memref<640xf32, #tpu.memory_space<hbm>>
      tpu.wait_dma2 semaphore(%run_scoped3A : memref<!tpu.dma_semaphore, #tpu.memory_space<semaphore_mem>>) src(%arg21 : memref<640xf32, #tpu.memory_space<vmem>>) dst(%dma_wait3A_95 : memref<640xf32, #tpu.memory_space<hbm>>)
      tpu.yield
    }) : () -> ()
    return
  }
}

module attributes {stable_mosaic.version = 14 : i64} {
  func.func @_tc_embed_body(%arg0: i32, %arg1: memref<2048x128xf32, #tpu.memory_space<vmem>>, %arg2: memref<128x128xf32, #tpu.memory_space<vmem>>, %arg3: memref<128x2xf32, #tpu.memory_space<vmem>>, %arg4: memref<2048x128xf32, #tpu.memory_space<vmem>>, %arg5: memref<2048x2xf32, #tpu.memory_space<vmem>>, %arg6: memref<1x1xf32, #tpu.memory_space<vmem>>) attributes {dimension_semantics = [#tpu.dimension_semantics<arbitrary>], iteration_bounds = array<i64: 5>, scalar_prefetch = 0 : i64, scratch_operands = 0 : i64, tpu.core_type = #tpu.core_type<tc>, window_params = [{transform_indices = @transform_0, window_bounds = array<i64: 2048, 128>}, {pipeline_mode = #tpu.pipeline_mode<synchronous>, transform_indices = @transform_1, window_bounds = array<i64: 128, 128>}, {pipeline_mode = #tpu.pipeline_mode<synchronous>, transform_indices = @transform_2, window_bounds = array<i64: 128, 2>}, {transform_indices = @transform_3, window_bounds = array<i64: 2048, 128>}, {transform_indices = @transform_4, window_bounds = array<i64: 2048, 2>}, {pipeline_mode = #tpu.pipeline_mode<synchronous>, transform_indices = @transform_5, window_bounds = array<i64: 1, 1>}]} {
    %get3A = arith.constant 0 : index
    %get3A_0 = arith.constant 0 : index
    %get3A_1 = vector.load %arg1[%get3A, %get3A_0] : memref<2048x128xf32, #tpu.memory_space<vmem>>, vector<2048x128xf32>
    %get3A_2 = arith.constant 0 : index
    %get3A_3 = arith.constant 0 : index
    %get3A_4 = vector.load %arg2[%get3A_2, %get3A_3] : memref<128x128xf32, #tpu.memory_space<vmem>>, vector<128x128xf32>
    %dot_general3A = arith.constant dense<0.000000e+00> : vector<2048x128xf32>
    %dot_general3A_5 = tpu.matmul %get3A_1, %get3A_4, %dot_general3A {dimension_numbers = #tpu.dot_dimension_numbers<[1], [0], [0], [1], [0, 0, 1, 1], [], []>, transpose_lhs_hint = false} : vector<2048x128xf32>, vector<128x128xf32>, vector<2048x128xf32> -> vector<2048x128xf32>
    %get3A_6 = arith.constant 0 : index
    %get3A_7 = arith.constant 0 : index
    %get3A_8 = vector.load %arg3[%get3A_6, %get3A_7] : memref<128x2xf32, #tpu.memory_space<vmem>>, vector<128x2xf32>
    %dot_general3A_9 = arith.constant dense<0.000000e+00> : vector<2048x2xf32>
    %dot_general3A_10 = tpu.matmul %dot_general3A_5, %get3A_8, %dot_general3A_9 {dimension_numbers = #tpu.dot_dimension_numbers<[1], [0], [0], [1], [0, 0, 1, 1], [], []>, transpose_lhs_hint = false} : vector<2048x128xf32>, vector<128x2xf32>, vector<2048x2xf32> -> vector<2048x2xf32>
    %swap3A = arith.constant 0 : index
    %swap3A_11 = arith.constant 0 : index
    %swap3A_12 = vector.load %arg4[%swap3A, %swap3A_11] : memref<2048x128xf32, #tpu.memory_space<vmem>>, vector<2048x128xf32>
    tpu.vector_store %arg4[%swap3A, %swap3A_11], %dot_general3A_5 {strides = array<i32>} : memref<2048x128xf32, #tpu.memory_space<vmem>>, vector<2048x128xf32>,
    %swap3A_13 = arith.constant 0 : index
    %swap3A_14 = arith.constant 0 : index
    %swap3A_15 = vector.load %arg5[%swap3A_13, %swap3A_14] : memref<2048x2xf32, #tpu.memory_space<vmem>>, vector<2048x2xf32>
    tpu.vector_store %arg5[%swap3A_13, %swap3A_14], %dot_general3A_10 {strides = array<i32>} : memref<2048x2xf32, #tpu.memory_space<vmem>>, vector<2048x2xf32>,
    %mul3A = arith.constant 2048 : i32
    %mul3A_16 = arith.muli %arg0, %mul3A : i32
    %iota3A = tpu.iota {dimensions = array<i32: 0>} : vector<2048x1xi32>
    %add3A = vector.broadcast %mul3A_16 : i32 to vector<2048x1xi32>
    %add3A_17 = arith.addi %add3A, %iota3A : vector<2048x1xi32>
    %lt3A = arith.constant 10000 : i32
    %lt3A_18 = vector.broadcast %lt3A : i32 to vector<2048x1xi32>
    %lt3A_19 = arith.cmpi slt, %add3A_17, %lt3A_18 : vector<2048x1xi32>
    %slice3A = vector.extract_strided_slice %dot_general3A_10 {offsets = [0, 0], sizes = [2048, 1], strides = [1, 1]} : vector<2048x2xf32> to vector<2048x1xf32>
    %jit3A = arith.constant -1.000000e+30 : f32
    %broadcast_in_dim3A = vector.broadcast %jit3A : f32 to vector<2048x1xf32>
    %select_n3A = arith.select %lt3A_19, %slice3A, %broadcast_in_dim3A : vector<2048x1xi1>, vector<2048x1xf32>
    %reduce_max3A = vector.shape_cast %select_n3A : vector<2048x1xf32> to vector<1x2048x1xf32>
    %reduce_max3A_20 = arith.constant dense<0xFF800000> : vector<1xf32>
    %reduce_max3A_21 = vector.multi_reduction <maximumf>, %reduce_max3A, %reduce_max3A_20 [1, 2] : vector<1x2048x1xf32> to vector<1xf32>
    %reduce_max3A_22 = vector.shape_cast %reduce_max3A_21 : vector<1xf32> to vector<1x1x1xf32>
    %reduce_max3A_23 = vector.extract %reduce_max3A_22[0, 0, 0] : f32 from vector<1x1x1xf32>
    %broadcast_in_dim3A_24 = vector.broadcast %reduce_max3A_23 : f32 to vector<1x1xf32>
    %eq3A = arith.constant 0 : i32
    %eq3A_25 = arith.cmpi eq, %arg0, %eq3A : i32
    %convert_element_type3A = arith.extui %eq3A_25 : i1 to i32
    %cond3A = arith.constant 0 : i32
    %cond3A_26 = arith.cmpi ne, %convert_element_type3A, %cond3A : i32
    scf.if %cond3A_26 {
      %swap3A_31 = arith.constant 0 : index
      %swap3A_32 = arith.constant 0 : index
      %swap3A_33 = vector.load %arg6[%swap3A_31, %swap3A_32] : memref<1x1xf32, #tpu.memory_space<vmem>>, vector<1x1xf32>
      tpu.vector_store %arg6[%swap3A_31, %swap3A_32], %broadcast_in_dim3A_24 {strides = array<i32>} : memref<1x1xf32, #tpu.memory_space<vmem>>, vector<1x1xf32>,
    } else {
    }
    %ne3A = arith.constant 0 : i32
    %ne3A_27 = arith.cmpi ne, %arg0, %ne3A : i32
    %convert_element_type3A_28 = arith.extui %ne3A_27 : i1 to i32
    %cond3A_29 = arith.constant 0 : i32
    %cond3A_30 = arith.cmpi ne, %convert_element_type3A_28, %cond3A_29 : i32
    scf.if %cond3A_30 {
      %get3A_31 = arith.constant 0 : index
      %get3A_32 = arith.constant 0 : index
      %get3A_33 = vector.load %arg6[%get3A_31, %get3A_32] : memref<1x1xf32, #tpu.memory_space<vmem>>, vector<1x1xf32>
      %max3A = arith.maximumf %get3A_33, %broadcast_in_dim3A_24 : vector<1x1xf32>
      %swap3A_34 = arith.constant 0 : index
      %swap3A_35 = arith.constant 0 : index
      %swap3A_36 = vector.load %arg6[%swap3A_34, %swap3A_35] : memref<1x1xf32, #tpu.memory_space<vmem>>, vector<1x1xf32>
      tpu.vector_store %arg6[%swap3A_34, %swap3A_35], %max3A {strides = array<i32>} : memref<1x1xf32, #tpu.memory_space<vmem>>, vector<1x1xf32>,
    } else {
    }
    return
  }
  func.func @transform_0(%arg0: i32) -> (i32, i32) {
    %c0_i32 = arith.constant 0 : i32
    %c0_i32_0 = arith.constant 0 : i32
    return %arg0, %c0_i32 : i32, i32
  }
  func.func @transform_1(%arg0: i32) -> (i32, i32) {
    %c0_i32 = arith.constant 0 : i32
    %c0_i32_0 = arith.constant 0 : i32
    %c0_i32_1 = arith.constant 0 : i32
    return %c0_i32, %c0_i32_0 : i32, i32
  }
  func.func @transform_2(%arg0: i32) -> (i32, i32) {
    %c0_i32 = arith.constant 0 : i32
    %c0_i32_0 = arith.constant 0 : i32
    %c0_i32_1 = arith.constant 0 : i32
    return %c0_i32, %c0_i32_0 : i32, i32
  }
  func.func @transform_3(%arg0: i32) -> (i32, i32) {
    %c0_i32 = arith.constant 0 : i32
    %c0_i32_0 = arith.constant 0 : i32
    return %arg0, %c0_i32 : i32, i32
  }
  func.func @transform_4(%arg0: i32) -> (i32, i32) {
    %c0_i32 = arith.constant 0 : i32
    %c0_i32_0 = arith.constant 0 : i32
    return %arg0, %c0_i32 : i32, i32
  }
  func.func @transform_5(%arg0: i32) -> (i32, i32) {
    %c0_i32 = arith.constant 0 : i32
    %c0_i32_0 = arith.constant 0 : i32
    %c0_i32_1 = arith.constant 0 : i32
    return %c0_i32, %c0_i32_0 : i32, i32
  }
}

module attributes {stable_mosaic.version = 14 : i64} {
  func.func @_tc_mid_body(%arg0: i32, %arg1: memref<2x2048x128xf32, #tpu.memory_space<vmem>>, %arg2: memref<2048x1xf32, #tpu.memory_space<vmem>>, %arg3: memref<1x128xf32, #tpu.memory_space<vmem>>, %arg4: memref<128x128xf32, #tpu.memory_space<vmem>>, %arg5: memref<128x2xf32, #tpu.memory_space<vmem>>, %arg6: memref<2048x128xf32, #tpu.memory_space<vmem>>, %arg7: memref<2048x2xf32, #tpu.memory_space<vmem>>, %arg8: memref<1x1xf32, #tpu.memory_space<vmem>>) attributes {dimension_semantics = [#tpu.dimension_semantics<arbitrary>], iteration_bounds = array<i64: 5>, scalar_prefetch = 0 : i64, scratch_operands = 0 : i64, tpu.core_type = #tpu.core_type<tc>, window_params = [{transform_indices = @transform_0, window_bounds = array<i64: 2, 2048, 128>}, {transform_indices = @transform_1, window_bounds = array<i64: 2048, 1>}, {pipeline_mode = #tpu.pipeline_mode<synchronous>, transform_indices = @transform_2, window_bounds = array<i64: 1, 128>}, {pipeline_mode = #tpu.pipeline_mode<synchronous>, transform_indices = @transform_3, window_bounds = array<i64: 128, 128>}, {pipeline_mode = #tpu.pipeline_mode<synchronous>, transform_indices = @transform_4, window_bounds = array<i64: 128, 2>}, {transform_indices = @transform_5, window_bounds = array<i64: 2048, 128>}, {transform_indices = @transform_6, window_bounds = array<i64: 2048, 2>}, {pipeline_mode = #tpu.pipeline_mode<synchronous>, transform_indices = @transform_7, window_bounds = array<i64: 1, 1>}]} {
    %get3A = arith.constant 0 : index
    %get3A_0 = arith.constant 0 : index
    %get3A_1 = arith.constant 0 : index
    %get3A_2 = vector.load %arg1[%get3A, %get3A_0, %get3A_1] : memref<2x2048x128xf32, #tpu.memory_space<vmem>>, vector<2x2048x128xf32>
    %slice3A = vector.extract_strided_slice %get3A_2 {offsets = [0, 0, 0], sizes = [1, 2048, 128], strides = [1, 1, 1]} : vector<2x2048x128xf32> to vector<1x2048x128xf32>
    %squeeze3A = vector.shape_cast %slice3A : vector<1x2048x128xf32> to vector<2048x128xf32>
    %slice3A_3 = vector.extract_strided_slice %get3A_2 {offsets = [1, 0, 0], sizes = [1, 2048, 128], strides = [1, 1, 1]} : vector<2x2048x128xf32> to vector<1x2048x128xf32>
    %squeeze3A_4 = vector.shape_cast %slice3A_3 : vector<1x2048x128xf32> to vector<2048x128xf32>
    %add3A = arith.addf %squeeze3A, %squeeze3A_4 : vector<2048x128xf32>
    %get3A_5 = arith.constant 0 : index
    %get3A_6 = arith.constant 0 : index
    %get3A_7 = vector.load %arg2[%get3A_5, %get3A_6] : memref<2048x1xf32, #tpu.memory_space<vmem>>, vector<2048x1xf32>
    %add3A_8 = arith.constant 1.000000e-16 : f32
    %add3A_9 = vector.broadcast %add3A_8 : f32 to vector<2048x1xf32>
    %add3A_10 = arith.addf %get3A_7, %add3A_9 : vector<2048x1xf32>
    %div3A = vector.broadcast %add3A_10 : vector<2048x1xf32> to vector<2048x128xf32>
    %div3A_11 = arith.divf %add3A, %div3A : vector<2048x128xf32>
    %get3A_12 = arith.constant 0 : index
    %get3A_13 = arith.constant 0 : index
    %get3A_14 = vector.load %arg3[%get3A_12, %get3A_13] : memref<1x128xf32, #tpu.memory_space<vmem>>, vector<1x128xf32>
    %add3A_15 = vector.broadcast %get3A_14 : vector<1x128xf32> to vector<2048x128xf32>
    %add3A_16 = arith.addf %div3A_11, %add3A_15 : vector<2048x128xf32>
    %gt3A = arith.constant 0.000000e+00 : f32
    %gt3A_17 = vector.broadcast %gt3A : f32 to vector<2048x128xf32>
    %gt3A_18 = arith.cmpf ogt, %add3A_16, %gt3A_17 : vector<2048x128xf32>
    %exp3A = math.exp %add3A_16 : vector<2048x128xf32>
    %sub3A = arith.constant 1.000000e+00 : f32
    %sub3A_19 = vector.broadcast %sub3A : f32 to vector<2048x128xf32>
    %sub3A_20 = arith.subf %exp3A, %sub3A_19 : vector<2048x128xf32>
    %select_n3A = arith.select %gt3A_18, %add3A_16, %sub3A_20 : vector<2048x128xi1>, vector<2048x128xf32>
    %get3A_21 = arith.constant 0 : index
    %get3A_22 = arith.constant 0 : index
    %get3A_23 = vector.load %arg4[%get3A_21, %get3A_22] : memref<128x128xf32, #tpu.memory_space<vmem>>, vector<128x128xf32>
    %dot_general3A = arith.constant dense<0.000000e+00> : vector<2048x128xf32>
    %dot_general3A_24 = tpu.matmul %select_n3A, %get3A_23, %dot_general3A {dimension_numbers = #tpu.dot_dimension_numbers<[1], [0], [0], [1], [0, 0, 1, 1], [], []>, transpose_lhs_hint = false} : vector<2048x128xf32>, vector<128x128xf32>, vector<2048x128xf32> -> vector<2048x128xf32>
    %get3A_25 = arith.constant 0 : index
    %get3A_26 = arith.constant 0 : index
    %get3A_27 = vector.load %arg5[%get3A_25, %get3A_26] : memref<128x2xf32, #tpu.memory_space<vmem>>, vector<128x2xf32>
    %dot_general3A_28 = arith.constant dense<0.000000e+00> : vector<2048x2xf32>
    %dot_general3A_29 = tpu.matmul %dot_general3A_24, %get3A_27, %dot_general3A_28 {dimension_numbers = #tpu.dot_dimension_numbers<[1], [0], [0], [1], [0, 0, 1, 1], [], []>, transpose_lhs_hint = false} : vector<2048x128xf32>, vector<128x2xf32>, vector<2048x2xf32> -> vector<2048x2xf32>
    %swap3A = arith.constant 0 : index
    %swap3A_30 = arith.constant 0 : index
    %swap3A_31 = vector.load %arg6[%swap3A, %swap3A_30] : memref<2048x128xf32, #tpu.memory_space<vmem>>, vector<2048x128xf32>
    tpu.vector_store %arg6[%swap3A, %swap3A_30], %dot_general3A_24 {strides = array<i32>} : memref<2048x128xf32, #tpu.memory_space<vmem>>, vector<2048x128xf32>,
    %swap3A_32 = arith.constant 0 : index
    %swap3A_33 = arith.constant 0 : index
    %swap3A_34 = vector.load %arg7[%swap3A_32, %swap3A_33] : memref<2048x2xf32, #tpu.memory_space<vmem>>, vector<2048x2xf32>
    tpu.vector_store %arg7[%swap3A_32, %swap3A_33], %dot_general3A_29 {strides = array<i32>} : memref<2048x2xf32, #tpu.memory_space<vmem>>, vector<2048x2xf32>,
    %mul3A = arith.constant 2048 : i32
    %mul3A_35 = arith.muli %arg0, %mul3A : i32
    %iota3A = tpu.iota {dimensions = array<i32: 0>} : vector<2048x1xi32>
    %add3A_36 = vector.broadcast %mul3A_35 : i32 to vector<2048x1xi32>
    %add3A_37 = arith.addi %add3A_36, %iota3A : vector<2048x1xi32>
    %lt3A = arith.constant 10000 : i32
    %lt3A_38 = vector.broadcast %lt3A : i32 to vector<2048x1xi32>
    %lt3A_39 = arith.cmpi slt, %add3A_37, %lt3A_38 : vector<2048x1xi32>
    %slice3A_40 = vector.extract_strided_slice %dot_general3A_29 {offsets = [0, 0], sizes = [2048, 1], strides = [1, 1]} : vector<2048x2xf32> to vector<2048x1xf32>
    %jit3A = arith.constant -1.000000e+30 : f32
    %broadcast_in_dim3A = vector.broadcast %jit3A : f32 to vector<2048x1xf32>
    %select_n3A_41 = arith.select %lt3A_39, %slice3A_40, %broadcast_in_dim3A : vector<2048x1xi1>, vector<2048x1xf32>
    %reduce_max3A = vector.shape_cast %select_n3A_41 : vector<2048x1xf32> to vector<1x2048x1xf32>
    %reduce_max3A_42 = arith.constant dense<0xFF800000> : vector<1xf32>
    %reduce_max3A_43 = vector.multi_reduction <maximumf>, %reduce_max3A, %reduce_max3A_42 [1, 2] : vector<1x2048x1xf32> to vector<1xf32>
    %reduce_max3A_44 = vector.shape_cast %reduce_max3A_43 : vector<1xf32> to vector<1x1x1xf32>
    %reduce_max3A_45 = vector.extract %reduce_max3A_44[0, 0, 0] : f32 from vector<1x1x1xf32>
    %broadcast_in_dim3A_46 = vector.broadcast %reduce_max3A_45 : f32 to vector<1x1xf32>
    %eq3A = arith.constant 0 : i32
    %eq3A_47 = arith.cmpi eq, %arg0, %eq3A : i32
    %convert_element_type3A = arith.extui %eq3A_47 : i1 to i32
    %cond3A = arith.constant 0 : i32
    %cond3A_48 = arith.cmpi ne, %convert_element_type3A, %cond3A : i32
    scf.if %cond3A_48 {
      %swap3A_53 = arith.constant 0 : index
      %swap3A_54 = arith.constant 0 : index
      %swap3A_55 = vector.load %arg8[%swap3A_53, %swap3A_54] : memref<1x1xf32, #tpu.memory_space<vmem>>, vector<1x1xf32>
      tpu.vector_store %arg8[%swap3A_53, %swap3A_54], %broadcast_in_dim3A_46 {strides = array<i32>} : memref<1x1xf32, #tpu.memory_space<vmem>>, vector<1x1xf32>,
    } else {
    }
    %ne3A = arith.constant 0 : i32
    %ne3A_49 = arith.cmpi ne, %arg0, %ne3A : i32
    %convert_element_type3A_50 = arith.extui %ne3A_49 : i1 to i32
    %cond3A_51 = arith.constant 0 : i32
    %cond3A_52 = arith.cmpi ne, %convert_element_type3A_50, %cond3A_51 : i32
    scf.if %cond3A_52 {
      %get3A_53 = arith.constant 0 : index
      %get3A_54 = arith.constant 0 : index
      %get3A_55 = vector.load %arg8[%get3A_53, %get3A_54] : memref<1x1xf32, #tpu.memory_space<vmem>>, vector<1x1xf32>
      %max3A = arith.maximumf %get3A_55, %broadcast_in_dim3A_46 : vector<1x1xf32>
      %swap3A_56 = arith.constant 0 : index
      %swap3A_57 = arith.constant 0 : index
      %swap3A_58 = vector.load %arg8[%swap3A_56, %swap3A_57] : memref<1x1xf32, #tpu.memory_space<vmem>>, vector<1x1xf32>
      tpu.vector_store %arg8[%swap3A_56, %swap3A_57], %max3A {strides = array<i32>} : memref<1x1xf32, #tpu.memory_space<vmem>>, vector<1x1xf32>,
    } else {
    }
    return
  }
  func.func @transform_0(%arg0: i32) -> (i32, i32, i32) {
    %c0_i32 = arith.constant 0 : i32
    %c0_i32_0 = arith.constant 0 : i32
    %c0_i32_1 = arith.constant 0 : i32
    return %c0_i32, %arg0, %c0_i32_0 : i32, i32, i32
  }
  func.func @transform_1(%arg0: i32) -> (i32, i32) {
    %c0_i32 = arith.constant 0 : i32
    %c0_i32_0 = arith.constant 0 : i32
    return %arg0, %c0_i32 : i32, i32
  }
  func.func @transform_2(%arg0: i32) -> (i32, i32) {
    %c0_i32 = arith.constant 0 : i32
    %c0_i32_0 = arith.constant 0 : i32
    %c0_i32_1 = arith.constant 0 : i32
    return %c0_i32, %c0_i32_0 : i32, i32
  }
  func.func @transform_3(%arg0: i32) -> (i32, i32) {
    %c0_i32 = arith.constant 0 : i32
    %c0_i32_0 = arith.constant 0 : i32
    %c0_i32_1 = arith.constant 0 : i32
    return %c0_i32, %c0_i32_0 : i32, i32
  }
  func.func @transform_4(%arg0: i32) -> (i32, i32) {
    %c0_i32 = arith.constant 0 : i32
    %c0_i32_0 = arith.constant 0 : i32
    %c0_i32_1 = arith.constant 0 : i32
    return %c0_i32, %c0_i32_0 : i32, i32
  }
  func.func @transform_5(%arg0: i32) -> (i32, i32) {
    %c0_i32 = arith.constant 0 : i32
    %c0_i32_0 = arith.constant 0 : i32
    return %arg0, %c0_i32 : i32, i32
  }
  func.func @transform_6(%arg0: i32) -> (i32, i32) {
    %c0_i32 = arith.constant 0 : i32
    %c0_i32_0 = arith.constant 0 : i32
    return %arg0, %c0_i32 : i32, i32
  }
  func.func @transform_7(%arg0: i32) -> (i32, i32) {
    %c0_i32 = arith.constant 0 : i32
    %c0_i32_0 = arith.constant 0 : i32
    %c0_i32_1 = arith.constant 0 : i32
    return %c0_i32, %c0_i32_0 : i32, i32
  }
}

module attributes {stable_mosaic.version = 14 : i64} {
  func.func @_tc_final_body(%arg0: i32, %arg1: memref<2x2000x128xf32, #tpu.memory_space<vmem>>, %arg2: memref<2000x1xf32, #tpu.memory_space<vmem>>, %arg3: memref<1x128xf32, #tpu.memory_space<vmem>>, %arg4: memref<2000x128xf32, #tpu.memory_space<vmem>>) attributes {dimension_semantics = [#tpu.dimension_semantics<arbitrary>], iteration_bounds = array<i64: 5>, scalar_prefetch = 0 : i64, scratch_operands = 0 : i64, tpu.core_type = #tpu.core_type<tc>, window_params = [{transform_indices = @transform_0, window_bounds = array<i64: 2, 2000, 128>}, {transform_indices = @transform_1, window_bounds = array<i64: 2000, 1>}, {pipeline_mode = #tpu.pipeline_mode<synchronous>, transform_indices = @transform_2, window_bounds = array<i64: 1, 128>}, {transform_indices = @transform_3, window_bounds = array<i64: 2000, 128>}]} {
    %get3A = arith.constant 0 : index
    %get3A_0 = arith.constant 0 : index
    %get3A_1 = arith.constant 0 : index
    %get3A_2 = vector.load %arg1[%get3A, %get3A_0, %get3A_1] : memref<2x2000x128xf32, #tpu.memory_space<vmem>>, vector<2x2000x128xf32>
    %slice3A = vector.extract_strided_slice %get3A_2 {offsets = [0, 0, 0], sizes = [1, 2000, 128], strides = [1, 1, 1]} : vector<2x2000x128xf32> to vector<1x2000x128xf32>
    %squeeze3A = vector.shape_cast %slice3A : vector<1x2000x128xf32> to vector<2000x128xf32>
    %slice3A_3 = vector.extract_strided_slice %get3A_2 {offsets = [1, 0, 0], sizes = [1, 2000, 128], strides = [1, 1, 1]} : vector<2x2000x128xf32> to vector<1x2000x128xf32>
    %squeeze3A_4 = vector.shape_cast %slice3A_3 : vector<1x2000x128xf32> to vector<2000x128xf32>
    %add3A = arith.addf %squeeze3A, %squeeze3A_4 : vector<2000x128xf32>
    %get3A_5 = arith.constant 0 : index
    %get3A_6 = arith.constant 0 : index
    %get3A_7 = vector.load %arg2[%get3A_5, %get3A_6] : memref<2000x1xf32, #tpu.memory_space<vmem>>, vector<2000x1xf32>
    %add3A_8 = arith.constant 1.000000e-16 : f32
    %add3A_9 = vector.broadcast %add3A_8 : f32 to vector<2000x1xf32>
    %add3A_10 = arith.addf %get3A_7, %add3A_9 : vector<2000x1xf32>
    %div3A = vector.broadcast %add3A_10 : vector<2000x1xf32> to vector<2000x128xf32>
    %div3A_11 = arith.divf %add3A, %div3A : vector<2000x128xf32>
    %get3A_12 = arith.constant 0 : index
    %get3A_13 = arith.constant 0 : index
    %get3A_14 = vector.load %arg3[%get3A_12, %get3A_13] : memref<1x128xf32, #tpu.memory_space<vmem>>, vector<1x128xf32>
    %add3A_15 = vector.broadcast %get3A_14 : vector<1x128xf32> to vector<2000x128xf32>
    %add3A_16 = arith.addf %div3A_11, %add3A_15 : vector<2000x128xf32>
    %swap3A = arith.constant 0 : index
    %swap3A_17 = arith.constant 0 : index
    %swap3A_18 = vector.load %arg4[%swap3A, %swap3A_17] : memref<2000x128xf32, #tpu.memory_space<vmem>>, vector<2000x128xf32>
    tpu.vector_store %arg4[%swap3A, %swap3A_17], %add3A_16 {strides = array<i32>} : memref<2000x128xf32, #tpu.memory_space<vmem>>, vector<2000x128xf32>,
    return
  }
  func.func @transform_0(%arg0: i32) -> (i32, i32, i32) {
    %c0_i32 = arith.constant 0 : i32
    %c0_i32_0 = arith.constant 0 : i32
    %c0_i32_1 = arith.constant 0 : i32
    return %c0_i32, %arg0, %c0_i32_0 : i32, i32, i32
  }
  func.func @transform_1(%arg0: i32) -> (i32, i32) {
    %c0_i32 = arith.constant 0 : i32
    %c0_i32_0 = arith.constant 0 : i32
    return %arg0, %c0_i32 : i32, i32
  }
  func.func @transform_2(%arg0: i32) -> (i32, i32) {
    %c0_i32 = arith.constant 0 : i32
    %c0_i32_0 = arith.constant 0 : i32
    %c0_i32_1 = arith.constant 0 : i32
    return %c0_i32, %c0_i32_0 : i32, i32
  }
  func.func @transform_3(%arg0: i32) -> (i32, i32) {
    %c0_i32 = arith.constant 0 : i32
    %c0_i32_0 = arith.constant 0 : i32
    return %arg0, %c0_i32 : i32, i32
  }
}

</mosaic_0001>

<sc_bundles>
// kernel: kernel.10.cloned.1.call-start
scs
__scs_entry_jumppad:
0x0: {  	(pc) =	sbr.rel $0x88, $3  }
0x1: {  	(tag) =	ssettag $0x0;
	lr =	simm.s32 $0x1  }
0x2: {  	[smem:$0x3F96] =	sst lr;
	_ =	strace $0xD0000000  }
0x3: {  	_ = 	snop  }
0x4: {  	_ = 	snop  }
0x5: {  	_ = 	snop  }
0x6: {  	_ = 	snop  }
0x7: {  	_ = 	snop  }
__scs_overlays_trampoline_lowered:
0x8: {  	[smem:$0x3FA5] =	sst s0  }
0x9: {  	[smem:$0x3FA6] =	sst s1  }
0xa: {  	[smem:$0x3FA7] =	sst s2  }
0xb: {  	[smem:$0x3FA8] =	sst s3  }
0xc: {  	[smem:$0x3FA9] =	sst s4  }
0xd: {  	[smem:$0x3FAA] =	sst s5  }
0xe: {  	[smem:$0x3FAB] =	sst s6  }
0xf: {  	[smem:$0x3FAC] =	sst s7  }
0x10: {  	[smem:$0x3FAD] =	sst s8  }
0x11: {  	[smem:$0x3FAE] =	sst s9;
	s0 =	simm.s32 @!p0 $0x0  }
0x12: {  	s1 =	sld [smem:$0x3F94];
	s0 =	simm.s32 @p0 $0x1  }
0x13: {  	[smem:$0x3FAF] =	sst s0;
	s0 =	simm.s32 @!p1 $0x0  }
0x14: {  	s2 =	sld [smem:$0x3F93];
	s0 =	simm.s32 @p1 $0x1  }
0x15: {  	[smem:$0x3FB0] =	sst s0;
	s0 =	simm.s32 @!p2 $0x0  }
0x16: {  	s3 =	sld [smem:$0x3FDB];
	s0 =	simm.s32 @p2 $0x1  }
0x17: {  	s4 =	simm.s32 $0x1BF5;
	[smem:$0x3FB2] =	sst s0  }
0x18: {  	s0 =	sld [smem:$0x3F95];
	_ =	swait.ge [sflag:s4], $0x0  }
0x19: {  	s7 =	sld [smem:$0x3F96]  }
0x1a: {  	s8 =	sadd.s32 $0xFFFFE003, lr  }
0x1b: {  	s9 =	sadd.s32 $0xFFFFFEF7, lr;
	s5 =	simm.s32 $0xFFFFFFFF;
	p2 =	slt.u32 s8, $0xFFFFF086  }
0x1c: {  	p1 =	slt.u32 s9, $0xF7A;
	s5 =	simm.s32 @!p2 $0x0  }
0x1d: {  	s5 =	simm.s32 @p1 $0x1;
	p0 =	seq.s32 s7, s2  }
0x1e: {  	s7 =	smul.u32 @!p0 $0xF7A, s2;
	p2 =	seq.s32 @!p0 s5, $0x0  }
0x1f: {  	s9 =	smul.u32 $0xF7A, s1;
	s8 =	simm.s32 @!p0 $0x1BF5;
	p2 =	por !p2, p0  }
0x20: {  	[sflag:s8] =	ssyncset.s32 @!p0 $0xFFFFF086;
	s6 =	sadd.s32 @!p0 s3, s7;
	s7 =	simm.s32 @!p0 $0x108  }
0x21: {  	s3 =	sadd.s32 s3, s9;
	s6 =	sadd.s32 @!p0 $0x88, s6;
	s7 =	simm.s32 @p2 $0x1082  }
0x22: {  	[simem:s7], [sflag:s8] =	dma.local @!p0 [hbm:s6], $0xF7A  }
0x23: {  	s9 =	sor.u32 $0xD0000000, s2;
	s6 =	simm.s32 $0x108;
	_ =	swait.ge @!p0 [sflag:s8], $0x0  }
0x24: {  	s3 =	sadd.s32 $0x88, s3;
	s6 =	simm.s32 @!p1 $0x1082;
	[sflag:s4] =	ssyncset.s32 $0xFFFFF086  }
0x25: {  	[simem:s6], [sflag:s4] =	dma.local [hbm:s3], $0xF7A  }
0x26: {  	[smem:$0x3F96] =	sst s1;
	(tag) =	ssettag s2;
	_ =	strace s9  }
0x27: {  	s1 =	sld [smem:$0x3FA6]  }
0x28: {  	s2 =	sld [smem:$0x3FA7]  }
0x29: {  	s4 =	sld [smem:$0x3FA9]  }
0x2a: {  	p0 =	seq.s32 s5, $0x0;
	s5 =	sld [smem:$0x3FAA]  }
0x2b: {  	s6 =	sld [smem:$0x3FAB]  }
0x2c: {  	s7 =	sld [smem:$0x3FAC]  }
0x2d: {  	s3 =	simm.s32 $0x108;
	s8 =	sld [smem:$0x3FAD]  }
0x2e: {  	s3 =	simm.s32 @!p0 $0x1082;
	s9 =	sld [smem:$0x3FAE]  }
0x2f: {  	lr =	sadd.s32 s0, s3;
	s0 =	sld [smem:$0x3FA5]  }
0x30: {  	s3 =	sld [smem:$0x3FA8]  }
0x31: {  	[smem:$0x3FB1] =	sst s10  }
0x32: {  	s10 =	sld [smem:$0x3FAF];
	_ =	sdelay $0x3  }
0x33: {  	p0 =	seq.s32 s10, $0x1;
	s10 =	sld [smem:$0x3FB1];
	_ =	sdelay $0x3  }
0x34: {  	[smem:$0x3FB1] =	sst s10  }
0x35: {  	s10 =	sld [smem:$0x3FB0];
	_ =	sdelay $0x3  }
0x36: {  	p1 =	seq.s32 s10, $0x1;
	s10 =	sld [smem:$0x3FB1];
	_ =	sdelay $0x3  }
0x37: {  	[smem:$0x3FB1] =	sst s10  }
0x38: {  	s10 =	sld [smem:$0x3FB2]  }
0x39: {  	_ = 	snop;
	(pc) =	sbr.ind lr, $3  }
0x3a: {  	_ = 	snop  }
0x3b: {  	_ = 	snop  }
0x3c: {  	p2 =	seq.s32 s10, $0x1;
	s10 =	sld [smem:$0x3FB1]  }
0x3d: {  	_ =	shalt  }
0x3e: {  	_ =	shalt  }
0x3f: {  	_ =	shalt  }
0x40: {  	_ =	shalt  }
0x41: {  	_ =	shalt  }
0x42: {  	_ =	shalt  }
0x43: {  	_ =	shalt  }
0x44: {  	_ =	shalt  }
0x45: {  	_ =	shalt  }
0x46: {  	_ =	shalt  }
0x47: {  	_ =	shalt  }
0x48: {  	_ =	shalt  }
0x49: {  	_ =	shalt  }
0x4a: {  	_ =	shalt  }
0x4b: {  	_ =	shalt  }
0x4c: {  	_ =	shalt  }
0x4d: {  	_ =	shalt  }
0x4e: {  	_ =	shalt  }
0x4f: {  	_ =	shalt  }
0x50: {  	_ =	shalt  }
0x51: {  	_ =	shalt  }
0x52: {  	_ =	shalt  }
0x53: {  	_ =	shalt  }
0x54: {  	_ =	shalt  }
0x55: {  	_ =	shalt  }
0x56: {  	_ =	shalt  }
0x57: {  	_ =	shalt  }
0x58: {  	_ =	shalt  }
0x59: {  	_ =	shalt  }
0x5a: {  	_ =	shalt  }
0x5b: {  	_ =	shalt  }
0x5c: {  	_ =	shalt  }
0x5d: {  	_ =	shalt  }
0x5e: {  	_ =	shalt  }
0x5f: {  	_ =	shalt  }
0x60: {  	_ =	shalt  }
0x61: {  	_ =	shalt  }
0x62: {  	_ =	shalt  }
0x63: {  	_ =	shalt  }
0x64: {  	_ =	shalt  }
0x65: {  	_ =	shalt  }
0x66: {  	_ =	shalt  }
0x67: {  	_ =	shalt  }
0x68: {  	_ =	shalt  }
0x69: {  	_ =	shalt  }
0x6a: {  	_ =	shalt  }
0x6b: {  	_ =	shalt  }
0x6c: {  	_ =	shalt  }
0x6d: {  	_ =	shalt  }
0x6e: {  	_ =	shalt  }
0x6f: {  	_ =	shalt  }
0x70: {  	_ =	shalt  }
0x71: {  	_ =	shalt  }
0x72: {  	_ =	shalt  }
0x73: {  	_ =	shalt  }
0x74: {  	_ =	shalt  }
0x75: {  	_ =	shalt  }
0x76: {  	_ =	shalt  }
0x77: {  	_ =	shalt  }
0x78: {  	_ =	shalt  }
0x79: {  	_ =	shalt  }
0x7a: {  	_ =	shalt  }
0x7b: {  	_ =	shalt  }
0x7c: {  	_ =	shalt  }
0x7d: {  	_ =	shalt  }
0x7e: {  	_ =	shalt  }
0x7f: {  	_ =	shalt  }
0x80: {  	_ =	shalt  }
0x81: {  	_ =	shalt  }
0x82: {  	_ =	shalt  }
0x83: {  	_ =	shalt  }
0x84: {  	_ =	shalt  }
0x85: {  	_ =	shalt  }
0x86: {  	_ =	shalt  }
0x87: {  	_ =	shalt  }
.Lfunc_end0:
.L_simem_size_0:
called_computation.1_lowered:
.L_overlay_start_0:
0x88: {  	s2 =	sld [smem:$0x3FD9]  }
0x89: {  	s3 =	sld [smem:$0x3FFE];
	_ =	sdelay $0x1  }
0x8a: {  	s1 =	srdreg.scid  }
0x8b: {  	s0 =	sand.u32 $0x1, s1  }
0x8c: {  	s14 =	sshll.u32 s0, $0xA;
	s2 =	sadd.s32 s3, s2  }
0x8d: {  	s2 =	sadd.s32 s2, s14  }
0x8e: {  	[smem:$0x3FBD] =	sst s2  }
0x8f: {  	_ = 	snop  }
0x90: {  	s2 =	sld [smem:$0x3FD0];
	_ =	sdelay $0x2  }
0x91: {  	s15 =	simm.s32 $0xA;
	s4 =	simm.s32 $0x10  }
0x92: {  	[smem:s4], [sflag:s15] =	dma.local [hbm:s2], $0x1  }
0x93: {  	_ =	swait.eq [sflag:s15], $0x1  }
0x94: {  	[sflag:s15] =	ssyncset.done $0x0  }
0x95: {  	s16 =	sld [smem:$0x10];
	[sflag:s15] =	ssyncadd.s32 $0xFFFFFFFF  }
0x96: {  	s17 =	sld [smem:$0x11];
	(tm) =	ssettm $0x1  }
0x97: {  	s18 =	sld [smem:$0x3FFB];
	_ =	sdelay $0x3  }
0x98: {  	_ =	strace s18  }
0x99: {  	s4 =	sld [smem:$0x3FFC];
	_ =	sdelay $0x3  }
0x9a: {  	_ =	strace s4  }
0x9b: {  	s4 =	sld [smem:$0x3FFD];
	_ =	sdelay $0x3  }
0x9c: {  	_ =	strace s4  }
0x9d: {  	_ =	strace $0x8FFFFFFF  }
0x9e: {  	s19 =	sld [smem:$0x3FDB];
	_ =	sdelay $0x1  }
0x9f: {  	s5 =	simm.s32 $_scs_section_size  }
0xa0: {  	s6 =	simm.s32 $_size__tile_overlayer_lowered;
	s7 =	simm.s32 $_tile_overlayer_lowered  }
0xa1: {  	s22 =	simm.s32 $0x1BFF;
	s21 =	sshll.u32 s7, $0x1;
	s4 =	sadd.s32 s5, s19  }
0xa2: {  	s8 =	simm.s32 $0x0;
	s20 =	sshll.u32 s6, $0x1;
	s6 =	sadd.s32 s21, s4  }
0xa3: {  	[timem:s8], [sflag:s22] =	dma.local [hbm:s6], s20  }
0xa4: {  	_ =	swait.ge [sflag:s22], s20  }
0xa5: {  	s5 =	ssub.s32 $0x0, s20;
	[sflag:s22] =	ssyncset.done $0x0  }
0xa6: {  	[sflag:s22] =	ssyncadd.s32 s5;
	_ =	sdelay $0x1  }
0xa7: {  	s23 =	simm.s32 $0x1B8B  }
0xa8: {  	_ =	swait.ge [sflag:s23], $0x1  }
0xa9: {  	[sflag:s23] =	ssyncset.done $0x0  }
0xaa: {  	s25 =	simm.s32 $0x1B8E;
	s24 =	sld [smem:$0x3FFE];
	[sflag:s23] =	ssyncadd.s32 $0xFFFFFFFF  }
0xab: {  	s26 =	simm.s32 $execute0_lowered;
	[smem:$0x3FD2] =	sst s25  }
0xac: {  	s6 =	sshll.u32 s26, $0x1;
	_ =	strace $0x80000049;
	[dreg:$0x1] =	wrdreg $0xFFFFFFFF  }
0xad: {  	s28 =	simm.s32 $_size_execute0_lowered;
	s4 =	sadd.s32 s4, s6;
	[dreg:$0x0] =	wrdreg $0x0  }
0xae: {  	s6 =	sshll.u32 s28, $0x1;
	[dreg:$0x2] =	wrdreg s4  }
0xaf: {  	[dreg:$0x3] =	wrdreg s6  }
0xb0: {  	[dreg:$0x4] =	wrdreg $0xC0  }
0xb1: {  	_ =	task [dreg:s8], $0x5FFFF  }
0xb2: {  	[dreg:$0x1] =	wrdreg $0xFFFFFFFF  }
0xb3: {  	[dreg:$0x0] =	wrdreg $0x60  }
0xb4: {  	[dreg:$0x2] =	wrdreg s24  }
0xb5: {  	[dreg:$0x3] =	wrdreg s17  }
0xb6: {  	[dreg:$0x4] =	wrdreg s16  }
0xb7: {  	[dreg:$0x5] =	wrdreg $0x0  }
0xb8: {  	[dreg:$0x6] =	wrdreg $0x142800  }
0xb9: {  	[dreg:$0x7] =	wrdreg $0x145000  }
0xba: {  	[dreg:$0x8] =	wrdreg $0x140000  }
0xbb: {  	[dreg:$0x9] =	wrdreg $0x9  }
0xbc: {  	_ =	task.clear_ibuf [dreg:s8], $0xAFFFF;
	_ =	strace $0x90000049  }
0xbd: {  	s29 =	simm.s32 $0x9;
	_ =	strace $0x8000004B  }
0xbe: {  	_ =	swait.ge [sflag:s29], $0x1  }
0xbf: {  	[sflag:s29] =	ssyncadd.s32 $0xFFFFFFFF  }
0xc0: {  	_ =	strace $0x9000004B  }
0xc1: {  	_ =	sfence  }
0xc2: {  	s30 =	sld [smem:$0x0];
	_ =	sdelay $0x2  }
0xc3: {  	s31 =	sshll.u32 s1, $0xD;
	s1 =	sshrl.u32 s1, $0x2  }
0xc4: {  	s3 =	sand.u32 $0x4000, s31;
	s1 =	sadd.s32 s1, s30  }
0xc5: {  	s0 =	sor.u32 s3, s0;
	s1 =	sshll.u32 s1, $0x11  }
0xc6: {  	s0 =	sor.u32 s1, s0  }
0xc7: {  	s0 =	sadd.s32 $0x8F2B, s0  }
0xc8: {  	[sflag:s0] =	ssyncadd.remote.s32 $0x1  }
0xc9: {  	_ =	sfence.sel $0xFFFF  }
0xca: {  	[dreg:$0x0] =	wrdreg $0xFFFFFFFF;
	(pc) =	sbr.abs _section_cstart, $3  }
0xcb: {  	[dreg:$0x1] =	wrdreg $0xFFFFFFFF  }
0xcc: {  	_ =	task.clear_ibuf [dreg:s8], $0x2FFFF;
	_ =	strace $0x9FFFFFFF  }
0xcd: {  	(tm) =	ssettm $0x7FFFFFFF  }
tec
execute0_lowered:
.L_overlay_start_1:
0x0: {  	(tag) =	ssettag $0x1  }
0x1: {  	s0 =	rddreg [dreg:$0x0]  }
0x2: {  	s3 =	rddreg [dreg:$0x1]  }
0x3: {  	s9 =	rddreg [dreg:$0x2]  }
0x4: {  	s1 =	rddreg [dreg:$0x3]  }
0x5: {  	s2 =	rddreg [dreg:$0x4]  }
0x6: {  	s4 =	rddreg [dreg:$0x5]  }
0x7: {  	s5 =	rddreg [dreg:$0x6];
	s6 =	simm.s32 $0x0  }
0x8: {  	s21 =	stileid.u32;
	s8 =	srdreg.scid;
	s29 =	simm.s32 $0x6  }
0x9: {  	s30 =	simm.s32 $0x2;
	s31 =	simm.s32 $0x4;
	[smem:$0x7FF] =	sst s6  }
0xa: {  	s10 =	smul.u32 $0x280, s21;
	s7 =	sadd.s32 $0x1000, s0;
	s12 =	sand.u32 $0x1, s8  }
0xb: {  	s18 =	smul.u32 $0x500, s21;
	s16 =	sadd.s32 $0x35200, s0;
	_ =	strace $0x8000004A  }
0xc: {  	s14 =	sshll.u32 s12, $0x7;
	s15 =	sshll.u32 s12, $0x4;
	s17 =	ssub.s32 $0x2, s12  }
0xd: {  	s12 =	smul.u32 $0x140000, s12;
	s11 =	sshrl.u32 s10, $0x3;
	s8 =	sor.u32 s14, s18  }
0xe: {  	s19 =	sor.u32 s21, s15;
	s22 =	sshrl.u32 s17, $0x1;
	s23 =	sshll.u32 s10, $0x7  }
0xf: {  	s18 =	smul.u32 $0x14000, s21;
	s13 =	sadd.s32 s11, s0;
	s20 =	sshrl.u32 s8, $0x3  }
0x10: {  	s8 =	smul.u32 $0x2C00, s19;
	s15 =	ssub.s32 s17, s22;
	s3 =	sadd.s32 s3, s11  }
0x11: {  	s11 =	sadd.s32 $0x8000, s23;
	s19 =	sadd.s32 $0xC000, s23;
	s17 =	sadd.s32 $0x10000, s23  }
0x12: {  	s14 =	sadd.s32 s20, s0;
	[dreg:$0x8] =	wrdreg s3;
	s3 =	sadd.s32 $0x4000, s23  }
0x13: {  	s18 =	sadd.s32 s18, s12;
	s25 =	sadd.s32 s12, s11;
	s26 =	sadd.s32 s12, s19  }
0x14: {  	s23 =	smul.u32 $0x50000, s21;
	s28 =	sadd.s32 s17, s1;
	s20 =	sadd.s32 s12, s3  }
0x15: {  	s18 =	sshrl.u32 s18, $0x3;
	s12 =	sadd.s32 s12, s17;
	s22 =	sshrl.u32 s26, $0x3  }
0x16: {  	s26 =	sadd.s32 $0x29000, s13;
	s17 =	simm.s32 $0x17500;
	[dreg:$0x15] =	wrdreg s28  }
0x17: {  	s20 =	sshrl.u32 s20, $0x3;
	s18 =	sadd.s32 s16, s18;
	[dreg:$0x10] =	wrdreg s26  }
0x18: {  	s26 =	sadd.s32 s19, s1;
	s19 =	sadd.s32 s10, s4;
	[dreg:$0x9] =	wrdreg s18  }
0x19: {  	s13 =	sshrl.u32 s23, $0x2;
	s23 =	sadd.s32 s11, s1;
	[dreg:$0x17] =	wrdreg s19  }
0x1a: {  	s12 =	sshrl.u32 s12, $0x3;
	s11 =	simm.s32 $0x17380;
	[dreg:$0x13] =	wrdreg s23  }
0x1b: {  	s24 =	sadd.s32 s16, s20;
	s18 =	sshrl.u32 s25, $0x3;
	[dreg:$0x14] =	wrdreg s26  }
0x1c: {  	s12 =	sadd.s32 s16, s12;
	s25 =	sshrl.u32 s8, $0x3;
	[dreg:$0xa] =	wrdreg s24  }
0x1d: {  	s21 =	sadd.s32 s13, s1;
	s20 =	sadd.s32 s10, s5;
	[dreg:$0xd] =	wrdreg s12  }
0x1e: {  	s13 =	simm.s32 $0x80;
	s19 =	simm.s32 $0x0;
	[dreg:$0x18] =	wrdreg s20  }
0x1f: {  	s18 =	sadd.s32 s16, s18;
	s24 =	sadd.s32 $0x29600, s0;
	[dreg:$0x11] =	wrdreg s21  }
0x20: {  	s9 =	sadd.s32 s9, s25;
	s20 =	simm.s32 $0x17680;
	[dreg:$0xb] =	wrdreg s18  }
0x21: {  	s12 =	simm.s32 $0x17400;
	s18 =	sadd.s32 s16, s22;
	[dreg:$0xe] =	wrdreg s24  }
0x22: {  	s16 =	sadd.s32 $0x29800, s0;
	[dreg:$0xf] =	wrdreg s9;
	s22 =	sadd.s32 s3, s1  }
0x23: {  	s24 =	sadd.s32 $0x34800, s14;
	s3 =	simm.s32 $0x7;
	[dreg:$0xc] =	wrdreg s18  }
0x24: {  	s14 =	simm.s32 $0x1;
	s18 =	sadd.s32 s10, s2;
	[dreg:$0x1a] =	wrdreg s24  }
.Ltmp0:
0x25: {  	s0 =	sadd.s32 s16, s25;
	[dreg:$0x12] =	wrdreg s22;
	(pc) =	sbr.rel .LBB2_1-.Ltmp0, $4  }
0x26: {  	s25 =	smax.u32 s15, $0x1;
	s10 =	simm.s32 $0x17900;
	[dreg:$0x16] =	wrdreg s18  }
0x27: {  	s15 =	simm.s32 $0x17480;
	s24 =	simm.s32 $0x17600;
	[dreg:$0x1b] =	wrdreg s25  }
0x28: {  	[dreg:$0x19] =	wrdreg s0;
	s0 =	sadd.s32 $0x10, s0;
	s18 =	simm.s32 $0x5  }
0x29: {  	v0 =	vimm.f32 $0.0e+00;
	s25 =	simm.s32 $0x3;
	[dreg:$0x1c] =	wrdreg s0;
	s0 =	simm.s32 $0x1B900  }
.LBB2_10:
0x2a: {  	[bflag:$0x0] =	sbarrier.arrive $0xFFFF  }
0x2b: {  	s21 =	rddreg [dreg:$0x11]  }
0x2c: {  	[tilespmem:s10], [sflag:$0x7] =	stream.linear.gather [spmem:s21], $0x4000, $0x38;
	[tilespmem:$0x1F900] =	vst v63  }
0x2d: {  	_ =	swait.ge [sflag:s3], $0x4000  }
0x2e: {  	[sflag:s3] =	ssyncset.done $0x0  }
0x2f: {  	s9 =	rddreg [dreg:$0x9];
	[sflag:s3] =	ssyncadd.s32 $0xFFFFC000  }
0x30: {  	[hbm4b:s9+s6] =	stream.linear.scatter [tilespmem:s10], [sflag:$0x7], $0x4000, $0x38;
	[tilespmem:$0x1F900] =	vst v63  }
0x31: {  	_ =	swait.ge [sflag:s3], $0x4000  }
0x32: {  	[sflag:s3] =	ssyncset.done $0x0  }
0x33: {  	s22 =	rddreg [dreg:$0x12];
	[sflag:s3] =	ssyncadd.s32 $0xFFFFC000  }
0x34: {  	[tilespmem:s10], [sflag:$0x7] =	stream.linear.gather [spmem:s22], $0x4000, $0x38;
	[tilespmem:$0x1F900] =	vst v63  }
0x35: {  	_ =	swait.ge [sflag:s3], $0x4000  }
0x36: {  	[sflag:s3] =	ssyncset.done $0x0  }
0x37: {  	s23 =	rddreg [dreg:$0xa];
	[sflag:s3] =	ssyncadd.s32 $0xFFFFC000  }
0x38: {  	[hbm4b:s23+s6] =	stream.linear.scatter [tilespmem:s10], [sflag:$0x7], $0x4000, $0x38;
	[tilespmem:$0x1F900] =	vst v63  }
0x39: {  	_ =	swait.ge [sflag:s3], $0x4000  }
0x3a: {  	[sflag:s3] =	ssyncset.done $0x0  }
0x3b: {  	s23 =	rddreg [dreg:$0x13];
	[sflag:s3] =	ssyncadd.s32 $0xFFFFC000  }
0x3c: {  	[tilespmem:s10], [sflag:$0x7] =	stream.linear.gather [spmem:s23], $0x4000, $0x38;
	[tilespmem:$0x1F900] =	vst v63  }
0x3d: {  	_ =	swait.ge [sflag:s3], $0x4000  }
0x3e: {  	[sflag:s3] =	ssyncset.done $0x0  }
0x3f: {  	s26 =	rddreg [dreg:$0xb];
	[sflag:s3] =	ssyncadd.s32 $0xFFFFC000  }
0x40: {  	[hbm4b:s26+s6] =	stream.linear.scatter [tilespmem:s10], [sflag:$0x7], $0x4000, $0x38;
	[tilespmem:$0x1F900] =	vst v63  }
0x41: {  	_ =	swait.ge [sflag:s3], $0x4000  }
0x42: {  	[sflag:s3] =	ssyncset.done $0x0  }
0x43: {  	s26 =	rddreg [dreg:$0x14];
	[sflag:s3] =	ssyncadd.s32 $0xFFFFC000  }
0x44: {  	[tilespmem:s10], [sflag:$0x7] =	stream.linear.gather [spmem:s26], $0x4000, $0x38;
	[tilespmem:$0x1F900] =	vst v63  }
0x45: {  	_ =	swait.ge [sflag:s3], $0x4000  }
0x46: {  	[sflag:s3] =	ssyncset.done $0x0  }
0x47: {  	s19 =	rddreg [dreg:$0xc];
	[sflag:s3] =	ssyncadd.s32 $0xFFFFC000  }
0x48: {  	[hbm4b:s19+s6] =	stream.linear.scatter [tilespmem:s10], [sflag:$0x7], $0x4000, $0x38;
	[tilespmem:$0x1F900] =	vst v63  }
0x49: {  	_ =	swait.ge [sflag:s3], $0x4000  }
0x4a: {  	[sflag:s3] =	ssyncset.done $0x0  }
0x4b: {  	s28 =	rddreg [dreg:$0x15];
	[sflag:s3] =	ssyncadd.s32 $0xFFFFC000  }
0x4c: {  	[tilespmem:s10], [sflag:$0x7] =	stream.linear.gather [spmem:s28], $0x4000, $0x38;
	[tilespmem:$0x1F900] =	vst v63  }
0x4d: {  	_ =	swait.ge [sflag:s3], $0x4000  }
0x4e: {  	[sflag:s3] =	ssyncset.done $0x0  }
0x4f: {  	s20 =	rddreg [dreg:$0xd];
	[sflag:s3] =	ssyncadd.s32 $0xFFFFC000  }
0x50: {  	[hbm4b:s20+s6] =	stream.linear.scatter [tilespmem:s10], [sflag:$0x7], $0x4000, $0x38;
	[tilespmem:$0x1F900] =	vst v63  }
0x51: {  	_ =	swait.ge [sflag:s3], $0x4000  }
0x52: {  	[sflag:s3] =	ssyncset.done $0x0  }
0x53: {  	s20 =	simm.s32 $0x17680;
	s19 =	rddreg [dreg:$0x18];
	[sflag:s3] =	ssyncadd.s32 $0xFFFFC000  }
0x54: {  	[tilespmem:s20], [sflag:$0x7] =	stream.linear.gather [spmem:s19], $0x280, $0x38;
	[tilespmem:$0x1F900] =	vst v63  }
0x55: {  	_ =	swait.ge [sflag:s3], $0x280  }
0x56: {  	[sflag:s3] =	ssyncset.done $0x0  }
0x57: {  	s19 =	simm.s32 $0x100;
	s9 =	rddreg [dreg:$0x1a];
	[sflag:s3] =	ssyncadd.s32 $0xFFFFFD80  }
0x58: {  	[hbm4b:s9+s13] =	stream.strided.scatter [tilespmem:s20], [sflag:$0x7], $0x280, s19, s13, $0x38;
	[tilespmem:$0x1F900] =	vst v63  }
0x59: {  	_ =	swait.ge [sflag:s3], $0x280  }
0x5a: {  	s9 =	rddreg [dreg:$0x1d]  }
0x5b: {  	s19 =	sadd.s32 $0x1, s9;
	s9 =	rddreg [dreg:$0x1b]  }
0x5c: {  	p0 =	sne.s32 s19, s9  }
.Ltmp1:
0x5d: {  	_ = 	snop;
	(pc) =	sbr.rel @!p0 .LBB2_11-.Ltmp1, $3  }
0x5e: {  	_ =	sdelay $0x1  }
0x5f: {  	[sflag:s3] =	ssyncset.done $0x0  }
0x60: {  	[sflag:s3] =	ssyncadd.s32 $0xFFFFFD80  }
.LBB2_1:
0x61: {  	[dreg:$0x1d] =	wrdreg s19  }
0x62: {  	s9 =	rddreg [dreg:$0xf];
	s19 =	simm.s32 $0x14780  }
0x63: {  	[tilespmem:s19], [sflag:$0x7] =	stream.linear.gather [hbm4b:s9+s6], $0x2900, $0x38;
	[tilespmem:$0x1F900] =	vst v63  }
0x64: {  	_ =	swait.ge [sflag:s3], $0x2900  }
0x65: {  	[sflag:s3] =	ssyncset.done $0x0  }
0x66: {  	s19 =	rddreg [dreg:$0x10];
	[sflag:s3] =	ssyncadd.s32 $0xFFFFD700  }
0x67: {  	[tilespmem:s20], [sflag:$0x7] =	stream.linear.gather [hbm4b:s19+s6], $0x280, $0x38;
	[tilespmem:$0x1F900] =	vst v63  }
0x68: {  	_ =	swait.ge [sflag:s3], $0x280  }
0x69: {  	[sflag:s3] =	ssyncset.done $0x0  }
0x6a: {  	s19 =	rddreg [dreg:$0x16];
	[sflag:s3] =	ssyncadd.s32 $0xFFFFFD80  }
0x6b: {  	[spmem:s19] =	stream.linear.scatter [tilespmem:s20], [sflag:$0x7], $0x280, $0x38;
	[tilespmem:$0x1F900] =	vst v63  }
0x6c: {  	_ =	swait.ge [sflag:s3], $0x280  }
0x6d: {  	[sflag:s3] =	ssyncset.done $0x0  }
0x6e: {  	s19 =	rddreg [dreg:$0x8];
	[sflag:s3] =	ssyncadd.s32 $0xFFFFFD80  }
0x6f: {  	[tilespmem:s20], [sflag:$0x7] =	stream.linear.gather [hbm4b:s19+s6], $0x280, $0x38;
	[tilespmem:$0x1F900] =	vst v63  }
0x70: {  	_ =	swait.ge [sflag:s3], $0x280  }
0x71: {  	[sflag:s3] =	ssyncset.done $0x0  }
0x72: {  	s19 =	rddreg [dreg:$0x17];
	[sflag:s3] =	ssyncadd.s32 $0xFFFFFD80  }
0x73: {  	[spmem:s19] =	stream.linear.scatter [tilespmem:s20], [sflag:$0x7], $0x280, $0x38;
	[tilespmem:$0x1F900] =	vst v63  }
0x74: {  	_ =	swait.ge [sflag:s3], $0x280  }
0x75: {  	[sflag:s3] =	ssyncset.done $0x0  }
0x76: {  	s20 =	simm.s32 $0x17580;
	s19 =	rddreg [dreg:$0xe];
	[sflag:s3] =	ssyncadd.s32 $0xFFFFFD80  }
0x77: {  	[tilespmem:s20], [sflag:$0x7] =	stream.linear.gather [hbm4b:s19+s6], $0x80, $0x38;
	[tilespmem:$0x1F900] =	vst v63  }
0x78: {  	_ =	swait.ge [sflag:s3], $0x80  }
0x79: {  	[sflag:s3] =	ssyncset.done $0x0  }
0x7a: {  	s19 =	simm.s32 $0x17980;
	[sflag:s3] =	ssyncadd.s32 $0xFFFFFF80  }
0x7b: {  	[tilespmem:s19+$0xFFFFFF80] =	vst v0  }
0x7c: {  	[tilespmem:s19+$0x70] =	vst v0  }
0x7d: {  	[tilespmem:s19+$0x60] =	vst v0  }
0x7e: {  	[tilespmem:s19+$0x50] =	vst v0  }
0x7f: {  	[tilespmem:s19+$0x40] =	vst v0  }
0x80: {  	[tilespmem:s19+$0x30] =	vst v0  }
0x81: {  	[tilespmem:s19+$0x20] =	vst v0  }
0x82: {  	[tilespmem:s19+$0x10] =	vst v0  }
0x83: {  	[tilespmem:s19+$0x0] =	vst v0  }
0x84: {  	[tilespmem:s19+$0xFFFFFFF0] =	vst v0  }
0x85: {  	[tilespmem:s19+$0xFFFFFFE0] =	vst v0  }
0x86: {  	[tilespmem:s19+$0xFFFFFFD0] =	vst v0  }
0x87: {  	[tilespmem:s19+$0xFFFFFFC0] =	vst v0  }
0x88: {  	[tilespmem:s19+$0xFFFFFFB0] =	vst v0  }
0x89: {  	s20 =	simm.s32 $0x0;
	[tilespmem:s19+$0xFFFFFFA0] =	vst v0  }
.LBB2_2:
0x8a: {  	s20 =	sadd.s32 $0x2, s20;
	[tilespmem:s19+$0xFFFFFF90] =	vst v0;
	s19 =	sadd.s32 $0x100, s19  }
0x8b: {  	[tilespmem:s19+$0xFFFFFF80] =	vst v0;
	p0 =	slt.u32 s20, $0x7E  }
0x8c: {  	[tilespmem:s19+$0x70] =	vst v0  }
0x8d: {  	[tilespmem:s19+$0x60] =	vst v0  }
0x8e: {  	[tilespmem:s19+$0x50] =	vst v0  }
0x8f: {  	[tilespmem:s19+$0x40] =	vst v0  }
0x90: {  	[tilespmem:s19+$0x30] =	vst v0  }
0x91: {  	[tilespmem:s19+$0x20] =	vst v0  }
0x92: {  	[tilespmem:s19+$0x10] =	vst v0  }
0x93: {  	[tilespmem:s19+$0x0] =	vst v0  }
0x94: {  	[tilespmem:s19+$0xFFFFFFF0] =	vst v0  }
.Ltmp2:
0x95: {  	[tilespmem:s19+$0xFFFFFFE0] =	vst v0;
	(pc) =	sbr.rel @p0 .LBB2_2-.Ltmp2, $4  }
0x96: {  	[tilespmem:s19+$0xFFFFFFD0] =	vst v0  }
0x97: {  	[tilespmem:s19+$0xFFFFFFC0] =	vst v0  }
0x98: {  	[tilespmem:s19+$0xFFFFFFB0] =	vst v0  }
0x99: {  	[tilespmem:s19+$0xFFFFFFA0] =	vst v0  }
0x9a: {  	[tilespmem:s19+$0xFFFFFF90] =	vst v0  }
0x9b: {  	[tilespmem:$0x17680] =	vst v0  }
0x9c: {  	[tilespmem:$0x17690] =	vst v0  }
0x9d: {  	[tilespmem:$0x176A0] =	vst v0  }
0x9e: {  	[tilespmem:$0x176B0] =	vst v0  }
0x9f: {  	[tilespmem:$0x176C0] =	vst v0  }
0xa0: {  	[tilespmem:$0x176D0] =	vst v0  }
0xa1: {  	[tilespmem:$0x176E0] =	vst v0  }
0xa2: {  	[tilespmem:$0x176F0] =	vst v0  }
0xa3: {  	[tilespmem:$0x17700] =	vst v0  }
0xa4: {  	[tilespmem:$0x17710] =	vst v0  }
0xa5: {  	[tilespmem:$0x17720] =	vst v0  }
0xa6: {  	[tilespmem:$0x17730] =	vst v0  }
0xa7: {  	[tilespmem:$0x17740] =	vst v0  }
0xa8: {  	[tilespmem:$0x17750] =	vst v0  }
0xa9: {  	[tilespmem:$0x17760] =	vst v0  }
0xaa: {  	[tilespmem:$0x17770] =	vst v0  }
0xab: {  	[tilespmem:$0x17780] =	vst v0  }
0xac: {  	[tilespmem:$0x17790] =	vst v0  }
0xad: {  	[tilespmem:$0x177A0] =	vst v0  }
0xae: {  	[tilespmem:$0x177B0] =	vst v0  }
0xaf: {  	[tilespmem:$0x177C0] =	vst v0  }
0xb0: {  	[tilespmem:$0x177D0] =	vst v0  }
0xb1: {  	[tilespmem:$0x177E0] =	vst v0  }
0xb2: {  	[tilespmem:$0x177F0] =	vst v0  }
0xb3: {  	[tilespmem:$0x17800] =	vst v0  }
0xb4: {  	[tilespmem:$0x17810] =	vst v0  }
0xb5: {  	[tilespmem:$0x17820] =	vst v0  }
0xb6: {  	[tilespmem:$0x17830] =	vst v0  }
0xb7: {  	[tilespmem:$0x17840] =	vst v0  }
0xb8: {  	[tilespmem:$0x17850] =	vst v0  }
0xb9: {  	[tilespmem:$0x17860] =	vst v0  }
0xba: {  	[tilespmem:$0x17870] =	vst v0  }
0xbb: {  	[tilespmem:$0x17880] =	vst v0  }
0xbc: {  	[tilespmem:$0x17890] =	vst v0  }
0xbd: {  	[tilespmem:$0x178A0] =	vst v0  }
0xbe: {  	[tilespmem:$0x178B0] =	vst v0  }
0xbf: {  	[tilespmem:$0x178C0] =	vst v0  }
0xc0: {  	[tilespmem:$0x178D0] =	vst v0  }
0xc1: {  	[tilespmem:$0x178E0] =	vst v0  }
0xc2: {  	[tilespmem:$0x178F0] =	vst v0  }
0xc3: {  	[spmem:s21] =	stream.linear.scatter [tilespmem:s10], [sflag:$0x7], $0x4000, $0x38;
	[tilespmem:$0x1F900] =	vst v63  }
0xc4: {  	_ =	swait.ge [sflag:s3], $0x4000  }
0xc5: {  	[sflag:s3] =	ssyncset.done $0x0  }
0xc6: {  	[sflag:s3] =	ssyncadd.s32 $0xFFFFC000  }
0xc7: {  	[spmem:s22] =	stream.linear.scatter [tilespmem:s10], [sflag:$0x7], $0x4000, $0x38;
	[tilespmem:$0x1F900] =	vst v63  }
0xc8: {  	_ =	swait.ge [sflag:s3], $0x4000  }
0xc9: {  	[sflag:s3] =	ssyncset.done $0x0  }
0xca: {  	[sflag:s3] =	ssyncadd.s32 $0xFFFFC000  }
0xcb: {  	[spmem:s23] =	stream.linear.scatter [tilespmem:s10], [sflag:$0x7], $0x4000, $0x38;
	[tilespmem:$0x1F900] =	vst v63  }
0xcc: {  	_ =	swait.ge [sflag:s3], $0x4000  }
0xcd: {  	[sflag:s3] =	ssyncset.done $0x0  }
0xce: {  	[sflag:s3] =	ssyncadd.s32 $0xFFFFC000  }
0xcf: {  	[spmem:s26] =	stream.linear.scatter [tilespmem:s10], [sflag:$0x7], $0x4000, $0x38;
	[tilespmem:$0x1F900] =	vst v63  }
0xd0: {  	_ =	swait.ge [sflag:s3], $0x4000  }
0xd1: {  	[sflag:s3] =	ssyncset.done $0x0  }
0xd2: {  	[sflag:s3] =	ssyncadd.s32 $0xFFFFC000  }
0xd3: {  	[spmem:s28] =	stream.linear.scatter [tilespmem:s10], [sflag:$0x7], $0x4000, $0x38;
	[tilespmem:$0x1F900] =	vst v63  }
0xd4: {  	_ =	swait.ge [sflag:s3], $0x4000  }
0xd5: {  	[sflag:s3] =	ssyncset.done $0x0  }
0xd6: {  	s21 =	simm.s32 $0x17680;
	s9 =	rddreg [dreg:$0x18];
	[sflag:s3] =	ssyncadd.s32 $0xFFFFC000  }
0xd7: {  	[spmem:s9] =	stream.linear.scatter [tilespmem:s21], [sflag:$0x7], $0x280, $0x38;
	[tilespmem:$0x1F900] =	vst v63  }
0xd8: {  	_ =	swait.ge [sflag:s3], $0x280  }
0xd9: {  	[sflag:s3] =	ssyncset.done $0x0  }
0xda: {  	[sflag:s3] =	ssyncadd.s32 $0xFFFFFD80  }
0xdb: {  	[bflag:$0x0] =	sbarrier.arrive $0xFFFF  }
0xdc: {  	s19 =	simm.s32 $0x0;
	s22 =	rddreg [dreg:$0x19]  }
0xdd: {  	v1 =	vld [tilespmem:$0x17580];
	[tilespmem:s11], [sflag:$0x1] =	stream.linear.gather [hbm4b:s22+s19], $0x80, $0x38  }
0xde: {  	s23 =	rddreg [dreg:$0x1c]  }
0xdf: {  	[tilespmem:s12], [sflag:$0x2] =	stream.linear.gather [hbm4b:s23+s19], $0x80, $0x38;
	[tilespmem:$0x1F900] =	vst v63  }
0xe0: {  	s26 =	simm.s32 $0x14780  }
0xe1: {  	[tilespmem:s10], [sflag:$0x3] =	stream.indirect.gather [hbm4b:s7+s13], $0x80, s26, s13, $0xb8;
	[tilespmem:$0x1F900] =	vst v63  }
0xe2: {  	s20 =	simm.s32 $0x0;
	s28 =	simm.s32 $0x14800  }
0xe3: {  	[tilespmem:s0], [sflag:$0x4] =	stream.indirect.gather [hbm4b:s7+s13], $0x80, s28, s13, $0xb8;
	[tilespmem:$0x1F900] =	vst v63  }
.LBB2_4:
0xe4: {  	_ =	swait.ge [sflag:s14], $0x80;
	s9 =	sshll.u32 s20, $0x8  }
0xe5: {  	[sflag:s14] =	ssyncset.done $0x0;
	s22 =	sand.u32 $0x3FFFFF00, s9  }
0xe6: {  	[sflag:s14] =	ssyncadd.s32 $0xFFFFFF80;
	s9 =	sadd.s32 $0x14780, s22  }
0xe7: {  	[tilespmem:s15], [sflag:$0x5] =	stream.indirect.gather [spmem:s2], $0x1, s9, s13, $0xb8;
	[tilespmem:$0x1F900] =	vst v63  }
0xe8: {  	_ = 	snop  }
0xe9: {  	[tilespmem:s17], [sflag:$0x5] =	stream.indirect.gather [spmem:s4], $0x1, s11, s13, $0xb8;
	[tilespmem:$0x1F900] =	vst v63  }
0xea: {  	_ =	swait.ge [sflag:s18], $0x80  }
0xeb: {  	[sflag:s18] =	ssyncset.done $0x0  }
0xec: {  	[sflag:s18] =	ssyncadd.s32 $0xFFFFFF80  }
0xed: {  	_ =	swait.ge [sflag:s18], $0x80  }
0xee: {  	[sflag:s18] =	ssyncset.done $0x0  }
0xef: {  	[sflag:s18] =	ssyncadd.s32 $0xFFFFFF80  }
0xf0: {  	v2 =	vld [tilespmem:$0x17480]  }
0xf1: {  	v3 =	vld [tilespmem:$0x17500];
	_ =	sdelay $0x1  }
0xf2: {  	v4 =	vld [tilespmem:$0x17490]  }
0xf3: {  	v5 =	vld [tilespmem:$0x17510];
	_ =	sdelay $0x1  }
0xf4: {  	v2 =	vadd.f32 v3, v2;
	v3 =	vadd.f32 v3, v1  }
0xf5: {  	v7 =	vld [tilespmem:$0x174A0]  }
0xf6: {  	v9 =	vld [tilespmem:$0x17520];
	v6 =	vmul.f32 $2.000000030e-01, v2;
	v8 =	vmul.f32 $2.000000030e-01, v3  }
0xf7: {  	v12 =	vld [tilespmem:$0x17540];
	v4 =	vadd.f32 v5, v4  }
0xf8: {  	v5 =	vadd.f32 v5, v1;
	v2 =	vmax.f32 v2, v6;
	v6 =	vld [tilespmem:$0x174B0];
	v3 =	vmax.f32 v3, v8  }
0xf9: {  	v8 =	vld [tilespmem:$0x17530];
	v2 =	vsub.f32 v2, v3  }
0xfa: {  	v10 =	vmul.f32 $2.000000030e-01, v4;
	v11 =	vmul.f32 $2.000000030e-01, v5;
	v3 =	vld [tilespmem:$0x174C0]  }
0xfb: {  	v7 =	vadd.f32 v9, v7;
	v2 =	vmul.f32 $1.442695020e+00, v2  }
0xfc: {  	v9 =	vadd.f32 v9, v1;
	v4 =	vmax.f32 v4, v10;
	v5 =	vmax.f32 v5, v11  }
0xfd: {  	(erf) = vpow2.f32 v2;
	v2 =	vsub.f32 v4, v5;
	v4 =	vmul.f32 $2.000000030e-01, v7  }
0xfe: {  	v13 =	vld [tilespmem:$0x174E0];
	v5 =	vmul.f32 $2.000000030e-01, v9;
	v6 =	vadd.f32 v8, v6;
	v8 =	vadd.f32 v8, v1  }
0xff: {  	v10 =	vld [tilespmem:$0x174D0];
	v3 =	vadd.f32 v12, v3;
	v4 =	vmax.f32 v7, v4;
	v7 =	vadd.f32 v12, v1  }
0x100: {  	v11 =	vld [tilespmem:$0x17550];
	v5 =	vmax.f32 v9, v5;
	v9 =	vmul.f32 $2.000000030e-01, v6;
	v12 =	vmul.f32 $2.000000030e-01, v8  }
0x101: {  	v15 =	vld [tilespmem:$0x17560];
	v4 =	vsub.f32 v4, v5;
	v5 =	vmul.f32 $2.000000030e-01, v3;
	v14 =	vmul.f32 $2.000000030e-01, v7  }
0x102: {  	v2 =	vmul.f32 $1.442695020e+00, v2;
	v6 =	vmax.f32 v6, v9;
	v8 =	vmax.f32 v8, v12;
	v9 =	vld [tilespmem:$0x174F0]  }
0x103: {  	v3 =	vmax.f32 v3, v5;
	v4 =	vmul.f32 $1.442695020e+00, v4;
	v5 =	vmax.f32 v7, v14;
	v7 =	vld [tilespmem:$0x17570]  }
0x104: {  	(erf) = vpow2.f32 v2;
	v2 =	vsub.f32 v6, v8  }
0x105: {  	v3 =	vsub.f32 v3, v5;
	(erf) = vpow2.f32 v4;
	v4 =	vadd.f32 v11, v10  }
0x106: {  	v8 =	vadd.f32 v15, v13;
	v2 =	vmul.f32 $1.442695020e+00, v2;
	v5 =	vadd.f32 v11, v1  }
0x107: {  	v10 =	vadd.f32 v15, v1;
	v3 =	vmul.f32 $1.442695020e+00, v3;
	v6 =	vmul.f32 $2.000000030e-01, v4  }
0x108: {  	v11 =	vmul.f32 $2.000000030e-01, v5;
	v9 =	vadd.f32 v7, v9;
	v7 =	vadd.f32 v7, v1  }
0x109: {  	v12 =	vmul.f32 $2.000000030e-01, v10;
	v4 =	vmax.f32 v4, v6;
	v6 =	vmul.f32 $2.000000030e-01, v8  }
0x10a: {  	v5 =	vmax.f32 v5, v11;
	v11 =	vmul.f32 $2.000000030e-01, v9;
	v13 =	vmul.f32 $2.000000030e-01, v7  }
0x10b: {  	v4 =	vsub.f32 v4, v5;
	v5 =	vmax.f32 v8, v6;
	v6 =	vmax.f32 v10, v12  }
0x10c: {  	v5 =	vsub.f32 v5, v6;
	v6 =	vmax.f32 v9, v11;
	v7 =	vmax.f32 v7, v13  }
0x10d: {  	(erf) = vpow2.f32 v2;
	v2 =	vmul.f32 $1.442695020e+00, v4;
	v4 =	vsub.f32 v6, v7  }
0x10e: {  	(erf) = vpow2.f32 v3;
	v3 =	vmul.f32 $1.442695020e+00, v5  }
0x10f: {  	(erf) = vpow2.f32 v2;
	v2 =	vmul.f32 $1.442695020e+00, v4  }
0x110: {  	(erf) = vpow2.f32 v3  }
0x111: {  	(erf) = vpow2.f32 v2;
	_ =	sdelay $0x1  }
0x112: {  	v2 =	vpop (erf)  }
0x113: {  	v3 =	vpop (erf);
	[tilespmem:$0x17600] =	vst v2  }
0x114: {  	v2 =	vpop (erf);
	[tilespmem:$0x17610] =	vst v3  }
0x115: {  	v3 =	vpop (erf);
	[tilespmem:$0x17620] =	vst v2  }
0x116: {  	v2 =	vpop (erf);
	[tilespmem:$0x17630] =	vst v3  }
0x117: {  	v3 =	vpop (erf);
	[tilespmem:$0x17640] =	vst v2;
	v2 =	vmov s19  }
0x118: {  	v4 =	vpop (erf);
	[tilespmem:$0x17650] =	vst v3;
	v2 =	vand.u32 $0xFFFFFFFC, v2  }
0x119: {  	[tilespmem:$0x17660] =	vst v4;
	v4 =	vpop (erf);
	v2 =	vbroadcast v2, $0x0  }
0x11a: {  	s26 =	simm.s32 $0x2;
	[tilespmem:$0x17670] =	vst v4  }
0x11b: {  	[spmem:s5] =	stream.indirect.scatter.add.f32 [tilespmem:s24], [sflag:$0x6], $0x1, s11, s13, $0xb8;
	[tilespmem:$0x1F900] =	vst v63  }
0x11c: {  	v3 =	vmov s26;
	_ =	swait.ge [sflag:s25], $0x4000  }
0x11d: {  	v3 =	vand.u32 $0xFFFFFFFE, v3;
	[sflag:s25] =	ssyncset.done $0x0  }
0x11e: {  	v3 =	vbroadcast v3, $0x0;
	[sflag:s25] =	ssyncadd.s32 $0xFFFFC000  }
0x11f: {  	s21 =	simm.s32 $0x17A00;
	v2 =	vld.idx.msk [tilespmem:v2+s24+$0x0], $0xffff  }
0x120: {  	v5 =	vld [tilespmem:s21+$0x70]  }
0x121: {  	s28 =	simm.s32 $0x1;
	v6 =	vld [tilespmem:s21+$0xFFFFFF00]  }
0x122: {  	v4 =	vmov s28;
	v7 =	vld [tilespmem:s21+$0xFFFFFF10]  }
0x123: {  	v4 =	vand.u32 $0xFFFFFFFD, v4;
	v8 =	vld [tilespmem:s21+$0xFFFFFF20]  }
0x124: {  	v4 =	vbroadcast v4, $0x0;
	v3 =	vld.idx.msk [tilespmem:v3+s24+$0x0], $0xffff  }
0x125: {  	v9 =	vld [tilespmem:s21+$0xFFFFFF30]  }
0x126: {  	v10 =	vld [tilespmem:s21+$0xFFFFFF40]  }
0x127: {  	v11 =	vld [tilespmem:s21+$0xFFFFFF50]  }
0x128: {  	v12 =	vld [tilespmem:s21+$0xFFFFFF60];
	v6 =	vmul.f32 v6, v2  }
0x129: {  	v14 =	vld [tilespmem:s21+$0x40];
	v5 =	vmul.f32 v5, v3  }
0x12a: {  	v4 =	vld.idx.msk [tilespmem:v4+s24+$0x0], $0xffff;
	[tilespmem:s21+$0xFFFFFF00] =	vst v6;
	v6 =	vmul.f32 v7, v2  }
0x12b: {  	v7 =	vld [tilespmem:s21+$0xFFFFFF70];
	[tilespmem:s21+$0x70] =	vst v5;
	v5 =	vmul.f32 v8, v2  }
0x12c: {  	v8 =	vld [tilespmem:s21+$0xFFFFFF80];
	[tilespmem:s21+$0xFFFFFF10] =	vst v6;
	v6 =	vmul.f32 v9, v2  }
0x12d: {  	v9 =	vld [tilespmem:s21+$0xFFFFFF90];
	[tilespmem:s21+$0xFFFFFF20] =	vst v5;
	v5 =	vmul.f32 v10, v2  }
0x12e: {  	v10 =	vld [tilespmem:s21+$0xFFFFFFA0];
	[tilespmem:s21+$0xFFFFFF30] =	vst v6;
	v6 =	vmul.f32 v11, v2  }
0x12f: {  	v11 =	vld [tilespmem:s21+$0xFFFFFFB0];
	[tilespmem:s21+$0xFFFFFF40] =	vst v5;
	v5 =	vmul.f32 v12, v2  }
0x130: {  	v12 =	vld [tilespmem:s21+$0xFFFFFFC0];
	v7 =	vmul.f32 v7, v2;
	[tilespmem:s21+$0xFFFFFF50] =	vst v6  }
0x131: {  	v6 =	vmul.f32 v8, v4;
	v8 =	vld [tilespmem:s21+$0xFFFFFFD0];
	[tilespmem:s21+$0xFFFFFF60] =	vst v5  }
0x132: {  	s23 =	simm.s32 $0x3;
	v5 =	vld [tilespmem:s21+$0xFFFFFFE0];
	v9 =	vmul.f32 v9, v4;
	[tilespmem:s21+$0xFFFFFF70] =	vst v7  }
0x133: {  	v13 =	vmov s23;
	v7 =	vld [tilespmem:s21+$0xFFFFFFF0];
	[tilespmem:s21+$0xFFFFFF80] =	vst v6;
	v6 =	vmul.f32 v10, v4  }
0x134: {  	v10 =	vld [tilespmem:s21+$0x0];
	[tilespmem:s21+$0xFFFFFF90] =	vst v9;
	v9 =	vmul.f32 v11, v4  }
0x135: {  	v11 =	vld [tilespmem:s21+$0x10];
	[tilespmem:s21+$0xFFFFFFA0] =	vst v6;
	v6 =	vmul.f32 v12, v4  }
0x136: {  	[tilespmem:s21+$0xFFFFFFB0] =	vst v9;
	v8 =	vmul.f32 v8, v4;
	v9 =	vld [tilespmem:s21+$0x20]  }
0x137: {  	v12 =	vld [tilespmem:s21+$0x30];
	[tilespmem:s21+$0xFFFFFFC0] =	vst v6;
	v5 =	vmul.f32 v5, v4  }
0x138: {  	v2 =	vld.idx.msk [tilespmem:v13+s24+$0x0], $0xffff;
	v4 =	vmul.f32 v7, v4;
	[tilespmem:s21+$0xFFFFFFD0] =	vst v8  }
0x139: {  	v6 =	vmul.f32 v10, v3;
	[tilespmem:s21+$0xFFFFFFE0] =	vst v5;
	v5 =	vld [tilespmem:s21+$0x50]  }
0x13a: {  	s26 =	simm.s32 $0x4;
	[tilespmem:s21+$0xFFFFFFF0] =	vst v4;
	v7 =	vmul.f32 v11, v3;
	v4 =	vld [tilespmem:s21+$0x60]  }
0x13b: {  	s28 =	simm.s32 $0x7;
	v8 =	vmov s26;
	[tilespmem:s21+$0x0] =	vst v6;
	v10 =	vmul.f32 v9, v3;
	v9 =	vld [tilespmem:s21+$0x80]  }
0x13c: {  	s23 =	simm.s32 $0x5;
	v13 =	vand.u32 $0xFFFFFFFC, v8;
	v8 =	vld [tilespmem:s21+$0x90];
	v6 =	vmov s28;
	v11 =	vmul.f32 v12, v3;
	[tilespmem:s21+$0x10] =	vst v7  }
0x13d: {  	s9 =	simm.s32 $0x6;
	s26 =	simm.s32 $0x8;
	v12 =	vmul.f32 v14, v3;
	v7 =	vbroadcast v13, $0x0;
	v13 =	vmov s23;
	s23 =	simm.s32 $0x17A00;
	[tilespmem:s21+$0x20] =	vst v10;
	v10 =	vld [tilespmem:s21+$0xA0]  }
.LBB2_5:
0x13e: {  	p0 =	slt.u32 s26, $0x7C;
	v13 =	vand.u32 $0xFFFFFFFD, v13;
	v14 =	vmov s9;
	[tilespmem:s21+$0x30] =	vst v11;
	v5 =	vmul.f32 v5, v3;
	v11 =	vld [tilespmem:s21+$0xB0]  }
0x13f: {  	v13 =	vbroadcast v13, $0x0;
	v14 =	vand.u32 $0xFFFFFFFE, v14;
	[tilespmem:s21+$0x40] =	vst v12;
	v3 =	vmul.f32 v4, v3;
	v4 =	vld [tilespmem:s21+$0xC0]  }
0x140: {  	v12 =	vbroadcast v14, $0x0;
	[tilespmem:s21+$0x50] =	vst v5;
	v5 =	vmul.f32 v9, v2;
	v9 =	vld [tilespmem:s21+$0xD0]  }
0x141: {  	[tilespmem:s21+$0x60] =	vst v3;
	v3 =	vmul.f32 v8, v2;
	v8 =	vld [tilespmem:s21+$0xE0]  }
0x142: {  	[tilespmem:s21+$0x80] =	vst v5;
	v5 =	vmul.f32 v10, v2;
	v10 =	vld [tilespmem:s21+$0xF0]  }
0x143: {  	v6 =	vld.idx.msk [tilespmem:v6+s24+$0x0], $0xffff;
	[tilespmem:s21+$0x90] =	vst v3;
	v3 =	vmul.f32 v11, v2  }
0x144: {  	v7 =	vld.idx.msk [tilespmem:v7+s24+$0x0], $0xffff;
	[tilespmem:s21+$0xA0] =	vst v5;
	v4 =	vmul.f32 v4, v2  }
0x145: {  	v5 =	vld.idx.msk [tilespmem:v13+s24+$0x0], $0xffff;
	[tilespmem:s21+$0xB0] =	vst v3;
	v9 =	vmul.f32 v9, v2  }
0x146: {  	s21 =	sadd.s32 $0x200, s21;
	v3 =	vld.idx.msk [tilespmem:v12+s24+$0x0], $0xffff;
	[tilespmem:s23+$0xC0] =	vst v4;
	v4 =	vmul.f32 v8, v2  }
0x147: {  	v8 =	vld [tilespmem:s21+$0x70];
	[tilespmem:s23+$0xD0] =	vst v9;
	v10 =	vmul.f32 v10, v2  }
0x148: {  	v9 =	vld [tilespmem:s21+$0xFFFFFF00];
	[tilespmem:s23+$0xE0] =	vst v4  }
0x149: {  	v2 =	vmov v6;
	v4 =	vld [tilespmem:s21+$0xFFFFFF10];
	[tilespmem:s23+$0xF0] =	vst v10;
	s23 =	smov.u32 s21  }
0x14a: {  	v6 =	vld [tilespmem:s21+$0xFFFFFF20]  }
0x14b: {  	v10 =	vld [tilespmem:s21+$0xFFFFFF30]  }
0x14c: {  	v11 =	vld [tilespmem:s21+$0xFFFFFF40];
	v8 =	vmul.f32 v8, v3  }
0x14d: {  	v9 =	vmul.f32 v9, v7;
	v12 =	vld [tilespmem:s21+$0xFFFFFF50]  }
0x14e: {  	v4 =	vmul.f32 v4, v7;
	v13 =	vld [tilespmem:s21+$0xFFFFFF60];
	[tilespmem:s21+$0x70] =	vst v8  }
0x14f: {  	[tilespmem:s21+$0xFFFFFF00] =	vst v9;
	v6 =	vmul.f32 v6, v7;
	v8 =	vld [tilespmem:s21+$0xFFFFFF70]  }
0x150: {  	[tilespmem:s21+$0xFFFFFF10] =	vst v4;
	v4 =	vmul.f32 v10, v7;
	v9 =	vld [tilespmem:s21+$0xFFFFFF80]  }
0x151: {  	[tilespmem:s21+$0xFFFFFF20] =	vst v6;
	v6 =	vmul.f32 v11, v7;
	v10 =	vld [tilespmem:s21+$0xFFFFFF90]  }
0x152: {  	[tilespmem:s21+$0xFFFFFF30] =	vst v4;
	v4 =	vmul.f32 v12, v7;
	v11 =	vld [tilespmem:s21+$0xFFFFFFA0]  }
0x153: {  	[tilespmem:s21+$0xFFFFFF40] =	vst v6;
	v6 =	vmul.f32 v13, v7;
	v12 =	vld [tilespmem:s21+$0xFFFFFFB0]  }
0x154: {  	[tilespmem:s21+$0xFFFFFF50] =	vst v4;
	v4 =	vmul.f32 v8, v7;
	v7 =	vld [tilespmem:s21+$0xFFFFFFC0]  }
0x155: {  	[tilespmem:s21+$0xFFFFFF60] =	vst v6;
	v6 =	vmul.f32 v9, v5;
	v8 =	vld [tilespmem:s21+$0xFFFFFFD0]  }
0x156: {  	[tilespmem:s21+$0xFFFFFF70] =	vst v4;
	v4 =	vmul.f32 v10, v5;
	v9 =	vld [tilespmem:s21+$0xFFFFFFE0]  }
0x157: {  	[tilespmem:s21+$0xFFFFFF80] =	vst v6;
	v6 =	vmul.f32 v11, v5;
	v10 =	vld [tilespmem:s21+$0xFFFFFFF0]  }
0x158: {  	[tilespmem:s21+$0xFFFFFF90] =	vst v4;
	v4 =	vmul.f32 v12, v5;
	v11 =	vld [tilespmem:s21+$0x0]  }
0x159: {  	[tilespmem:s21+$0xFFFFFFA0] =	vst v6;
	v6 =	vmul.f32 v7, v5;
	v7 =	vld [tilespmem:s21+$0x10]  }
0x15a: {  	[tilespmem:s21+$0xFFFFFFB0] =	vst v4;
	v4 =	vmul.f32 v8, v5;
	v8 =	vld [tilespmem:s21+$0x20]  }
0x15b: {  	[tilespmem:s21+$0xFFFFFFC0] =	vst v6;
	v6 =	vmul.f32 v9, v5;
	v12 =	vld [tilespmem:s21+$0x30]  }
0x15c: {  	[tilespmem:s21+$0xFFFFFFD0] =	vst v4;
	v4 =	vmul.f32 v10, v5;
	v10 =	vld [tilespmem:s21+$0x40]  }
.Ltmp3:
0x15d: {  	[tilespmem:s21+$0xFFFFFFE0] =	vst v6;
	v6 =	vmul.f32 v11, v3;
	v5 =	vld [tilespmem:s21+$0x50];
	(pc) =	sbr.rel @p0 .LBB2_5-.Ltmp3, $4  }
0x15e: {  	[tilespmem:s21+$0xFFFFFFF0] =	vst v4;
	v7 =	vmul.f32 v7, v3;
	v4 =	vld [tilespmem:s21+$0x60]  }
0x15f: {  	s9 =	sadd.s32 $0x3, s26;
	v11 =	vmov s26;
	[tilespmem:s21+$0x0] =	vst v6;
	v14 =	vmul.f32 v8, v3;
	v9 =	vld [tilespmem:s21+$0x80]  }
0x160: {  	s28 =	sadd.s32 $0x1, s26;
	v13 =	vand.u32 $0xFFFFFFFC, v11;
	v6 =	vmov s9;
	[tilespmem:s21+$0x10] =	vst v7;
	v11 =	vmul.f32 v12, v3;
	v8 =	vld [tilespmem:s21+$0x90]  }
0x161: {  	s9 =	sadd.s32 $0x2, s26;
	s26 =	sadd.s32 $0x4, s26;
	v7 =	vbroadcast v13, $0x0;
	v13 =	vmov s28;
	[tilespmem:s21+$0x20] =	vst v14;
	v12 =	vmul.f32 v10, v3;
	v10 =	vld [tilespmem:s21+$0xA0]  }
0x162: {  	v14 =	vld [tilespmem:s21+$0xB0]  }
0x163: {  	v16 =	vld [tilespmem:s21+$0xC0]  }
0x164: {  	v15 =	vmov s9;
	v17 =	vld [tilespmem:s21+$0xD0]  }
0x165: {  	v18 =	vld [tilespmem:s21+$0xE0];
	[tilespmem:s21+$0x30] =	vst v11;
	v5 =	vmul.f32 v5, v3;
	v15 =	vand.u32 $0xFFFFFFFE, v15  }
0x166: {  	v13 =	vand.u32 $0xFFFFFFFD, v13;
	v6 =	vld.idx.msk [tilespmem:v6+s24+$0x0], $0xffff;
	[tilespmem:s21+$0x40] =	vst v12;
	v3 =	vmul.f32 v4, v3;
	v15 =	vbroadcast v15, $0x0  }
0x167: {  	s26 =	sadd.s32 $0x200, s21;
	v13 =	vbroadcast v13, $0x0;
	v4 =	vld.idx.msk [tilespmem:v7+s24+$0x0], $0xffff;
	v9 =	vmul.f32 v9, v2;
	[tilespmem:s21+$0x50] =	vst v5  }
0x168: {  	v11 =	vld [tilespmem:s26+$0xFFFFFF00];
	v5 =	vmul.f32 v8, v2;
	[tilespmem:s21+$0x60] =	vst v3  }
0x169: {  	[tilespmem:s21+$0x80] =	vst v9;
	v9 =	vld [tilespmem:s21+$0xF0];
	v3 =	vmul.f32 v10, v2  }
0x16a: {  	v12 =	vld [tilespmem:s26+$0xFFFFFF10];
	[tilespmem:s21+$0x90] =	vst v5;
	v5 =	vmul.f32 v14, v2  }
0x16b: {  	v10 =	vld [tilespmem:s26+$0x70];
	[tilespmem:s21+$0xA0] =	vst v3;
	v3 =	vmul.f32 v16, v2  }
0x16c: {  	[tilespmem:s21+$0xB0] =	vst v5;
	v5 =	vmul.f32 v17, v2;
	v8 =	vld.idx.msk [tilespmem:v15+s24+$0x0], $0xffff  }
0x16d: {  	v7 =	vld.idx.msk [tilespmem:v13+s24+$0x0], $0xffff;
	[tilespmem:s23+$0xC0] =	vst v3;
	v3 =	vmul.f32 v18, v2  }
0x16e: {  	v13 =	vld [tilespmem:s26+$0xFFFFFF20];
	[tilespmem:s23+$0xD0] =	vst v5;
	v2 =	vmul.f32 v9, v2  }
0x16f: {  	v5 =	vld [tilespmem:s26+$0xFFFFFF30];
	[tilespmem:s23+$0xE0] =	vst v3  }
0x170: {  	v3 =	vld [tilespmem:s26+$0xFFFFFF40];
	[tilespmem:s23+$0xF0] =	vst v2;
	v2 =	vmul.f32 v11, v4  }
0x171: {  	v9 =	vmul.f32 v10, v8;
	v10 =	vld [tilespmem:s26+$0xFFFFFF50]  }
0x172: {  	v11 =	vmul.f32 v12, v4;
	v12 =	vld [tilespmem:s26+$0xFFFFFF60];
	[tilespmem:s26+$0xFFFFFF00] =	vst v2  }
0x173: {  	v2 =	vmul.f32 v13, v4;
	[tilespmem:s26+$0x70] =	vst v9;
	v9 =	vld [tilespmem:s26+$0xFFFFFF70]  }
0x174: {  	[tilespmem:s26+$0xFFFFFF10] =	vst v11;
	v11 =	vld [tilespmem:s26+$0xFFFFFF80];
	v5 =	vmul.f32 v5, v4  }
0x175: {  	[tilespmem:s26+$0xFFFFFF20] =	vst v2;
	v2 =	vmul.f32 v3, v4;
	v3 =	vld [tilespmem:s26+$0xFFFFFF90]  }
0x176: {  	[tilespmem:s26+$0xFFFFFF30] =	vst v5;
	v5 =	vmul.f32 v10, v4;
	v10 =	vld [tilespmem:s26+$0xFFFFFFA0]  }
0x177: {  	[tilespmem:s26+$0xFFFFFF40] =	vst v2;
	v2 =	vmul.f32 v12, v4;
	v12 =	vld [tilespmem:s26+$0xFFFFFFB0]  }
0x178: {  	[tilespmem:s26+$0xFFFFFF50] =	vst v5;
	v4 =	vmul.f32 v9, v4;
	v5 =	vld [tilespmem:s26+$0xFFFFFFC0]  }
0x179: {  	[tilespmem:s26+$0xFFFFFF60] =	vst v2;
	v2 =	vmul.f32 v11, v7;
	v9 =	vld [tilespmem:s26+$0xFFFFFFD0]  }
0x17a: {  	v3 =	vmul.f32 v3, v7;
	[tilespmem:s26+$0xFFFFFF70] =	vst v4;
	v4 =	vld [tilespmem:s26+$0xFFFFFFE0]  }
0x17b: {  	[tilespmem:s26+$0xFFFFFF80] =	vst v2;
	v2 =	vmul.f32 v10, v7;
	v10 =	vld [tilespmem:s26+$0xFFFFFFF0]  }
0x17c: {  	v11 =	vld [tilespmem:s26+$0x0];
	[tilespmem:s26+$0xFFFFFF90] =	vst v3;
	v3 =	vmul.f32 v12, v7  }
0x17d: {  	[tilespmem:s26+$0xFFFFFFA0] =	vst v2;
	v2 =	vmul.f32 v5, v7;
	v5 =	vld [tilespmem:s26+$0x10]  }
0x17e: {  	[tilespmem:s26+$0xFFFFFFB0] =	vst v3;
	v3 =	vmul.f32 v9, v7;
	v9 =	vld [tilespmem:s26+$0x20]  }
0x17f: {  	[tilespmem:s26+$0xFFFFFFC0] =	vst v2;
	v2 =	vmul.f32 v4, v7;
	v4 =	vld [tilespmem:s26+$0x30]  }
0x180: {  	[tilespmem:s26+$0xFFFFFFD0] =	vst v3;
	v3 =	vmul.f32 v10, v7;
	v7 =	vld [tilespmem:s26+$0x40]  }
0x181: {  	v10 =	vld [tilespmem:s26+$0x50];
	[tilespmem:s26+$0xFFFFFFE0] =	vst v2;
	v2 =	vmul.f32 v11, v8  }
0x182: {  	[tilespmem:s26+$0xFFFFFFF0] =	vst v3;
	v3 =	vmul.f32 v5, v8;
	v5 =	vld [tilespmem:s26+$0x60]  }
0x183: {  	[tilespmem:s26+$0x0] =	vst v2;
	v2 =	vmul.f32 v9, v8;
	v9 =	vld [tilespmem:s26+$0x80]  }
0x184: {  	[tilespmem:s26+$0x10] =	vst v3;
	v3 =	vmul.f32 v4, v8;
	v4 =	vld [tilespmem:s26+$0x90]  }
0x185: {  	[tilespmem:s26+$0x20] =	vst v2;
	v2 =	vmul.f32 v7, v8;
	v7 =	vld [tilespmem:s26+$0xA0]  }
0x186: {  	[tilespmem:s26+$0x30] =	vst v3;
	v3 =	vmul.f32 v10, v8;
	v10 =	vld [tilespmem:s26+$0xB0]  }
0x187: {  	[tilespmem:s26+$0x40] =	vst v2;
	v2 =	vmul.f32 v5, v8;
	v5 =	vld [tilespmem:s26+$0xC0]  }
0x188: {  	v8 =	vld [tilespmem:s26+$0xD0];
	[tilespmem:s26+$0x50] =	vst v3;
	v3 =	vmul.f32 v9, v6  }
0x189: {  	[tilespmem:s26+$0x60] =	vst v2;
	v2 =	vmul.f32 v4, v6;
	v4 =	vld [tilespmem:s26+$0xE0]  }
0x18a: {  	[tilespmem:s26+$0x80] =	vst v3;
	v3 =	vmul.f32 v7, v6;
	v7 =	vld [tilespmem:s26+$0xF0]  }
0x18b: {  	[tilespmem:s26+$0x90] =	vst v2;
	v2 =	vmul.f32 v10, v6  }
0x18c: {  	[tilespmem:s26+$0xA0] =	vst v3;
	v3 =	vmul.f32 v5, v6  }
0x18d: {  	[tilespmem:s26+$0xB0] =	vst v2;
	v2 =	vmul.f32 v8, v6  }
0x18e: {  	[tilespmem:s26+$0xC0] =	vst v3;
	v3 =	vmul.f32 v4, v6  }
0x18f: {  	[tilespmem:s26+$0xD0] =	vst v2;
	v2 =	vmul.f32 v7, v6  }
0x190: {  	p0 =	seq.s32 s20, $0x28;
	s21 =	sshll.u32 s20, $0x1;
	[tilespmem:s26+$0xE0] =	vst v3  }
0x191: {  	s9 =	sshll.u32 @!p0 s21, $0x7;
	[tilespmem:s26+$0xF0] =	vst v2  }
0x192: {  	[spmem:s1] =	stream.indirect.scatter.add.f32 [tilespmem:s10], [sflag:$0x7], $0x80, s11, s13, $0xb8;
	[tilespmem:$0x1F900] =	vst v63  }
0x193: {  	s9 =	sadd.s32 @!p0 $0x100, s9;
	_ =	swait.ge [sflag:s3], $0x4000  }
0x194: {  	s23 =	sand.u32 @!p0 $0x7C00, s9;
	[sflag:s3] =	ssyncset.done $0x0  }
0x195: {  	s23 =	sadd.s32 @!p0 s8, s23;
	s26 =	sand.u32 @!p0 $0x300, s9;
	[sflag:s3] =	ssyncadd.s32 $0xFFFFC000  }
0x196: {  	s28 =	simm.s32 @!p0 $0x17380;
	s23 =	sor.u32 @!p0 s26, s23;
	_ =	swait.ge [sflag:s29], $0x80  }
0x197: {  	s9 =	sand.u32 @!p0 $0x3FFFFF80, s9;
	s23 =	sshrl.u32 @!p0 s23, $0x3;
	[sflag:s29] =	ssyncset.done $0x0  }
0x198: {  	s26 =	simm.s32 @!p0 $0x0;
	s23 =	sadd.s32 @!p0 s16, s23;
	[sflag:s29] =	ssyncadd.s32 $0xFFFFFF80  }
0x199: {  	[tilespmem:s28], [sflag:$0x1] =	stream.linear.gather @!p0 [hbm4b:s23+s26], $0x80, $0x38;
	[tilespmem:$0x1F900] =	vst v63  }
0x19a: {  	s9 =	sadd.s32 @!p0 $0x14780, s9;
	s23 =	simm.s32 @!p0 $0x80;
	s26 =	simm.s32 @!p0 $0x17900  }
0x19b: {  	[tilespmem:s26], [sflag:$0x3] =	stream.indirect.gather @!p0 [hbm4b:s7+s23], $0x80, s9, s23, $0xb8;
	[tilespmem:$0x1F900] =	vst v63  }
0x19c: {  	_ =	swait.ge [sflag:s30], $0x80  }
0x19d: {  	[sflag:s30] =	ssyncset.done $0x0  }
0x19e: {  	s28 =	sadd.s32 $0x14800, s22;
	[sflag:s30] =	ssyncadd.s32 $0xFFFFFF80  }
0x19f: {  	[tilespmem:s15], [sflag:$0x5] =	stream.indirect.gather [spmem:s2], $0x1, s28, s13, $0xb8;
	[tilespmem:$0x1F900] =	vst v63  }
0x1a0: {  	_ = 	snop  }
0x1a1: {  	[tilespmem:s17], [sflag:$0x5] =	stream.indirect.gather [spmem:s4], $0x1, s12, s13, $0xb8;
	[tilespmem:$0x1F900] =	vst v63  }
0x1a2: {  	_ =	swait.ge [sflag:s18], $0x80  }
0x1a3: {  	[sflag:s18] =	ssyncset.done $0x0  }
0x1a4: {  	[sflag:s18] =	ssyncadd.s32 $0xFFFFFF80  }
0x1a5: {  	_ =	swait.ge [sflag:s18], $0x80  }
0x1a6: {  	[sflag:s18] =	ssyncset.done $0x0  }
0x1a7: {  	[sflag:s18] =	ssyncadd.s32 $0xFFFFFF80  }
0x1a8: {  	v2 =	vld [tilespmem:$0x17480]  }
0x1a9: {  	v3 =	vld [tilespmem:$0x17500];
	_ =	sdelay $0x1  }
0x1aa: {  	v4 =	vld [tilespmem:$0x17490]  }
0x1ab: {  	v5 =	vld [tilespmem:$0x17510];
	_ =	sdelay $0x1  }
0x1ac: {  	v2 =	vadd.f32 v3, v2;
	v3 =	vadd.f32 v3, v1  }
0x1ad: {  	v7 =	vld [tilespmem:$0x174A0]  }
0x1ae: {  	v9 =	vld [tilespmem:$0x17520];
	v6 =	vmul.f32 $2.000000030e-01, v2;
	v8 =	vmul.f32 $2.000000030e-01, v3  }
0x1af: {  	v12 =	vld [tilespmem:$0x17540];
	v4 =	vadd.f32 v5, v4  }
0x1b0: {  	v5 =	vadd.f32 v5, v1;
	v2 =	vmax.f32 v2, v6;
	v6 =	vld [tilespmem:$0x174B0];
	v3 =	vmax.f32 v3, v8  }
0x1b1: {  	v8 =	vld [tilespmem:$0x17530];
	v2 =	vsub.f32 v2, v3  }
0x1b2: {  	v10 =	vmul.f32 $2.000000030e-01, v4;
	v11 =	vmul.f32 $2.000000030e-01, v5;
	v3 =	vld [tilespmem:$0x174C0]  }
0x1b3: {  	v7 =	vadd.f32 v9, v7;
	v2 =	vmul.f32 $1.442695020e+00, v2  }
0x1b4: {  	v9 =	vadd.f32 v9, v1;
	v4 =	vmax.f32 v4, v10;
	v5 =	vmax.f32 v5, v11  }
0x1b5: {  	(erf) = vpow2.f32 v2;
	v2 =	vsub.f32 v4, v5;
	v4 =	vmul.f32 $2.000000030e-01, v7  }
0x1b6: {  	v13 =	vld [tilespmem:$0x174E0];
	v5 =	vmul.f32 $2.000000030e-01, v9;
	v6 =	vadd.f32 v8, v6;
	v8 =	vadd.f32 v8, v1  }
0x1b7: {  	v10 =	vld [tilespmem:$0x174D0];
	v3 =	vadd.f32 v12, v3;
	v4 =	vmax.f32 v7, v4;
	v7 =	vadd.f32 v12, v1  }
0x1b8: {  	v11 =	vld [tilespmem:$0x17550];
	v5 =	vmax.f32 v9, v5;
	v9 =	vmul.f32 $2.000000030e-01, v6;
	v12 =	vmul.f32 $2.000000030e-01, v8  }
0x1b9: {  	v15 =	vld [tilespmem:$0x17560];
	v4 =	vsub.f32 v4, v5;
	v5 =	vmul.f32 $2.000000030e-01, v3;
	v14 =	vmul.f32 $2.000000030e-01, v7  }
0x1ba: {  	v2 =	vmul.f32 $1.442695020e+00, v2;
	v6 =	vmax.f32 v6, v9;
	v8 =	vmax.f32 v8, v12;
	v9 =	vld [tilespmem:$0x174F0]  }
0x1bb: {  	v4 =	vmul.f32 $1.442695020e+00, v4;
	v3 =	vmax.f32 v3, v5;
	v5 =	vmax.f32 v7, v14;
	v7 =	vld [tilespmem:$0x17570]  }
0x1bc: {  	(erf) = vpow2.f32 v2;
	v2 =	vsub.f32 v6, v8  }
0x1bd: {  	v3 =	vsub.f32 v3, v5;
	(erf) = vpow2.f32 v4;
	v4 =	vadd.f32 v11, v10  }
0x1be: {  	v8 =	vadd.f32 v15, v13;
	v2 =	vmul.f32 $1.442695020e+00, v2;
	v5 =	vadd.f32 v11, v1  }
0x1bf: {  	v10 =	vadd.f32 v15, v1;
	v3 =	vmul.f32 $1.442695020e+00, v3;
	v6 =	vmul.f32 $2.000000030e-01, v4  }
0x1c0: {  	v11 =	vmul.f32 $2.000000030e-01, v5;
	v9 =	vadd.f32 v7, v9;
	v7 =	vadd.f32 v7, v1  }
0x1c1: {  	v12 =	vmul.f32 $2.000000030e-01, v10;
	v4 =	vmax.f32 v4, v6;
	v6 =	vmul.f32 $2.000000030e-01, v8  }
0x1c2: {  	v5 =	vmax.f32 v5, v11;
	v11 =	vmul.f32 $2.000000030e-01, v9;
	v13 =	vmul.f32 $2.000000030e-01, v7  }
0x1c3: {  	v4 =	vsub.f32 v4, v5;
	v5 =	vmax.f32 v8, v6;
	v6 =	vmax.f32 v10, v12  }
0x1c4: {  	v5 =	vsub.f32 v5, v6;
	v6 =	vmax.f32 v9, v11;
	v7 =	vmax.f32 v7, v13  }
0x1c5: {  	(erf) = vpow2.f32 v2;
	v2 =	vmul.f32 $1.442695020e+00, v4;
	v4 =	vsub.f32 v6, v7  }
0x1c6: {  	(erf) = vpow2.f32 v3;
	v3 =	vmul.f32 $1.442695020e+00, v5  }
0x1c7: {  	(erf) = vpow2.f32 v2;
	v2 =	vmul.f32 $1.442695020e+00, v4  }
0x1c8: {  	(erf) = vpow2.f32 v3  }
0x1c9: {  	(erf) = vpow2.f32 v2;
	_ =	sdelay $0x1  }
0x1ca: {  	v2 =	vpop (erf)  }
0x1cb: {  	v3 =	vpop (erf);
	[tilespmem:$0x17600] =	vst v2  }
0x1cc: {  	v2 =	vpop (erf);
	[tilespmem:$0x17610] =	vst v3  }
0x1cd: {  	v3 =	vpop (erf);
	[tilespmem:$0x17620] =	vst v2  }
0x1ce: {  	s22 =	simm.s32 $0x0;
	v2 =	vpop (erf);
	[tilespmem:$0x17630] =	vst v3  }
0x1cf: {  	v3 =	vpop (erf);
	[tilespmem:$0x17640] =	vst v2;
	v2 =	vmov s22  }
0x1d0: {  	v4 =	vpop (erf);
	[tilespmem:$0x17650] =	vst v3;
	v2 =	vand.u32 $0xFFFFFFFC, v2  }
0x1d1: {  	[tilespmem:$0x17660] =	vst v4;
	v4 =	vpop (erf);
	v2 =	vbroadcast v2, $0x0  }
0x1d2: {  	s23 =	simm.s32 $0x2;
	[tilespmem:$0x17670] =	vst v4  }
0x1d3: {  	[spmem:s5] =	stream.indirect.scatter.add.f32 [tilespmem:s24], [sflag:$0x6], $0x1, s12, s13, $0xb8;
	[tilespmem:$0x1F900] =	vst v63  }
0x1d4: {  	v3 =	vmov s23;
	_ =	swait.ge [sflag:s31], $0x4000  }
0x1d5: {  	v3 =	vand.u32 $0xFFFFFFFE, v3;
	[sflag:s31] =	ssyncset.done $0x0  }
0x1d6: {  	v3 =	vbroadcast v3, $0x0;
	[sflag:s31] =	ssyncadd.s32 $0xFFFFC000  }
0x1d7: {  	s22 =	simm.s32 $0x1BA00;
	v2 =	vld.idx.msk [tilespmem:v2+s24+$0x0], $0xffff  }
0x1d8: {  	v5 =	vld [tilespmem:s22+$0x70]  }
0x1d9: {  	s26 =	simm.s32 $0x1;
	v6 =	vld [tilespmem:s22+$0xFFFFFF00]  }
0x1da: {  	v4 =	vmov s26;
	v7 =	vld [tilespmem:s22+$0xFFFFFF10]  }
0x1db: {  	v4 =	vand.u32 $0xFFFFFFFD, v4;
	v8 =	vld [tilespmem:s22+$0xFFFFFF20]  }
0x1dc: {  	v4 =	vbroadcast v4, $0x0;
	v3 =	vld.idx.msk [tilespmem:v3+s24+$0x0], $0xffff  }
0x1dd: {  	v9 =	vld [tilespmem:s22+$0xFFFFFF30]  }
0x1de: {  	v10 =	vld [tilespmem:s22+$0xFFFFFF40]  }
0x1df: {  	v11 =	vld [tilespmem:s22+$0xFFFFFF50]  }
0x1e0: {  	v12 =	vld [tilespmem:s22+$0xFFFFFF60];
	v6 =	vmul.f32 v6, v2  }
0x1e1: {  	v14 =	vld [tilespmem:s22+$0x40];
	v5 =	vmul.f32 v5, v3  }
0x1e2: {  	v4 =	vld.idx.msk [tilespmem:v4+s24+$0x0], $0xffff;
	[tilespmem:s22+$0xFFFFFF00] =	vst v6;
	v6 =	vmul.f32 v7, v2  }
0x1e3: {  	v7 =	vld [tilespmem:s22+$0xFFFFFF70];
	[tilespmem:s22+$0x70] =	vst v5;
	v5 =	vmul.f32 v8, v2  }
0x1e4: {  	v8 =	vld [tilespmem:s22+$0xFFFFFF80];
	[tilespmem:s22+$0xFFFFFF10] =	vst v6;
	v6 =	vmul.f32 v9, v2  }
0x1e5: {  	v9 =	vld [tilespmem:s22+$0xFFFFFF90];
	[tilespmem:s22+$0xFFFFFF20] =	vst v5;
	v5 =	vmul.f32 v10, v2  }
0x1e6: {  	v10 =	vld [tilespmem:s22+$0xFFFFFFA0];
	[tilespmem:s22+$0xFFFFFF30] =	vst v6;
	v6 =	vmul.f32 v11, v2  }
0x1e7: {  	v11 =	vld [tilespmem:s22+$0xFFFFFFB0];
	[tilespmem:s22+$0xFFFFFF40] =	vst v5;
	v5 =	vmul.f32 v12, v2  }
0x1e8: {  	v12 =	vld [tilespmem:s22+$0xFFFFFFC0];
	v7 =	vmul.f32 v7, v2;
	[tilespmem:s22+$0xFFFFFF50] =	vst v6  }
0x1e9: {  	v6 =	vmul.f32 v8, v4;
	v8 =	vld [tilespmem:s22+$0xFFFFFFD0];
	[tilespmem:s22+$0xFFFFFF60] =	vst v5  }
0x1ea: {  	s28 =	simm.s32 $0x3;
	v5 =	vld [tilespmem:s22+$0xFFFFFFE0];
	v9 =	vmul.f32 v9, v4;
	[tilespmem:s22+$0xFFFFFF70] =	vst v7  }
0x1eb: {  	v13 =	vmov s28;
	v7 =	vld [tilespmem:s22+$0xFFFFFFF0];
	[tilespmem:s22+$0xFFFFFF80] =	vst v6;
	v6 =	vmul.f32 v10, v4  }
0x1ec: {  	v10 =	vld [tilespmem:s22+$0x0];
	[tilespmem:s22+$0xFFFFFF90] =	vst v9;
	v9 =	vmul.f32 v11, v4  }
0x1ed: {  	v11 =	vld [tilespmem:s22+$0x10];
	[tilespmem:s22+$0xFFFFFFA0] =	vst v6;
	v6 =	vmul.f32 v12, v4  }
0x1ee: {  	[tilespmem:s22+$0xFFFFFFB0] =	vst v9;
	v8 =	vmul.f32 v8, v4;
	v9 =	vld [tilespmem:s22+$0x20]  }
0x1ef: {  	v12 =	vld [tilespmem:s22+$0x30];
	[tilespmem:s22+$0xFFFFFFC0] =	vst v6;
	v5 =	vmul.f32 v5, v4  }
0x1f0: {  	v2 =	vld.idx.msk [tilespmem:v13+s24+$0x0], $0xffff;
	v4 =	vmul.f32 v7, v4;
	[tilespmem:s22+$0xFFFFFFD0] =	vst v8  }
0x1f1: {  	v6 =	vmul.f32 v10, v3;
	[tilespmem:s22+$0xFFFFFFE0] =	vst v5;
	v5 =	vld [tilespmem:s22+$0x50]  }
0x1f2: {  	s23 =	simm.s32 $0x4;
	[tilespmem:s22+$0xFFFFFFF0] =	vst v4;
	v7 =	vmul.f32 v11, v3;
	v4 =	vld [tilespmem:s22+$0x60]  }
0x1f3: {  	s26 =	simm.s32 $0x7;
	v8 =	vmov s23;
	[tilespmem:s22+$0x0] =	vst v6;
	v10 =	vmul.f32 v9, v3;
	v9 =	vld [tilespmem:s22+$0x80]  }
0x1f4: {  	s28 =	simm.s32 $0x5;
	v13 =	vand.u32 $0xFFFFFFFC, v8;
	v8 =	vld [tilespmem:s22+$0x90];
	v6 =	vmov s26;
	v11 =	vmul.f32 v12, v3;
	[tilespmem:s22+$0x10] =	vst v7  }
0x1f5: {  	s9 =	simm.s32 $0x6;
	s23 =	simm.s32 $0x1BA00;
	s26 =	simm.s32 $0x8;
	v12 =	vmul.f32 v14, v3;
	v7 =	vbroadcast v13, $0x0;
	v13 =	vmov s28;
	[tilespmem:s22+$0x20] =	vst v10;
	v10 =	vld [tilespmem:s22+$0xA0]  }
.LBB2_7:
0x1f6: {  	p1 =	slt.u32 s26, $0x7C;
	v13 =	vand.u32 $0xFFFFFFFD, v13;
	v14 =	vmov s9;
	[tilespmem:s22+$0x30] =	vst v11;
	v5 =	vmul.f32 v5, v3;
	v11 =	vld [tilespmem:s22+$0xB0]  }
0x1f7: {  	v13 =	vbroadcast v13, $0x0;
	v14 =	vand.u32 $0xFFFFFFFE, v14;
	[tilespmem:s22+$0x40] =	vst v12;
	v3 =	vmul.f32 v4, v3;
	v4 =	vld [tilespmem:s22+$0xC0]  }
0x1f8: {  	v12 =	vbroadcast v14, $0x0;
	[tilespmem:s22+$0x50] =	vst v5;
	v5 =	vmul.f32 v9, v2;
	v9 =	vld [tilespmem:s22+$0xD0]  }
0x1f9: {  	[tilespmem:s22+$0x60] =	vst v3;
	v3 =	vmul.f32 v8, v2;
	v8 =	vld [tilespmem:s22+$0xE0]  }
0x1fa: {  	[tilespmem:s22+$0x80] =	vst v5;
	v5 =	vmul.f32 v10, v2;
	v10 =	vld [tilespmem:s22+$0xF0]  }
0x1fb: {  	v6 =	vld.idx.msk [tilespmem:v6+s24+$0x0], $0xffff;
	[tilespmem:s22+$0x90] =	vst v3;
	v3 =	vmul.f32 v11, v2  }
0x1fc: {  	v7 =	vld.idx.msk [tilespmem:v7+s24+$0x0], $0xffff;
	[tilespmem:s22+$0xA0] =	vst v5;
	v4 =	vmul.f32 v4, v2  }
0x1fd: {  	v5 =	vld.idx.msk [tilespmem:v13+s24+$0x0], $0xffff;
	[tilespmem:s22+$0xB0] =	vst v3;
	v9 =	vmul.f32 v9, v2  }
0x1fe: {  	s22 =	sadd.s32 $0x200, s22;
	v3 =	vld.idx.msk [tilespmem:v12+s24+$0x0], $0xffff;
	[tilespmem:s23+$0xC0] =	vst v4;
	v4 =	vmul.f32 v8, v2  }
0x1ff: {  	v8 =	vld [tilespmem:s22+$0x70];
	[tilespmem:s23+$0xD0] =	vst v9;
	v10 =	vmul.f32 v10, v2  }
0x200: {  	v9 =	vld [tilespmem:s22+$0xFFFFFF00];
	[tilespmem:s23+$0xE0] =	vst v4  }
0x201: {  	v2 =	vmov v6;
	v4 =	vld [tilespmem:s22+$0xFFFFFF10];
	[tilespmem:s23+$0xF0] =	vst v10;
	s23 =	smov.u32 s22  }
0x202: {  	v6 =	vld [tilespmem:s22+$0xFFFFFF20]  }
0x203: {  	v10 =	vld [tilespmem:s22+$0xFFFFFF30]  }
0x204: {  	v11 =	vld [tilespmem:s22+$0xFFFFFF40];
	v8 =	vmul.f32 v8, v3  }
0x205: {  	v9 =	vmul.f32 v9, v7;
	v12 =	vld [tilespmem:s22+$0xFFFFFF50]  }
0x206: {  	v4 =	vmul.f32 v4, v7;
	v13 =	vld [tilespmem:s22+$0xFFFFFF60];
	[tilespmem:s22+$0x70] =	vst v8  }
0x207: {  	[tilespmem:s22+$0xFFFFFF00] =	vst v9;
	v6 =	vmul.f32 v6, v7;
	v8 =	vld [tilespmem:s22+$0xFFFFFF70]  }
0x208: {  	[tilespmem:s22+$0xFFFFFF10] =	vst v4;
	v4 =	vmul.f32 v10, v7;
	v9 =	vld [tilespmem:s22+$0xFFFFFF80]  }
0x209: {  	[tilespmem:s22+$0xFFFFFF20] =	vst v6;
	v6 =	vmul.f32 v11, v7;
	v10 =	vld [tilespmem:s22+$0xFFFFFF90]  }
0x20a: {  	[tilespmem:s22+$0xFFFFFF30] =	vst v4;
	v4 =	vmul.f32 v12, v7;
	v11 =	vld [tilespmem:s22+$0xFFFFFFA0]  }
0x20b: {  	[tilespmem:s22+$0xFFFFFF40] =	vst v6;
	v6 =	vmul.f32 v13, v7;
	v12 =	vld [tilespmem:s22+$0xFFFFFFB0]  }
0x20c: {  	[tilespmem:s22+$0xFFFFFF50] =	vst v4;
	v4 =	vmul.f32 v8, v7;
	v7 =	vld [tilespmem:s22+$0xFFFFFFC0]  }
0x20d: {  	[tilespmem:s22+$0xFFFFFF60] =	vst v6;
	v6 =	vmul.f32 v9, v5;
	v8 =	vld [tilespmem:s22+$0xFFFFFFD0]  }
0x20e: {  	[tilespmem:s22+$0xFFFFFF70] =	vst v4;
	v4 =	vmul.f32 v10, v5;
	v9 =	vld [tilespmem:s22+$0xFFFFFFE0]  }
0x20f: {  	[tilespmem:s22+$0xFFFFFF80] =	vst v6;
	v6 =	vmul.f32 v11, v5;
	v10 =	vld [tilespmem:s22+$0xFFFFFFF0]  }
0x210: {  	[tilespmem:s22+$0xFFFFFF90] =	vst v4;
	v4 =	vmul.f32 v12, v5;
	v11 =	vld [tilespmem:s22+$0x0]  }
0x211: {  	[tilespmem:s22+$0xFFFFFFA0] =	vst v6;
	v6 =	vmul.f32 v7, v5;
	v7 =	vld [tilespmem:s22+$0x10]  }
0x212: {  	[tilespmem:s22+$0xFFFFFFB0] =	vst v4;
	v4 =	vmul.f32 v8, v5;
	v8 =	vld [tilespmem:s22+$0x20]  }
0x213: {  	[tilespmem:s22+$0xFFFFFFC0] =	vst v6;
	v6 =	vmul.f32 v9, v5;
	v12 =	vld [tilespmem:s22+$0x30]  }
0x214: {  	[tilespmem:s22+$0xFFFFFFD0] =	vst v4;
	v4 =	vmul.f32 v10, v5;
	v10 =	vld [tilespmem:s22+$0x40]  }
.Ltmp4:
0x215: {  	[tilespmem:s22+$0xFFFFFFE0] =	vst v6;
	v6 =	vmul.f32 v11, v3;
	v5 =	vld [tilespmem:s22+$0x50];
	(pc) =	sbr.rel @p1 .LBB2_7-.Ltmp4, $4  }
0x216: {  	[tilespmem:s22+$0xFFFFFFF0] =	vst v4;
	v7 =	vmul.f32 v7, v3;
	v4 =	vld [tilespmem:s22+$0x60]  }
0x217: {  	s9 =	sadd.s32 $0x3, s26;
	v11 =	vmov s26;
	[tilespmem:s22+$0x0] =	vst v6;
	v14 =	vmul.f32 v8, v3;
	v9 =	vld [tilespmem:s22+$0x80]  }
0x218: {  	s28 =	sadd.s32 $0x1, s26;
	v13 =	vand.u32 $0xFFFFFFFC, v11;
	v6 =	vmov s9;
	[tilespmem:s22+$0x10] =	vst v7;
	v11 =	vmul.f32 v12, v3;
	v8 =	vld [tilespmem:s22+$0x90]  }
0x219: {  	s9 =	sadd.s32 $0x2, s26;
	s26 =	sadd.s32 $0x4, s26;
	v7 =	vbroadcast v13, $0x0;
	v13 =	vmov s28;
	[tilespmem:s22+$0x20] =	vst v14;
	v12 =	vmul.f32 v10, v3;
	v10 =	vld [tilespmem:s22+$0xA0]  }
0x21a: {  	v14 =	vld [tilespmem:s22+$0xB0]  }
0x21b: {  	v16 =	vld [tilespmem:s22+$0xC0]  }
0x21c: {  	v17 =	vld [tilespmem:s22+$0xD0]  }
0x21d: {  	v18 =	vld [tilespmem:s22+$0xE0]  }
0x21e: {  	v24 =	vld [tilespmem:s22+$0xF0];
	[tilespmem:s22+$0x30] =	vst v11;
	v5 =	vmul.f32 v5, v3  }
0x21f: {  	v6 =	vld.idx.msk [tilespmem:v6+s24+$0x0], $0xffff;
	[tilespmem:s22+$0x40] =	vst v12;
	v3 =	vmul.f32 v4, v3  }
0x220: {  	s26 =	sadd.s32 $0x200, s22;
	v25 =	vld.idx.msk [tilespmem:v7+s24+$0x0], $0xffff;
	v9 =	vmul.f32 v9, v2;
	[tilespmem:s22+$0x50] =	vst v5  }
0x221: {  	v30 =	vld [tilespmem:s26+$0x70];
	v26 =	vmul.f32 v8, v2;
	[tilespmem:s22+$0x60] =	vst v3  }
0x222: {  	v31 =	vld [tilespmem:s26+$0xFFFFFF00];
	[tilespmem:s22+$0x80] =	vst v9;
	v3 =	vmul.f32 v10, v2  }
0x223: {  	v15 =	vmov s9;
	v33 =	vld [tilespmem:s26+$0xFFFFFF10];
	[tilespmem:s22+$0x90] =	vst v26;
	v29 =	vmul.f32 v14, v2  }
0x224: {  	v15 =	vand.u32 $0xFFFFFFFE, v15;
	v34 =	vld [tilespmem:s26+$0xFFFFFF20];
	[tilespmem:s22+$0xA0] =	vst v3;
	v3 =	vmul.f32 v16, v2  }
0x225: {  	v13 =	vand.u32 $0xFFFFFFFD, v13;
	v35 =	vld [tilespmem:s26+$0xFFFFFF30];
	v15 =	vbroadcast v15, $0x0;
	v32 =	vmul.f32 v17, v2;
	[tilespmem:s22+$0xB0] =	vst v29  }
0x226: {  	v13 =	vbroadcast v13, $0x0;
	v37 =	vld [tilespmem:s26+$0xFFFFFF50];
	[tilespmem:s23+$0xC0] =	vst v3;
	v3 =	vmul.f32 v18, v2  }
0x227: {  	v39 =	vld [tilespmem:s26+$0xFFFFFF60];
	[tilespmem:s23+$0xD0] =	vst v32;
	v2 =	vmul.f32 v24, v2  }
0x228: {  	v38 =	vmul.f32 v33, v25;
	[tilespmem:s23+$0xE0] =	vst v3;
	v3 =	vld [tilespmem:s26+$0xFFFFFF40]  }
0x229: {  	v40 =	vld [tilespmem:s26+$0xFFFFFF70];
	[tilespmem:s23+$0xF0] =	vst v2;
	v2 =	vmul.f32 v31, v25  }
0x22a: {  	v41 =	vld [tilespmem:s26+$0xFFFFFF80];
	v5 =	vmul.f32 v35, v25;
	[tilespmem:s26+$0xFFFFFF10] =	vst v38  }
0x22b: {  	v28 =	vld.idx.msk [tilespmem:v15+s24+$0x0], $0xffff;
	[tilespmem:s26+$0xFFFFFF00] =	vst v2;
	v2 =	vmul.f32 v34, v25  }
0x22c: {  	v42 =	vmul.f32 v37, v25;
	v27 =	vld.idx.msk [tilespmem:v13+s24+$0x0], $0xffff;
	[tilespmem:s26+$0xFFFFFF30] =	vst v5  }
0x22d: {  	[tilespmem:s26+$0xFFFFFF20] =	vst v2;
	v2 =	vmul.f32 v3, v25;
	v3 =	vld [tilespmem:s26+$0xFFFFFF90]  }
0x22e: {  	v43 =	vld [tilespmem:s26+$0xFFFFFFA0];
	v4 =	vmul.f32 v40, v25;
	[tilespmem:s26+$0xFFFFFF50] =	vst v42  }
0x22f: {  	v44 =	vld [tilespmem:s26+$0xFFFFFFB0];
	[tilespmem:s26+$0xFFFFFF40] =	vst v2;
	v2 =	vmul.f32 v39, v25  }
0x230: {  	v45 =	vld [tilespmem:s26+$0xFFFFFFC0];
	[tilespmem:s26+$0xFFFFFF70] =	vst v4;
	v36 =	vmul.f32 v30, v28  }
0x231: {  	v46 =	vld [tilespmem:s26+$0xFFFFFFD0];
	[tilespmem:s26+$0xFFFFFF60] =	vst v2;
	v2 =	vmul.f32 v41, v27  }
0x232: {  	v47 =	vld [tilespmem:s26+$0xFFFFFFE0];
	[tilespmem:s26+$0x70] =	vst v36;
	v3 =	vmul.f32 v3, v27  }
0x233: {  	v48 =	vld [tilespmem:s26+$0xFFFFFFF0];
	[tilespmem:s26+$0xFFFFFF80] =	vst v2;
	v2 =	vmul.f32 v43, v27  }
0x234: {  	v49 =	vld [tilespmem:s26+$0x0];
	[tilespmem:s26+$0xFFFFFF90] =	vst v3;
	v3 =	vmul.f32 v44, v27  }
0x235: {  	v50 =	vld [tilespmem:s26+$0x10];
	[tilespmem:s26+$0xFFFFFFA0] =	vst v2;
	v2 =	vmul.f32 v45, v27  }
0x236: {  	v51 =	vld [tilespmem:s26+$0x20];
	[tilespmem:s26+$0xFFFFFFB0] =	vst v3;
	v3 =	vmul.f32 v46, v27  }
0x237: {  	v52 =	vld [tilespmem:s26+$0x30];
	[tilespmem:s26+$0xFFFFFFC0] =	vst v2;
	v2 =	vmul.f32 v47, v27  }
0x238: {  	v53 =	vld [tilespmem:s26+$0x40];
	[tilespmem:s26+$0xFFFFFFD0] =	vst v3;
	v3 =	vmul.f32 v48, v27  }
0x239: {  	v54 =	vld [tilespmem:s26+$0x50];
	[tilespmem:s26+$0xFFFFFFE0] =	vst v2;
	v2 =	vmul.f32 v49, v28  }
0x23a: {  	v55 =	vld [tilespmem:s26+$0x60];
	[tilespmem:s26+$0xFFFFFFF0] =	vst v3;
	v3 =	vmul.f32 v50, v28  }
0x23b: {  	v56 =	vld [tilespmem:s26+$0x80];
	[tilespmem:s26+$0x0] =	vst v2;
	v2 =	vmul.f32 v51, v28  }
0x23c: {  	v57 =	vld [tilespmem:s26+$0x90];
	[tilespmem:s26+$0x10] =	vst v3;
	v3 =	vmul.f32 v52, v28  }
0x23d: {  	v58 =	vld [tilespmem:s26+$0xA0];
	[tilespmem:s26+$0x20] =	vst v2;
	v2 =	vmul.f32 v53, v28  }
0x23e: {  	v59 =	vld [tilespmem:s26+$0xB0];
	[tilespmem:s26+$0x30] =	vst v3;
	v3 =	vmul.f32 v54, v28  }
0x23f: {  	v60 =	vld [tilespmem:s26+$0xC0];
	[tilespmem:s26+$0x40] =	vst v2;
	v2 =	vmul.f32 v55, v28  }
0x240: {  	v61 =	vld [tilespmem:s26+$0xD0];
	[tilespmem:s26+$0x50] =	vst v3;
	v3 =	vmul.f32 v56, v6  }
0x241: {  	v62 =	vld [tilespmem:s26+$0xE0];
	[tilespmem:s26+$0x60] =	vst v2;
	v2 =	vmul.f32 v57, v6  }
0x242: {  	v63 =	vld [tilespmem:s26+$0xF0];
	[tilespmem:s26+$0x80] =	vst v3;
	v3 =	vmul.f32 v58, v6  }
0x243: {  	[tilespmem:s26+$0x90] =	vst v2;
	v2 =	vmul.f32 v59, v6  }
0x244: {  	[tilespmem:s26+$0xA0] =	vst v3;
	v3 =	vmul.f32 v60, v6  }
0x245: {  	[tilespmem:s26+$0xB0] =	vst v2;
	v2 =	vmul.f32 v61, v6  }
0x246: {  	[tilespmem:s26+$0xC0] =	vst v3;
	v3 =	vmul.f32 v62, v6  }
0x247: {  	[tilespmem:s26+$0xD0] =	vst v2;
	v2 =	vmul.f32 v63, v6  }
0x248: {  	[tilespmem:s26+$0xE0] =	vst v3  }
0x249: {  	[tilespmem:s26+$0xF0] =	vst v2  }
0x24a: {  	[spmem:s1] =	stream.indirect.scatter.add.f32 [tilespmem:s0], [sflag:$0x7], $0x80, s12, s13, $0xb8;
	[tilespmem:$0x1F900] =	vst v63  }
0x24b: {  	_ =	swait.ge [sflag:s3], $0x4000  }
.Ltmp5:
0x24c: {  	[sflag:s3] =	ssyncset.done $0x0;
	(pc) =	sbr.rel @p0 .LBB2_10-.Ltmp5, $4  }
0x24d: {  	[sflag:s3] =	ssyncadd.s32 $0xFFFFC000  }
0x24e: {  	_ =	swait.ge [sflag:s29], $0x80  }
0x24f: {  	[sflag:s29] =	ssyncset.done $0x0  }
0x250: {  	[sflag:s29] =	ssyncadd.s32 $0xFFFFFF80  }
0x251: {  	s9 =	sshll.u32 s21, $0x7  }
0x252: {  	s9 =	sadd.s32 $0x180, s9  }
0x253: {  	s28 =	sand.u32 $0x7C00, s9  }
0x254: {  	s22 =	sand.u32 $0x380, s9;
	s21 =	sadd.s32 s8, s28  }
0x255: {  	s21 =	sor.u32 s22, s21  }
.Ltmp6:
0x256: {  	s21 =	sshrl.u32 s21, $0x3;
	(pc) =	sbr.rel .LBB2_4-.Ltmp6, $4  }
0x257: {  	s9 =	sand.u32 $0x3FFFFF80, s9;
	s21 =	sadd.s32 s16, s21  }
0x258: {  	[tilespmem:s12], [sflag:$0x2] =	stream.linear.gather [hbm4b:s21+s6], $0x80, $0x38;
	[tilespmem:$0x1F900] =	vst v63  }
0x259: {  	s20 =	sadd.s32 $0x1, s20;
	s9 =	sadd.s32 $0x14780, s9  }
0x25a: {  	[tilespmem:s0], [sflag:$0x4] =	stream.indirect.gather [hbm4b:s7+s13], $0x80, s9, s13, $0xb8;
	[tilespmem:$0x1F900] =	vst v63  }
.LBB2_11:
0x25b: {  	_ =	sfence.sel $0x180000  }
0x25c: {  	[bflag:$0x0] =	sbarrier.arrive $0xFFFF  }
0x25d: {  	_ =	strace $0x9000004A  }
0x25e: {  	s0 =	stileid.u32;
	[bflag:$0x2] =	sbarrier.arrive $0xFFFF  }
0x25f: {  	p0 =	sne.s32 s0, $0x0;
	s0 =	rddreg [dreg:$0x7]  }
0x260: {  	s0 =	sadd.s32 @!p0 $0x100000, s0  }
0x261: {  	[sflag:s0] =	ssyncadd.tile.s32 @!p0 $0x1;
	_ =	shalt  }
.Lfunc_end2:
_tile_overlayer_lowered:
.L_overlay_start_2:
0x262: {  	(tag) =	ssettag $0x2  }
0x263: {  	s0 =	rddreg [dreg:$0x0];
	s2 =	stileid.u32  }
0x264: {  	s1 =	rddreg [dreg:$0x1];
	p0 =	sne.s32 s2, $0x0  }
0x265: {  	s3 =	rddreg [dreg:$0x2];
	[bflag:$0x3] =	sbarrier.arrive $0xFFFF;
	s2 =	simm.s32 @!p0 $0x1C07  }
0x266: {  	[timem:s3], [sflag:s2] =	dma.local @!p0 [hbm:s0], s1  }
0x267: {  	s0 =	simm.s32 @!p0 $0x7  }
0x268: {  	_ =	swait.ge @!p0 [sflag:s0], s1  }
0x269: {  	s1 =	ssub.s32 @!p0 $0x0, s1;
	[sflag:s0] =	ssyncset.done @!p0 $0x0  }
0x26a: {  	[sflag:s0] =	ssyncadd.s32 @!p0 s1  }
0x26b: {  	[bflag:$0x3] =	sbarrier.arrive $0xFFFF  }
0x26c: {  	_ =	shalt  }

// kernel: kernel.7.cloned.1.call-start
scs
__scs_entry_jumppad:
0x0: {  	(pc) =	sbr.rel $0x88, $3  }
0x1: {  	(tag) =	ssettag $0x0;
	lr =	simm.s32 $0x1  }
0x2: {  	[smem:$0x3F96] =	sst lr;
	_ =	strace $0xD0000000  }
0x3: {  	_ = 	snop  }
0x4: {  	_ = 	snop  }
0x5: {  	_ = 	snop  }
0x6: {  	_ = 	snop  }
0x7: {  	_ = 	snop  }
__scs_overlays_trampoline_lowered:
0x8: {  	[smem:$0x3FA5] =	sst s0  }
0x9: {  	[smem:$0x3FA6] =	sst s1  }
0xa: {  	[smem:$0x3FA7] =	sst s2  }
0xb: {  	[smem:$0x3FA8] =	sst s3  }
0xc: {  	[smem:$0x3FA9] =	sst s4  }
0xd: {  	[smem:$0x3FAA] =	sst s5  }
0xe: {  	[smem:$0x3FAB] =	sst s6  }
0xf: {  	[smem:$0x3FAC] =	sst s7  }
0x10: {  	[smem:$0x3FAD] =	sst s8  }
0x11: {  	[smem:$0x3FAE] =	sst s9;
	s0 =	simm.s32 @!p0 $0x0  }
0x12: {  	s1 =	sld [smem:$0x3F94];
	s0 =	simm.s32 @p0 $0x1  }
0x13: {  	[smem:$0x3FAF] =	sst s0;
	s0 =	simm.s32 @!p1 $0x0  }
0x14: {  	s2 =	sld [smem:$0x3F93];
	s0 =	simm.s32 @p1 $0x1  }
0x15: {  	[smem:$0x3FB0] =	sst s0;
	s0 =	simm.s32 @!p2 $0x0  }
0x16: {  	s3 =	sld [smem:$0x3FDB];
	s0 =	simm.s32 @p2 $0x1  }
0x17: {  	s4 =	simm.s32 $0x1BF5;
	[smem:$0x3FB2] =	sst s0  }
0x18: {  	s0 =	sld [smem:$0x3F95];
	_ =	swait.ge [sflag:s4], $0x0  }
0x19: {  	s7 =	sld [smem:$0x3F96]  }
0x1a: {  	s8 =	sadd.s32 $0xFFFFE003, lr  }
0x1b: {  	s9 =	sadd.s32 $0xFFFFFEF7, lr;
	s5 =	simm.s32 $0xFFFFFFFF;
	p2 =	slt.u32 s8, $0xFFFFF086  }
0x1c: {  	p1 =	slt.u32 s9, $0xF7A;
	s5 =	simm.s32 @!p2 $0x0  }
0x1d: {  	s5 =	simm.s32 @p1 $0x1;
	p0 =	seq.s32 s7, s2  }
0x1e: {  	s7 =	smul.u32 @!p0 $0xF7A, s2;
	p2 =	seq.s32 @!p0 s5, $0x0  }
0x1f: {  	s9 =	smul.u32 $0xF7A, s1;
	s8 =	simm.s32 @!p0 $0x1BF5;
	p2 =	por !p2, p0  }
0x20: {  	[sflag:s8] =	ssyncset.s32 @!p0 $0xFFFFF086;
	s6 =	sadd.s32 @!p0 s3, s7;
	s7 =	simm.s32 @!p0 $0x108  }
0x21: {  	s3 =	sadd.s32 s3, s9;
	s6 =	sadd.s32 @!p0 $0x88, s6;
	s7 =	simm.s32 @p2 $0x1082  }
0x22: {  	[simem:s7], [sflag:s8] =	dma.local @!p0 [hbm:s6], $0xF7A  }
0x23: {  	s9 =	sor.u32 $0xD0000000, s2;
	s6 =	simm.s32 $0x108;
	_ =	swait.ge @!p0 [sflag:s8], $0x0  }
0x24: {  	s3 =	sadd.s32 $0x88, s3;
	s6 =	simm.s32 @!p1 $0x1082;
	[sflag:s4] =	ssyncset.s32 $0xFFFFF086  }
0x25: {  	[simem:s6], [sflag:s4] =	dma.local [hbm:s3], $0xF7A  }
0x26: {  	[smem:$0x3F96] =	sst s1;
	(tag) =	ssettag s2;
	_ =	strace s9  }
0x27: {  	s1 =	sld [smem:$0x3FA6]  }
0x28: {  	s2 =	sld [smem:$0x3FA7]  }
0x29: {  	s4 =	sld [smem:$0x3FA9]  }
0x2a: {  	p0 =	seq.s32 s5, $0x0;
	s5 =	sld [smem:$0x3FAA]  }
0x2b: {  	s6 =	sld [smem:$0x3FAB]  }
0x2c: {  	s7 =	sld [smem:$0x3FAC]  }
0x2d: {  	s3 =	simm.s32 $0x108;
	s8 =	sld [smem:$0x3FAD]  }
0x2e: {  	s3 =	simm.s32 @!p0 $0x1082;
	s9 =	sld [smem:$0x3FAE]  }
0x2f: {  	lr =	sadd.s32 s0, s3;
	s0 =	sld [smem:$0x3FA5]  }
0x30: {  	s3 =	sld [smem:$0x3FA8]  }
0x31: {  	[smem:$0x3FB1] =	sst s10  }
0x32: {  	s10 =	sld [smem:$0x3FAF];
	_ =	sdelay $0x3  }
0x33: {  	p0 =	seq.s32 s10, $0x1;
	s10 =	sld [smem:$0x3FB1];
	_ =	sdelay $0x3  }
0x34: {  	[smem:$0x3FB1] =	sst s10  }
0x35: {  	s10 =	sld [smem:$0x3FB0];
	_ =	sdelay $0x3  }
0x36: {  	p1 =	seq.s32 s10, $0x1;
	s10 =	sld [smem:$0x3FB1];
	_ =	sdelay $0x3  }
0x37: {  	[smem:$0x3FB1] =	sst s10  }
0x38: {  	s10 =	sld [smem:$0x3FB2]  }
0x39: {  	_ = 	snop;
	(pc) =	sbr.ind lr, $3  }
0x3a: {  	_ = 	snop  }
0x3b: {  	_ = 	snop  }
0x3c: {  	p2 =	seq.s32 s10, $0x1;
	s10 =	sld [smem:$0x3FB1]  }
0x3d: {  	_ =	shalt  }
0x3e: {  	_ =	shalt  }
0x3f: {  	_ =	shalt  }
0x40: {  	_ =	shalt  }
0x41: {  	_ =	shalt  }
0x42: {  	_ =	shalt  }
0x43: {  	_ =	shalt  }
0x44: {  	_ =	shalt  }
0x45: {  	_ =	shalt  }
0x46: {  	_ =	shalt  }
0x47: {  	_ =	shalt  }
0x48: {  	_ =	shalt  }
0x49: {  	_ =	shalt  }
0x4a: {  	_ =	shalt  }
0x4b: {  	_ =	shalt  }
0x4c: {  	_ =	shalt  }
0x4d: {  	_ =	shalt  }
0x4e: {  	_ =	shalt  }
0x4f: {  	_ =	shalt  }
0x50: {  	_ =	shalt  }
0x51: {  	_ =	shalt  }
0x52: {  	_ =	shalt  }
0x53: {  	_ =	shalt  }
0x54: {  	_ =	shalt  }
0x55: {  	_ =	shalt  }
0x56: {  	_ =	shalt  }
0x57: {  	_ =	shalt  }
0x58: {  	_ =	shalt  }
0x59: {  	_ =	shalt  }
0x5a: {  	_ =	shalt  }
0x5b: {  	_ =	shalt  }
0x5c: {  	_ =	shalt  }
0x5d: {  	_ =	shalt  }
0x5e: {  	_ =	shalt  }
0x5f: {  	_ =	shalt  }
0x60: {  	_ =	shalt  }
0x61: {  	_ =	shalt  }
0x62: {  	_ =	shalt  }
0x63: {  	_ =	shalt  }
0x64: {  	_ =	shalt  }
0x65: {  	_ =	shalt  }
0x66: {  	_ =	shalt  }
0x67: {  	_ =	shalt  }
0x68: {  	_ =	shalt  }
0x69: {  	_ =	shalt  }
0x6a: {  	_ =	shalt  }
0x6b: {  	_ =	shalt  }
0x6c: {  	_ =	shalt  }
0x6d: {  	_ =	shalt  }
0x6e: {  	_ =	shalt  }
0x6f: {  	_ =	shalt  }
0x70: {  	_ =	shalt  }
0x71: {  	_ =	shalt  }
0x72: {  	_ =	shalt  }
0x73: {  	_ =	shalt  }
0x74: {  	_ =	shalt  }
0x75: {  	_ =	shalt  }
0x76: {  	_ =	shalt  }
0x77: {  	_ =	shalt  }
0x78: {  	_ =	shalt  }
0x79: {  	_ =	shalt  }
0x7a: {  	_ =	shalt  }
0x7b: {  	_ =	shalt  }
0x7c: {  	_ =	shalt  }
0x7d: {  	_ =	shalt  }
0x7e: {  	_ =	shalt  }
0x7f: {  	_ =	shalt  }
0x80: {  	_ =	shalt  }
0x81: {  	_ =	shalt  }
0x82: {  	_ =	shalt  }
0x83: {  	_ =	shalt  }
0x84: {  	_ =	shalt  }
0x85: {  	_ =	shalt  }
0x86: {  	_ =	shalt  }
0x87: {  	_ =	shalt  }
.Lfunc_end0:
.L_simem_size_0:
called_computation_lowered:
.L_overlay_start_0:
0x88: {  	s2 =	sld [smem:$0x3FD9]  }
0x89: {  	s3 =	sld [smem:$0x3FFE];
	_ =	sdelay $0x1  }
0x8a: {  	s1 =	srdreg.scid  }
0x8b: {  	s0 =	sand.u32 $0x1, s1  }
0x8c: {  	s14 =	sshll.u32 s0, $0xA;
	s2 =	sadd.s32 s3, s2  }
0x8d: {  	s2 =	sadd.s32 s2, s14  }
0x8e: {  	[smem:$0x3FBD] =	sst s2  }
0x8f: {  	_ = 	snop  }
0x90: {  	s2 =	sld [smem:$0x3FD0];
	_ =	sdelay $0x2  }
0x91: {  	s15 =	simm.s32 $0xA;
	s4 =	simm.s32 $0x10  }
0x92: {  	[smem:s4], [sflag:s15] =	dma.local [hbm:s2], $0x1  }
0x93: {  	_ =	swait.eq [sflag:s15], $0x1  }
0x94: {  	[sflag:s15] =	ssyncset.done $0x0  }
0x95: {  	s16 =	sld [smem:$0x10];
	[sflag:s15] =	ssyncadd.s32 $0xFFFFFFFF  }
0x96: {  	s17 =	sld [smem:$0x11];
	(tm) =	ssettm $0x1  }
0x97: {  	s18 =	sld [smem:$0x3FFB];
	_ =	sdelay $0x3  }
0x98: {  	_ =	strace s18  }
0x99: {  	s4 =	sld [smem:$0x3FFC];
	_ =	sdelay $0x3  }
0x9a: {  	_ =	strace s4  }
0x9b: {  	s4 =	sld [smem:$0x3FFD];
	_ =	sdelay $0x3  }
0x9c: {  	_ =	strace s4  }
0x9d: {  	_ =	strace $0x8FFFFFFF  }
0x9e: {  	s19 =	sld [smem:$0x3FDB];
	_ =	sdelay $0x1  }
0x9f: {  	s5 =	simm.s32 $_scs_section_size  }
0xa0: {  	s6 =	simm.s32 $_size__tile_overlayer_lowered;
	s7 =	simm.s32 $_tile_overlayer_lowered  }
0xa1: {  	s22 =	simm.s32 $0x1BFF;
	s21 =	sshll.u32 s7, $0x1;
	s4 =	sadd.s32 s5, s19  }
0xa2: {  	s8 =	simm.s32 $0x0;
	s20 =	sshll.u32 s6, $0x1;
	s6 =	sadd.s32 s21, s4  }
0xa3: {  	[timem:s8], [sflag:s22] =	dma.local [hbm:s6], s20  }
0xa4: {  	_ =	swait.ge [sflag:s22], s20  }
0xa5: {  	s5 =	ssub.s32 $0x0, s20;
	[sflag:s22] =	ssyncset.done $0x0  }
0xa6: {  	[sflag:s22] =	ssyncadd.s32 s5;
	_ =	sdelay $0x1  }
0xa7: {  	s23 =	simm.s32 $0x1B8B  }
0xa8: {  	_ =	swait.ge [sflag:s23], $0x1  }
0xa9: {  	[sflag:s23] =	ssyncset.done $0x0  }
0xaa: {  	s25 =	simm.s32 $0x1B8E;
	s24 =	sld [smem:$0x3FFE];
	[sflag:s23] =	ssyncadd.s32 $0xFFFFFFFF  }
0xab: {  	s26 =	simm.s32 $execute0_lowered;
	[smem:$0x3FD2] =	sst s25  }
0xac: {  	s6 =	sshll.u32 s26, $0x1;
	_ =	strace $0x80000046;
	[dreg:$0x1] =	wrdreg $0xFFFFFFFF  }
0xad: {  	s28 =	simm.s32 $_size_execute0_lowered;
	s4 =	sadd.s32 s4, s6;
	[dreg:$0x0] =	wrdreg $0x0  }
0xae: {  	s6 =	sshll.u32 s28, $0x1;
	[dreg:$0x2] =	wrdreg s4  }
0xaf: {  	[dreg:$0x3] =	wrdreg s6  }
0xb0: {  	[dreg:$0x4] =	wrdreg $0xC0  }
0xb1: {  	_ =	task [dreg:s8], $0x5FFFF  }
0xb2: {  	[dreg:$0x1] =	wrdreg $0xFFFFFFFF  }
0xb3: {  	[dreg:$0x0] =	wrdreg $0x60  }
0xb4: {  	[dreg:$0x2] =	wrdreg s24  }
0xb5: {  	[dreg:$0x3] =	wrdreg s17  }
0xb6: {  	[dreg:$0x4] =	wrdreg s16  }
0xb7: {  	[dreg:$0x5] =	wrdreg $0x0  }
0xb8: {  	[dreg:$0x6] =	wrdreg $0x142800  }
0xb9: {  	[dreg:$0x7] =	wrdreg $0x145000  }
0xba: {  	[dreg:$0x8] =	wrdreg $0x140000  }
0xbb: {  	[dreg:$0x9] =	wrdreg $0x9  }
0xbc: {  	_ =	task.clear_ibuf [dreg:s8], $0xAFFFF;
	_ =	strace $0x90000046  }
0xbd: {  	s29 =	simm.s32 $0x9;
	_ =	strace $0x80000048  }
0xbe: {  	_ =	swait.ge [sflag:s29], $0x1  }
0xbf: {  	[sflag:s29] =	ssyncadd.s32 $0xFFFFFFFF  }
0xc0: {  	_ =	strace $0x90000048  }
0xc1: {  	_ =	sfence  }
0xc2: {  	s30 =	sld [smem:$0x0];
	_ =	sdelay $0x2  }
0xc3: {  	s31 =	sshll.u32 s1, $0xD;
	s1 =	sshrl.u32 s1, $0x2  }
0xc4: {  	s3 =	sand.u32 $0x4000, s31;
	s1 =	sadd.s32 s1, s30  }
0xc5: {  	s0 =	sor.u32 s3, s0;
	s1 =	sshll.u32 s1, $0x11  }
0xc6: {  	s0 =	sor.u32 s1, s0  }
0xc7: {  	s0 =	sadd.s32 $0x8F2B, s0  }
0xc8: {  	[sflag:s0] =	ssyncadd.remote.s32 $0x1  }
0xc9: {  	_ =	sfence.sel $0xFFFF  }
0xca: {  	[dreg:$0x0] =	wrdreg $0xFFFFFFFF;
	(pc) =	sbr.abs _section_cstart, $3  }
0xcb: {  	[dreg:$0x1] =	wrdreg $0xFFFFFFFF  }
0xcc: {  	_ =	task.clear_ibuf [dreg:s8], $0x2FFFF;
	_ =	strace $0x9FFFFFFF  }
0xcd: {  	(tm) =	ssettm $0x7FFFFFFF  }
tec
execute0_lowered:
.L_overlay_start_1:
0x0: {  	(tag) =	ssettag $0x1  }
0x1: {  	s0 =	rddreg [dreg:$0x0]  }
0x2: {  	s3 =	rddreg [dreg:$0x1]  }
0x3: {  	s9 =	rddreg [dreg:$0x2]  }
0x4: {  	s1 =	rddreg [dreg:$0x3]  }
0x5: {  	s2 =	rddreg [dreg:$0x4]  }
0x6: {  	s4 =	rddreg [dreg:$0x5]  }
0x7: {  	s5 =	rddreg [dreg:$0x6];
	s6 =	simm.s32 $0x0  }
0x8: {  	s21 =	stileid.u32;
	s8 =	srdreg.scid;
	s29 =	simm.s32 $0x6  }
0x9: {  	s30 =	simm.s32 $0x2;
	s31 =	simm.s32 $0x4;
	[smem:$0x7FF] =	sst s6  }
0xa: {  	s10 =	smul.u32 $0x280, s21;
	s7 =	sadd.s32 $0x1200, s0;
	s12 =	sand.u32 $0x1, s8  }
0xb: {  	s18 =	smul.u32 $0x500, s21;
	s16 =	sadd.s32 $0x35400, s0;
	_ =	strace $0x80000047  }
0xc: {  	s14 =	sshll.u32 s12, $0x7;
	s15 =	sshll.u32 s12, $0x4;
	s17 =	ssub.s32 $0x2, s12  }
0xd: {  	s12 =	smul.u32 $0x140000, s12;
	s11 =	sshrl.u32 s10, $0x3;
	s8 =	sor.u32 s14, s18  }
0xe: {  	s19 =	sor.u32 s21, s15;
	s22 =	sshrl.u32 s17, $0x1;
	s23 =	sshll.u32 s10, $0x7  }
0xf: {  	s18 =	smul.u32 $0x14000, s21;
	s13 =	sadd.s32 s11, s0;
	s20 =	sshrl.u32 s8, $0x3  }
0x10: {  	s8 =	smul.u32 $0x2C00, s19;
	s15 =	ssub.s32 s17, s22;
	s3 =	sadd.s32 s3, s11  }
0x11: {  	s11 =	sadd.s32 $0x8000, s23;
	s19 =	sadd.s32 $0xC000, s23;
	s17 =	sadd.s32 $0x10000, s23  }
0x12: {  	s14 =	sadd.s32 s20, s0;
	[dreg:$0x8] =	wrdreg s3;
	s3 =	sadd.s32 $0x4000, s23  }
0x13: {  	s18 =	sadd.s32 s18, s12;
	s25 =	sadd.s32 s12, s11;
	s26 =	sadd.s32 s12, s19  }
0x14: {  	s23 =	smul.u32 $0x50000, s21;
	s28 =	sadd.s32 s17, s1;
	s20 =	sadd.s32 s12, s3  }
0x15: {  	s18 =	sshrl.u32 s18, $0x3;
	s12 =	sadd.s32 s12, s17;
	s22 =	sshrl.u32 s26, $0x3  }
0x16: {  	s26 =	sadd.s32 $0x29200, s13;
	s17 =	simm.s32 $0x17500;
	[dreg:$0x15] =	wrdreg s28  }
0x17: {  	s20 =	sshrl.u32 s20, $0x3;
	s18 =	sadd.s32 s16, s18;
	[dreg:$0x10] =	wrdreg s26  }
0x18: {  	s26 =	sadd.s32 s19, s1;
	s19 =	sadd.s32 s10, s4;
	[dreg:$0x9] =	wrdreg s18  }
0x19: {  	s13 =	sshrl.u32 s23, $0x2;
	s23 =	sadd.s32 s11, s1;
	[dreg:$0x17] =	wrdreg s19  }
0x1a: {  	s12 =	sshrl.u32 s12, $0x3;
	s11 =	simm.s32 $0x17380;
	[dreg:$0x13] =	wrdreg s23  }
0x1b: {  	s24 =	sadd.s32 s16, s20;
	s18 =	sshrl.u32 s25, $0x3;
	[dreg:$0x14] =	wrdreg s26  }
0x1c: {  	s12 =	sadd.s32 s16, s12;
	s25 =	sshrl.u32 s8, $0x3;
	[dreg:$0xa] =	wrdreg s24  }
0x1d: {  	s21 =	sadd.s32 s13, s1;
	s20 =	sadd.s32 s10, s5;
	[dreg:$0xd] =	wrdreg s12  }
0x1e: {  	s13 =	simm.s32 $0x80;
	s19 =	simm.s32 $0x0;
	[dreg:$0x18] =	wrdreg s20  }
0x1f: {  	s18 =	sadd.s32 s16, s18;
	s24 =	sadd.s32 $0x34800, s0;
	[dreg:$0x11] =	wrdreg s21  }
0x20: {  	s9 =	sadd.s32 s9, s25;
	s20 =	simm.s32 $0x17680;
	[dreg:$0xb] =	wrdreg s18  }
0x21: {  	s12 =	simm.s32 $0x17400;
	s18 =	sadd.s32 s16, s22;
	[dreg:$0xe] =	wrdreg s24  }
0x22: {  	s16 =	sadd.s32 $0x29800, s0;
	[dreg:$0xf] =	wrdreg s9;
	s22 =	sadd.s32 s3, s1  }
0x23: {  	s24 =	sadd.s32 $0x34A00, s14;
	s3 =	simm.s32 $0x7;
	[dreg:$0xc] =	wrdreg s18  }
0x24: {  	s14 =	simm.s32 $0x1;
	s18 =	sadd.s32 s10, s2;
	[dreg:$0x1a] =	wrdreg s24  }
.Ltmp0:
0x25: {  	s0 =	sadd.s32 s16, s25;
	[dreg:$0x12] =	wrdreg s22;
	(pc) =	sbr.rel .LBB2_1-.Ltmp0, $4  }
0x26: {  	s25 =	smax.u32 s15, $0x1;
	s10 =	simm.s32 $0x17900;
	[dreg:$0x16] =	wrdreg s18  }
0x27: {  	s15 =	simm.s32 $0x17480;
	s24 =	simm.s32 $0x17600;
	[dreg:$0x1b] =	wrdreg s25  }
0x28: {  	[dreg:$0x19] =	wrdreg s0;
	s0 =	sadd.s32 $0x10, s0;
	s18 =	simm.s32 $0x5  }
0x29: {  	v0 =	vimm.f32 $0.0e+00;
	s25 =	simm.s32 $0x3;
	[dreg:$0x1c] =	wrdreg s0;
	s0 =	simm.s32 $0x1B900  }
.LBB2_10:
0x2a: {  	[bflag:$0x0] =	sbarrier.arrive $0xFFFF  }
0x2b: {  	s21 =	rddreg [dreg:$0x11]  }
0x2c: {  	[tilespmem:s10], [sflag:$0x7] =	stream.linear.gather [spmem:s21], $0x4000, $0x38;
	[tilespmem:$0x1F900] =	vst v63  }
0x2d: {  	_ =	swait.ge [sflag:s3], $0x4000  }
0x2e: {  	[sflag:s3] =	ssyncset.done $0x0  }
0x2f: {  	s9 =	rddreg [dreg:$0x9];
	[sflag:s3] =	ssyncadd.s32 $0xFFFFC000  }
0x30: {  	[hbm4b:s9+s6] =	stream.linear.scatter [tilespmem:s10], [sflag:$0x7], $0x4000, $0x38;
	[tilespmem:$0x1F900] =	vst v63  }
0x31: {  	_ =	swait.ge [sflag:s3], $0x4000  }
0x32: {  	[sflag:s3] =	ssyncset.done $0x0  }
0x33: {  	s22 =	rddreg [dreg:$0x12];
	[sflag:s3] =	ssyncadd.s32 $0xFFFFC000  }
0x34: {  	[tilespmem:s10], [sflag:$0x7] =	stream.linear.gather [spmem:s22], $0x4000, $0x38;
	[tilespmem:$0x1F900] =	vst v63  }
0x35: {  	_ =	swait.ge [sflag:s3], $0x4000  }
0x36: {  	[sflag:s3] =	ssyncset.done $0x0  }
0x37: {  	s23 =	rddreg [dreg:$0xa];
	[sflag:s3] =	ssyncadd.s32 $0xFFFFC000  }
0x38: {  	[hbm4b:s23+s6] =	stream.linear.scatter [tilespmem:s10], [sflag:$0x7], $0x4000, $0x38;
	[tilespmem:$0x1F900] =	vst v63  }
0x39: {  	_ =	swait.ge [sflag:s3], $0x4000  }
0x3a: {  	[sflag:s3] =	ssyncset.done $0x0  }
0x3b: {  	s23 =	rddreg [dreg:$0x13];
	[sflag:s3] =	ssyncadd.s32 $0xFFFFC000  }
0x3c: {  	[tilespmem:s10], [sflag:$0x7] =	stream.linear.gather [spmem:s23], $0x4000, $0x38;
	[tilespmem:$0x1F900] =	vst v63  }
0x3d: {  	_ =	swait.ge [sflag:s3], $0x4000  }
0x3e: {  	[sflag:s3] =	ssyncset.done $0x0  }
0x3f: {  	s26 =	rddreg [dreg:$0xb];
	[sflag:s3] =	ssyncadd.s32 $0xFFFFC000  }
0x40: {  	[hbm4b:s26+s6] =	stream.linear.scatter [tilespmem:s10], [sflag:$0x7], $0x4000, $0x38;
	[tilespmem:$0x1F900] =	vst v63  }
0x41: {  	_ =	swait.ge [sflag:s3], $0x4000  }
0x42: {  	[sflag:s3] =	ssyncset.done $0x0  }
0x43: {  	s26 =	rddreg [dreg:$0x14];
	[sflag:s3] =	ssyncadd.s32 $0xFFFFC000  }
0x44: {  	[tilespmem:s10], [sflag:$0x7] =	stream.linear.gather [spmem:s26], $0x4000, $0x38;
	[tilespmem:$0x1F900] =	vst v63  }
0x45: {  	_ =	swait.ge [sflag:s3], $0x4000  }
0x46: {  	[sflag:s3] =	ssyncset.done $0x0  }
0x47: {  	s19 =	rddreg [dreg:$0xc];
	[sflag:s3] =	ssyncadd.s32 $0xFFFFC000  }
0x48: {  	[hbm4b:s19+s6] =	stream.linear.scatter [tilespmem:s10], [sflag:$0x7], $0x4000, $0x38;
	[tilespmem:$0x1F900] =	vst v63  }
0x49: {  	_ =	swait.ge [sflag:s3], $0x4000  }
0x4a: {  	[sflag:s3] =	ssyncset.done $0x0  }
0x4b: {  	s28 =	rddreg [dreg:$0x15];
	[sflag:s3] =	ssyncadd.s32 $0xFFFFC000  }
0x4c: {  	[tilespmem:s10], [sflag:$0x7] =	stream.linear.gather [spmem:s28], $0x4000, $0x38;
	[tilespmem:$0x1F900] =	vst v63  }
0x4d: {  	_ =	swait.ge [sflag:s3], $0x4000  }
0x4e: {  	[sflag:s3] =	ssyncset.done $0x0  }
0x4f: {  	s20 =	rddreg [dreg:$0xd];
	[sflag:s3] =	ssyncadd.s32 $0xFFFFC000  }
0x50: {  	[hbm4b:s20+s6] =	stream.linear.scatter [tilespmem:s10], [sflag:$0x7], $0x4000, $0x38;
	[tilespmem:$0x1F900] =	vst v63  }
0x51: {  	_ =	swait.ge [sflag:s3], $0x4000  }
0x52: {  	[sflag:s3] =	ssyncset.done $0x0  }
0x53: {  	s20 =	simm.s32 $0x17680;
	s19 =	rddreg [dreg:$0x18];
	[sflag:s3] =	ssyncadd.s32 $0xFFFFC000  }
0x54: {  	[tilespmem:s20], [sflag:$0x7] =	stream.linear.gather [spmem:s19], $0x280, $0x38;
	[tilespmem:$0x1F900] =	vst v63  }
0x55: {  	_ =	swait.ge [sflag:s3], $0x280  }
0x56: {  	[sflag:s3] =	ssyncset.done $0x0  }
0x57: {  	s19 =	simm.s32 $0x100;
	s9 =	rddreg [dreg:$0x1a];
	[sflag:s3] =	ssyncadd.s32 $0xFFFFFD80  }
0x58: {  	[hbm4b:s9+s13] =	stream.strided.scatter [tilespmem:s20], [sflag:$0x7], $0x280, s19, s13, $0x38;
	[tilespmem:$0x1F900] =	vst v63  }
0x59: {  	_ =	swait.ge [sflag:s3], $0x280  }
0x5a: {  	s9 =	rddreg [dreg:$0x1d]  }
0x5b: {  	s19 =	sadd.s32 $0x1, s9;
	s9 =	rddreg [dreg:$0x1b]  }
0x5c: {  	p0 =	sne.s32 s19, s9  }
.Ltmp1:
0x5d: {  	_ = 	snop;
	(pc) =	sbr.rel @!p0 .LBB2_11-.Ltmp1, $3  }
0x5e: {  	_ =	sdelay $0x1  }
0x5f: {  	[sflag:s3] =	ssyncset.done $0x0  }
0x60: {  	[sflag:s3] =	ssyncadd.s32 $0xFFFFFD80  }
.LBB2_1:
0x61: {  	[dreg:$0x1d] =	wrdreg s19  }
0x62: {  	s9 =	rddreg [dreg:$0xf];
	s19 =	simm.s32 $0x14780  }
0x63: {  	[tilespmem:s19], [sflag:$0x7] =	stream.linear.gather [hbm4b:s9+s6], $0x2900, $0x38;
	[tilespmem:$0x1F900] =	vst v63  }
0x64: {  	_ =	swait.ge [sflag:s3], $0x2900  }
0x65: {  	[sflag:s3] =	ssyncset.done $0x0  }
0x66: {  	s19 =	rddreg [dreg:$0x10];
	[sflag:s3] =	ssyncadd.s32 $0xFFFFD700  }
0x67: {  	[tilespmem:s20], [sflag:$0x7] =	stream.linear.gather [hbm4b:s19+s6], $0x280, $0x38;
	[tilespmem:$0x1F900] =	vst v63  }
0x68: {  	_ =	swait.ge [sflag:s3], $0x280  }
0x69: {  	[sflag:s3] =	ssyncset.done $0x0  }
0x6a: {  	s19 =	rddreg [dreg:$0x16];
	[sflag:s3] =	ssyncadd.s32 $0xFFFFFD80  }
0x6b: {  	[spmem:s19] =	stream.linear.scatter [tilespmem:s20], [sflag:$0x7], $0x280, $0x38;
	[tilespmem:$0x1F900] =	vst v63  }
0x6c: {  	_ =	swait.ge [sflag:s3], $0x280  }
0x6d: {  	[sflag:s3] =	ssyncset.done $0x0  }
0x6e: {  	s19 =	rddreg [dreg:$0x8];
	[sflag:s3] =	ssyncadd.s32 $0xFFFFFD80  }
0x6f: {  	[tilespmem:s20], [sflag:$0x7] =	stream.linear.gather [hbm4b:s19+s6], $0x280, $0x38;
	[tilespmem:$0x1F900] =	vst v63  }
0x70: {  	_ =	swait.ge [sflag:s3], $0x280  }
0x71: {  	[sflag:s3] =	ssyncset.done $0x0  }
0x72: {  	s19 =	rddreg [dreg:$0x17];
	[sflag:s3] =	ssyncadd.s32 $0xFFFFFD80  }
0x73: {  	[spmem:s19] =	stream.linear.scatter [tilespmem:s20], [sflag:$0x7], $0x280, $0x38;
	[tilespmem:$0x1F900] =	vst v63  }
0x74: {  	_ =	swait.ge [sflag:s3], $0x280  }
0x75: {  	[sflag:s3] =	ssyncset.done $0x0  }
0x76: {  	s20 =	simm.s32 $0x17580;
	s19 =	rddreg [dreg:$0xe];
	[sflag:s3] =	ssyncadd.s32 $0xFFFFFD80  }
0x77: {  	[tilespmem:s20], [sflag:$0x7] =	stream.linear.gather [hbm4b:s19+s6], $0x80, $0x38;
	[tilespmem:$0x1F900] =	vst v63  }
0x78: {  	_ =	swait.ge [sflag:s3], $0x80  }
0x79: {  	[sflag:s3] =	ssyncset.done $0x0  }
0x7a: {  	s19 =	simm.s32 $0x17980;
	[sflag:s3] =	ssyncadd.s32 $0xFFFFFF80  }
0x7b: {  	[tilespmem:s19+$0xFFFFFF80] =	vst v0  }
0x7c: {  	[tilespmem:s19+$0x70] =	vst v0  }
0x7d: {  	[tilespmem:s19+$0x60] =	vst v0  }
0x7e: {  	[tilespmem:s19+$0x50] =	vst v0  }
0x7f: {  	[tilespmem:s19+$0x40] =	vst v0  }
0x80: {  	[tilespmem:s19+$0x30] =	vst v0  }
0x81: {  	[tilespmem:s19+$0x20] =	vst v0  }
0x82: {  	[tilespmem:s19+$0x10] =	vst v0  }
0x83: {  	[tilespmem:s19+$0x0] =	vst v0  }
0x84: {  	[tilespmem:s19+$0xFFFFFFF0] =	vst v0  }
0x85: {  	[tilespmem:s19+$0xFFFFFFE0] =	vst v0  }
0x86: {  	[tilespmem:s19+$0xFFFFFFD0] =	vst v0  }
0x87: {  	[tilespmem:s19+$0xFFFFFFC0] =	vst v0  }
0x88: {  	[tilespmem:s19+$0xFFFFFFB0] =	vst v0  }
0x89: {  	s20 =	simm.s32 $0x0;
	[tilespmem:s19+$0xFFFFFFA0] =	vst v0  }
.LBB2_2:
0x8a: {  	s20 =	sadd.s32 $0x2, s20;
	[tilespmem:s19+$0xFFFFFF90] =	vst v0;
	s19 =	sadd.s32 $0x100, s19  }
0x8b: {  	[tilespmem:s19+$0xFFFFFF80] =	vst v0;
	p0 =	slt.u32 s20, $0x7E  }
0x8c: {  	[tilespmem:s19+$0x70] =	vst v0  }
0x8d: {  	[tilespmem:s19+$0x60] =	vst v0  }
0x8e: {  	[tilespmem:s19+$0x50] =	vst v0  }
0x8f: {  	[tilespmem:s19+$0x40] =	vst v0  }
0x90: {  	[tilespmem:s19+$0x30] =	vst v0  }
0x91: {  	[tilespmem:s19+$0x20] =	vst v0  }
0x92: {  	[tilespmem:s19+$0x10] =	vst v0  }
0x93: {  	[tilespmem:s19+$0x0] =	vst v0  }
0x94: {  	[tilespmem:s19+$0xFFFFFFF0] =	vst v0  }
.Ltmp2:
0x95: {  	[tilespmem:s19+$0xFFFFFFE0] =	vst v0;
	(pc) =	sbr.rel @p0 .LBB2_2-.Ltmp2, $4  }
0x96: {  	[tilespmem:s19+$0xFFFFFFD0] =	vst v0  }
0x97: {  	[tilespmem:s19+$0xFFFFFFC0] =	vst v0  }
0x98: {  	[tilespmem:s19+$0xFFFFFFB0] =	vst v0  }
0x99: {  	[tilespmem:s19+$0xFFFFFFA0] =	vst v0  }
0x9a: {  	[tilespmem:s19+$0xFFFFFF90] =	vst v0  }
0x9b: {  	[tilespmem:$0x17680] =	vst v0  }
0x9c: {  	[tilespmem:$0x17690] =	vst v0  }
0x9d: {  	[tilespmem:$0x176A0] =	vst v0  }
0x9e: {  	[tilespmem:$0x176B0] =	vst v0  }
0x9f: {  	[tilespmem:$0x176C0] =	vst v0  }
0xa0: {  	[tilespmem:$0x176D0] =	vst v0  }
0xa1: {  	[tilespmem:$0x176E0] =	vst v0  }
0xa2: {  	[tilespmem:$0x176F0] =	vst v0  }
0xa3: {  	[tilespmem:$0x17700] =	vst v0  }
0xa4: {  	[tilespmem:$0x17710] =	vst v0  }
0xa5: {  	[tilespmem:$0x17720] =	vst v0  }
0xa6: {  	[tilespmem:$0x17730] =	vst v0  }
0xa7: {  	[tilespmem:$0x17740] =	vst v0  }
0xa8: {  	[tilespmem:$0x17750] =	vst v0  }
0xa9: {  	[tilespmem:$0x17760] =	vst v0  }
0xaa: {  	[tilespmem:$0x17770] =	vst v0  }
0xab: {  	[tilespmem:$0x17780] =	vst v0  }
0xac: {  	[tilespmem:$0x17790] =	vst v0  }
0xad: {  	[tilespmem:$0x177A0] =	vst v0  }
0xae: {  	[tilespmem:$0x177B0] =	vst v0  }
0xaf: {  	[tilespmem:$0x177C0] =	vst v0  }
0xb0: {  	[tilespmem:$0x177D0] =	vst v0  }
0xb1: {  	[tilespmem:$0x177E0] =	vst v0  }
0xb2: {  	[tilespmem:$0x177F0] =	vst v0  }
0xb3: {  	[tilespmem:$0x17800] =	vst v0  }
0xb4: {  	[tilespmem:$0x17810] =	vst v0  }
0xb5: {  	[tilespmem:$0x17820] =	vst v0  }
0xb6: {  	[tilespmem:$0x17830] =	vst v0  }
0xb7: {  	[tilespmem:$0x17840] =	vst v0  }
0xb8: {  	[tilespmem:$0x17850] =	vst v0  }
0xb9: {  	[tilespmem:$0x17860] =	vst v0  }
0xba: {  	[tilespmem:$0x17870] =	vst v0  }
0xbb: {  	[tilespmem:$0x17880] =	vst v0  }
0xbc: {  	[tilespmem:$0x17890] =	vst v0  }
0xbd: {  	[tilespmem:$0x178A0] =	vst v0  }
0xbe: {  	[tilespmem:$0x178B0] =	vst v0  }
0xbf: {  	[tilespmem:$0x178C0] =	vst v0  }
0xc0: {  	[tilespmem:$0x178D0] =	vst v0  }
0xc1: {  	[tilespmem:$0x178E0] =	vst v0  }
0xc2: {  	[tilespmem:$0x178F0] =	vst v0  }
0xc3: {  	[spmem:s21] =	stream.linear.scatter [tilespmem:s10], [sflag:$0x7], $0x4000, $0x38;
	[tilespmem:$0x1F900] =	vst v63  }
0xc4: {  	_ =	swait.ge [sflag:s3], $0x4000  }
0xc5: {  	[sflag:s3] =	ssyncset.done $0x0  }
0xc6: {  	[sflag:s3] =	ssyncadd.s32 $0xFFFFC000  }
0xc7: {  	[spmem:s22] =	stream.linear.scatter [tilespmem:s10], [sflag:$0x7], $0x4000, $0x38;
	[tilespmem:$0x1F900] =	vst v63  }
0xc8: {  	_ =	swait.ge [sflag:s3], $0x4000  }
0xc9: {  	[sflag:s3] =	ssyncset.done $0x0  }
0xca: {  	[sflag:s3] =	ssyncadd.s32 $0xFFFFC000  }
0xcb: {  	[spmem:s23] =	stream.linear.scatter [tilespmem:s10], [sflag:$0x7], $0x4000, $0x38;
	[tilespmem:$0x1F900] =	vst v63  }
0xcc: {  	_ =	swait.ge [sflag:s3], $0x4000  }
0xcd: {  	[sflag:s3] =	ssyncset.done $0x0  }
0xce: {  	[sflag:s3] =	ssyncadd.s32 $0xFFFFC000  }
0xcf: {  	[spmem:s26] =	stream.linear.scatter [tilespmem:s10], [sflag:$0x7], $0x4000, $0x38;
	[tilespmem:$0x1F900] =	vst v63  }
0xd0: {  	_ =	swait.ge [sflag:s3], $0x4000  }
0xd1: {  	[sflag:s3] =	ssyncset.done $0x0  }
0xd2: {  	[sflag:s3] =	ssyncadd.s32 $0xFFFFC000  }
0xd3: {  	[spmem:s28] =	stream.linear.scatter [tilespmem:s10], [sflag:$0x7], $0x4000, $0x38;
	[tilespmem:$0x1F900] =	vst v63  }
0xd4: {  	_ =	swait.ge [sflag:s3], $0x4000  }
0xd5: {  	[sflag:s3] =	ssyncset.done $0x0  }
0xd6: {  	s21 =	simm.s32 $0x17680;
	s9 =	rddreg [dreg:$0x18];
	[sflag:s3] =	ssyncadd.s32 $0xFFFFC000  }
0xd7: {  	[spmem:s9] =	stream.linear.scatter [tilespmem:s21], [sflag:$0x7], $0x280, $0x38;
	[tilespmem:$0x1F900] =	vst v63  }
0xd8: {  	_ =	swait.ge [sflag:s3], $0x280  }
0xd9: {  	[sflag:s3] =	ssyncset.done $0x0  }
0xda: {  	[sflag:s3] =	ssyncadd.s32 $0xFFFFFD80  }
0xdb: {  	[bflag:$0x0] =	sbarrier.arrive $0xFFFF  }
0xdc: {  	s19 =	simm.s32 $0x0;
	s22 =	rddreg [dreg:$0x19]  }
0xdd: {  	v1 =	vld [tilespmem:$0x17580];
	[tilespmem:s11], [sflag:$0x1] =	stream.linear.gather [hbm4b:s22+s19], $0x80, $0x38  }
0xde: {  	s23 =	rddreg [dreg:$0x1c]  }
0xdf: {  	[tilespmem:s12], [sflag:$0x2] =	stream.linear.gather [hbm4b:s23+s19], $0x80, $0x38;
	[tilespmem:$0x1F900] =	vst v63  }
0xe0: {  	s26 =	simm.s32 $0x14780  }
0xe1: {  	[tilespmem:s10], [sflag:$0x3] =	stream.indirect.gather [hbm4b:s7+s13], $0x80, s26, s13, $0xb8;
	[tilespmem:$0x1F900] =	vst v63  }
0xe2: {  	s20 =	simm.s32 $0x0;
	s28 =	simm.s32 $0x14800  }
0xe3: {  	[tilespmem:s0], [sflag:$0x4] =	stream.indirect.gather [hbm4b:s7+s13], $0x80, s28, s13, $0xb8;
	[tilespmem:$0x1F900] =	vst v63  }
.LBB2_4:
0xe4: {  	_ =	swait.ge [sflag:s14], $0x80;
	s9 =	sshll.u32 s20, $0x8  }
0xe5: {  	[sflag:s14] =	ssyncset.done $0x0;
	s22 =	sand.u32 $0x3FFFFF00, s9  }
0xe6: {  	[sflag:s14] =	ssyncadd.s32 $0xFFFFFF80;
	s9 =	sadd.s32 $0x14780, s22  }
0xe7: {  	[tilespmem:s15], [sflag:$0x5] =	stream.indirect.gather [spmem:s2], $0x1, s9, s13, $0xb8;
	[tilespmem:$0x1F900] =	vst v63  }
0xe8: {  	_ = 	snop  }
0xe9: {  	[tilespmem:s17], [sflag:$0x5] =	stream.indirect.gather [spmem:s4], $0x1, s11, s13, $0xb8;
	[tilespmem:$0x1F900] =	vst v63  }
0xea: {  	_ =	swait.ge [sflag:s18], $0x80  }
0xeb: {  	[sflag:s18] =	ssyncset.done $0x0  }
0xec: {  	[sflag:s18] =	ssyncadd.s32 $0xFFFFFF80  }
0xed: {  	_ =	swait.ge [sflag:s18], $0x80  }
0xee: {  	[sflag:s18] =	ssyncset.done $0x0  }
0xef: {  	[sflag:s18] =	ssyncadd.s32 $0xFFFFFF80  }
0xf0: {  	v2 =	vld [tilespmem:$0x17480]  }
0xf1: {  	v3 =	vld [tilespmem:$0x17500];
	_ =	sdelay $0x1  }
0xf2: {  	v4 =	vld [tilespmem:$0x17490]  }
0xf3: {  	v5 =	vld [tilespmem:$0x17510];
	_ =	sdelay $0x1  }
0xf4: {  	v2 =	vadd.f32 v3, v2;
	v3 =	vadd.f32 v3, v1  }
0xf5: {  	v7 =	vld [tilespmem:$0x174A0]  }
0xf6: {  	v9 =	vld [tilespmem:$0x17520];
	v6 =	vmul.f32 $2.000000030e-01, v2;
	v8 =	vmul.f32 $2.000000030e-01, v3  }
0xf7: {  	v12 =	vld [tilespmem:$0x17540];
	v4 =	vadd.f32 v5, v4  }
0xf8: {  	v5 =	vadd.f32 v5, v1;
	v2 =	vmax.f32 v2, v6;
	v6 =	vld [tilespmem:$0x174B0];
	v3 =	vmax.f32 v3, v8  }
0xf9: {  	v8 =	vld [tilespmem:$0x17530];
	v2 =	vsub.f32 v2, v3  }
0xfa: {  	v10 =	vmul.f32 $2.000000030e-01, v4;
	v11 =	vmul.f32 $2.000000030e-01, v5;
	v3 =	vld [tilespmem:$0x174C0]  }
0xfb: {  	v7 =	vadd.f32 v9, v7;
	v2 =	vmul.f32 $1.442695020e+00, v2  }
0xfc: {  	v9 =	vadd.f32 v9, v1;
	v4 =	vmax.f32 v4, v10;
	v5 =	vmax.f32 v5, v11  }
0xfd: {  	(erf) = vpow2.f32 v2;
	v2 =	vsub.f32 v4, v5;
	v4 =	vmul.f32 $2.000000030e-01, v7  }
0xfe: {  	v13 =	vld [tilespmem:$0x174E0];
	v5 =	vmul.f32 $2.000000030e-01, v9;
	v6 =	vadd.f32 v8, v6;
	v8 =	vadd.f32 v8, v1  }
0xff: {  	v10 =	vld [tilespmem:$0x174D0];
	v3 =	vadd.f32 v12, v3;
	v4 =	vmax.f32 v7, v4;
	v7 =	vadd.f32 v12, v1  }
0x100: {  	v11 =	vld [tilespmem:$0x17550];
	v5 =	vmax.f32 v9, v5;
	v9 =	vmul.f32 $2.000000030e-01, v6;
	v12 =	vmul.f32 $2.000000030e-01, v8  }
0x101: {  	v15 =	vld [tilespmem:$0x17560];
	v4 =	vsub.f32 v4, v5;
	v5 =	vmul.f32 $2.000000030e-01, v3;
	v14 =	vmul.f32 $2.000000030e-01, v7  }
0x102: {  	v2 =	vmul.f32 $1.442695020e+00, v2;
	v6 =	vmax.f32 v6, v9;
	v8 =	vmax.f32 v8, v12;
	v9 =	vld [tilespmem:$0x174F0]  }
0x103: {  	v3 =	vmax.f32 v3, v5;
	v4 =	vmul.f32 $1.442695020e+00, v4;
	v5 =	vmax.f32 v7, v14;
	v7 =	vld [tilespmem:$0x17570]  }
0x104: {  	(erf) = vpow2.f32 v2;
	v2 =	vsub.f32 v6, v8  }
0x105: {  	v3 =	vsub.f32 v3, v5;
	(erf) = vpow2.f32 v4;
	v4 =	vadd.f32 v11, v10  }
0x106: {  	v8 =	vadd.f32 v15, v13;
	v2 =	vmul.f32 $1.442695020e+00, v2;
	v5 =	vadd.f32 v11, v1  }
0x107: {  	v10 =	vadd.f32 v15, v1;
	v3 =	vmul.f32 $1.442695020e+00, v3;
	v6 =	vmul.f32 $2.000000030e-01, v4  }
0x108: {  	v11 =	vmul.f32 $2.000000030e-01, v5;
	v9 =	vadd.f32 v7, v9;
	v7 =	vadd.f32 v7, v1  }
0x109: {  	v12 =	vmul.f32 $2.000000030e-01, v10;
	v4 =	vmax.f32 v4, v6;
	v6 =	vmul.f32 $2.000000030e-01, v8  }
0x10a: {  	v5 =	vmax.f32 v5, v11;
	v11 =	vmul.f32 $2.000000030e-01, v9;
	v13 =	vmul.f32 $2.000000030e-01, v7  }
0x10b: {  	v4 =	vsub.f32 v4, v5;
	v5 =	vmax.f32 v8, v6;
	v6 =	vmax.f32 v10, v12  }
0x10c: {  	v5 =	vsub.f32 v5, v6;
	v6 =	vmax.f32 v9, v11;
	v7 =	vmax.f32 v7, v13  }
0x10d: {  	(erf) = vpow2.f32 v2;
	v2 =	vmul.f32 $1.442695020e+00, v4;
	v4 =	vsub.f32 v6, v7  }
0x10e: {  	(erf) = vpow2.f32 v3;
	v3 =	vmul.f32 $1.442695020e+00, v5  }
0x10f: {  	(erf) = vpow2.f32 v2;
	v2 =	vmul.f32 $1.442695020e+00, v4  }
0x110: {  	(erf) = vpow2.f32 v3  }
0x111: {  	(erf) = vpow2.f32 v2;
	_ =	sdelay $0x1  }
0x112: {  	v2 =	vpop (erf)  }
0x113: {  	v3 =	vpop (erf);
	[tilespmem:$0x17600] =	vst v2  }
0x114: {  	v2 =	vpop (erf);
	[tilespmem:$0x17610] =	vst v3  }
0x115: {  	v3 =	vpop (erf);
	[tilespmem:$0x17620] =	vst v2  }
0x116: {  	v2 =	vpop (erf);
	[tilespmem:$0x17630] =	vst v3  }
0x117: {  	v3 =	vpop (erf);
	[tilespmem:$0x17640] =	vst v2;
	v2 =	vmov s19  }
0x118: {  	v4 =	vpop (erf);
	[tilespmem:$0x17650] =	vst v3;
	v2 =	vand.u32 $0xFFFFFFFC, v2  }
0x119: {  	[tilespmem:$0x17660] =	vst v4;
	v4 =	vpop (erf);
	v2 =	vbroadcast v2, $0x0  }
0x11a: {  	s26 =	simm.s32 $0x2;
	[tilespmem:$0x17670] =	vst v4  }
0x11b: {  	[spmem:s5] =	stream.indirect.scatter.add.f32 [tilespmem:s24], [sflag:$0x6], $0x1, s11, s13, $0xb8;
	[tilespmem:$0x1F900] =	vst v63  }
0x11c: {  	v3 =	vmov s26;
	_ =	swait.ge [sflag:s25], $0x4000  }
0x11d: {  	v3 =	vand.u32 $0xFFFFFFFE, v3;
	[sflag:s25] =	ssyncset.done $0x0  }
0x11e: {  	v3 =	vbroadcast v3, $0x0;
	[sflag:s25] =	ssyncadd.s32 $0xFFFFC000  }
0x11f: {  	s21 =	simm.s32 $0x17A00;
	v2 =	vld.idx.msk [tilespmem:v2+s24+$0x0], $0xffff  }
0x120: {  	v5 =	vld [tilespmem:s21+$0x70]  }
0x121: {  	s28 =	simm.s32 $0x1;
	v6 =	vld [tilespmem:s21+$0xFFFFFF00]  }
0x122: {  	v4 =	vmov s28;
	v7 =	vld [tilespmem:s21+$0xFFFFFF10]  }
0x123: {  	v4 =	vand.u32 $0xFFFFFFFD, v4;
	v8 =	vld [tilespmem:s21+$0xFFFFFF20]  }
0x124: {  	v4 =	vbroadcast v4, $0x0;
	v3 =	vld.idx.msk [tilespmem:v3+s24+$0x0], $0xffff  }
0x125: {  	v9 =	vld [tilespmem:s21+$0xFFFFFF30]  }
0x126: {  	v10 =	vld [tilespmem:s21+$0xFFFFFF40]  }
0x127: {  	v11 =	vld [tilespmem:s21+$0xFFFFFF50]  }
0x128: {  	v12 =	vld [tilespmem:s21+$0xFFFFFF60];
	v6 =	vmul.f32 v6, v2  }
0x129: {  	v14 =	vld [tilespmem:s21+$0x40];
	v5 =	vmul.f32 v5, v3  }
0x12a: {  	v4 =	vld.idx.msk [tilespmem:v4+s24+$0x0], $0xffff;
	[tilespmem:s21+$0xFFFFFF00] =	vst v6;
	v6 =	vmul.f32 v7, v2  }
0x12b: {  	v7 =	vld [tilespmem:s21+$0xFFFFFF70];
	[tilespmem:s21+$0x70] =	vst v5;
	v5 =	vmul.f32 v8, v2  }
0x12c: {  	v8 =	vld [tilespmem:s21+$0xFFFFFF80];
	[tilespmem:s21+$0xFFFFFF10] =	vst v6;
	v6 =	vmul.f32 v9, v2  }
0x12d: {  	v9 =	vld [tilespmem:s21+$0xFFFFFF90];
	[tilespmem:s21+$0xFFFFFF20] =	vst v5;
	v5 =	vmul.f32 v10, v2  }
0x12e: {  	v10 =	vld [tilespmem:s21+$0xFFFFFFA0];
	[tilespmem:s21+$0xFFFFFF30] =	vst v6;
	v6 =	vmul.f32 v11, v2  }
0x12f: {  	v11 =	vld [tilespmem:s21+$0xFFFFFFB0];
	[tilespmem:s21+$0xFFFFFF40] =	vst v5;
	v5 =	vmul.f32 v12, v2  }
0x130: {  	v12 =	vld [tilespmem:s21+$0xFFFFFFC0];
	v7 =	vmul.f32 v7, v2;
	[tilespmem:s21+$0xFFFFFF50] =	vst v6  }
0x131: {  	v6 =	vmul.f32 v8, v4;
	v8 =	vld [tilespmem:s21+$0xFFFFFFD0];
	[tilespmem:s21+$0xFFFFFF60] =	vst v5  }
0x132: {  	s23 =	simm.s32 $0x3;
	v5 =	vld [tilespmem:s21+$0xFFFFFFE0];
	v9 =	vmul.f32 v9, v4;
	[tilespmem:s21+$0xFFFFFF70] =	vst v7  }
0x133: {  	v13 =	vmov s23;
	v7 =	vld [tilespmem:s21+$0xFFFFFFF0];
	[tilespmem:s21+$0xFFFFFF80] =	vst v6;
	v6 =	vmul.f32 v10, v4  }
0x134: {  	v10 =	vld [tilespmem:s21+$0x0];
	[tilespmem:s21+$0xFFFFFF90] =	vst v9;
	v9 =	vmul.f32 v11, v4  }
0x135: {  	v11 =	vld [tilespmem:s21+$0x10];
	[tilespmem:s21+$0xFFFFFFA0] =	vst v6;
	v6 =	vmul.f32 v12, v4  }
0x136: {  	[tilespmem:s21+$0xFFFFFFB0] =	vst v9;
	v8 =	vmul.f32 v8, v4;
	v9 =	vld [tilespmem:s21+$0x20]  }
0x137: {  	v12 =	vld [tilespmem:s21+$0x30];
	[tilespmem:s21+$0xFFFFFFC0] =	vst v6;
	v5 =	vmul.f32 v5, v4  }
0x138: {  	v2 =	vld.idx.msk [tilespmem:v13+s24+$0x0], $0xffff;
	v4 =	vmul.f32 v7, v4;
	[tilespmem:s21+$0xFFFFFFD0] =	vst v8  }
0x139: {  	v6 =	vmul.f32 v10, v3;
	[tilespmem:s21+$0xFFFFFFE0] =	vst v5;
	v5 =	vld [tilespmem:s21+$0x50]  }
0x13a: {  	s26 =	simm.s32 $0x4;
	[tilespmem:s21+$0xFFFFFFF0] =	vst v4;
	v7 =	vmul.f32 v11, v3;
	v4 =	vld [tilespmem:s21+$0x60]  }
0x13b: {  	s28 =	simm.s32 $0x7;
	v8 =	vmov s26;
	[tilespmem:s21+$0x0] =	vst v6;
	v10 =	vmul.f32 v9, v3;
	v9 =	vld [tilespmem:s21+$0x80]  }
0x13c: {  	s23 =	simm.s32 $0x5;
	v13 =	vand.u32 $0xFFFFFFFC, v8;
	v8 =	vld [tilespmem:s21+$0x90];
	v6 =	vmov s28;
	v11 =	vmul.f32 v12, v3;
	[tilespmem:s21+$0x10] =	vst v7  }
0x13d: {  	s9 =	simm.s32 $0x6;
	s26 =	simm.s32 $0x8;
	v12 =	vmul.f32 v14, v3;
	v7 =	vbroadcast v13, $0x0;
	v13 =	vmov s23;
	s23 =	simm.s32 $0x17A00;
	[tilespmem:s21+$0x20] =	vst v10;
	v10 =	vld [tilespmem:s21+$0xA0]  }
.LBB2_5:
0x13e: {  	p0 =	slt.u32 s26, $0x7C;
	v13 =	vand.u32 $0xFFFFFFFD, v13;
	v14 =	vmov s9;
	[tilespmem:s21+$0x30] =	vst v11;
	v5 =	vmul.f32 v5, v3;
	v11 =	vld [tilespmem:s21+$0xB0]  }
0x13f: {  	v13 =	vbroadcast v13, $0x0;
	v14 =	vand.u32 $0xFFFFFFFE, v14;
	[tilespmem:s21+$0x40] =	vst v12;
	v3 =	vmul.f32 v4, v3;
	v4 =	vld [tilespmem:s21+$0xC0]  }
0x140: {  	v12 =	vbroadcast v14, $0x0;
	[tilespmem:s21+$0x50] =	vst v5;
	v5 =	vmul.f32 v9, v2;
	v9 =	vld [tilespmem:s21+$0xD0]  }
0x141: {  	[tilespmem:s21+$0x60] =	vst v3;
	v3 =	vmul.f32 v8, v2;
	v8 =	vld [tilespmem:s21+$0xE0]  }
0x142: {  	[tilespmem:s21+$0x80] =	vst v5;
	v5 =	vmul.f32 v10, v2;
	v10 =	vld [tilespmem:s21+$0xF0]  }
0x143: {  	v6 =	vld.idx.msk [tilespmem:v6+s24+$0x0], $0xffff;
	[tilespmem:s21+$0x90] =	vst v3;
	v3 =	vmul.f32 v11, v2  }
0x144: {  	v7 =	vld.idx.msk [tilespmem:v7+s24+$0x0], $0xffff;
	[tilespmem:s21+$0xA0] =	vst v5;
	v4 =	vmul.f32 v4, v2  }
0x145: {  	v5 =	vld.idx.msk [tilespmem:v13+s24+$0x0], $0xffff;
	[tilespmem:s21+$0xB0] =	vst v3;
	v9 =	vmul.f32 v9, v2  }
0x146: {  	s21 =	sadd.s32 $0x200, s21;
	v3 =	vld.idx.msk [tilespmem:v12+s24+$0x0], $0xffff;
	[tilespmem:s23+$0xC0] =	vst v4;
	v4 =	vmul.f32 v8, v2  }
0x147: {  	v8 =	vld [tilespmem:s21+$0x70];
	[tilespmem:s23+$0xD0] =	vst v9;
	v10 =	vmul.f32 v10, v2  }
0x148: {  	v9 =	vld [tilespmem:s21+$0xFFFFFF00];
	[tilespmem:s23+$0xE0] =	vst v4  }
0x149: {  	v2 =	vmov v6;
	v4 =	vld [tilespmem:s21+$0xFFFFFF10];
	[tilespmem:s23+$0xF0] =	vst v10;
	s23 =	smov.u32 s21  }
0x14a: {  	v6 =	vld [tilespmem:s21+$0xFFFFFF20]  }
0x14b: {  	v10 =	vld [tilespmem:s21+$0xFFFFFF30]  }
0x14c: {  	v11 =	vld [tilespmem:s21+$0xFFFFFF40];
	v8 =	vmul.f32 v8, v3  }
0x14d: {  	v9 =	vmul.f32 v9, v7;
	v12 =	vld [tilespmem:s21+$0xFFFFFF50]  }
0x14e: {  	v4 =	vmul.f32 v4, v7;
	v13 =	vld [tilespmem:s21+$0xFFFFFF60];
	[tilespmem:s21+$0x70] =	vst v8  }
0x14f: {  	[tilespmem:s21+$0xFFFFFF00] =	vst v9;
	v6 =	vmul.f32 v6, v7;
	v8 =	vld [tilespmem:s21+$0xFFFFFF70]  }
0x150: {  	[tilespmem:s21+$0xFFFFFF10] =	vst v4;
	v4 =	vmul.f32 v10, v7;
	v9 =	vld [tilespmem:s21+$0xFFFFFF80]  }
0x151: {  	[tilespmem:s21+$0xFFFFFF20] =	vst v6;
	v6 =	vmul.f32 v11, v7;
	v10 =	vld [tilespmem:s21+$0xFFFFFF90]  }
0x152: {  	[tilespmem:s21+$0xFFFFFF30] =	vst v4;
	v4 =	vmul.f32 v12, v7;
	v11 =	vld [tilespmem:s21+$0xFFFFFFA0]  }
0x153: {  	[tilespmem:s21+$0xFFFFFF40] =	vst v6;
	v6 =	vmul.f32 v13, v7;
	v12 =	vld [tilespmem:s21+$0xFFFFFFB0]  }
0x154: {  	[tilespmem:s21+$0xFFFFFF50] =	vst v4;
	v4 =	vmul.f32 v8, v7;
	v7 =	vld [tilespmem:s21+$0xFFFFFFC0]  }
0x155: {  	[tilespmem:s21+$0xFFFFFF60] =	vst v6;
	v6 =	vmul.f32 v9, v5;
	v8 =	vld [tilespmem:s21+$0xFFFFFFD0]  }
0x156: {  	[tilespmem:s21+$0xFFFFFF70] =	vst v4;
	v4 =	vmul.f32 v10, v5;
	v9 =	vld [tilespmem:s21+$0xFFFFFFE0]  }
0x157: {  	[tilespmem:s21+$0xFFFFFF80] =	vst v6;
	v6 =	vmul.f32 v11, v5;
	v10 =	vld [tilespmem:s21+$0xFFFFFFF0]  }
0x158: {  	[tilespmem:s21+$0xFFFFFF90] =	vst v4;
	v4 =	vmul.f32 v12, v5;
	v11 =	vld [tilespmem:s21+$0x0]  }
0x159: {  	[tilespmem:s21+$0xFFFFFFA0] =	vst v6;
	v6 =	vmul.f32 v7, v5;
	v7 =	vld [tilespmem:s21+$0x10]  }
0x15a: {  	[tilespmem:s21+$0xFFFFFFB0] =	vst v4;
	v4 =	vmul.f32 v8, v5;
	v8 =	vld [tilespmem:s21+$0x20]  }
0x15b: {  	[tilespmem:s21+$0xFFFFFFC0] =	vst v6;
	v6 =	vmul.f32 v9, v5;
	v12 =	vld [tilespmem:s21+$0x30]  }
0x15c: {  	[tilespmem:s21+$0xFFFFFFD0] =	vst v4;
	v4 =	vmul.f32 v10, v5;
	v10 =	vld [tilespmem:s21+$0x40]  }
.Ltmp3:
0x15d: {  	[tilespmem:s21+$0xFFFFFFE0] =	vst v6;
	v6 =	vmul.f32 v11, v3;
	v5 =	vld [tilespmem:s21+$0x50];
	(pc) =	sbr.rel @p0 .LBB2_5-.Ltmp3, $4  }
0x15e: {  	[tilespmem:s21+$0xFFFFFFF0] =	vst v4;
	v7 =	vmul.f32 v7, v3;
	v4 =	vld [tilespmem:s21+$0x60]  }
0x15f: {  	s9 =	sadd.s32 $0x3, s26;
	v11 =	vmov s26;
	[tilespmem:s21+$0x0] =	vst v6;
	v14 =	vmul.f32 v8, v3;
	v9 =	vld [tilespmem:s21+$0x80]  }
0x160: {  	s28 =	sadd.s32 $0x1, s26;
	v13 =	vand.u32 $0xFFFFFFFC, v11;
	v6 =	vmov s9;
	[tilespmem:s21+$0x10] =	vst v7;
	v11 =	vmul.f32 v12, v3;
	v8 =	vld [tilespmem:s21+$0x90]  }
0x161: {  	s9 =	sadd.s32 $0x2, s26;
	s26 =	sadd.s32 $0x4, s26;
	v7 =	vbroadcast v13, $0x0;
	v13 =	vmov s28;
	[tilespmem:s21+$0x20] =	vst v14;
	v12 =	vmul.f32 v10, v3;
	v10 =	vld [tilespmem:s21+$0xA0]  }
0x162: {  	v14 =	vld [tilespmem:s21+$0xB0]  }
0x163: {  	v16 =	vld [tilespmem:s21+$0xC0]  }
0x164: {  	v15 =	vmov s9;
	v17 =	vld [tilespmem:s21+$0xD0]  }
0x165: {  	v18 =	vld [tilespmem:s21+$0xE0];
	[tilespmem:s21+$0x30] =	vst v11;
	v5 =	vmul.f32 v5, v3;
	v15 =	vand.u32 $0xFFFFFFFE, v15  }
0x166: {  	v13 =	vand.u32 $0xFFFFFFFD, v13;
	v6 =	vld.idx.msk [tilespmem:v6+s24+$0x0], $0xffff;
	[tilespmem:s21+$0x40] =	vst v12;
	v3 =	vmul.f32 v4, v3;
	v15 =	vbroadcast v15, $0x0  }
0x167: {  	s26 =	sadd.s32 $0x200, s21;
	v13 =	vbroadcast v13, $0x0;
	v4 =	vld.idx.msk [tilespmem:v7+s24+$0x0], $0xffff;
	v9 =	vmul.f32 v9, v2;
	[tilespmem:s21+$0x50] =	vst v5  }
0x168: {  	v11 =	vld [tilespmem:s26+$0xFFFFFF00];
	v5 =	vmul.f32 v8, v2;
	[tilespmem:s21+$0x60] =	vst v3  }
0x169: {  	[tilespmem:s21+$0x80] =	vst v9;
	v9 =	vld [tilespmem:s21+$0xF0];
	v3 =	vmul.f32 v10, v2  }
0x16a: {  	v12 =	vld [tilespmem:s26+$0xFFFFFF10];
	[tilespmem:s21+$0x90] =	vst v5;
	v5 =	vmul.f32 v14, v2  }
0x16b: {  	v10 =	vld [tilespmem:s26+$0x70];
	[tilespmem:s21+$0xA0] =	vst v3;
	v3 =	vmul.f32 v16, v2  }
0x16c: {  	[tilespmem:s21+$0xB0] =	vst v5;
	v5 =	vmul.f32 v17, v2;
	v8 =	vld.idx.msk [tilespmem:v15+s24+$0x0], $0xffff  }
0x16d: {  	v7 =	vld.idx.msk [tilespmem:v13+s24+$0x0], $0xffff;
	[tilespmem:s23+$0xC0] =	vst v3;
	v3 =	vmul.f32 v18, v2  }
0x16e: {  	v13 =	vld [tilespmem:s26+$0xFFFFFF20];
	[tilespmem:s23+$0xD0] =	vst v5;
	v2 =	vmul.f32 v9, v2  }
0x16f: {  	v5 =	vld [tilespmem:s26+$0xFFFFFF30];
	[tilespmem:s23+$0xE0] =	vst v3  }
0x170: {  	v3 =	vld [tilespmem:s26+$0xFFFFFF40];
	[tilespmem:s23+$0xF0] =	vst v2;
	v2 =	vmul.f32 v11, v4  }
0x171: {  	v9 =	vmul.f32 v10, v8;
	v10 =	vld [tilespmem:s26+$0xFFFFFF50]  }
0x172: {  	v11 =	vmul.f32 v12, v4;
	v12 =	vld [tilespmem:s26+$0xFFFFFF60];
	[tilespmem:s26+$0xFFFFFF00] =	vst v2  }
0x173: {  	v2 =	vmul.f32 v13, v4;
	[tilespmem:s26+$0x70] =	vst v9;
	v9 =	vld [tilespmem:s26+$0xFFFFFF70]  }
0x174: {  	[tilespmem:s26+$0xFFFFFF10] =	vst v11;
	v11 =	vld [tilespmem:s26+$0xFFFFFF80];
	v5 =	vmul.f32 v5, v4  }
0x175: {  	[tilespmem:s26+$0xFFFFFF20] =	vst v2;
	v2 =	vmul.f32 v3, v4;
	v3 =	vld [tilespmem:s26+$0xFFFFFF90]  }
0x176: {  	[tilespmem:s26+$0xFFFFFF30] =	vst v5;
	v5 =	vmul.f32 v10, v4;
	v10 =	vld [tilespmem:s26+$0xFFFFFFA0]  }
0x177: {  	[tilespmem:s26+$0xFFFFFF40] =	vst v2;
	v2 =	vmul.f32 v12, v4;
	v12 =	vld [tilespmem:s26+$0xFFFFFFB0]  }
0x178: {  	[tilespmem:s26+$0xFFFFFF50] =	vst v5;
	v4 =	vmul.f32 v9, v4;
	v5 =	vld [tilespmem:s26+$0xFFFFFFC0]  }
0x179: {  	[tilespmem:s26+$0xFFFFFF60] =	vst v2;
	v2 =	vmul.f32 v11, v7;
	v9 =	vld [tilespmem:s26+$0xFFFFFFD0]  }
0x17a: {  	v3 =	vmul.f32 v3, v7;
	[tilespmem:s26+$0xFFFFFF70] =	vst v4;
	v4 =	vld [tilespmem:s26+$0xFFFFFFE0]  }
0x17b: {  	[tilespmem:s26+$0xFFFFFF80] =	vst v2;
	v2 =	vmul.f32 v10, v7;
	v10 =	vld [tilespmem:s26+$0xFFFFFFF0]  }
0x17c: {  	v11 =	vld [tilespmem:s26+$0x0];
	[tilespmem:s26+$0xFFFFFF90] =	vst v3;
	v3 =	vmul.f32 v12, v7  }
0x17d: {  	[tilespmem:s26+$0xFFFFFFA0] =	vst v2;
	v2 =	vmul.f32 v5, v7;
	v5 =	vld [tilespmem:s26+$0x10]  }
0x17e: {  	[tilespmem:s26+$0xFFFFFFB0] =	vst v3;
	v3 =	vmul.f32 v9, v7;
	v9 =	vld [tilespmem:s26+$0x20]  }
0x17f: {  	[tilespmem:s26+$0xFFFFFFC0] =	vst v2;
	v2 =	vmul.f32 v4, v7;
	v4 =	vld [tilespmem:s26+$0x30]  }
0x180: {  	[tilespmem:s26+$0xFFFFFFD0] =	vst v3;
	v3 =	vmul.f32 v10, v7;
	v7 =	vld [tilespmem:s26+$0x40]  }
0x181: {  	v10 =	vld [tilespmem:s26+$0x50];
	[tilespmem:s26+$0xFFFFFFE0] =	vst v2;
	v2 =	vmul.f32 v11, v8  }
0x182: {  	[tilespmem:s26+$0xFFFFFFF0] =	vst v3;
	v3 =	vmul.f32 v5, v8;
	v5 =	vld [tilespmem:s26+$0x60]  }
0x183: {  	[tilespmem:s26+$0x0] =	vst v2;
	v2 =	vmul.f32 v9, v8;
	v9 =	vld [tilespmem:s26+$0x80]  }
0x184: {  	[tilespmem:s26+$0x10] =	vst v3;
	v3 =	vmul.f32 v4, v8;
	v4 =	vld [tilespmem:s26+$0x90]  }
0x185: {  	[tilespmem:s26+$0x20] =	vst v2;
	v2 =	vmul.f32 v7, v8;
	v7 =	vld [tilespmem:s26+$0xA0]  }
0x186: {  	[tilespmem:s26+$0x30] =	vst v3;
	v3 =	vmul.f32 v10, v8;
	v10 =	vld [tilespmem:s26+$0xB0]  }
0x187: {  	[tilespmem:s26+$0x40] =	vst v2;
	v2 =	vmul.f32 v5, v8;
	v5 =	vld [tilespmem:s26+$0xC0]  }
0x188: {  	v8 =	vld [tilespmem:s26+$0xD0];
	[tilespmem:s26+$0x50] =	vst v3;
	v3 =	vmul.f32 v9, v6  }
0x189: {  	[tilespmem:s26+$0x60] =	vst v2;
	v2 =	vmul.f32 v4, v6;
	v4 =	vld [tilespmem:s26+$0xE0]  }
0x18a: {  	[tilespmem:s26+$0x80] =	vst v3;
	v3 =	vmul.f32 v7, v6;
	v7 =	vld [tilespmem:s26+$0xF0]  }
0x18b: {  	[tilespmem:s26+$0x90] =	vst v2;
	v2 =	vmul.f32 v10, v6  }
0x18c: {  	[tilespmem:s26+$0xA0] =	vst v3;
	v3 =	vmul.f32 v5, v6  }
0x18d: {  	[tilespmem:s26+$0xB0] =	vst v2;
	v2 =	vmul.f32 v8, v6  }
0x18e: {  	[tilespmem:s26+$0xC0] =	vst v3;
	v3 =	vmul.f32 v4, v6  }
0x18f: {  	[tilespmem:s26+$0xD0] =	vst v2;
	v2 =	vmul.f32 v7, v6  }
0x190: {  	p0 =	seq.s32 s20, $0x28;
	s21 =	sshll.u32 s20, $0x1;
	[tilespmem:s26+$0xE0] =	vst v3  }
0x191: {  	s9 =	sshll.u32 @!p0 s21, $0x7;
	[tilespmem:s26+$0xF0] =	vst v2  }
0x192: {  	[spmem:s1] =	stream.indirect.scatter.add.f32 [tilespmem:s10], [sflag:$0x7], $0x80, s11, s13, $0xb8;
	[tilespmem:$0x1F900] =	vst v63  }
0x193: {  	s9 =	sadd.s32 @!p0 $0x100, s9;
	_ =	swait.ge [sflag:s3], $0x4000  }
0x194: {  	s23 =	sand.u32 @!p0 $0x7C00, s9;
	[sflag:s3] =	ssyncset.done $0x0  }
0x195: {  	s23 =	sadd.s32 @!p0 s8, s23;
	s26 =	sand.u32 @!p0 $0x300, s9;
	[sflag:s3] =	ssyncadd.s32 $0xFFFFC000  }
0x196: {  	s28 =	simm.s32 @!p0 $0x17380;
	s23 =	sor.u32 @!p0 s26, s23;
	_ =	swait.ge [sflag:s29], $0x80  }
0x197: {  	s9 =	sand.u32 @!p0 $0x3FFFFF80, s9;
	s23 =	sshrl.u32 @!p0 s23, $0x3;
	[sflag:s29] =	ssyncset.done $0x0  }
0x198: {  	s26 =	simm.s32 @!p0 $0x0;
	s23 =	sadd.s32 @!p0 s16, s23;
	[sflag:s29] =	ssyncadd.s32 $0xFFFFFF80  }
0x199: {  	[tilespmem:s28], [sflag:$0x1] =	stream.linear.gather @!p0 [hbm4b:s23+s26], $0x80, $0x38;
	[tilespmem:$0x1F900] =	vst v63  }
0x19a: {  	s9 =	sadd.s32 @!p0 $0x14780, s9;
	s23 =	simm.s32 @!p0 $0x80;
	s26 =	simm.s32 @!p0 $0x17900  }
0x19b: {  	[tilespmem:s26], [sflag:$0x3] =	stream.indirect.gather @!p0 [hbm4b:s7+s23], $0x80, s9, s23, $0xb8;
	[tilespmem:$0x1F900] =	vst v63  }
0x19c: {  	_ =	swait.ge [sflag:s30], $0x80  }
0x19d: {  	[sflag:s30] =	ssyncset.done $0x0  }
0x19e: {  	s28 =	sadd.s32 $0x14800, s22;
	[sflag:s30] =	ssyncadd.s32 $0xFFFFFF80  }
0x19f: {  	[tilespmem:s15], [sflag:$0x5] =	stream.indirect.gather [spmem:s2], $0x1, s28, s13, $0xb8;
	[tilespmem:$0x1F900] =	vst v63  }
0x1a0: {  	_ = 	snop  }
0x1a1: {  	[tilespmem:s17], [sflag:$0x5] =	stream.indirect.gather [spmem:s4], $0x1, s12, s13, $0xb8;
	[tilespmem:$0x1F900] =	vst v63  }
0x1a2: {  	_ =	swait.ge [sflag:s18], $0x80  }
0x1a3: {  	[sflag:s18] =	ssyncset.done $0x0  }
0x1a4: {  	[sflag:s18] =	ssyncadd.s32 $0xFFFFFF80  }
0x1a5: {  	_ =	swait.ge [sflag:s18], $0x80  }
0x1a6: {  	[sflag:s18] =	ssyncset.done $0x0  }
0x1a7: {  	[sflag:s18] =	ssyncadd.s32 $0xFFFFFF80  }
0x1a8: {  	v2 =	vld [tilespmem:$0x17480]  }
0x1a9: {  	v3 =	vld [tilespmem:$0x17500];
	_ =	sdelay $0x1  }
0x1aa: {  	v4 =	vld [tilespmem:$0x17490]  }
0x1ab: {  	v5 =	vld [tilespmem:$0x17510];
	_ =	sdelay $0x1  }
0x1ac: {  	v2 =	vadd.f32 v3, v2;
	v3 =	vadd.f32 v3, v1  }
0x1ad: {  	v7 =	vld [tilespmem:$0x174A0]  }
0x1ae: {  	v9 =	vld [tilespmem:$0x17520];
	v6 =	vmul.f32 $2.000000030e-01, v2;
	v8 =	vmul.f32 $2.000000030e-01, v3  }
0x1af: {  	v12 =	vld [tilespmem:$0x17540];
	v4 =	vadd.f32 v5, v4  }
0x1b0: {  	v5 =	vadd.f32 v5, v1;
	v2 =	vmax.f32 v2, v6;
	v6 =	vld [tilespmem:$0x174B0];
	v3 =	vmax.f32 v3, v8  }
0x1b1: {  	v8 =	vld [tilespmem:$0x17530];
	v2 =	vsub.f32 v2, v3  }
0x1b2: {  	v10 =	vmul.f32 $2.000000030e-01, v4;
	v11 =	vmul.f32 $2.000000030e-01, v5;
	v3 =	vld [tilespmem:$0x174C0]  }
0x1b3: {  	v7 =	vadd.f32 v9, v7;
	v2 =	vmul.f32 $1.442695020e+00, v2  }
0x1b4: {  	v9 =	vadd.f32 v9, v1;
	v4 =	vmax.f32 v4, v10;
	v5 =	vmax.f32 v5, v11  }
0x1b5: {  	(erf) = vpow2.f32 v2;
	v2 =	vsub.f32 v4, v5;
	v4 =	vmul.f32 $2.000000030e-01, v7  }
0x1b6: {  	v13 =	vld [tilespmem:$0x174E0];
	v5 =	vmul.f32 $2.000000030e-01, v9;
	v6 =	vadd.f32 v8, v6;
	v8 =	vadd.f32 v8, v1  }
0x1b7: {  	v10 =	vld [tilespmem:$0x174D0];
	v3 =	vadd.f32 v12, v3;
	v4 =	vmax.f32 v7, v4;
	v7 =	vadd.f32 v12, v1  }
0x1b8: {  	v11 =	vld [tilespmem:$0x17550];
	v5 =	vmax.f32 v9, v5;
	v9 =	vmul.f32 $2.000000030e-01, v6;
	v12 =	vmul.f32 $2.000000030e-01, v8  }
0x1b9: {  	v15 =	vld [tilespmem:$0x17560];
	v4 =	vsub.f32 v4, v5;
	v5 =	vmul.f32 $2.000000030e-01, v3;
	v14 =	vmul.f32 $2.000000030e-01, v7  }
0x1ba: {  	v2 =	vmul.f32 $1.442695020e+00, v2;
	v6 =	vmax.f32 v6, v9;
	v8 =	vmax.f32 v8, v12;
	v9 =	vld [tilespmem:$0x174F0]  }
0x1bb: {  	v4 =	vmul.f32 $1.442695020e+00, v4;
	v3 =	vmax.f32 v3, v5;
	v5 =	vmax.f32 v7, v14;
	v7 =	vld [tilespmem:$0x17570]  }
0x1bc: {  	(erf) = vpow2.f32 v2;
	v2 =	vsub.f32 v6, v8  }
0x1bd: {  	v3 =	vsub.f32 v3, v5;
	(erf) = vpow2.f32 v4;
	v4 =	vadd.f32 v11, v10  }
0x1be: {  	v8 =	vadd.f32 v15, v13;
	v2 =	vmul.f32 $1.442695020e+00, v2;
	v5 =	vadd.f32 v11, v1  }
0x1bf: {  	v10 =	vadd.f32 v15, v1;
	v3 =	vmul.f32 $1.442695020e+00, v3;
	v6 =	vmul.f32 $2.000000030e-01, v4  }
0x1c0: {  	v11 =	vmul.f32 $2.000000030e-01, v5;
	v9 =	vadd.f32 v7, v9;
	v7 =	vadd.f32 v7, v1  }
0x1c1: {  	v12 =	vmul.f32 $2.000000030e-01, v10;
	v4 =	vmax.f32 v4, v6;
	v6 =	vmul.f32 $2.000000030e-01, v8  }
0x1c2: {  	v5 =	vmax.f32 v5, v11;
	v11 =	vmul.f32 $2.000000030e-01, v9;
	v13 =	vmul.f32 $2.000000030e-01, v7  }
0x1c3: {  	v4 =	vsub.f32 v4, v5;
	v5 =	vmax.f32 v8, v6;
	v6 =	vmax.f32 v10, v12  }
0x1c4: {  	v5 =	vsub.f32 v5, v6;
	v6 =	vmax.f32 v9, v11;
	v7 =	vmax.f32 v7, v13  }
0x1c5: {  	(erf) = vpow2.f32 v2;
	v2 =	vmul.f32 $1.442695020e+00, v4;
	v4 =	vsub.f32 v6, v7  }
0x1c6: {  	(erf) = vpow2.f32 v3;
	v3 =	vmul.f32 $1.442695020e+00, v5  }
0x1c7: {  	(erf) = vpow2.f32 v2;
	v2 =	vmul.f32 $1.442695020e+00, v4  }
0x1c8: {  	(erf) = vpow2.f32 v3  }
0x1c9: {  	(erf) = vpow2.f32 v2;
	_ =	sdelay $0x1  }
0x1ca: {  	v2 =	vpop (erf)  }
0x1cb: {  	v3 =	vpop (erf);
	[tilespmem:$0x17600] =	vst v2  }
0x1cc: {  	v2 =	vpop (erf);
	[tilespmem:$0x17610] =	vst v3  }
0x1cd: {  	v3 =	vpop (erf);
	[tilespmem:$0x17620] =	vst v2  }
0x1ce: {  	s22 =	simm.s32 $0x0;
	v2 =	vpop (erf);
	[tilespmem:$0x17630] =	vst v3  }
0x1cf: {  	v3 =	vpop (erf);
	[tilespmem:$0x17640] =	vst v2;
	v2 =	vmov s22  }
0x1d0: {  	v4 =	vpop (erf);
	[tilespmem:$0x17650] =	vst v3;
	v2 =	vand.u32 $0xFFFFFFFC, v2  }
0x1d1: {  	[tilespmem:$0x17660] =	vst v4;
	v4 =	vpop (erf);
	v2 =	vbroadcast v2, $0x0  }
0x1d2: {  	s23 =	simm.s32 $0x2;
	[tilespmem:$0x17670] =	vst v4  }
0x1d3: {  	[spmem:s5] =	stream.indirect.scatter.add.f32 [tilespmem:s24], [sflag:$0x6], $0x1, s12, s13, $0xb8;
	[tilespmem:$0x1F900] =	vst v63  }
0x1d4: {  	v3 =	vmov s23;
	_ =	swait.ge [sflag:s31], $0x4000  }
0x1d5: {  	v3 =	vand.u32 $0xFFFFFFFE, v3;
	[sflag:s31] =	ssyncset.done $0x0  }
0x1d6: {  	v3 =	vbroadcast v3, $0x0;
	[sflag:s31] =	ssyncadd.s32 $0xFFFFC000  }
0x1d7: {  	s22 =	simm.s32 $0x1BA00;
	v2 =	vld.idx.msk [tilespmem:v2+s24+$0x0], $0xffff  }
0x1d8: {  	v5 =	vld [tilespmem:s22+$0x70]  }
0x1d9: {  	s26 =	simm.s32 $0x1;
	v6 =	vld [tilespmem:s22+$0xFFFFFF00]  }
0x1da: {  	v4 =	vmov s26;
	v7 =	vld [tilespmem:s22+$0xFFFFFF10]  }
0x1db: {  	v4 =	vand.u32 $0xFFFFFFFD, v4;
	v8 =	vld [tilespmem:s22+$0xFFFFFF20]  }
0x1dc: {  	v4 =	vbroadcast v4, $0x0;
	v3 =	vld.idx.msk [tilespmem:v3+s24+$0x0], $0xffff  }
0x1dd: {  	v9 =	vld [tilespmem:s22+$0xFFFFFF30]  }
0x1de: {  	v10 =	vld [tilespmem:s22+$0xFFFFFF40]  }
0x1df: {  	v11 =	vld [tilespmem:s22+$0xFFFFFF50]  }
0x1e0: {  	v12 =	vld [tilespmem:s22+$0xFFFFFF60];
	v6 =	vmul.f32 v6, v2  }
0x1e1: {  	v14 =	vld [tilespmem:s22+$0x40];
	v5 =	vmul.f32 v5, v3  }
0x1e2: {  	v4 =	vld.idx.msk [tilespmem:v4+s24+$0x0], $0xffff;
	[tilespmem:s22+$0xFFFFFF00] =	vst v6;
	v6 =	vmul.f32 v7, v2  }
0x1e3: {  	v7 =	vld [tilespmem:s22+$0xFFFFFF70];
	[tilespmem:s22+$0x70] =	vst v5;
	v5 =	vmul.f32 v8, v2  }
0x1e4: {  	v8 =	vld [tilespmem:s22+$0xFFFFFF80];
	[tilespmem:s22+$0xFFFFFF10] =	vst v6;
	v6 =	vmul.f32 v9, v2  }
0x1e5: {  	v9 =	vld [tilespmem:s22+$0xFFFFFF90];
	[tilespmem:s22+$0xFFFFFF20] =	vst v5;
	v5 =	vmul.f32 v10, v2  }
0x1e6: {  	v10 =	vld [tilespmem:s22+$0xFFFFFFA0];
	[tilespmem:s22+$0xFFFFFF30] =	vst v6;
	v6 =	vmul.f32 v11, v2  }
0x1e7: {  	v11 =	vld [tilespmem:s22+$0xFFFFFFB0];
	[tilespmem:s22+$0xFFFFFF40] =	vst v5;
	v5 =	vmul.f32 v12, v2  }
0x1e8: {  	v12 =	vld [tilespmem:s22+$0xFFFFFFC0];
	v7 =	vmul.f32 v7, v2;
	[tilespmem:s22+$0xFFFFFF50] =	vst v6  }
0x1e9: {  	v6 =	vmul.f32 v8, v4;
	v8 =	vld [tilespmem:s22+$0xFFFFFFD0];
	[tilespmem:s22+$0xFFFFFF60] =	vst v5  }
0x1ea: {  	s28 =	simm.s32 $0x3;
	v5 =	vld [tilespmem:s22+$0xFFFFFFE0];
	v9 =	vmul.f32 v9, v4;
	[tilespmem:s22+$0xFFFFFF70] =	vst v7  }
0x1eb: {  	v13 =	vmov s28;
	v7 =	vld [tilespmem:s22+$0xFFFFFFF0];
	[tilespmem:s22+$0xFFFFFF80] =	vst v6;
	v6 =	vmul.f32 v10, v4  }
0x1ec: {  	v10 =	vld [tilespmem:s22+$0x0];
	[tilespmem:s22+$0xFFFFFF90] =	vst v9;
	v9 =	vmul.f32 v11, v4  }
0x1ed: {  	v11 =	vld [tilespmem:s22+$0x10];
	[tilespmem:s22+$0xFFFFFFA0] =	vst v6;
	v6 =	vmul.f32 v12, v4  }
0x1ee: {  	[tilespmem:s22+$0xFFFFFFB0] =	vst v9;
	v8 =	vmul.f32 v8, v4;
	v9 =	vld [tilespmem:s22+$0x20]  }
0x1ef: {  	v12 =	vld [tilespmem:s22+$0x30];
	[tilespmem:s22+$0xFFFFFFC0] =	vst v6;
	v5 =	vmul.f32 v5, v4  }
0x1f0: {  	v2 =	vld.idx.msk [tilespmem:v13+s24+$0x0], $0xffff;
	v4 =	vmul.f32 v7, v4;
	[tilespmem:s22+$0xFFFFFFD0] =	vst v8  }
0x1f1: {  	v6 =	vmul.f32 v10, v3;
	[tilespmem:s22+$0xFFFFFFE0] =	vst v5;
	v5 =	vld [tilespmem:s22+$0x50]  }
0x1f2: {  	s23 =	simm.s32 $0x4;
	[tilespmem:s22+$0xFFFFFFF0] =	vst v4;
	v7 =	vmul.f32 v11, v3;
	v4 =	vld [tilespmem:s22+$0x60]  }
0x1f3: {  	s26 =	simm.s32 $0x7;
	v8 =	vmov s23;
	[tilespmem:s22+$0x0] =	vst v6;
	v10 =	vmul.f32 v9, v3;
	v9 =	vld [tilespmem:s22+$0x80]  }
0x1f4: {  	s28 =	simm.s32 $0x5;
	v13 =	vand.u32 $0xFFFFFFFC, v8;
	v8 =	vld [tilespmem:s22+$0x90];
	v6 =	vmov s26;
	v11 =	vmul.f32 v12, v3;
	[tilespmem:s22+$0x10] =	vst v7  }
0x1f5: {  	s9 =	simm.s32 $0x6;
	s23 =	simm.s32 $0x1BA00;
	s26 =	simm.s32 $0x8;
	v12 =	vmul.f32 v14, v3;
	v7 =	vbroadcast v13, $0x0;
	v13 =	vmov s28;
	[tilespmem:s22+$0x20] =	vst v10;
	v10 =	vld [tilespmem:s22+$0xA0]  }
.LBB2_7:
0x1f6: {  	p1 =	slt.u32 s26, $0x7C;
	v13 =	vand.u32 $0xFFFFFFFD, v13;
	v14 =	vmov s9;
	[tilespmem:s22+$0x30] =	vst v11;
	v5 =	vmul.f32 v5, v3;
	v11 =	vld [tilespmem:s22+$0xB0]  }
0x1f7: {  	v13 =	vbroadcast v13, $0x0;
	v14 =	vand.u32 $0xFFFFFFFE, v14;
	[tilespmem:s22+$0x40] =	vst v12;
	v3 =	vmul.f32 v4, v3;
	v4 =	vld [tilespmem:s22+$0xC0]  }
0x1f8: {  	v12 =	vbroadcast v14, $0x0;
	[tilespmem:s22+$0x50] =	vst v5;
	v5 =	vmul.f32 v9, v2;
	v9 =	vld [tilespmem:s22+$0xD0]  }
0x1f9: {  	[tilespmem:s22+$0x60] =	vst v3;
	v3 =	vmul.f32 v8, v2;
	v8 =	vld [tilespmem:s22+$0xE0]  }
0x1fa: {  	[tilespmem:s22+$0x80] =	vst v5;
	v5 =	vmul.f32 v10, v2;
	v10 =	vld [tilespmem:s22+$0xF0]  }
0x1fb: {  	v6 =	vld.idx.msk [tilespmem:v6+s24+$0x0], $0xffff;
	[tilespmem:s22+$0x90] =	vst v3;
	v3 =	vmul.f32 v11, v2  }
0x1fc: {  	v7 =	vld.idx.msk [tilespmem:v7+s24+$0x0], $0xffff;
	[tilespmem:s22+$0xA0] =	vst v5;
	v4 =	vmul.f32 v4, v2  }
0x1fd: {  	v5 =	vld.idx.msk [tilespmem:v13+s24+$0x0], $0xffff;
	[tilespmem:s22+$0xB0] =	vst v3;
	v9 =	vmul.f32 v9, v2  }
0x1fe: {  	s22 =	sadd.s32 $0x200, s22;
	v3 =	vld.idx.msk [tilespmem:v12+s24+$0x0], $0xffff;
	[tilespmem:s23+$0xC0] =	vst v4;
	v4 =	vmul.f32 v8, v2  }
0x1ff: {  	v8 =	vld [tilespmem:s22+$0x70];
	[tilespmem:s23+$0xD0] =	vst v9;
	v10 =	vmul.f32 v10, v2  }
0x200: {  	v9 =	vld [tilespmem:s22+$0xFFFFFF00];
	[tilespmem:s23+$0xE0] =	vst v4  }
0x201: {  	v2 =	vmov v6;
	v4 =	vld [tilespmem:s22+$0xFFFFFF10];
	[tilespmem:s23+$0xF0] =	vst v10;
	s23 =	smov.u32 s22  }
0x202: {  	v6 =	vld [tilespmem:s22+$0xFFFFFF20]  }
0x203: {  	v10 =	vld [tilespmem:s22+$0xFFFFFF30]  }
0x204: {  	v11 =	vld [tilespmem:s22+$0xFFFFFF40];
	v8 =	vmul.f32 v8, v3  }
0x205: {  	v9 =	vmul.f32 v9, v7;
	v12 =	vld [tilespmem:s22+$0xFFFFFF50]  }
0x206: {  	v4 =	vmul.f32 v4, v7;
	v13 =	vld [tilespmem:s22+$0xFFFFFF60];
	[tilespmem:s22+$0x70] =	vst v8  }
0x207: {  	[tilespmem:s22+$0xFFFFFF00] =	vst v9;
	v6 =	vmul.f32 v6, v7;
	v8 =	vld [tilespmem:s22+$0xFFFFFF70]  }
0x208: {  	[tilespmem:s22+$0xFFFFFF10] =	vst v4;
	v4 =	vmul.f32 v10, v7;
	v9 =	vld [tilespmem:s22+$0xFFFFFF80]  }
0x209: {  	[tilespmem:s22+$0xFFFFFF20] =	vst v6;
	v6 =	vmul.f32 v11, v7;
	v10 =	vld [tilespmem:s22+$0xFFFFFF90]  }
0x20a: {  	[tilespmem:s22+$0xFFFFFF30] =	vst v4;
	v4 =	vmul.f32 v12, v7;
	v11 =	vld [tilespmem:s22+$0xFFFFFFA0]  }
0x20b: {  	[tilespmem:s22+$0xFFFFFF40] =	vst v6;
	v6 =	vmul.f32 v13, v7;
	v12 =	vld [tilespmem:s22+$0xFFFFFFB0]  }
0x20c: {  	[tilespmem:s22+$0xFFFFFF50] =	vst v4;
	v4 =	vmul.f32 v8, v7;
	v7 =	vld [tilespmem:s22+$0xFFFFFFC0]  }
0x20d: {  	[tilespmem:s22+$0xFFFFFF60] =	vst v6;
	v6 =	vmul.f32 v9, v5;
	v8 =	vld [tilespmem:s22+$0xFFFFFFD0]  }
0x20e: {  	[tilespmem:s22+$0xFFFFFF70] =	vst v4;
	v4 =	vmul.f32 v10, v5;
	v9 =	vld [tilespmem:s22+$0xFFFFFFE0]  }
0x20f: {  	[tilespmem:s22+$0xFFFFFF80] =	vst v6;
	v6 =	vmul.f32 v11, v5;
	v10 =	vld [tilespmem:s22+$0xFFFFFFF0]  }
0x210: {  	[tilespmem:s22+$0xFFFFFF90] =	vst v4;
	v4 =	vmul.f32 v12, v5;
	v11 =	vld [tilespmem:s22+$0x0]  }
0x211: {  	[tilespmem:s22+$0xFFFFFFA0] =	vst v6;
	v6 =	vmul.f32 v7, v5;
	v7 =	vld [tilespmem:s22+$0x10]  }
0x212: {  	[tilespmem:s22+$0xFFFFFFB0] =	vst v4;
	v4 =	vmul.f32 v8, v5;
	v8 =	vld [tilespmem:s22+$0x20]  }
0x213: {  	[tilespmem:s22+$0xFFFFFFC0] =	vst v6;
	v6 =	vmul.f32 v9, v5;
	v12 =	vld [tilespmem:s22+$0x30]  }
0x214: {  	[tilespmem:s22+$0xFFFFFFD0] =	vst v4;
	v4 =	vmul.f32 v10, v5;
	v10 =	vld [tilespmem:s22+$0x40]  }
.Ltmp4:
0x215: {  	[tilespmem:s22+$0xFFFFFFE0] =	vst v6;
	v6 =	vmul.f32 v11, v3;
	v5 =	vld [tilespmem:s22+$0x50];
	(pc) =	sbr.rel @p1 .LBB2_7-.Ltmp4, $4  }
0x216: {  	[tilespmem:s22+$0xFFFFFFF0] =	vst v4;
	v7 =	vmul.f32 v7, v3;
	v4 =	vld [tilespmem:s22+$0x60]  }
0x217: {  	s9 =	sadd.s32 $0x3, s26;
	v11 =	vmov s26;
	[tilespmem:s22+$0x0] =	vst v6;
	v14 =	vmul.f32 v8, v3;
	v9 =	vld [tilespmem:s22+$0x80]  }
0x218: {  	s28 =	sadd.s32 $0x1, s26;
	v13 =	vand.u32 $0xFFFFFFFC, v11;
	v6 =	vmov s9;
	[tilespmem:s22+$0x10] =	vst v7;
	v11 =	vmul.f32 v12, v3;
	v8 =	vld [tilespmem:s22+$0x90]  }
0x219: {  	s9 =	sadd.s32 $0x2, s26;
	s26 =	sadd.s32 $0x4, s26;
	v7 =	vbroadcast v13, $0x0;
	v13 =	vmov s28;
	[tilespmem:s22+$0x20] =	vst v14;
	v12 =	vmul.f32 v10, v3;
	v10 =	vld [tilespmem:s22+$0xA0]  }
0x21a: {  	v14 =	vld [tilespmem:s22+$0xB0]  }
0x21b: {  	v16 =	vld [tilespmem:s22+$0xC0]  }
0x21c: {  	v17 =	vld [tilespmem:s22+$0xD0]  }
0x21d: {  	v18 =	vld [tilespmem:s22+$0xE0]  }
0x21e: {  	v24 =	vld [tilespmem:s22+$0xF0];
	[tilespmem:s22+$0x30] =	vst v11;
	v5 =	vmul.f32 v5, v3  }
0x21f: {  	v6 =	vld.idx.msk [tilespmem:v6+s24+$0x0], $0xffff;
	[tilespmem:s22+$0x40] =	vst v12;
	v3 =	vmul.f32 v4, v3  }
0x220: {  	s26 =	sadd.s32 $0x200, s22;
	v25 =	vld.idx.msk [tilespmem:v7+s24+$0x0], $0xffff;
	v9 =	vmul.f32 v9, v2;
	[tilespmem:s22+$0x50] =	vst v5  }
0x221: {  	v30 =	vld [tilespmem:s26+$0x70];
	v26 =	vmul.f32 v8, v2;
	[tilespmem:s22+$0x60] =	vst v3  }
0x222: {  	v31 =	vld [tilespmem:s26+$0xFFFFFF00];
	[tilespmem:s22+$0x80] =	vst v9;
	v3 =	vmul.f32 v10, v2  }
0x223: {  	v15 =	vmov s9;
	v33 =	vld [tilespmem:s26+$0xFFFFFF10];
	[tilespmem:s22+$0x90] =	vst v26;
	v29 =	vmul.f32 v14, v2  }
0x224: {  	v15 =	vand.u32 $0xFFFFFFFE, v15;
	v34 =	vld [tilespmem:s26+$0xFFFFFF20];
	[tilespmem:s22+$0xA0] =	vst v3;
	v3 =	vmul.f32 v16, v2  }
0x225: {  	v13 =	vand.u32 $0xFFFFFFFD, v13;
	v35 =	vld [tilespmem:s26+$0xFFFFFF30];
	v15 =	vbroadcast v15, $0x0;
	v32 =	vmul.f32 v17, v2;
	[tilespmem:s22+$0xB0] =	vst v29  }
0x226: {  	v13 =	vbroadcast v13, $0x0;
	v37 =	vld [tilespmem:s26+$0xFFFFFF50];
	[tilespmem:s23+$0xC0] =	vst v3;
	v3 =	vmul.f32 v18, v2  }
0x227: {  	v39 =	vld [tilespmem:s26+$0xFFFFFF60];
	[tilespmem:s23+$0xD0] =	vst v32;
	v2 =	vmul.f32 v24, v2  }
0x228: {  	v38 =	vmul.f32 v33, v25;
	[tilespmem:s23+$0xE0] =	vst v3;
	v3 =	vld [tilespmem:s26+$0xFFFFFF40]  }
0x229: {  	v40 =	vld [tilespmem:s26+$0xFFFFFF70];
	[tilespmem:s23+$0xF0] =	vst v2;
	v2 =	vmul.f32 v31, v25  }
0x22a: {  	v41 =	vld [tilespmem:s26+$0xFFFFFF80];
	v5 =	vmul.f32 v35, v25;
	[tilespmem:s26+$0xFFFFFF10] =	vst v38  }
0x22b: {  	v28 =	vld.idx.msk [tilespmem:v15+s24+$0x0], $0xffff;
	[tilespmem:s26+$0xFFFFFF00] =	vst v2;
	v2 =	vmul.f32 v34, v25  }
0x22c: {  	v42 =	vmul.f32 v37, v25;
	v27 =	vld.idx.msk [tilespmem:v13+s24+$0x0], $0xffff;
	[tilespmem:s26+$0xFFFFFF30] =	vst v5  }
0x22d: {  	[tilespmem:s26+$0xFFFFFF20] =	vst v2;
	v2 =	vmul.f32 v3, v25;
	v3 =	vld [tilespmem:s26+$0xFFFFFF90]  }
0x22e: {  	v43 =	vld [tilespmem:s26+$0xFFFFFFA0];
	v4 =	vmul.f32 v40, v25;
	[tilespmem:s26+$0xFFFFFF50] =	vst v42  }
0x22f: {  	v44 =	vld [tilespmem:s26+$0xFFFFFFB0];
	[tilespmem:s26+$0xFFFFFF40] =	vst v2;
	v2 =	vmul.f32 v39, v25  }
0x230: {  	v45 =	vld [tilespmem:s26+$0xFFFFFFC0];
	[tilespmem:s26+$0xFFFFFF70] =	vst v4;
	v36 =	vmul.f32 v30, v28  }
0x231: {  	v46 =	vld [tilespmem:s26+$0xFFFFFFD0];
	[tilespmem:s26+$0xFFFFFF60] =	vst v2;
	v2 =	vmul.f32 v41, v27  }
0x232: {  	v47 =	vld [tilespmem:s26+$0xFFFFFFE0];
	[tilespmem:s26+$0x70] =	vst v36;
	v3 =	vmul.f32 v3, v27  }
0x233: {  	v48 =	vld [tilespmem:s26+$0xFFFFFFF0];
	[tilespmem:s26+$0xFFFFFF80] =	vst v2;
	v2 =	vmul.f32 v43, v27  }
0x234: {  	v49 =	vld [tilespmem:s26+$0x0];
	[tilespmem:s26+$0xFFFFFF90] =	vst v3;
	v3 =	vmul.f32 v44, v27  }
0x235: {  	v50 =	vld [tilespmem:s26+$0x10];
	[tilespmem:s26+$0xFFFFFFA0] =	vst v2;
	v2 =	vmul.f32 v45, v27  }
0x236: {  	v51 =	vld [tilespmem:s26+$0x20];
	[tilespmem:s26+$0xFFFFFFB0] =	vst v3;
	v3 =	vmul.f32 v46, v27  }
0x237: {  	v52 =	vld [tilespmem:s26+$0x30];
	[tilespmem:s26+$0xFFFFFFC0] =	vst v2;
	v2 =	vmul.f32 v47, v27  }
0x238: {  	v53 =	vld [tilespmem:s26+$0x40];
	[tilespmem:s26+$0xFFFFFFD0] =	vst v3;
	v3 =	vmul.f32 v48, v27  }
0x239: {  	v54 =	vld [tilespmem:s26+$0x50];
	[tilespmem:s26+$0xFFFFFFE0] =	vst v2;
	v2 =	vmul.f32 v49, v28  }
0x23a: {  	v55 =	vld [tilespmem:s26+$0x60];
	[tilespmem:s26+$0xFFFFFFF0] =	vst v3;
	v3 =	vmul.f32 v50, v28  }
0x23b: {  	v56 =	vld [tilespmem:s26+$0x80];
	[tilespmem:s26+$0x0] =	vst v2;
	v2 =	vmul.f32 v51, v28  }
0x23c: {  	v57 =	vld [tilespmem:s26+$0x90];
	[tilespmem:s26+$0x10] =	vst v3;
	v3 =	vmul.f32 v52, v28  }
0x23d: {  	v58 =	vld [tilespmem:s26+$0xA0];
	[tilespmem:s26+$0x20] =	vst v2;
	v2 =	vmul.f32 v53, v28  }
0x23e: {  	v59 =	vld [tilespmem:s26+$0xB0];
	[tilespmem:s26+$0x30] =	vst v3;
	v3 =	vmul.f32 v54, v28  }
0x23f: {  	v60 =	vld [tilespmem:s26+$0xC0];
	[tilespmem:s26+$0x40] =	vst v2;
	v2 =	vmul.f32 v55, v28  }
0x240: {  	v61 =	vld [tilespmem:s26+$0xD0];
	[tilespmem:s26+$0x50] =	vst v3;
	v3 =	vmul.f32 v56, v6  }
0x241: {  	v62 =	vld [tilespmem:s26+$0xE0];
	[tilespmem:s26+$0x60] =	vst v2;
	v2 =	vmul.f32 v57, v6  }
0x242: {  	v63 =	vld [tilespmem:s26+$0xF0];
	[tilespmem:s26+$0x80] =	vst v3;
	v3 =	vmul.f32 v58, v6  }
0x243: {  	[tilespmem:s26+$0x90] =	vst v2;
	v2 =	vmul.f32 v59, v6  }
0x244: {  	[tilespmem:s26+$0xA0] =	vst v3;
	v3 =	vmul.f32 v60, v6  }
0x245: {  	[tilespmem:s26+$0xB0] =	vst v2;
	v2 =	vmul.f32 v61, v6  }
0x246: {  	[tilespmem:s26+$0xC0] =	vst v3;
	v3 =	vmul.f32 v62, v6  }
0x247: {  	[tilespmem:s26+$0xD0] =	vst v2;
	v2 =	vmul.f32 v63, v6  }
0x248: {  	[tilespmem:s26+$0xE0] =	vst v3  }
0x249: {  	[tilespmem:s26+$0xF0] =	vst v2  }
0x24a: {  	[spmem:s1] =	stream.indirect.scatter.add.f32 [tilespmem:s0], [sflag:$0x7], $0x80, s12, s13, $0xb8;
	[tilespmem:$0x1F900] =	vst v63  }
0x24b: {  	_ =	swait.ge [sflag:s3], $0x4000  }
.Ltmp5:
0x24c: {  	[sflag:s3] =	ssyncset.done $0x0;
	(pc) =	sbr.rel @p0 .LBB2_10-.Ltmp5, $4  }
0x24d: {  	[sflag:s3] =	ssyncadd.s32 $0xFFFFC000  }
0x24e: {  	_ =	swait.ge [sflag:s29], $0x80  }
0x24f: {  	[sflag:s29] =	ssyncset.done $0x0  }
0x250: {  	[sflag:s29] =	ssyncadd.s32 $0xFFFFFF80  }
0x251: {  	s9 =	sshll.u32 s21, $0x7  }
0x252: {  	s9 =	sadd.s32 $0x180, s9  }
0x253: {  	s28 =	sand.u32 $0x7C00, s9  }
0x254: {  	s22 =	sand.u32 $0x380, s9;
	s21 =	sadd.s32 s8, s28  }
0x255: {  	s21 =	sor.u32 s22, s21  }
.Ltmp6:
0x256: {  	s21 =	sshrl.u32 s21, $0x3;
	(pc) =	sbr.rel .LBB2_4-.Ltmp6, $4  }
0x257: {  	s9 =	sand.u32 $0x3FFFFF80, s9;
	s21 =	sadd.s32 s16, s21  }
0x258: {  	[tilespmem:s12], [sflag:$0x2] =	stream.linear.gather [hbm4b:s21+s6], $0x80, $0x38;
	[tilespmem:$0x1F900] =	vst v63  }
0x259: {  	s20 =	sadd.s32 $0x1, s20;
	s9 =	sadd.s32 $0x14780, s9  }
0x25a: {  	[tilespmem:s0], [sflag:$0x4] =	stream.indirect.gather [hbm4b:s7+s13], $0x80, s9, s13, $0xb8;
	[tilespmem:$0x1F900] =	vst v63  }
.LBB2_11:
0x25b: {  	_ =	sfence.sel $0x180000  }
0x25c: {  	[bflag:$0x0] =	sbarrier.arrive $0xFFFF  }
0x25d: {  	_ =	strace $0x90000047  }
0x25e: {  	s0 =	stileid.u32;
	[bflag:$0x2] =	sbarrier.arrive $0xFFFF  }
0x25f: {  	p0 =	sne.s32 s0, $0x0;
	s0 =	rddreg [dreg:$0x7]  }
0x260: {  	s0 =	sadd.s32 @!p0 $0x100000, s0  }
0x261: {  	[sflag:s0] =	ssyncadd.tile.s32 @!p0 $0x1;
	_ =	shalt  }
.Lfunc_end2:
_tile_overlayer_lowered:
.L_overlay_start_2:
0x262: {  	(tag) =	ssettag $0x2  }
0x263: {  	s0 =	rddreg [dreg:$0x0];
	s2 =	stileid.u32  }
0x264: {  	s1 =	rddreg [dreg:$0x1];
	p0 =	sne.s32 s2, $0x0  }
0x265: {  	s3 =	rddreg [dreg:$0x2];
	[bflag:$0x3] =	sbarrier.arrive $0xFFFF;
	s2 =	simm.s32 @!p0 $0x1C07  }
0x266: {  	[timem:s3], [sflag:s2] =	dma.local @!p0 [hbm:s0], s1  }
0x267: {  	s0 =	simm.s32 @!p0 $0x7  }
0x268: {  	_ =	swait.ge @!p0 [sflag:s0], s1  }
0x269: {  	s1 =	ssub.s32 @!p0 $0x0, s1;
	[sflag:s0] =	ssyncset.done @!p0 $0x0  }
0x26a: {  	[sflag:s0] =	ssyncadd.s32 @!p0 s1  }
0x26b: {  	[bflag:$0x3] =	sbarrier.arrive $0xFFFF  }
0x26c: {  	_ =	shalt  }

</sc_bundles>
